<compile_context>
chip_gen: v7x
topology: tpu7x:2x2x1
jax: 0.10.2.dev20260603
libtpu: 0.0.44.dev20260713+nightly
codegen_flags: <defaults>
</compile_context>

<pallas_src>
import jax
import jax.numpy as jnp
from jax import lax
from jax.experimental import pallas as pl
from jax.experimental.pallas import tpu as pltpu
from jax.experimental.pallas import tpu_sc as plsc

B = 64
T = 4096
NCOL = T // 16
NCHUNK = NCOL // 16
N_STEPS = 20
LR = 0.05

NC, NS = 2, 16
ROWS_PER_W = B // (NC * NS)


def _compute_row(mv, sv, m4s_v, s4s_v, m4m_v, s4m_v,
                 m16s_v, s16s_v, m16m_v, s16m_v, nb_v, exo, sdo):

    def nconst(k):
        return nb_v[pl.ds(16 * k, 16)]

    n1_0, n1_1 = nconst(0), nconst(1)
    n4_0, n4_1 = nconst(2), nconst(3)
    n16_0, n16_1 = nconst(4), nconst(5)
    s1 = n1_1 + 0.5
    o1 = n1_0
    r4 = 1.0 / (n4_1 + 0.5)
    r16 = 1.0 / (n16_1 + 0.5)
    A16 = s1 * r16 * (1.0 / 16.0)
    C16 = (o1 - n16_0) * r16
    D16 = s1 * r16 * (1.0 / 340.0)
    E16 = 0.0 - n16_0 * r16
    A4 = s1 * r4 * 0.25
    C4 = (o1 - n4_0) * r4
    D4 = s1 * r4 * 0.2
    E4 = 0.0 - n4_0 * r4
    nLRA16 = (0.0 - LR) * A16
    nLRD16 = (0.0 - LR) * D16
    nLRA4 = (0.0 - LR) * A4
    nLRD4 = (0.0 - LR) * D4

    def chunk_body(c, carry):
        iota = lax.iota(jnp.int32, 16)
        gbase = c * 256 + iota * 16
        g4base = c * 64 + iota * 4
        m1 = [plsc.load_gather(mv, [gbase + j]) for j in range(16)]
        d = []
        for j in range(16):
            sd = jnp.abs(plsc.load_gather(sv, [gbase + j])) + 0.5
            plsc.store_scatter(sdo, [gbase + j], sd)
            d.append(1.0 - LR / (sd * sd))

        Sm4 = [m1[4 * g] + m1[4 * g + 1] + m1[4 * g + 2] + m1[4 * g + 3]
               for g in range(4)]
        Sm16 = (Sm4[0] + Sm4[1]) + (Sm4[2] + Sm4[3])
        Wm4 = [1.5 * (m1[4 * g + 3] - m1[4 * g]) + 0.5 * (m1[4 * g + 2] - m1[4 * g + 1])
               for g in range(4)]
        Wm16 = ((Wm4[0] + Wm4[1]) + (Wm4[2] + Wm4[3])
                + (-6.0 * Sm4[0] - 2.0 * Sm4[1] + 2.0 * Sm4[2] + 6.0 * Sm4[3]))

        def coeff16(ref_m, ref_s):
            sx = jnp.abs(ref_s[pl.ds(c * 16, 16)]) + 0.5
            ivx = 1.0 / (sx * sx)
            return ivx, ref_m[pl.ds(c * 16, 16)] * ivx

        def coeff4(ref_m, ref_s, g):
            sx = jnp.abs(plsc.load_gather(ref_s, [g4base + g])) + 0.5
            ivx = 1.0 / (sx * sx)
            return ivx, plsc.load_gather(ref_m, [g4base + g]) * ivx

        ivm16, pm16 = coeff16(m16m_v, s16m_v)
        P16m = nLRA16 * A16 * ivm16
        Q16m = nLRA16 * ((Sm16 * A16 + C16) * ivm16 - pm16)
        ivs16, ps16 = coeff16(m16s_v, s16s_v)
        P16s = nLRD16 * D16 * ivs16
        Q16s = nLRD16 * ((Wm16 * D16 + E16) * ivs16 - ps16)
        P4m, P4s, QB, QS = [], [], [], []
        for g in range(4):
            ivm4, pm4 = coeff4(m4m_v, s4m_v, g)
            P4m.append(nLRA4 * A4 * ivm4)
            q4m = nLRA4 * ((Sm4[g] * A4 + C4) * ivm4 - pm4)
            ivs4, ps4 = coeff4(m4s_v, s4s_v, g)
            P4s.append(nLRD4 * D4 * ivs4)
            q4s = nLRD4 * ((Wm4[g] * D4 + E4) * ivs4 - ps4)
            QB.append((Q16m + q4m) + (4.0 * g - 6.0) * Q16s)
            QS.append(Q16s + q4s)

        zero = jnp.zeros((16,), jnp.float32)

        def step(zs):
            S4 = [zs[4 * g] + zs[4 * g + 1] + zs[4 * g + 2] + zs[4 * g + 3]
                  for g in range(4)]
            S16 = (S4[0] + S4[1]) + (S4[2] + S4[3])
            W4 = [1.5 * (zs[4 * g + 3] - zs[4 * g]) + 0.5 * (zs[4 * g + 2] - zs[4 * g + 1])
                  for g in range(4)]
            W16 = ((W4[0] + W4[1]) + (W4[2] + W4[3])
                   + (-6.0 * S4[0] - 2.0 * S4[1] + 2.0 * S4[2] + 6.0 * S4[3]))
            u = S16 * P16m
            v = W16 * P16s
            new = []
            for g in range(4):
                bg = ((S4[g] * P4m[g] + QB[g]) + u) + (4.0 * g - 6.0) * v
                sg = (W4[g] * P4s[g] + QS[g]) + v
                for q in range(4):
                    j = 4 * g + q
                    cc = bg + (q - 1.5) * sg
                    new.append(zs[j] * d[j] + cc)
            return tuple(new)

        def step_body(_, zs):
            return step(step(zs))

        zf = lax.fori_loop(0, N_STEPS // 2, step_body, (zero,) * 16)
        for j in range(16):
            plsc.store_scatter(exo, [gbase + j], zf[j] + m1[j])
        return carry

    lax.fori_loop(0, NCHUNK, chunk_body, 0)


def _sc_body(means1, stds1, m4s, s4s, m4m, s4m, m16s, s16s, m16m, s16m, normb,
             ex_out, sd_out, bufs0, bufs1, out0, out1,
             sem_i0, sem_i1, sem_o0, sem_o1):
    wid = lax.axis_index("s") * NC + lax.axis_index("c")
    b0 = wid * ROWS_PER_W
    b1 = b0 + 1
    ins = (means1, stds1, m4s, s4s, m4m, s4m, m16s, s16s, m16m, s16m, normb)

    def fetch(b, bufs, sem):
        return [pltpu.async_copy(src.at[b], dst, sem)
                for src, dst in zip(ins, bufs)]

    cps0 = fetch(b0, bufs0, sem_i0)
    cps1 = fetch(b1, bufs1, sem_i1)
    for cp in cps0:
        cp.wait()
    _compute_row(*bufs0, *out0)
    w0 = [pltpu.async_copy(out0[0], ex_out.at[b0], sem_o0),
          pltpu.async_copy(out0[1], sd_out.at[b0], sem_o0)]
    for cp in cps1:
        cp.wait()
    _compute_row(*bufs1, *out1)
    w1 = [pltpu.async_copy(out1[0], ex_out.at[b1], sem_o1),
          pltpu.async_copy(out1[1], sd_out.at[b1], sem_o1)]
    for w in w0 + w1:
        w.wait()


def _row_bufs():
    return [
        pltpu.VMEM((T,), jnp.float32),
        pltpu.VMEM((T,), jnp.float32),
        pltpu.VMEM((T // 4,), jnp.float32),
        pltpu.VMEM((T // 4,), jnp.float32),
        pltpu.VMEM((T // 4,), jnp.float32),
        pltpu.VMEM((T // 4,), jnp.float32),
        pltpu.VMEM((NCOL,), jnp.float32),
        pltpu.VMEM((NCOL,), jnp.float32),
        pltpu.VMEM((NCOL,), jnp.float32),
        pltpu.VMEM((NCOL,), jnp.float32),
        pltpu.VMEM((96,), jnp.float32),
    ]


@jax.jit
def _run(means1, stds1, m4s, s4s, m4m, s4m, m16s, s16s, m16m, s16m, normb):
    f = pl.kernel(
        _sc_body,
        out_type=(jax.ShapeDtypeStruct((B, T), jnp.float32),
                  jax.ShapeDtypeStruct((B, T), jnp.float32)),
        mesh=plsc.VectorSubcoreMesh(
            core_axis_name="c", subcore_axis_name="s",
            num_cores=NC, num_subcores=NS),
        scratch_types=[
            _row_bufs(),
            _row_bufs(),
            [pltpu.VMEM((T,), jnp.float32), pltpu.VMEM((T,), jnp.float32)],
            [pltpu.VMEM((T,), jnp.float32), pltpu.VMEM((T,), jnp.float32)],
            pltpu.SemaphoreType.DMA,
            pltpu.SemaphoreType.DMA,
            pltpu.SemaphoreType.DMA,
            pltpu.SemaphoreType.DMA,
        ],
        compiler_params=pltpu.CompilerParams(needs_layout_passes=False),
    )
    return f(means1, stds1, m4s, s4s, m4m, s4m, m16s, s16s, m16m, s16m, normb)


def kernel(means1, stds1, means4_slope, stds4_slope, means4_sum, stds4_sum,
           means16_slope, stds16_slope, means16_sum, stds16_sum,
           norm1, norm4, norm16):
    normb = jnp.repeat(
        jnp.concatenate([norm1, norm4, norm16], axis=1), 16, axis=1)
    ex_final, all_preds_std = _run(
        means1, stds1, means4_slope, stds4_slope, means4_sum, stds4_sum,
        means16_slope, stds16_slope, means16_sum, stds16_sum, normb)
    return ex_final, all_preds_std

# --- scband reference (transcript-rebuilt; emitter-appended) ---
"""Pipeline reference for scband-opt-st-80393197846852 (READ-ONLY COPY).

The authoritative reference and input builder live on the scoring server;
editing this copy changes nothing except your own understanding.
"""

import jax, jax.numpy as jnp
import numpy as np

B, T = 64, 4096
K_LIST = (4, 16)
N_STEPS = 20
LR = 0.05

def setup_inputs(seed: int = 0):
    key = jax.random.key(seed)
    ks = jax.random.split(key, 13)
    inp = {}
    inp["means1"] = jax.random.normal(ks[0], (B, T), dtype=jnp.float32)
    inp["stds1"] = jax.random.uniform(ks[1], (B, T), dtype=jnp.float32)
    inp["means4_slope"] = jax.random.normal(ks[2], (B, T // 4), dtype=jnp.float32)
    inp["stds4_slope"] = jax.random.uniform(ks[3], (B, T // 4), dtype=jnp.float32)
    inp["means4_sum"] = jax.random.normal(ks[4], (B, T // 4), dtype=jnp.float32)
    inp["stds4_sum"] = jax.random.uniform(ks[5], (B, T // 4), dtype=jnp.float32)
    inp["means16_slope"] = jax.random.normal(ks[6], (B, T // 16), dtype=jnp.float32)
    inp["stds16_slope"] = jax.random.uniform(ks[7], (B, T // 16), dtype=jnp.float32)
    inp["means16_sum"] = jax.random.normal(ks[8], (B, T // 16), dtype=jnp.float32)
    inp["stds16_sum"] = jax.random.uniform(ks[9], (B, T // 16), dtype=jnp.float32)
    inp["norm1"] = jax.random.uniform(ks[10], (B, 2), dtype=jnp.float32)
    inp["norm4"] = jax.random.uniform(ks[11], (B, 2), dtype=jnp.float32)
    inp["norm16"] = jax.random.uniform(ks[12], (B, 2), dtype=jnp.float32)
    return inp

def _unnorm(x, norm):
    return x * (norm[:, 1:2] + 0.5) + norm[:, 0:1]

def _norm(x, norm):
    return (x - norm[:, 0:1]) / (norm[:, 1:2] + 0.5)

def _segment_mean(seq, K):
    # aggregate_seq_: per-segment mean (1/(curr-prev) * sum(seq[prev:curr]))
    b, t = seq.shape
    return seq.reshape(b, t // K, K).mean(axis=2)

def _fit_slope(seq, K):
    # fit_slope_with_indices: per-segment OLS slope against x = 0..K-1
    b, t = seq.shape
    y = seq.reshape(b, t // K, K)
    x = jnp.arange(K, dtype=seq.dtype)
    m_x = x.mean()
    m_y = y.mean(axis=2, keepdims=True)
    s_xy = ((x - m_x)[None, None, :] * (y - m_y)).sum(axis=2)
    s_xx = ((x - m_x) ** 2).sum()
    return s_xy / s_xx

def _log_prob(x, mu, std_raw):
    std = jnp.abs(std_raw) + 0.5
    return -jnp.sum(jnp.log(1.0 / (jnp.sqrt(2.0 * jnp.pi) * std)) - (x - mu) ** 2 / (2.0 * std ** 2))

def reference(means1, stds1, means4_slope, stds4_slope, means4_sum, stds4_sum, means16_slope, stds16_slope, means16_sum, stds16_sum, norm1, norm4, norm16):
    lvl_params = ((4, means4_slope, stds4_slope, means4_sum, stds4_sum, norm4),
                  (16, means16_slope, stds16_slope, means16_sum, stds16_sum, norm16))

    def objective(ex):
        # level 1 for both 'slope' and 'sum' aggregations uses ex directly
        loss = _log_prob(ex, means1, stds1)
        un = _unnorm(ex, norm1)
        for K, ms, ss, mm, sm, nk in lvl_params:
            sl = _norm(_fit_slope(un, K), nk)
            loss = loss + _log_prob(sl, ms, ss)
            ag = _norm(_segment_mean(un, K), nk)
            loss = loss + _log_prob(ag, mm, sm)
        return loss

    grad_fn = jax.grad(objective)

    def step(ex, _):
        return ex - LR * grad_fn(ex), None

    ex_final, _ = jax.lax.scan(step, means1, None, length=N_STEPS)
    all_preds_std = jnp.abs(stds1) + 0.5
    return ex_final, all_preds_std

if __name__ == "__main__":
    import jax
    _d = setup_inputs()
    print(jax.jit(kernel)(*tuple(_d.values())))

</pallas_src>

<mosaic_0001>
#map = affine_map<(d0, d1) -> (0, 0)>
module attributes {stable_mosaic.version = 14 : i64} {
  func.func @_sc_body(%arg0: i32, %arg1: i32, %arg2: memref<64x4096xf32, #tpu.memory_space<hbm>>, %arg3: memref<64x4096xf32, #tpu.memory_space<hbm>>, %arg4: memref<64x1024xf32, #tpu.memory_space<hbm>>, %arg5: memref<64x1024xf32, #tpu.memory_space<hbm>>, %arg6: memref<64x1024xf32, #tpu.memory_space<hbm>>, %arg7: memref<64x1024xf32, #tpu.memory_space<hbm>>, %arg8: memref<64x256xf32, #tpu.memory_space<hbm>>, %arg9: memref<64x256xf32, #tpu.memory_space<hbm>>, %arg10: memref<64x256xf32, #tpu.memory_space<hbm>>, %arg11: memref<64x256xf32, #tpu.memory_space<hbm>>, %arg12: memref<64x96xf32, #tpu.memory_space<hbm>>, %arg13: memref<64x4096xf32, #tpu.memory_space<hbm>>, %arg14: memref<64x4096xf32, #tpu.memory_space<hbm>>, %arg15: memref<4096xf32, #tpu.memory_space<vmem>>, %arg16: memref<4096xf32, #tpu.memory_space<vmem>>, %arg17: memref<1024xf32, #tpu.memory_space<vmem>>, %arg18: memref<1024xf32, #tpu.memory_space<vmem>>, %arg19: memref<1024xf32, #tpu.memory_space<vmem>>, %arg20: memref<1024xf32, #tpu.memory_space<vmem>>, %arg21: memref<256xf32, #tpu.memory_space<vmem>>, %arg22: memref<256xf32, #tpu.memory_space<vmem>>, %arg23: memref<256xf32, #tpu.memory_space<vmem>>, %arg24: memref<256xf32, #tpu.memory_space<vmem>>, %arg25: memref<96xf32, #tpu.memory_space<vmem>>, %arg26: memref<4096xf32, #tpu.memory_space<vmem>>, %arg27: memref<4096xf32, #tpu.memory_space<vmem>>, %arg28: memref<1024xf32, #tpu.memory_space<vmem>>, %arg29: memref<1024xf32, #tpu.memory_space<vmem>>, %arg30: memref<1024xf32, #tpu.memory_space<vmem>>, %arg31: memref<1024xf32, #tpu.memory_space<vmem>>, %arg32: memref<256xf32, #tpu.memory_space<vmem>>, %arg33: memref<256xf32, #tpu.memory_space<vmem>>, %arg34: memref<256xf32, #tpu.memory_space<vmem>>, %arg35: memref<256xf32, #tpu.memory_space<vmem>>, %arg36: memref<96xf32, #tpu.memory_space<vmem>>, %arg37: memref<4096xf32, #tpu.memory_space<vmem>>, %arg38: memref<4096xf32, #tpu.memory_space<vmem>>, %arg39: memref<4096xf32, #tpu.memory_space<vmem>>, %arg40: memref<4096xf32, #tpu.memory_space<vmem>>, %arg41: memref<!tpu.dma_semaphore, #tpu.memory_space<semaphore_mem>>, %arg42: memref<!tpu.dma_semaphore, #tpu.memory_space<semaphore_mem>>, %arg43: memref<!tpu.dma_semaphore, #tpu.memory_space<semaphore_mem>>, %arg44: memref<!tpu.dma_semaphore, #tpu.memory_space<semaphore_mem>>) attributes {dimension_semantics = [#tpu.dimension_semantics<core_parallel>, #tpu.dimension_semantics<subcore_parallel>], iteration_bounds = array<i64: 2, 16>, scalar_prefetch = 0 : i64, scratch_operands = 30 : i64, tpu.core_type = #tpu.core_type<sc_vector_subcore>, window_params = [{transform_indices = #map}, {transform_indices = #map}, {transform_indices = #map}, {transform_indices = #map}, {transform_indices = #map}, {transform_indices = #map}, {transform_indices = #map}, {transform_indices = #map}, {transform_indices = #map}, {transform_indices = #map}, {transform_indices = #map}, {transform_indices = #map}, {transform_indices = #map}]} {
    %mul3A = arith.constant 2 : i32
    %mul3A_0 = arith.muli %arg1, %mul3A : i32
    %add3A = arith.addi %mul3A_0, %arg0 : i32
    %mul3A_1 = arith.constant 2 : i32
    %mul3A_2 = arith.muli %add3A, %mul3A_1 : i32
    %add3A_3 = arith.constant 1 : i32
    %add3A_4 = arith.addi %mul3A_2, %add3A_3 : i32
    %dma_start3A = arith.constant 0 : i32
    %dma_start3A_5 = tpu.memref_slice %arg2[%mul3A_2, %dma_start3A] : memref<64x4096xf32, #tpu.memory_space<hbm>> -> memref<1x4096xf32, #tpu.memory_space<hbm>>
    %dma_start3A_6 = tpu.memref_squeeze %dma_start3A_5 : memref<1x4096xf32, #tpu.memory_space<hbm>> -> memref<4096xf32, #tpu.memory_space<hbm>>
    %dma_start3A_7 = arith.constant 0 : i32
    %dma_start3A_8 = tpu.memref_slice %arg2[%mul3A_2, %dma_start3A_7] : memref<64x4096xf32, #tpu.memory_space<hbm>> -> memref<1x4096xf32, #tpu.memory_space<hbm>>
    %dma_start3A_9 = tpu.memref_squeeze %dma_start3A_8 : memref<1x4096xf32, #tpu.memory_space<hbm>> -> memref<4096xf32, #tpu.memory_space<hbm>>
    tpu.enqueue_dma source(%dma_start3A_9 : memref<4096xf32, #tpu.memory_space<hbm>>) target(%arg15 : memref<4096xf32, #tpu.memory_space<vmem>>) target_semaphore(%arg41 : memref<!tpu.dma_semaphore, #tpu.memory_space<semaphore_mem>>)
    %dma_start3A_10 = arith.constant 0 : i32
    %dma_start3A_11 = tpu.memref_slice %arg3[%mul3A_2, %dma_start3A_10] : memref<64x4096xf32, #tpu.memory_space<hbm>> -> memref<1x4096xf32, #tpu.memory_space<hbm>>
    %dma_start3A_12 = tpu.memref_squeeze %dma_start3A_11 : memref<1x4096xf32, #tpu.memory_space<hbm>> -> memref<4096xf32, #tpu.memory_space<hbm>>
    %dma_start3A_13 = arith.constant 0 : i32
    %dma_start3A_14 = tpu.memref_slice %arg3[%mul3A_2, %dma_start3A_13] : memref<64x4096xf32, #tpu.memory_space<hbm>> -> memref<1x4096xf32, #tpu.memory_space<hbm>>
    %dma_start3A_15 = tpu.memref_squeeze %dma_start3A_14 : memref<1x4096xf32, #tpu.memory_space<hbm>> -> memref<4096xf32, #tpu.memory_space<hbm>>
    tpu.enqueue_dma source(%dma_start3A_15 : memref<4096xf32, #tpu.memory_space<hbm>>) target(%arg16 : memref<4096xf32, #tpu.memory_space<vmem>>) target_semaphore(%arg41 : memref<!tpu.dma_semaphore, #tpu.memory_space<semaphore_mem>>)
    %dma_start3A_16 = arith.constant 0 : i32
    %dma_start3A_17 = tpu.memref_slice %arg4[%mul3A_2, %dma_start3A_16] : memref<64x1024xf32, #tpu.memory_space<hbm>> -> memref<1x1024xf32, #tpu.memory_space<hbm>>
    %dma_start3A_18 = tpu.memref_squeeze %dma_start3A_17 : memref<1x1024xf32, #tpu.memory_space<hbm>> -> memref<1024xf32, #tpu.memory_space<hbm>>
    %dma_start3A_19 = arith.constant 0 : i32
    %dma_start3A_20 = tpu.memref_slice %arg4[%mul3A_2, %dma_start3A_19] : memref<64x1024xf32, #tpu.memory_space<hbm>> -> memref<1x1024xf32, #tpu.memory_space<hbm>>
    %dma_start3A_21 = tpu.memref_squeeze %dma_start3A_20 : memref<1x1024xf32, #tpu.memory_space<hbm>> -> memref<1024xf32, #tpu.memory_space<hbm>>
    tpu.enqueue_dma source(%dma_start3A_21 : memref<1024xf32, #tpu.memory_space<hbm>>) target(%arg17 : memref<1024xf32, #tpu.memory_space<vmem>>) target_semaphore(%arg41 : memref<!tpu.dma_semaphore, #tpu.memory_space<semaphore_mem>>)
    %dma_start3A_22 = arith.constant 0 : i32
    %dma_start3A_23 = tpu.memref_slice %arg5[%mul3A_2, %dma_start3A_22] : memref<64x1024xf32, #tpu.memory_space<hbm>> -> memref<1x1024xf32, #tpu.memory_space<hbm>>
    %dma_start3A_24 = tpu.memref_squeeze %dma_start3A_23 : memref<1x1024xf32, #tpu.memory_space<hbm>> -> memref<1024xf32, #tpu.memory_space<hbm>>
    %dma_start3A_25 = arith.constant 0 : i32
    %dma_start3A_26 = tpu.memref_slice %arg5[%mul3A_2, %dma_start3A_25] : memref<64x1024xf32, #tpu.memory_space<hbm>> -> memref<1x1024xf32, #tpu.memory_space<hbm>>
    %dma_start3A_27 = tpu.memref_squeeze %dma_start3A_26 : memref<1x1024xf32, #tpu.memory_space<hbm>> -> memref<1024xf32, #tpu.memory_space<hbm>>
    tpu.enqueue_dma source(%dma_start3A_27 : memref<1024xf32, #tpu.memory_space<hbm>>) target(%arg18 : memref<1024xf32, #tpu.memory_space<vmem>>) target_semaphore(%arg41 : memref<!tpu.dma_semaphore, #tpu.memory_space<semaphore_mem>>)
    %dma_start3A_28 = arith.constant 0 : i32
    %dma_start3A_29 = tpu.memref_slice %arg6[%mul3A_2, %dma_start3A_28] : memref<64x1024xf32, #tpu.memory_space<hbm>> -> memref<1x1024xf32, #tpu.memory_space<hbm>>
    %dma_start3A_30 = tpu.memref_squeeze %dma_start3A_29 : memref<1x1024xf32, #tpu.memory_space<hbm>> -> memref<1024xf32, #tpu.memory_space<hbm>>
    %dma_start3A_31 = arith.constant 0 : i32
    %dma_start3A_32 = tpu.memref_slice %arg6[%mul3A_2, %dma_start3A_31] : memref<64x1024xf32, #tpu.memory_space<hbm>> -> memref<1x1024xf32, #tpu.memory_space<hbm>>
    %dma_start3A_33 = tpu.memref_squeeze %dma_start3A_32 : memref<1x1024xf32, #tpu.memory_space<hbm>> -> memref<1024xf32, #tpu.memory_space<hbm>>
    tpu.enqueue_dma source(%dma_start3A_33 : memref<1024xf32, #tpu.memory_space<hbm>>) target(%arg19 : memref<1024xf32, #tpu.memory_space<vmem>>) target_semaphore(%arg41 : memref<!tpu.dma_semaphore, #tpu.memory_space<semaphore_mem>>)
    %dma_start3A_34 = arith.constant 0 : i32
    %dma_start3A_35 = tpu.memref_slice %arg7[%mul3A_2, %dma_start3A_34] : memref<64x1024xf32, #tpu.memory_space<hbm>> -> memref<1x1024xf32, #tpu.memory_space<hbm>>
    %dma_start3A_36 = tpu.memref_squeeze %dma_start3A_35 : memref<1x1024xf32, #tpu.memory_space<hbm>> -> memref<1024xf32, #tpu.memory_space<hbm>>
    %dma_start3A_37 = arith.constant 0 : i32
    %dma_start3A_38 = tpu.memref_slice %arg7[%mul3A_2, %dma_start3A_37] : memref<64x1024xf32, #tpu.memory_space<hbm>> -> memref<1x1024xf32, #tpu.memory_space<hbm>>
    %dma_start3A_39 = tpu.memref_squeeze %dma_start3A_38 : memref<1x1024xf32, #tpu.memory_space<hbm>> -> memref<1024xf32, #tpu.memory_space<hbm>>
    tpu.enqueue_dma source(%dma_start3A_39 : memref<1024xf32, #tpu.memory_space<hbm>>) target(%arg20 : memref<1024xf32, #tpu.memory_space<vmem>>) target_semaphore(%arg41 : memref<!tpu.dma_semaphore, #tpu.memory_space<semaphore_mem>>)
    %dma_start3A_40 = arith.constant 0 : i32
    %dma_start3A_41 = tpu.memref_slice %arg8[%mul3A_2, %dma_start3A_40] : memref<64x256xf32, #tpu.memory_space<hbm>> -> memref<1x256xf32, #tpu.memory_space<hbm>>
    %dma_start3A_42 = tpu.memref_squeeze %dma_start3A_41 : memref<1x256xf32, #tpu.memory_space<hbm>> -> memref<256xf32, #tpu.memory_space<hbm>>
    %dma_start3A_43 = arith.constant 0 : i32
    %dma_start3A_44 = tpu.memref_slice %arg8[%mul3A_2, %dma_start3A_43] : memref<64x256xf32, #tpu.memory_space<hbm>> -> memref<1x256xf32, #tpu.memory_space<hbm>>
    %dma_start3A_45 = tpu.memref_squeeze %dma_start3A_44 : memref<1x256xf32, #tpu.memory_space<hbm>> -> memref<256xf32, #tpu.memory_space<hbm>>
    tpu.enqueue_dma source(%dma_start3A_45 : memref<256xf32, #tpu.memory_space<hbm>>) target(%arg21 : memref<256xf32, #tpu.memory_space<vmem>>) target_semaphore(%arg41 : memref<!tpu.dma_semaphore, #tpu.memory_space<semaphore_mem>>)
    %dma_start3A_46 = arith.constant 0 : i32
    %dma_start3A_47 = tpu.memref_slice %arg9[%mul3A_2, %dma_start3A_46] : memref<64x256xf32, #tpu.memory_space<hbm>> -> memref<1x256xf32, #tpu.memory_space<hbm>>
    %dma_start3A_48 = tpu.memref_squeeze %dma_start3A_47 : memref<1x256xf32, #tpu.memory_space<hbm>> -> memref<256xf32, #tpu.memory_space<hbm>>
    %dma_start3A_49 = arith.constant 0 : i32
    %dma_start3A_50 = tpu.memref_slice %arg9[%mul3A_2, %dma_start3A_49] : memref<64x256xf32, #tpu.memory_space<hbm>> -> memref<1x256xf32, #tpu.memory_space<hbm>>
    %dma_start3A_51 = tpu.memref_squeeze %dma_start3A_50 : memref<1x256xf32, #tpu.memory_space<hbm>> -> memref<256xf32, #tpu.memory_space<hbm>>
    tpu.enqueue_dma source(%dma_start3A_51 : memref<256xf32, #tpu.memory_space<hbm>>) target(%arg22 : memref<256xf32, #tpu.memory_space<vmem>>) target_semaphore(%arg41 : memref<!tpu.dma_semaphore, #tpu.memory_space<semaphore_mem>>)
    %dma_start3A_52 = arith.constant 0 : i32
    %dma_start3A_53 = tpu.memref_slice %arg10[%mul3A_2, %dma_start3A_52] : memref<64x256xf32, #tpu.memory_space<hbm>> -> memref<1x256xf32, #tpu.memory_space<hbm>>
    %dma_start3A_54 = tpu.memref_squeeze %dma_start3A_53 : memref<1x256xf32, #tpu.memory_space<hbm>> -> memref<256xf32, #tpu.memory_space<hbm>>
    %dma_start3A_55 = arith.constant 0 : i32
    %dma_start3A_56 = tpu.memref_slice %arg10[%mul3A_2, %dma_start3A_55] : memref<64x256xf32, #tpu.memory_space<hbm>> -> memref<1x256xf32, #tpu.memory_space<hbm>>
    %dma_start3A_57 = tpu.memref_squeeze %dma_start3A_56 : memref<1x256xf32, #tpu.memory_space<hbm>> -> memref<256xf32, #tpu.memory_space<hbm>>
    tpu.enqueue_dma source(%dma_start3A_57 : memref<256xf32, #tpu.memory_space<hbm>>) target(%arg23 : memref<256xf32, #tpu.memory_space<vmem>>) target_semaphore(%arg41 : memref<!tpu.dma_semaphore, #tpu.memory_space<semaphore_mem>>)
    %dma_start3A_58 = arith.constant 0 : i32
    %dma_start3A_59 = tpu.memref_slice %arg11[%mul3A_2, %dma_start3A_58] : memref<64x256xf32, #tpu.memory_space<hbm>> -> memref<1x256xf32, #tpu.memory_space<hbm>>
    %dma_start3A_60 = tpu.memref_squeeze %dma_start3A_59 : memref<1x256xf32, #tpu.memory_space<hbm>> -> memref<256xf32, #tpu.memory_space<hbm>>
    %dma_start3A_61 = arith.constant 0 : i32
    %dma_start3A_62 = tpu.memref_slice %arg11[%mul3A_2, %dma_start3A_61] : memref<64x256xf32, #tpu.memory_space<hbm>> -> memref<1x256xf32, #tpu.memory_space<hbm>>
    %dma_start3A_63 = tpu.memref_squeeze %dma_start3A_62 : memref<1x256xf32, #tpu.memory_space<hbm>> -> memref<256xf32, #tpu.memory_space<hbm>>
    tpu.enqueue_dma source(%dma_start3A_63 : memref<256xf32, #tpu.memory_space<hbm>>) target(%arg24 : memref<256xf32, #tpu.memory_space<vmem>>) target_semaphore(%arg41 : memref<!tpu.dma_semaphore, #tpu.memory_space<semaphore_mem>>)
    %dma_start3A_64 = arith.constant 0 : i32
    %dma_start3A_65 = tpu.memref_slice %arg12[%mul3A_2, %dma_start3A_64] : memref<64x96xf32, #tpu.memory_space<hbm>> -> memref<1x96xf32, #tpu.memory_space<hbm>>
    %dma_start3A_66 = tpu.memref_squeeze %dma_start3A_65 : memref<1x96xf32, #tpu.memory_space<hbm>> -> memref<96xf32, #tpu.memory_space<hbm>>
    %dma_start3A_67 = arith.constant 0 : i32
    %dma_start3A_68 = tpu.memref_slice %arg12[%mul3A_2, %dma_start3A_67] : memref<64x96xf32, #tpu.memory_space<hbm>> -> memref<1x96xf32, #tpu.memory_space<hbm>>
    %dma_start3A_69 = tpu.memref_squeeze %dma_start3A_68 : memref<1x96xf32, #tpu.memory_space<hbm>> -> memref<96xf32, #tpu.memory_space<hbm>>
    tpu.enqueue_dma source(%dma_start3A_69 : memref<96xf32, #tpu.memory_space<hbm>>) target(%arg25 : memref<96xf32, #tpu.memory_space<vmem>>) target_semaphore(%arg41 : memref<!tpu.dma_semaphore, #tpu.memory_space<semaphore_mem>>)
    %dma_start3A_70 = arith.constant 0 : i32
    %dma_start3A_71 = tpu.memref_slice %arg2[%add3A_4, %dma_start3A_70] : memref<64x4096xf32, #tpu.memory_space<hbm>> -> memref<1x4096xf32, #tpu.memory_space<hbm>>
    %dma_start3A_72 = tpu.memref_squeeze %dma_start3A_71 : memref<1x4096xf32, #tpu.memory_space<hbm>> -> memref<4096xf32, #tpu.memory_space<hbm>>
    %dma_start3A_73 = arith.constant 0 : i32
    %dma_start3A_74 = tpu.memref_slice %arg2[%add3A_4, %dma_start3A_73] : memref<64x4096xf32, #tpu.memory_space<hbm>> -> memref<1x4096xf32, #tpu.memory_space<hbm>>
    %dma_start3A_75 = tpu.memref_squeeze %dma_start3A_74 : memref<1x4096xf32, #tpu.memory_space<hbm>> -> memref<4096xf32, #tpu.memory_space<hbm>>
    tpu.enqueue_dma source(%dma_start3A_75 : memref<4096xf32, #tpu.memory_space<hbm>>) target(%arg26 : memref<4096xf32, #tpu.memory_space<vmem>>) target_semaphore(%arg42 : memref<!tpu.dma_semaphore, #tpu.memory_space<semaphore_mem>>)
    %dma_start3A_76 = arith.constant 0 : i32
    %dma_start3A_77 = tpu.memref_slice %arg3[%add3A_4, %dma_start3A_76] : memref<64x4096xf32, #tpu.memory_space<hbm>> -> memref<1x4096xf32, #tpu.memory_space<hbm>>
    %dma_start3A_78 = tpu.memref_squeeze %dma_start3A_77 : memref<1x4096xf32, #tpu.memory_space<hbm>> -> memref<4096xf32, #tpu.memory_space<hbm>>
    %dma_start3A_79 = arith.constant 0 : i32
    %dma_start3A_80 = tpu.memref_slice %arg3[%add3A_4, %dma_start3A_79] : memref<64x4096xf32, #tpu.memory_space<hbm>> -> memref<1x4096xf32, #tpu.memory_space<hbm>>
    %dma_start3A_81 = tpu.memref_squeeze %dma_start3A_80 : memref<1x4096xf32, #tpu.memory_space<hbm>> -> memref<4096xf32, #tpu.memory_space<hbm>>
    tpu.enqueue_dma source(%dma_start3A_81 : memref<4096xf32, #tpu.memory_space<hbm>>) target(%arg27 : memref<4096xf32, #tpu.memory_space<vmem>>) target_semaphore(%arg42 : memref<!tpu.dma_semaphore, #tpu.memory_space<semaphore_mem>>)
    %dma_start3A_82 = arith.constant 0 : i32
    %dma_start3A_83 = tpu.memref_slice %arg4[%add3A_4, %dma_start3A_82] : memref<64x1024xf32, #tpu.memory_space<hbm>> -> memref<1x1024xf32, #tpu.memory_space<hbm>>
    %dma_start3A_84 = tpu.memref_squeeze %dma_start3A_83 : memref<1x1024xf32, #tpu.memory_space<hbm>> -> memref<1024xf32, #tpu.memory_space<hbm>>
    %dma_start3A_85 = arith.constant 0 : i32
    %dma_start3A_86 = tpu.memref_slice %arg4[%add3A_4, %dma_start3A_85] : memref<64x1024xf32, #tpu.memory_space<hbm>> -> memref<1x1024xf32, #tpu.memory_space<hbm>>
    %dma_start3A_87 = tpu.memref_squeeze %dma_start3A_86 : memref<1x1024xf32, #tpu.memory_space<hbm>> -> memref<1024xf32, #tpu.memory_space<hbm>>
    tpu.enqueue_dma source(%dma_start3A_87 : memref<1024xf32, #tpu.memory_space<hbm>>) target(%arg28 : memref<1024xf32, #tpu.memory_space<vmem>>) target_semaphore(%arg42 : memref<!tpu.dma_semaphore, #tpu.memory_space<semaphore_mem>>)
    %dma_start3A_88 = arith.constant 0 : i32
    %dma_start3A_89 = tpu.memref_slice %arg5[%add3A_4, %dma_start3A_88] : memref<64x1024xf32, #tpu.memory_space<hbm>> -> memref<1x1024xf32, #tpu.memory_space<hbm>>
    %dma_start3A_90 = tpu.memref_squeeze %dma_start3A_89 : memref<1x1024xf32, #tpu.memory_space<hbm>> -> memref<1024xf32, #tpu.memory_space<hbm>>
    %dma_start3A_91 = arith.constant 0 : i32
    %dma_start3A_92 = tpu.memref_slice %arg5[%add3A_4, %dma_start3A_91] : memref<64x1024xf32, #tpu.memory_space<hbm>> -> memref<1x1024xf32, #tpu.memory_space<hbm>>
    %dma_start3A_93 = tpu.memref_squeeze %dma_start3A_92 : memref<1x1024xf32, #tpu.memory_space<hbm>> -> memref<1024xf32, #tpu.memory_space<hbm>>
    tpu.enqueue_dma source(%dma_start3A_93 : memref<1024xf32, #tpu.memory_space<hbm>>) target(%arg29 : memref<1024xf32, #tpu.memory_space<vmem>>) target_semaphore(%arg42 : memref<!tpu.dma_semaphore, #tpu.memory_space<semaphore_mem>>)
    %dma_start3A_94 = arith.constant 0 : i32
    %dma_start3A_95 = tpu.memref_slice %arg6[%add3A_4, %dma_start3A_94] : memref<64x1024xf32, #tpu.memory_space<hbm>> -> memref<1x1024xf32, #tpu.memory_space<hbm>>
    %dma_start3A_96 = tpu.memref_squeeze %dma_start3A_95 : memref<1x1024xf32, #tpu.memory_space<hbm>> -> memref<1024xf32, #tpu.memory_space<hbm>>
    %dma_start3A_97 = arith.constant 0 : i32
    %dma_start3A_98 = tpu.memref_slice %arg6[%add3A_4, %dma_start3A_97] : memref<64x1024xf32, #tpu.memory_space<hbm>> -> memref<1x1024xf32, #tpu.memory_space<hbm>>
    %dma_start3A_99 = tpu.memref_squeeze %dma_start3A_98 : memref<1x1024xf32, #tpu.memory_space<hbm>> -> memref<1024xf32, #tpu.memory_space<hbm>>
    tpu.enqueue_dma source(%dma_start3A_99 : memref<1024xf32, #tpu.memory_space<hbm>>) target(%arg30 : memref<1024xf32, #tpu.memory_space<vmem>>) target_semaphore(%arg42 : memref<!tpu.dma_semaphore, #tpu.memory_space<semaphore_mem>>)
    %dma_start3A_100 = arith.constant 0 : i32
    %dma_start3A_101 = tpu.memref_slice %arg7[%add3A_4, %dma_start3A_100] : memref<64x1024xf32, #tpu.memory_space<hbm>> -> memref<1x1024xf32, #tpu.memory_space<hbm>>
    %dma_start3A_102 = tpu.memref_squeeze %dma_start3A_101 : memref<1x1024xf32, #tpu.memory_space<hbm>> -> memref<1024xf32, #tpu.memory_space<hbm>>
    %dma_start3A_103 = arith.constant 0 : i32
    %dma_start3A_104 = tpu.memref_slice %arg7[%add3A_4, %dma_start3A_103] : memref<64x1024xf32, #tpu.memory_space<hbm>> -> memref<1x1024xf32, #tpu.memory_space<hbm>>
    %dma_start3A_105 = tpu.memref_squeeze %dma_start3A_104 : memref<1x1024xf32, #tpu.memory_space<hbm>> -> memref<1024xf32, #tpu.memory_space<hbm>>
    tpu.enqueue_dma source(%dma_start3A_105 : memref<1024xf32, #tpu.memory_space<hbm>>) target(%arg31 : memref<1024xf32, #tpu.memory_space<vmem>>) target_semaphore(%arg42 : memref<!tpu.dma_semaphore, #tpu.memory_space<semaphore_mem>>)
    %dma_start3A_106 = arith.constant 0 : i32
    %dma_start3A_107 = tpu.memref_slice %arg8[%add3A_4, %dma_start3A_106] : memref<64x256xf32, #tpu.memory_space<hbm>> -> memref<1x256xf32, #tpu.memory_space<hbm>>
    %dma_start3A_108 = tpu.memref_squeeze %dma_start3A_107 : memref<1x256xf32, #tpu.memory_space<hbm>> -> memref<256xf32, #tpu.memory_space<hbm>>
    %dma_start3A_109 = arith.constant 0 : i32
    %dma_start3A_110 = tpu.memref_slice %arg8[%add3A_4, %dma_start3A_109] : memref<64x256xf32, #tpu.memory_space<hbm>> -> memref<1x256xf32, #tpu.memory_space<hbm>>
    %dma_start3A_111 = tpu.memref_squeeze %dma_start3A_110 : memref<1x256xf32, #tpu.memory_space<hbm>> -> memref<256xf32, #tpu.memory_space<hbm>>
    tpu.enqueue_dma source(%dma_start3A_111 : memref<256xf32, #tpu.memory_space<hbm>>) target(%arg32 : memref<256xf32, #tpu.memory_space<vmem>>) target_semaphore(%arg42 : memref<!tpu.dma_semaphore, #tpu.memory_space<semaphore_mem>>)
    %dma_start3A_112 = arith.constant 0 : i32
    %dma_start3A_113 = tpu.memref_slice %arg9[%add3A_4, %dma_start3A_112] : memref<64x256xf32, #tpu.memory_space<hbm>> -> memref<1x256xf32, #tpu.memory_space<hbm>>
    %dma_start3A_114 = tpu.memref_squeeze %dma_start3A_113 : memref<1x256xf32, #tpu.memory_space<hbm>> -> memref<256xf32, #tpu.memory_space<hbm>>
    %dma_start3A_115 = arith.constant 0 : i32
    %dma_start3A_116 = tpu.memref_slice %arg9[%add3A_4, %dma_start3A_115] : memref<64x256xf32, #tpu.memory_space<hbm>> -> memref<1x256xf32, #tpu.memory_space<hbm>>
    %dma_start3A_117 = tpu.memref_squeeze %dma_start3A_116 : memref<1x256xf32, #tpu.memory_space<hbm>> -> memref<256xf32, #tpu.memory_space<hbm>>
    tpu.enqueue_dma source(%dma_start3A_117 : memref<256xf32, #tpu.memory_space<hbm>>) target(%arg33 : memref<256xf32, #tpu.memory_space<vmem>>) target_semaphore(%arg42 : memref<!tpu.dma_semaphore, #tpu.memory_space<semaphore_mem>>)
    %dma_start3A_118 = arith.constant 0 : i32
    %dma_start3A_119 = tpu.memref_slice %arg10[%add3A_4, %dma_start3A_118] : memref<64x256xf32, #tpu.memory_space<hbm>> -> memref<1x256xf32, #tpu.memory_space<hbm>>
    %dma_start3A_120 = tpu.memref_squeeze %dma_start3A_119 : memref<1x256xf32, #tpu.memory_space<hbm>> -> memref<256xf32, #tpu.memory_space<hbm>>
    %dma_start3A_121 = arith.constant 0 : i32
    %dma_start3A_122 = tpu.memref_slice %arg10[%add3A_4, %dma_start3A_121] : memref<64x256xf32, #tpu.memory_space<hbm>> -> memref<1x256xf32, #tpu.memory_space<hbm>>
    %dma_start3A_123 = tpu.memref_squeeze %dma_start3A_122 : memref<1x256xf32, #tpu.memory_space<hbm>> -> memref<256xf32, #tpu.memory_space<hbm>>
    tpu.enqueue_dma source(%dma_start3A_123 : memref<256xf32, #tpu.memory_space<hbm>>) target(%arg34 : memref<256xf32, #tpu.memory_space<vmem>>) target_semaphore(%arg42 : memref<!tpu.dma_semaphore, #tpu.memory_space<semaphore_mem>>)
    %dma_start3A_124 = arith.constant 0 : i32
    %dma_start3A_125 = tpu.memref_slice %arg11[%add3A_4, %dma_start3A_124] : memref<64x256xf32, #tpu.memory_space<hbm>> -> memref<1x256xf32, #tpu.memory_space<hbm>>
    %dma_start3A_126 = tpu.memref_squeeze %dma_start3A_125 : memref<1x256xf32, #tpu.memory_space<hbm>> -> memref<256xf32, #tpu.memory_space<hbm>>
    %dma_start3A_127 = arith.constant 0 : i32
    %dma_start3A_128 = tpu.memref_slice %arg11[%add3A_4, %dma_start3A_127] : memref<64x256xf32, #tpu.memory_space<hbm>> -> memref<1x256xf32, #tpu.memory_space<hbm>>
    %dma_start3A_129 = tpu.memref_squeeze %dma_start3A_128 : memref<1x256xf32, #tpu.memory_space<hbm>> -> memref<256xf32, #tpu.memory_space<hbm>>
    tpu.enqueue_dma source(%dma_start3A_129 : memref<256xf32, #tpu.memory_space<hbm>>) target(%arg35 : memref<256xf32, #tpu.memory_space<vmem>>) target_semaphore(%arg42 : memref<!tpu.dma_semaphore, #tpu.memory_space<semaphore_mem>>)
    %dma_start3A_130 = arith.constant 0 : i32
    %dma_start3A_131 = tpu.memref_slice %arg12[%add3A_4, %dma_start3A_130] : memref<64x96xf32, #tpu.memory_space<hbm>> -> memref<1x96xf32, #tpu.memory_space<hbm>>
    %dma_start3A_132 = tpu.memref_squeeze %dma_start3A_131 : memref<1x96xf32, #tpu.memory_space<hbm>> -> memref<96xf32, #tpu.memory_space<hbm>>
    %dma_start3A_133 = arith.constant 0 : i32
    %dma_start3A_134 = tpu.memref_slice %arg12[%add3A_4, %dma_start3A_133] : memref<64x96xf32, #tpu.memory_space<hbm>> -> memref<1x96xf32, #tpu.memory_space<hbm>>
    %dma_start3A_135 = tpu.memref_squeeze %dma_start3A_134 : memref<1x96xf32, #tpu.memory_space<hbm>> -> memref<96xf32, #tpu.memory_space<hbm>>
    tpu.enqueue_dma source(%dma_start3A_135 : memref<96xf32, #tpu.memory_space<hbm>>) target(%arg36 : memref<96xf32, #tpu.memory_space<vmem>>) target_semaphore(%arg42 : memref<!tpu.dma_semaphore, #tpu.memory_space<semaphore_mem>>)
    %dma_wait3A = arith.constant 0 : i32
    %dma_wait3A_136 = tpu.memref_slice %arg2[%mul3A_2, %dma_wait3A] : memref<64x4096xf32, #tpu.memory_space<hbm>> -> memref<1x4096xf32, #tpu.memory_space<hbm>>
    %dma_wait3A_137 = tpu.memref_squeeze %dma_wait3A_136 : memref<1x4096xf32, #tpu.memory_space<hbm>> -> memref<4096xf32, #tpu.memory_space<hbm>>
    %dma_wait3A_138 = arith.constant 0 : i32
    %dma_wait3A_139 = tpu.memref_slice %arg2[%mul3A_2, %dma_wait3A_138] : memref<64x4096xf32, #tpu.memory_space<hbm>> -> memref<1x4096xf32, #tpu.memory_space<hbm>>
    %dma_wait3A_140 = tpu.memref_squeeze %dma_wait3A_139 : memref<1x4096xf32, #tpu.memory_space<hbm>> -> memref<4096xf32, #tpu.memory_space<hbm>>
    tpu.wait_dma2 semaphore(%arg41 : memref<!tpu.dma_semaphore, #tpu.memory_space<semaphore_mem>>) src(%dma_wait3A_140 : memref<4096xf32, #tpu.memory_space<hbm>>) dst(%arg15 : memref<4096xf32, #tpu.memory_space<vmem>>)
    %dma_wait3A_141 = arith.constant 0 : i32
    %dma_wait3A_142 = tpu.memref_slice %arg3[%mul3A_2, %dma_wait3A_141] : memref<64x4096xf32, #tpu.memory_space<hbm>> -> memref<1x4096xf32, #tpu.memory_space<hbm>>
    %dma_wait3A_143 = tpu.memref_squeeze %dma_wait3A_142 : memref<1x4096xf32, #tpu.memory_space<hbm>> -> memref<4096xf32, #tpu.memory_space<hbm>>
    %dma_wait3A_144 = arith.constant 0 : i32
    %dma_wait3A_145 = tpu.memref_slice %arg3[%mul3A_2, %dma_wait3A_144] : memref<64x4096xf32, #tpu.memory_space<hbm>> -> memref<1x4096xf32, #tpu.memory_space<hbm>>
    %dma_wait3A_146 = tpu.memref_squeeze %dma_wait3A_145 : memref<1x4096xf32, #tpu.memory_space<hbm>> -> memref<4096xf32, #tpu.memory_space<hbm>>
    tpu.wait_dma2 semaphore(%arg41 : memref<!tpu.dma_semaphore, #tpu.memory_space<semaphore_mem>>) src(%dma_wait3A_146 : memref<4096xf32, #tpu.memory_space<hbm>>) dst(%arg16 : memref<4096xf32, #tpu.memory_space<vmem>>)
    %dma_wait3A_147 = arith.constant 0 : i32
    %dma_wait3A_148 = tpu.memref_slice %arg4[%mul3A_2, %dma_wait3A_147] : memref<64x1024xf32, #tpu.memory_space<hbm>> -> memref<1x1024xf32, #tpu.memory_space<hbm>>
    %dma_wait3A_149 = tpu.memref_squeeze %dma_wait3A_148 : memref<1x1024xf32, #tpu.memory_space<hbm>> -> memref<1024xf32, #tpu.memory_space<hbm>>
    %dma_wait3A_150 = arith.constant 0 : i32
    %dma_wait3A_151 = tpu.memref_slice %arg4[%mul3A_2, %dma_wait3A_150] : memref<64x1024xf32, #tpu.memory_space<hbm>> -> memref<1x1024xf32, #tpu.memory_space<hbm>>
    %dma_wait3A_152 = tpu.memref_squeeze %dma_wait3A_151 : memref<1x1024xf32, #tpu.memory_space<hbm>> -> memref<1024xf32, #tpu.memory_space<hbm>>
    tpu.wait_dma2 semaphore(%arg41 : memref<!tpu.dma_semaphore, #tpu.memory_space<semaphore_mem>>) src(%dma_wait3A_152 : memref<1024xf32, #tpu.memory_space<hbm>>) dst(%arg17 : memref<1024xf32, #tpu.memory_space<vmem>>)
    %dma_wait3A_153 = arith.constant 0 : i32
    %dma_wait3A_154 = tpu.memref_slice %arg5[%mul3A_2, %dma_wait3A_153] : memref<64x1024xf32, #tpu.memory_space<hbm>> -> memref<1x1024xf32, #tpu.memory_space<hbm>>
    %dma_wait3A_155 = tpu.memref_squeeze %dma_wait3A_154 : memref<1x1024xf32, #tpu.memory_space<hbm>> -> memref<1024xf32, #tpu.memory_space<hbm>>
    %dma_wait3A_156 = arith.constant 0 : i32
    %dma_wait3A_157 = tpu.memref_slice %arg5[%mul3A_2, %dma_wait3A_156] : memref<64x1024xf32, #tpu.memory_space<hbm>> -> memref<1x1024xf32, #tpu.memory_space<hbm>>
    %dma_wait3A_158 = tpu.memref_squeeze %dma_wait3A_157 : memref<1x1024xf32, #tpu.memory_space<hbm>> -> memref<1024xf32, #tpu.memory_space<hbm>>
    tpu.wait_dma2 semaphore(%arg41 : memref<!tpu.dma_semaphore, #tpu.memory_space<semaphore_mem>>) src(%dma_wait3A_158 : memref<1024xf32, #tpu.memory_space<hbm>>) dst(%arg18 : memref<1024xf32, #tpu.memory_space<vmem>>)
    %dma_wait3A_159 = arith.constant 0 : i32
    %dma_wait3A_160 = tpu.memref_slice %arg6[%mul3A_2, %dma_wait3A_159] : memref<64x1024xf32, #tpu.memory_space<hbm>> -> memref<1x1024xf32, #tpu.memory_space<hbm>>
    %dma_wait3A_161 = tpu.memref_squeeze %dma_wait3A_160 : memref<1x1024xf32, #tpu.memory_space<hbm>> -> memref<1024xf32, #tpu.memory_space<hbm>>
    %dma_wait3A_162 = arith.constant 0 : i32
    %dma_wait3A_163 = tpu.memref_slice %arg6[%mul3A_2, %dma_wait3A_162] : memref<64x1024xf32, #tpu.memory_space<hbm>> -> memref<1x1024xf32, #tpu.memory_space<hbm>>
    %dma_wait3A_164 = tpu.memref_squeeze %dma_wait3A_163 : memref<1x1024xf32, #tpu.memory_space<hbm>> -> memref<1024xf32, #tpu.memory_space<hbm>>
    tpu.wait_dma2 semaphore(%arg41 : memref<!tpu.dma_semaphore, #tpu.memory_space<semaphore_mem>>) src(%dma_wait3A_164 : memref<1024xf32, #tpu.memory_space<hbm>>) dst(%arg19 : memref<1024xf32, #tpu.memory_space<vmem>>)
    %dma_wait3A_165 = arith.constant 0 : i32
    %dma_wait3A_166 = tpu.memref_slice %arg7[%mul3A_2, %dma_wait3A_165] : memref<64x1024xf32, #tpu.memory_space<hbm>> -> memref<1x1024xf32, #tpu.memory_space<hbm>>
    %dma_wait3A_167 = tpu.memref_squeeze %dma_wait3A_166 : memref<1x1024xf32, #tpu.memory_space<hbm>> -> memref<1024xf32, #tpu.memory_space<hbm>>
    %dma_wait3A_168 = arith.constant 0 : i32
    %dma_wait3A_169 = tpu.memref_slice %arg7[%mul3A_2, %dma_wait3A_168] : memref<64x1024xf32, #tpu.memory_space<hbm>> -> memref<1x1024xf32, #tpu.memory_space<hbm>>
    %dma_wait3A_170 = tpu.memref_squeeze %dma_wait3A_169 : memref<1x1024xf32, #tpu.memory_space<hbm>> -> memref<1024xf32, #tpu.memory_space<hbm>>
    tpu.wait_dma2 semaphore(%arg41 : memref<!tpu.dma_semaphore, #tpu.memory_space<semaphore_mem>>) src(%dma_wait3A_170 : memref<1024xf32, #tpu.memory_space<hbm>>) dst(%arg20 : memref<1024xf32, #tpu.memory_space<vmem>>)
    %dma_wait3A_171 = arith.constant 0 : i32
    %dma_wait3A_172 = tpu.memref_slice %arg8[%mul3A_2, %dma_wait3A_171] : memref<64x256xf32, #tpu.memory_space<hbm>> -> memref<1x256xf32, #tpu.memory_space<hbm>>
    %dma_wait3A_173 = tpu.memref_squeeze %dma_wait3A_172 : memref<1x256xf32, #tpu.memory_space<hbm>> -> memref<256xf32, #tpu.memory_space<hbm>>
    %dma_wait3A_174 = arith.constant 0 : i32
    %dma_wait3A_175 = tpu.memref_slice %arg8[%mul3A_2, %dma_wait3A_174] : memref<64x256xf32, #tpu.memory_space<hbm>> -> memref<1x256xf32, #tpu.memory_space<hbm>>
    %dma_wait3A_176 = tpu.memref_squeeze %dma_wait3A_175 : memref<1x256xf32, #tpu.memory_space<hbm>> -> memref<256xf32, #tpu.memory_space<hbm>>
    tpu.wait_dma2 semaphore(%arg41 : memref<!tpu.dma_semaphore, #tpu.memory_space<semaphore_mem>>) src(%dma_wait3A_176 : memref<256xf32, #tpu.memory_space<hbm>>) dst(%arg21 : memref<256xf32, #tpu.memory_space<vmem>>)
    %dma_wait3A_177 = arith.constant 0 : i32
    %dma_wait3A_178 = tpu.memref_slice %arg9[%mul3A_2, %dma_wait3A_177] : memref<64x256xf32, #tpu.memory_space<hbm>> -> memref<1x256xf32, #tpu.memory_space<hbm>>
    %dma_wait3A_179 = tpu.memref_squeeze %dma_wait3A_178 : memref<1x256xf32, #tpu.memory_space<hbm>> -> memref<256xf32, #tpu.memory_space<hbm>>
    %dma_wait3A_180 = arith.constant 0 : i32
    %dma_wait3A_181 = tpu.memref_slice %arg9[%mul3A_2, %dma_wait3A_180] : memref<64x256xf32, #tpu.memory_space<hbm>> -> memref<1x256xf32, #tpu.memory_space<hbm>>
    %dma_wait3A_182 = tpu.memref_squeeze %dma_wait3A_181 : memref<1x256xf32, #tpu.memory_space<hbm>> -> memref<256xf32, #tpu.memory_space<hbm>>
    tpu.wait_dma2 semaphore(%arg41 : memref<!tpu.dma_semaphore, #tpu.memory_space<semaphore_mem>>) src(%dma_wait3A_182 : memref<256xf32, #tpu.memory_space<hbm>>) dst(%arg22 : memref<256xf32, #tpu.memory_space<vmem>>)
    %dma_wait3A_183 = arith.constant 0 : i32
    %dma_wait3A_184 = tpu.memref_slice %arg10[%mul3A_2, %dma_wait3A_183] : memref<64x256xf32, #tpu.memory_space<hbm>> -> memref<1x256xf32, #tpu.memory_space<hbm>>
    %dma_wait3A_185 = tpu.memref_squeeze %dma_wait3A_184 : memref<1x256xf32, #tpu.memory_space<hbm>> -> memref<256xf32, #tpu.memory_space<hbm>>
    %dma_wait3A_186 = arith.constant 0 : i32
    %dma_wait3A_187 = tpu.memref_slice %arg10[%mul3A_2, %dma_wait3A_186] : memref<64x256xf32, #tpu.memory_space<hbm>> -> memref<1x256xf32, #tpu.memory_space<hbm>>
    %dma_wait3A_188 = tpu.memref_squeeze %dma_wait3A_187 : memref<1x256xf32, #tpu.memory_space<hbm>> -> memref<256xf32, #tpu.memory_space<hbm>>
    tpu.wait_dma2 semaphore(%arg41 : memref<!tpu.dma_semaphore, #tpu.memory_space<semaphore_mem>>) src(%dma_wait3A_188 : memref<256xf32, #tpu.memory_space<hbm>>) dst(%arg23 : memref<256xf32, #tpu.memory_space<vmem>>)
    %dma_wait3A_189 = arith.constant 0 : i32
    %dma_wait3A_190 = tpu.memref_slice %arg11[%mul3A_2, %dma_wait3A_189] : memref<64x256xf32, #tpu.memory_space<hbm>> -> memref<1x256xf32, #tpu.memory_space<hbm>>
    %dma_wait3A_191 = tpu.memref_squeeze %dma_wait3A_190 : memref<1x256xf32, #tpu.memory_space<hbm>> -> memref<256xf32, #tpu.memory_space<hbm>>
    %dma_wait3A_192 = arith.constant 0 : i32
    %dma_wait3A_193 = tpu.memref_slice %arg11[%mul3A_2, %dma_wait3A_192] : memref<64x256xf32, #tpu.memory_space<hbm>> -> memref<1x256xf32, #tpu.memory_space<hbm>>
    %dma_wait3A_194 = tpu.memref_squeeze %dma_wait3A_193 : memref<1x256xf32, #tpu.memory_space<hbm>> -> memref<256xf32, #tpu.memory_space<hbm>>
    tpu.wait_dma2 semaphore(%arg41 : memref<!tpu.dma_semaphore, #tpu.memory_space<semaphore_mem>>) src(%dma_wait3A_194 : memref<256xf32, #tpu.memory_space<hbm>>) dst(%arg24 : memref<256xf32, #tpu.memory_space<vmem>>)
    %dma_wait3A_195 = arith.constant 0 : i32
    %dma_wait3A_196 = tpu.memref_slice %arg12[%mul3A_2, %dma_wait3A_195] : memref<64x96xf32, #tpu.memory_space<hbm>> -> memref<1x96xf32, #tpu.memory_space<hbm>>
    %dma_wait3A_197 = tpu.memref_squeeze %dma_wait3A_196 : memref<1x96xf32, #tpu.memory_space<hbm>> -> memref<96xf32, #tpu.memory_space<hbm>>
    %dma_wait3A_198 = arith.constant 0 : i32
    %dma_wait3A_199 = tpu.memref_slice %arg12[%mul3A_2, %dma_wait3A_198] : memref<64x96xf32, #tpu.memory_space<hbm>> -> memref<1x96xf32, #tpu.memory_space<hbm>>
    %dma_wait3A_200 = tpu.memref_squeeze %dma_wait3A_199 : memref<1x96xf32, #tpu.memory_space<hbm>> -> memref<96xf32, #tpu.memory_space<hbm>>
    tpu.wait_dma2 semaphore(%arg41 : memref<!tpu.dma_semaphore, #tpu.memory_space<semaphore_mem>>) src(%dma_wait3A_200 : memref<96xf32, #tpu.memory_space<hbm>>) dst(%arg25 : memref<96xf32, #tpu.memory_space<vmem>>)
    %get3A = arith.constant 0 : index
    %get3A_201 = tpu.vector_load %arg25[%get3A] {strides = array<i32>} : memref<96xf32, #tpu.memory_space<vmem>>, vector<16xf32>,
    %get3A_202 = arith.constant 16 : index
    %get3A_203 = tpu.vector_load %arg25[%get3A_202] {strides = array<i32>} : memref<96xf32, #tpu.memory_space<vmem>>, vector<16xf32>,
    %get3A_204 = arith.constant 32 : index
    %get3A_205 = tpu.vector_load %arg25[%get3A_204] {strides = array<i32>} : memref<96xf32, #tpu.memory_space<vmem>>, vector<16xf32>,
    %get3A_206 = arith.constant 48 : index
    %get3A_207 = tpu.vector_load %arg25[%get3A_206] {strides = array<i32>} : memref<96xf32, #tpu.memory_space<vmem>>, vector<16xf32>,
    %get3A_208 = arith.constant 64 : index
    %get3A_209 = tpu.vector_load %arg25[%get3A_208] {strides = array<i32>} : memref<96xf32, #tpu.memory_space<vmem>>, vector<16xf32>,
    %get3A_210 = arith.constant 80 : index
    %get3A_211 = tpu.vector_load %arg25[%get3A_210] {strides = array<i32>} : memref<96xf32, #tpu.memory_space<vmem>>, vector<16xf32>,
    %add3A_212 = arith.constant 5.000000e-01 : f32
    %add3A_213 = vector.broadcast %add3A_212 : f32 to vector<16xf32>
    %add3A_214 = arith.addf %get3A_203, %add3A_213 : vector<16xf32>
    %add3A_215 = arith.constant 5.000000e-01 : f32
    %add3A_216 = vector.broadcast %add3A_215 : f32 to vector<16xf32>
    %add3A_217 = arith.addf %get3A_207, %add3A_216 : vector<16xf32>
    %div3A = arith.constant 1.000000e+00 : f32
    %div3A_218 = vector.broadcast %div3A : f32 to vector<16xf32>
    %div3A_219 = arith.divf %div3A_218, %add3A_217 : vector<16xf32>
    %add3A_220 = arith.constant 5.000000e-01 : f32
    %add3A_221 = vector.broadcast %add3A_220 : f32 to vector<16xf32>
    %add3A_222 = arith.addf %get3A_211, %add3A_221 : vector<16xf32>
    %div3A_223 = arith.constant 1.000000e+00 : f32
    %div3A_224 = vector.broadcast %div3A_223 : f32 to vector<16xf32>
    %div3A_225 = arith.divf %div3A_224, %add3A_222 : vector<16xf32>
    %mul3A_226 = arith.mulf %add3A_214, %div3A_225 : vector<16xf32>
    %mul3A_227 = arith.constant 6.250000e-02 : f32
    %mul3A_228 = vector.broadcast %mul3A_227 : f32 to vector<16xf32>
    %mul3A_229 = arith.mulf %mul3A_226, %mul3A_228 : vector<16xf32>
    %sub3A = arith.subf %get3A_201, %get3A_209 : vector<16xf32>
    %mul3A_230 = arith.mulf %sub3A, %div3A_225 : vector<16xf32>
    %mul3A_231 = arith.mulf %add3A_214, %div3A_225 : vector<16xf32>
    %mul3A_232 = arith.constant 0.00294117653 : f32
    %mul3A_233 = vector.broadcast %mul3A_232 : f32 to vector<16xf32>
    %mul3A_234 = arith.mulf %mul3A_231, %mul3A_233 : vector<16xf32>
    %mul3A_235 = arith.mulf %get3A_209, %div3A_225 : vector<16xf32>
    %sub3A_236 = arith.constant 0.000000e+00 : f32
    %sub3A_237 = vector.broadcast %sub3A_236 : f32 to vector<16xf32>
    %sub3A_238 = arith.subf %sub3A_237, %mul3A_235 : vector<16xf32>
    %mul3A_239 = arith.mulf %add3A_214, %div3A_219 : vector<16xf32>
    %mul3A_240 = arith.constant 2.500000e-01 : f32
    %mul3A_241 = vector.broadcast %mul3A_240 : f32 to vector<16xf32>
    %mul3A_242 = arith.mulf %mul3A_239, %mul3A_241 : vector<16xf32>
    %sub3A_243 = arith.subf %get3A_201, %get3A_205 : vector<16xf32>
    %mul3A_244 = arith.mulf %sub3A_243, %div3A_219 : vector<16xf32>
    %mul3A_245 = arith.mulf %add3A_214, %div3A_219 : vector<16xf32>
    %mul3A_246 = arith.constant 2.000000e-01 : f32
    %mul3A_247 = vector.broadcast %mul3A_246 : f32 to vector<16xf32>
    %mul3A_248 = arith.mulf %mul3A_245, %mul3A_247 : vector<16xf32>
    %mul3A_249 = arith.mulf %get3A_205, %div3A_219 : vector<16xf32>
    %sub3A_250 = arith.constant 0.000000e+00 : f32
    %sub3A_251 = vector.broadcast %sub3A_250 : f32 to vector<16xf32>
    %sub3A_252 = arith.subf %sub3A_251, %mul3A_249 : vector<16xf32>
    %mul3A_253 = arith.constant -5.000000e-02 : f32
    %mul3A_254 = vector.broadcast %mul3A_253 : f32 to vector<16xf32>
    %mul3A_255 = arith.mulf %mul3A_254, %mul3A_229 : vector<16xf32>
    %mul3A_256 = arith.constant -5.000000e-02 : f32
    %mul3A_257 = vector.broadcast %mul3A_256 : f32 to vector<16xf32>
    %mul3A_258 = arith.mulf %mul3A_257, %mul3A_234 : vector<16xf32>
    %mul3A_259 = arith.constant -5.000000e-02 : f32
    %mul3A_260 = vector.broadcast %mul3A_259 : f32 to vector<16xf32>
    %mul3A_261 = arith.mulf %mul3A_260, %mul3A_242 : vector<16xf32>
    %mul3A_262 = arith.constant -5.000000e-02 : f32
    %mul3A_263 = vector.broadcast %mul3A_262 : f32 to vector<16xf32>
    %mul3A_264 = arith.mulf %mul3A_263, %mul3A_248 : vector<16xf32>
    %scan3A = arith.constant 0 : i32
    %scan3A_265 = arith.constant 0 : i32
    %scan3A_266 = arith.constant 16 : i32
    %scan3A_267 = arith.addi %scan3A_265, %scan3A_266 : i32
    %scan3A_268 = arith.constant 1 : i32
    scf.for %scan3A_457 = %scan3A_265 to %scan3A_267 step %scan3A_268  : i32 {
      %iota3A = tpu.iota {dimensions = array<i32: 0>} : vector<16xi32>
      %mul3A_458 = arith.constant 256 : i32
      %mul3A_459 = arith.muli %scan3A_457, %mul3A_458 : i32
      %mul3A_460 = arith.constant 16 : i32
      %mul3A_461 = vector.broadcast %mul3A_460 : i32 to vector<16xi32>
      %mul3A_462 = arith.muli %iota3A, %mul3A_461 : vector<16xi32>
      %add3A_463 = vector.broadcast %mul3A_459 : i32 to vector<16xi32>
      %add3A_464 = arith.addi %add3A_463, %mul3A_462 : vector<16xi32>
      %mul3A_465 = arith.constant 64 : i32
      %mul3A_466 = arith.muli %scan3A_457, %mul3A_465 : i32
      %mul3A_467 = arith.constant 4 : i32
      %mul3A_468 = vector.broadcast %mul3A_467 : i32 to vector<16xi32>
      %mul3A_469 = arith.muli %iota3A, %mul3A_468 : vector<16xi32>
      %add3A_470 = vector.broadcast %mul3A_466 : i32 to vector<16xi32>
      %add3A_471 = arith.addi %add3A_470, %mul3A_469 : vector<16xi32>
      %add3A_472 = arith.constant 0 : i32
      %add3A_473 = vector.broadcast %add3A_472 : i32 to vector<16xi32>
      %add3A_474 = arith.addi %add3A_464, %add3A_473 : vector<16xi32>
      %gather3A = tpu.vector_load_idx %arg15[%add3A_474] : memref<4096xf32, #tpu.memory_space<vmem>>[vector<16xi32>], vector<16xf32>,
      %add3A_475 = arith.constant 1 : i32
      %add3A_476 = vector.broadcast %add3A_475 : i32 to vector<16xi32>
      %add3A_477 = arith.addi %add3A_464, %add3A_476 : vector<16xi32>
      %gather3A_478 = tpu.vector_load_idx %arg15[%add3A_477] : memref<4096xf32, #tpu.memory_space<vmem>>[vector<16xi32>], vector<16xf32>,
      %add3A_479 = arith.constant 2 : i32
      %add3A_480 = vector.broadcast %add3A_479 : i32 to vector<16xi32>
      %add3A_481 = arith.addi %add3A_464, %add3A_480 : vector<16xi32>
      %gather3A_482 = tpu.vector_load_idx %arg15[%add3A_481] : memref<4096xf32, #tpu.memory_space<vmem>>[vector<16xi32>], vector<16xf32>,
      %add3A_483 = arith.constant 3 : i32
      %add3A_484 = vector.broadcast %add3A_483 : i32 to vector<16xi32>
      %add3A_485 = arith.addi %add3A_464, %add3A_484 : vector<16xi32>
      %gather3A_486 = tpu.vector_load_idx %arg15[%add3A_485] : memref<4096xf32, #tpu.memory_space<vmem>>[vector<16xi32>], vector<16xf32>,
      %add3A_487 = arith.constant 4 : i32
      %add3A_488 = vector.broadcast %add3A_487 : i32 to vector<16xi32>
      %add3A_489 = arith.addi %add3A_464, %add3A_488 : vector<16xi32>
      %gather3A_490 = tpu.vector_load_idx %arg15[%add3A_489] : memref<4096xf32, #tpu.memory_space<vmem>>[vector<16xi32>], vector<16xf32>,
      %add3A_491 = arith.constant 5 : i32
      %add3A_492 = vector.broadcast %add3A_491 : i32 to vector<16xi32>
      %add3A_493 = arith.addi %add3A_464, %add3A_492 : vector<16xi32>
      %gather3A_494 = tpu.vector_load_idx %arg15[%add3A_493] : memref<4096xf32, #tpu.memory_space<vmem>>[vector<16xi32>], vector<16xf32>,
      %add3A_495 = arith.constant 6 : i32
      %add3A_496 = vector.broadcast %add3A_495 : i32 to vector<16xi32>
      %add3A_497 = arith.addi %add3A_464, %add3A_496 : vector<16xi32>
      %gather3A_498 = tpu.vector_load_idx %arg15[%add3A_497] : memref<4096xf32, #tpu.memory_space<vmem>>[vector<16xi32>], vector<16xf32>,
      %add3A_499 = arith.constant 7 : i32
      %add3A_500 = vector.broadcast %add3A_499 : i32 to vector<16xi32>
      %add3A_501 = arith.addi %add3A_464, %add3A_500 : vector<16xi32>
      %gather3A_502 = tpu.vector_load_idx %arg15[%add3A_501] : memref<4096xf32, #tpu.memory_space<vmem>>[vector<16xi32>], vector<16xf32>,
      %add3A_503 = arith.constant 8 : i32
      %add3A_504 = vector.broadcast %add3A_503 : i32 to vector<16xi32>
      %add3A_505 = arith.addi %add3A_464, %add3A_504 : vector<16xi32>
      %gather3A_506 = tpu.vector_load_idx %arg15[%add3A_505] : memref<4096xf32, #tpu.memory_space<vmem>>[vector<16xi32>], vector<16xf32>,
      %add3A_507 = arith.constant 9 : i32
      %add3A_508 = vector.broadcast %add3A_507 : i32 to vector<16xi32>
      %add3A_509 = arith.addi %add3A_464, %add3A_508 : vector<16xi32>
      %gather3A_510 = tpu.vector_load_idx %arg15[%add3A_509] : memref<4096xf32, #tpu.memory_space<vmem>>[vector<16xi32>], vector<16xf32>,
      %add3A_511 = arith.constant 10 : i32
      %add3A_512 = vector.broadcast %add3A_511 : i32 to vector<16xi32>
      %add3A_513 = arith.addi %add3A_464, %add3A_512 : vector<16xi32>
      %gather3A_514 = tpu.vector_load_idx %arg15[%add3A_513] : memref<4096xf32, #tpu.memory_space<vmem>>[vector<16xi32>], vector<16xf32>,
      %add3A_515 = arith.constant 11 : i32
      %add3A_516 = vector.broadcast %add3A_515 : i32 to vector<16xi32>
      %add3A_517 = arith.addi %add3A_464, %add3A_516 : vector<16xi32>
      %gather3A_518 = tpu.vector_load_idx %arg15[%add3A_517] : memref<4096xf32, #tpu.memory_space<vmem>>[vector<16xi32>], vector<16xf32>,
      %add3A_519 = arith.constant 12 : i32
      %add3A_520 = vector.broadcast %add3A_519 : i32 to vector<16xi32>
      %add3A_521 = arith.addi %add3A_464, %add3A_520 : vector<16xi32>
      %gather3A_522 = tpu.vector_load_idx %arg15[%add3A_521] : memref<4096xf32, #tpu.memory_space<vmem>>[vector<16xi32>], vector<16xf32>,
      %add3A_523 = arith.constant 13 : i32
      %add3A_524 = vector.broadcast %add3A_523 : i32 to vector<16xi32>
      %add3A_525 = arith.addi %add3A_464, %add3A_524 : vector<16xi32>
      %gather3A_526 = tpu.vector_load_idx %arg15[%add3A_525] : memref<4096xf32, #tpu.memory_space<vmem>>[vector<16xi32>], vector<16xf32>,
      %add3A_527 = arith.constant 14 : i32
      %add3A_528 = vector.broadcast %add3A_527 : i32 to vector<16xi32>
      %add3A_529 = arith.addi %add3A_464, %add3A_528 : vector<16xi32>
      %gather3A_530 = tpu.vector_load_idx %arg15[%add3A_529] : memref<4096xf32, #tpu.memory_space<vmem>>[vector<16xi32>], vector<16xf32>,
      %add3A_531 = arith.constant 15 : i32
      %add3A_532 = vector.broadcast %add3A_531 : i32 to vector<16xi32>
      %add3A_533 = arith.addi %add3A_464, %add3A_532 : vector<16xi32>
      %gather3A_534 = tpu.vector_load_idx %arg15[%add3A_533] : memref<4096xf32, #tpu.memory_space<vmem>>[vector<16xi32>], vector<16xf32>,
      %add3A_535 = arith.constant 0 : i32
      %add3A_536 = vector.broadcast %add3A_535 : i32 to vector<16xi32>
      %add3A_537 = arith.addi %add3A_464, %add3A_536 : vector<16xi32>
      %gather3A_538 = tpu.vector_load_idx %arg16[%add3A_537] : memref<4096xf32, #tpu.memory_space<vmem>>[vector<16xi32>], vector<16xf32>,
      %abs3A = math.absf %gather3A_538 : vector<16xf32>
      %add3A_539 = arith.constant 5.000000e-01 : f32
      %add3A_540 = vector.broadcast %add3A_539 : f32 to vector<16xf32>
      %add3A_541 = arith.addf %abs3A, %add3A_540 : vector<16xf32>
      %add3A_542 = arith.constant 0 : i32
      %add3A_543 = vector.broadcast %add3A_542 : i32 to vector<16xi32>
      %add3A_544 = arith.addi %add3A_464, %add3A_543 : vector<16xi32>
      tpu.vector_store_idx %arg38[%add3A_544], %add3A_541 : memref<4096xf32, #tpu.memory_space<vmem>>[vector<16xi32>], vector<16xf32>,
      %mul3A_545 = arith.mulf %add3A_541, %add3A_541 : vector<16xf32>
      %div3A_546 = arith.constant 5.000000e-02 : f32
      %div3A_547 = vector.broadcast %div3A_546 : f32 to vector<16xf32>
      %div3A_548 = arith.divf %div3A_547, %mul3A_545 : vector<16xf32>
      %sub3A_549 = arith.constant 1.000000e+00 : f32
      %sub3A_550 = vector.broadcast %sub3A_549 : f32 to vector<16xf32>
      %sub3A_551 = arith.subf %sub3A_550, %div3A_548 : vector<16xf32>
      %add3A_552 = arith.constant 1 : i32
      %add3A_553 = vector.broadcast %add3A_552 : i32 to vector<16xi32>
      %add3A_554 = arith.addi %add3A_464, %add3A_553 : vector<16xi32>
      %gather3A_555 = tpu.vector_load_idx %arg16[%add3A_554] : memref<4096xf32, #tpu.memory_space<vmem>>[vector<16xi32>], vector<16xf32>,
      %abs3A_556 = math.absf %gather3A_555 : vector<16xf32>
      %add3A_557 = arith.constant 5.000000e-01 : f32
      %add3A_558 = vector.broadcast %add3A_557 : f32 to vector<16xf32>
      %add3A_559 = arith.addf %abs3A_556, %add3A_558 : vector<16xf32>
      %add3A_560 = arith.constant 1 : i32
      %add3A_561 = vector.broadcast %add3A_560 : i32 to vector<16xi32>
      %add3A_562 = arith.addi %add3A_464, %add3A_561 : vector<16xi32>
      tpu.vector_store_idx %arg38[%add3A_562], %add3A_559 : memref<4096xf32, #tpu.memory_space<vmem>>[vector<16xi32>], vector<16xf32>,
      %mul3A_563 = arith.mulf %add3A_559, %add3A_559 : vector<16xf32>
      %div3A_564 = arith.constant 5.000000e-02 : f32
      %div3A_565 = vector.broadcast %div3A_564 : f32 to vector<16xf32>
      %div3A_566 = arith.divf %div3A_565, %mul3A_563 : vector<16xf32>
      %sub3A_567 = arith.constant 1.000000e+00 : f32
      %sub3A_568 = vector.broadcast %sub3A_567 : f32 to vector<16xf32>
      %sub3A_569 = arith.subf %sub3A_568, %div3A_566 : vector<16xf32>
      %add3A_570 = arith.constant 2 : i32
      %add3A_571 = vector.broadcast %add3A_570 : i32 to vector<16xi32>
      %add3A_572 = arith.addi %add3A_464, %add3A_571 : vector<16xi32>
      %gather3A_573 = tpu.vector_load_idx %arg16[%add3A_572] : memref<4096xf32, #tpu.memory_space<vmem>>[vector<16xi32>], vector<16xf32>,
      %abs3A_574 = math.absf %gather3A_573 : vector<16xf32>
      %add3A_575 = arith.constant 5.000000e-01 : f32
      %add3A_576 = vector.broadcast %add3A_575 : f32 to vector<16xf32>
      %add3A_577 = arith.addf %abs3A_574, %add3A_576 : vector<16xf32>
      %add3A_578 = arith.constant 2 : i32
      %add3A_579 = vector.broadcast %add3A_578 : i32 to vector<16xi32>
      %add3A_580 = arith.addi %add3A_464, %add3A_579 : vector<16xi32>
      tpu.vector_store_idx %arg38[%add3A_580], %add3A_577 : memref<4096xf32, #tpu.memory_space<vmem>>[vector<16xi32>], vector<16xf32>,
      %mul3A_581 = arith.mulf %add3A_577, %add3A_577 : vector<16xf32>
      %div3A_582 = arith.constant 5.000000e-02 : f32
      %div3A_583 = vector.broadcast %div3A_582 : f32 to vector<16xf32>
      %div3A_584 = arith.divf %div3A_583, %mul3A_581 : vector<16xf32>
      %sub3A_585 = arith.constant 1.000000e+00 : f32
      %sub3A_586 = vector.broadcast %sub3A_585 : f32 to vector<16xf32>
      %sub3A_587 = arith.subf %sub3A_586, %div3A_584 : vector<16xf32>
      %add3A_588 = arith.constant 3 : i32
      %add3A_589 = vector.broadcast %add3A_588 : i32 to vector<16xi32>
      %add3A_590 = arith.addi %add3A_464, %add3A_589 : vector<16xi32>
      %gather3A_591 = tpu.vector_load_idx %arg16[%add3A_590] : memref<4096xf32, #tpu.memory_space<vmem>>[vector<16xi32>], vector<16xf32>,
      %abs3A_592 = math.absf %gather3A_591 : vector<16xf32>
      %add3A_593 = arith.constant 5.000000e-01 : f32
      %add3A_594 = vector.broadcast %add3A_593 : f32 to vector<16xf32>
      %add3A_595 = arith.addf %abs3A_592, %add3A_594 : vector<16xf32>
      %add3A_596 = arith.constant 3 : i32
      %add3A_597 = vector.broadcast %add3A_596 : i32 to vector<16xi32>
      %add3A_598 = arith.addi %add3A_464, %add3A_597 : vector<16xi32>
      tpu.vector_store_idx %arg38[%add3A_598], %add3A_595 : memref<4096xf32, #tpu.memory_space<vmem>>[vector<16xi32>], vector<16xf32>,
      %mul3A_599 = arith.mulf %add3A_595, %add3A_595 : vector<16xf32>
      %div3A_600 = arith.constant 5.000000e-02 : f32
      %div3A_601 = vector.broadcast %div3A_600 : f32 to vector<16xf32>
      %div3A_602 = arith.divf %div3A_601, %mul3A_599 : vector<16xf32>
      %sub3A_603 = arith.constant 1.000000e+00 : f32
      %sub3A_604 = vector.broadcast %sub3A_603 : f32 to vector<16xf32>
      %sub3A_605 = arith.subf %sub3A_604, %div3A_602 : vector<16xf32>
      %add3A_606 = arith.constant 4 : i32
      %add3A_607 = vector.broadcast %add3A_606 : i32 to vector<16xi32>
      %add3A_608 = arith.addi %add3A_464, %add3A_607 : vector<16xi32>
      %gather3A_609 = tpu.vector_load_idx %arg16[%add3A_608] : memref<4096xf32, #tpu.memory_space<vmem>>[vector<16xi32>], vector<16xf32>,
      %abs3A_610 = math.absf %gather3A_609 : vector<16xf32>
      %add3A_611 = arith.constant 5.000000e-01 : f32
      %add3A_612 = vector.broadcast %add3A_611 : f32 to vector<16xf32>
      %add3A_613 = arith.addf %abs3A_610, %add3A_612 : vector<16xf32>
      %add3A_614 = arith.constant 4 : i32
      %add3A_615 = vector.broadcast %add3A_614 : i32 to vector<16xi32>
      %add3A_616 = arith.addi %add3A_464, %add3A_615 : vector<16xi32>
      tpu.vector_store_idx %arg38[%add3A_616], %add3A_613 : memref<4096xf32, #tpu.memory_space<vmem>>[vector<16xi32>], vector<16xf32>,
      %mul3A_617 = arith.mulf %add3A_613, %add3A_613 : vector<16xf32>
      %div3A_618 = arith.constant 5.000000e-02 : f32
      %div3A_619 = vector.broadcast %div3A_618 : f32 to vector<16xf32>
      %div3A_620 = arith.divf %div3A_619, %mul3A_617 : vector<16xf32>
      %sub3A_621 = arith.constant 1.000000e+00 : f32
      %sub3A_622 = vector.broadcast %sub3A_621 : f32 to vector<16xf32>
      %sub3A_623 = arith.subf %sub3A_622, %div3A_620 : vector<16xf32>
      %add3A_624 = arith.constant 5 : i32
      %add3A_625 = vector.broadcast %add3A_624 : i32 to vector<16xi32>
      %add3A_626 = arith.addi %add3A_464, %add3A_625 : vector<16xi32>
      %gather3A_627 = tpu.vector_load_idx %arg16[%add3A_626] : memref<4096xf32, #tpu.memory_space<vmem>>[vector<16xi32>], vector<16xf32>,
      %abs3A_628 = math.absf %gather3A_627 : vector<16xf32>
      %add3A_629 = arith.constant 5.000000e-01 : f32
      %add3A_630 = vector.broadcast %add3A_629 : f32 to vector<16xf32>
      %add3A_631 = arith.addf %abs3A_628, %add3A_630 : vector<16xf32>
      %add3A_632 = arith.constant 5 : i32
      %add3A_633 = vector.broadcast %add3A_632 : i32 to vector<16xi32>
      %add3A_634 = arith.addi %add3A_464, %add3A_633 : vector<16xi32>
      tpu.vector_store_idx %arg38[%add3A_634], %add3A_631 : memref<4096xf32, #tpu.memory_space<vmem>>[vector<16xi32>], vector<16xf32>,
      %mul3A_635 = arith.mulf %add3A_631, %add3A_631 : vector<16xf32>
      %div3A_636 = arith.constant 5.000000e-02 : f32
      %div3A_637 = vector.broadcast %div3A_636 : f32 to vector<16xf32>
      %div3A_638 = arith.divf %div3A_637, %mul3A_635 : vector<16xf32>
      %sub3A_639 = arith.constant 1.000000e+00 : f32
      %sub3A_640 = vector.broadcast %sub3A_639 : f32 to vector<16xf32>
      %sub3A_641 = arith.subf %sub3A_640, %div3A_638 : vector<16xf32>
      %add3A_642 = arith.constant 6 : i32
      %add3A_643 = vector.broadcast %add3A_642 : i32 to vector<16xi32>
      %add3A_644 = arith.addi %add3A_464, %add3A_643 : vector<16xi32>
      %gather3A_645 = tpu.vector_load_idx %arg16[%add3A_644] : memref<4096xf32, #tpu.memory_space<vmem>>[vector<16xi32>], vector<16xf32>,
      %abs3A_646 = math.absf %gather3A_645 : vector<16xf32>
      %add3A_647 = arith.constant 5.000000e-01 : f32
      %add3A_648 = vector.broadcast %add3A_647 : f32 to vector<16xf32>
      %add3A_649 = arith.addf %abs3A_646, %add3A_648 : vector<16xf32>
      %add3A_650 = arith.constant 6 : i32
      %add3A_651 = vector.broadcast %add3A_650 : i32 to vector<16xi32>
      %add3A_652 = arith.addi %add3A_464, %add3A_651 : vector<16xi32>
      tpu.vector_store_idx %arg38[%add3A_652], %add3A_649 : memref<4096xf32, #tpu.memory_space<vmem>>[vector<16xi32>], vector<16xf32>,
      %mul3A_653 = arith.mulf %add3A_649, %add3A_649 : vector<16xf32>
      %div3A_654 = arith.constant 5.000000e-02 : f32
      %div3A_655 = vector.broadcast %div3A_654 : f32 to vector<16xf32>
      %div3A_656 = arith.divf %div3A_655, %mul3A_653 : vector<16xf32>
      %sub3A_657 = arith.constant 1.000000e+00 : f32
      %sub3A_658 = vector.broadcast %sub3A_657 : f32 to vector<16xf32>
      %sub3A_659 = arith.subf %sub3A_658, %div3A_656 : vector<16xf32>
      %add3A_660 = arith.constant 7 : i32
      %add3A_661 = vector.broadcast %add3A_660 : i32 to vector<16xi32>
      %add3A_662 = arith.addi %add3A_464, %add3A_661 : vector<16xi32>
      %gather3A_663 = tpu.vector_load_idx %arg16[%add3A_662] : memref<4096xf32, #tpu.memory_space<vmem>>[vector<16xi32>], vector<16xf32>,
      %abs3A_664 = math.absf %gather3A_663 : vector<16xf32>
      %add3A_665 = arith.constant 5.000000e-01 : f32
      %add3A_666 = vector.broadcast %add3A_665 : f32 to vector<16xf32>
      %add3A_667 = arith.addf %abs3A_664, %add3A_666 : vector<16xf32>
      %add3A_668 = arith.constant 7 : i32
      %add3A_669 = vector.broadcast %add3A_668 : i32 to vector<16xi32>
      %add3A_670 = arith.addi %add3A_464, %add3A_669 : vector<16xi32>
      tpu.vector_store_idx %arg38[%add3A_670], %add3A_667 : memref<4096xf32, #tpu.memory_space<vmem>>[vector<16xi32>], vector<16xf32>,
      %mul3A_671 = arith.mulf %add3A_667, %add3A_667 : vector<16xf32>
      %div3A_672 = arith.constant 5.000000e-02 : f32
      %div3A_673 = vector.broadcast %div3A_672 : f32 to vector<16xf32>
      %div3A_674 = arith.divf %div3A_673, %mul3A_671 : vector<16xf32>
      %sub3A_675 = arith.constant 1.000000e+00 : f32
      %sub3A_676 = vector.broadcast %sub3A_675 : f32 to vector<16xf32>
      %sub3A_677 = arith.subf %sub3A_676, %div3A_674 : vector<16xf32>
      %add3A_678 = arith.constant 8 : i32
      %add3A_679 = vector.broadcast %add3A_678 : i32 to vector<16xi32>
      %add3A_680 = arith.addi %add3A_464, %add3A_679 : vector<16xi32>
      %gather3A_681 = tpu.vector_load_idx %arg16[%add3A_680] : memref<4096xf32, #tpu.memory_space<vmem>>[vector<16xi32>], vector<16xf32>,
      %abs3A_682 = math.absf %gather3A_681 : vector<16xf32>
      %add3A_683 = arith.constant 5.000000e-01 : f32
      %add3A_684 = vector.broadcast %add3A_683 : f32 to vector<16xf32>
      %add3A_685 = arith.addf %abs3A_682, %add3A_684 : vector<16xf32>
      %add3A_686 = arith.constant 8 : i32
      %add3A_687 = vector.broadcast %add3A_686 : i32 to vector<16xi32>
      %add3A_688 = arith.addi %add3A_464, %add3A_687 : vector<16xi32>
      tpu.vector_store_idx %arg38[%add3A_688], %add3A_685 : memref<4096xf32, #tpu.memory_space<vmem>>[vector<16xi32>], vector<16xf32>,
      %mul3A_689 = arith.mulf %add3A_685, %add3A_685 : vector<16xf32>
      %div3A_690 = arith.constant 5.000000e-02 : f32
      %div3A_691 = vector.broadcast %div3A_690 : f32 to vector<16xf32>
      %div3A_692 = arith.divf %div3A_691, %mul3A_689 : vector<16xf32>
      %sub3A_693 = arith.constant 1.000000e+00 : f32
      %sub3A_694 = vector.broadcast %sub3A_693 : f32 to vector<16xf32>
      %sub3A_695 = arith.subf %sub3A_694, %div3A_692 : vector<16xf32>
      %add3A_696 = arith.constant 9 : i32
      %add3A_697 = vector.broadcast %add3A_696 : i32 to vector<16xi32>
      %add3A_698 = arith.addi %add3A_464, %add3A_697 : vector<16xi32>
      %gather3A_699 = tpu.vector_load_idx %arg16[%add3A_698] : memref<4096xf32, #tpu.memory_space<vmem>>[vector<16xi32>], vector<16xf32>,
      %abs3A_700 = math.absf %gather3A_699 : vector<16xf32>
      %add3A_701 = arith.constant 5.000000e-01 : f32
      %add3A_702 = vector.broadcast %add3A_701 : f32 to vector<16xf32>
      %add3A_703 = arith.addf %abs3A_700, %add3A_702 : vector<16xf32>
      %add3A_704 = arith.constant 9 : i32
      %add3A_705 = vector.broadcast %add3A_704 : i32 to vector<16xi32>
      %add3A_706 = arith.addi %add3A_464, %add3A_705 : vector<16xi32>
      tpu.vector_store_idx %arg38[%add3A_706], %add3A_703 : memref<4096xf32, #tpu.memory_space<vmem>>[vector<16xi32>], vector<16xf32>,
      %mul3A_707 = arith.mulf %add3A_703, %add3A_703 : vector<16xf32>
      %div3A_708 = arith.constant 5.000000e-02 : f32
      %div3A_709 = vector.broadcast %div3A_708 : f32 to vector<16xf32>
      %div3A_710 = arith.divf %div3A_709, %mul3A_707 : vector<16xf32>
      %sub3A_711 = arith.constant 1.000000e+00 : f32
      %sub3A_712 = vector.broadcast %sub3A_711 : f32 to vector<16xf32>
      %sub3A_713 = arith.subf %sub3A_712, %div3A_710 : vector<16xf32>
      %add3A_714 = arith.constant 10 : i32
      %add3A_715 = vector.broadcast %add3A_714 : i32 to vector<16xi32>
      %add3A_716 = arith.addi %add3A_464, %add3A_715 : vector<16xi32>
      %gather3A_717 = tpu.vector_load_idx %arg16[%add3A_716] : memref<4096xf32, #tpu.memory_space<vmem>>[vector<16xi32>], vector<16xf32>,
      %abs3A_718 = math.absf %gather3A_717 : vector<16xf32>
      %add3A_719 = arith.constant 5.000000e-01 : f32
      %add3A_720 = vector.broadcast %add3A_719 : f32 to vector<16xf32>
      %add3A_721 = arith.addf %abs3A_718, %add3A_720 : vector<16xf32>
      %add3A_722 = arith.constant 10 : i32
      %add3A_723 = vector.broadcast %add3A_722 : i32 to vector<16xi32>
      %add3A_724 = arith.addi %add3A_464, %add3A_723 : vector<16xi32>
      tpu.vector_store_idx %arg38[%add3A_724], %add3A_721 : memref<4096xf32, #tpu.memory_space<vmem>>[vector<16xi32>], vector<16xf32>,
      %mul3A_725 = arith.mulf %add3A_721, %add3A_721 : vector<16xf32>
      %div3A_726 = arith.constant 5.000000e-02 : f32
      %div3A_727 = vector.broadcast %div3A_726 : f32 to vector<16xf32>
      %div3A_728 = arith.divf %div3A_727, %mul3A_725 : vector<16xf32>
      %sub3A_729 = arith.constant 1.000000e+00 : f32
      %sub3A_730 = vector.broadcast %sub3A_729 : f32 to vector<16xf32>
      %sub3A_731 = arith.subf %sub3A_730, %div3A_728 : vector<16xf32>
      %add3A_732 = arith.constant 11 : i32
      %add3A_733 = vector.broadcast %add3A_732 : i32 to vector<16xi32>
      %add3A_734 = arith.addi %add3A_464, %add3A_733 : vector<16xi32>
      %gather3A_735 = tpu.vector_load_idx %arg16[%add3A_734] : memref<4096xf32, #tpu.memory_space<vmem>>[vector<16xi32>], vector<16xf32>,
      %abs3A_736 = math.absf %gather3A_735 : vector<16xf32>
      %add3A_737 = arith.constant 5.000000e-01 : f32
      %add3A_738 = vector.broadcast %add3A_737 : f32 to vector<16xf32>
      %add3A_739 = arith.addf %abs3A_736, %add3A_738 : vector<16xf32>
      %add3A_740 = arith.constant 11 : i32
      %add3A_741 = vector.broadcast %add3A_740 : i32 to vector<16xi32>
      %add3A_742 = arith.addi %add3A_464, %add3A_741 : vector<16xi32>
      tpu.vector_store_idx %arg38[%add3A_742], %add3A_739 : memref<4096xf32, #tpu.memory_space<vmem>>[vector<16xi32>], vector<16xf32>,
      %mul3A_743 = arith.mulf %add3A_739, %add3A_739 : vector<16xf32>
      %div3A_744 = arith.constant 5.000000e-02 : f32
      %div3A_745 = vector.broadcast %div3A_744 : f32 to vector<16xf32>
      %div3A_746 = arith.divf %div3A_745, %mul3A_743 : vector<16xf32>
      %sub3A_747 = arith.constant 1.000000e+00 : f32
      %sub3A_748 = vector.broadcast %sub3A_747 : f32 to vector<16xf32>
      %sub3A_749 = arith.subf %sub3A_748, %div3A_746 : vector<16xf32>
      %add3A_750 = arith.constant 12 : i32
      %add3A_751 = vector.broadcast %add3A_750 : i32 to vector<16xi32>
      %add3A_752 = arith.addi %add3A_464, %add3A_751 : vector<16xi32>
      %gather3A_753 = tpu.vector_load_idx %arg16[%add3A_752] : memref<4096xf32, #tpu.memory_space<vmem>>[vector<16xi32>], vector<16xf32>,
      %abs3A_754 = math.absf %gather3A_753 : vector<16xf32>
      %add3A_755 = arith.constant 5.000000e-01 : f32
      %add3A_756 = vector.broadcast %add3A_755 : f32 to vector<16xf32>
      %add3A_757 = arith.addf %abs3A_754, %add3A_756 : vector<16xf32>
      %add3A_758 = arith.constant 12 : i32
      %add3A_759 = vector.broadcast %add3A_758 : i32 to vector<16xi32>
      %add3A_760 = arith.addi %add3A_464, %add3A_759 : vector<16xi32>
      tpu.vector_store_idx %arg38[%add3A_760], %add3A_757 : memref<4096xf32, #tpu.memory_space<vmem>>[vector<16xi32>], vector<16xf32>,
      %mul3A_761 = arith.mulf %add3A_757, %add3A_757 : vector<16xf32>
      %div3A_762 = arith.constant 5.000000e-02 : f32
      %div3A_763 = vector.broadcast %div3A_762 : f32 to vector<16xf32>
      %div3A_764 = arith.divf %div3A_763, %mul3A_761 : vector<16xf32>
      %sub3A_765 = arith.constant 1.000000e+00 : f32
      %sub3A_766 = vector.broadcast %sub3A_765 : f32 to vector<16xf32>
      %sub3A_767 = arith.subf %sub3A_766, %div3A_764 : vector<16xf32>
      %add3A_768 = arith.constant 13 : i32
      %add3A_769 = vector.broadcast %add3A_768 : i32 to vector<16xi32>
      %add3A_770 = arith.addi %add3A_464, %add3A_769 : vector<16xi32>
      %gather3A_771 = tpu.vector_load_idx %arg16[%add3A_770] : memref<4096xf32, #tpu.memory_space<vmem>>[vector<16xi32>], vector<16xf32>,
      %abs3A_772 = math.absf %gather3A_771 : vector<16xf32>
      %add3A_773 = arith.constant 5.000000e-01 : f32
      %add3A_774 = vector.broadcast %add3A_773 : f32 to vector<16xf32>
      %add3A_775 = arith.addf %abs3A_772, %add3A_774 : vector<16xf32>
      %add3A_776 = arith.constant 13 : i32
      %add3A_777 = vector.broadcast %add3A_776 : i32 to vector<16xi32>
      %add3A_778 = arith.addi %add3A_464, %add3A_777 : vector<16xi32>
      tpu.vector_store_idx %arg38[%add3A_778], %add3A_775 : memref<4096xf32, #tpu.memory_space<vmem>>[vector<16xi32>], vector<16xf32>,
      %mul3A_779 = arith.mulf %add3A_775, %add3A_775 : vector<16xf32>
      %div3A_780 = arith.constant 5.000000e-02 : f32
      %div3A_781 = vector.broadcast %div3A_780 : f32 to vector<16xf32>
      %div3A_782 = arith.divf %div3A_781, %mul3A_779 : vector<16xf32>
      %sub3A_783 = arith.constant 1.000000e+00 : f32
      %sub3A_784 = vector.broadcast %sub3A_783 : f32 to vector<16xf32>
      %sub3A_785 = arith.subf %sub3A_784, %div3A_782 : vector<16xf32>
      %add3A_786 = arith.constant 14 : i32
      %add3A_787 = vector.broadcast %add3A_786 : i32 to vector<16xi32>
      %add3A_788 = arith.addi %add3A_464, %add3A_787 : vector<16xi32>
      %gather3A_789 = tpu.vector_load_idx %arg16[%add3A_788] : memref<4096xf32, #tpu.memory_space<vmem>>[vector<16xi32>], vector<16xf32>,
      %abs3A_790 = math.absf %gather3A_789 : vector<16xf32>
      %add3A_791 = arith.constant 5.000000e-01 : f32
      %add3A_792 = vector.broadcast %add3A_791 : f32 to vector<16xf32>
      %add3A_793 = arith.addf %abs3A_790, %add3A_792 : vector<16xf32>
      %add3A_794 = arith.constant 14 : i32
      %add3A_795 = vector.broadcast %add3A_794 : i32 to vector<16xi32>
      %add3A_796 = arith.addi %add3A_464, %add3A_795 : vector<16xi32>
      tpu.vector_store_idx %arg38[%add3A_796], %add3A_793 : memref<4096xf32, #tpu.memory_space<vmem>>[vector<16xi32>], vector<16xf32>,
      %mul3A_797 = arith.mulf %add3A_793, %add3A_793 : vector<16xf32>
      %div3A_798 = arith.constant 5.000000e-02 : f32
      %div3A_799 = vector.broadcast %div3A_798 : f32 to vector<16xf32>
      %div3A_800 = arith.divf %div3A_799, %mul3A_797 : vector<16xf32>
      %sub3A_801 = arith.constant 1.000000e+00 : f32
      %sub3A_802 = vector.broadcast %sub3A_801 : f32 to vector<16xf32>
      %sub3A_803 = arith.subf %sub3A_802, %div3A_800 : vector<16xf32>
      %add3A_804 = arith.constant 15 : i32
      %add3A_805 = vector.broadcast %add3A_804 : i32 to vector<16xi32>
      %add3A_806 = arith.addi %add3A_464, %add3A_805 : vector<16xi32>
      %gather3A_807 = tpu.vector_load_idx %arg16[%add3A_806] : memref<4096xf32, #tpu.memory_space<vmem>>[vector<16xi32>], vector<16xf32>,
      %abs3A_808 = math.absf %gather3A_807 : vector<16xf32>
      %add3A_809 = arith.constant 5.000000e-01 : f32
      %add3A_810 = vector.broadcast %add3A_809 : f32 to vector<16xf32>
      %add3A_811 = arith.addf %abs3A_808, %add3A_810 : vector<16xf32>
      %add3A_812 = arith.constant 15 : i32
      %add3A_813 = vector.broadcast %add3A_812 : i32 to vector<16xi32>
      %add3A_814 = arith.addi %add3A_464, %add3A_813 : vector<16xi32>
      tpu.vector_store_idx %arg38[%add3A_814], %add3A_811 : memref<4096xf32, #tpu.memory_space<vmem>>[vector<16xi32>], vector<16xf32>,
      %mul3A_815 = arith.mulf %add3A_811, %add3A_811 : vector<16xf32>
      %div3A_816 = arith.constant 5.000000e-02 : f32
      %div3A_817 = vector.broadcast %div3A_816 : f32 to vector<16xf32>
      %div3A_818 = arith.divf %div3A_817, %mul3A_815 : vector<16xf32>
      %sub3A_819 = arith.constant 1.000000e+00 : f32
      %sub3A_820 = vector.broadcast %sub3A_819 : f32 to vector<16xf32>
      %sub3A_821 = arith.subf %sub3A_820, %div3A_818 : vector<16xf32>
      %add3A_822 = arith.addf %gather3A, %gather3A_478 : vector<16xf32>
      %add3A_823 = arith.addf %add3A_822, %gather3A_482 : vector<16xf32>
      %add3A_824 = arith.addf %add3A_823, %gather3A_486 : vector<16xf32>
      %add3A_825 = arith.addf %gather3A_490, %gather3A_494 : vector<16xf32>
      %add3A_826 = arith.addf %add3A_825, %gather3A_498 : vector<16xf32>
      %add3A_827 = arith.addf %add3A_826, %gather3A_502 : vector<16xf32>
      %add3A_828 = arith.addf %gather3A_506, %gather3A_510 : vector<16xf32>
      %add3A_829 = arith.addf %add3A_828, %gather3A_514 : vector<16xf32>
      %add3A_830 = arith.addf %add3A_829, %gather3A_518 : vector<16xf32>
      %add3A_831 = arith.addf %gather3A_522, %gather3A_526 : vector<16xf32>
      %add3A_832 = arith.addf %add3A_831, %gather3A_530 : vector<16xf32>
      %add3A_833 = arith.addf %add3A_832, %gather3A_534 : vector<16xf32>
      %add3A_834 = arith.addf %add3A_824, %add3A_827 : vector<16xf32>
      %add3A_835 = arith.addf %add3A_830, %add3A_833 : vector<16xf32>
      %add3A_836 = arith.addf %add3A_834, %add3A_835 : vector<16xf32>
      %sub3A_837 = arith.subf %gather3A_486, %gather3A : vector<16xf32>
      %mul3A_838 = arith.constant 1.500000e+00 : f32
      %mul3A_839 = vector.broadcast %mul3A_838 : f32 to vector<16xf32>
      %mul3A_840 = arith.mulf %mul3A_839, %sub3A_837 : vector<16xf32>
      %sub3A_841 = arith.subf %gather3A_482, %gather3A_478 : vector<16xf32>
      %mul3A_842 = arith.constant 5.000000e-01 : f32
      %mul3A_843 = vector.broadcast %mul3A_842 : f32 to vector<16xf32>
      %mul3A_844 = arith.mulf %mul3A_843, %sub3A_841 : vector<16xf32>
      %add3A_845 = arith.addf %mul3A_840, %mul3A_844 : vector<16xf32>
      %sub3A_846 = arith.subf %gather3A_502, %gather3A_490 : vector<16xf32>
      %mul3A_847 = arith.constant 1.500000e+00 : f32
      %mul3A_848 = vector.broadcast %mul3A_847 : f32 to vector<16xf32>
      %mul3A_849 = arith.mulf %mul3A_848, %sub3A_846 : vector<16xf32>
      %sub3A_850 = arith.subf %gather3A_498, %gather3A_494 : vector<16xf32>
      %mul3A_851 = arith.constant 5.000000e-01 : f32
      %mul3A_852 = vector.broadcast %mul3A_851 : f32 to vector<16xf32>
      %mul3A_853 = arith.mulf %mul3A_852, %sub3A_850 : vector<16xf32>
      %add3A_854 = arith.addf %mul3A_849, %mul3A_853 : vector<16xf32>
      %sub3A_855 = arith.subf %gather3A_518, %gather3A_506 : vector<16xf32>
      %mul3A_856 = arith.constant 1.500000e+00 : f32
      %mul3A_857 = vector.broadcast %mul3A_856 : f32 to vector<16xf32>
      %mul3A_858 = arith.mulf %mul3A_857, %sub3A_855 : vector<16xf32>
      %sub3A_859 = arith.subf %gather3A_514, %gather3A_510 : vector<16xf32>
      %mul3A_860 = arith.constant 5.000000e-01 : f32
      %mul3A_861 = vector.broadcast %mul3A_860 : f32 to vector<16xf32>
      %mul3A_862 = arith.mulf %mul3A_861, %sub3A_859 : vector<16xf32>
      %add3A_863 = arith.addf %mul3A_858, %mul3A_862 : vector<16xf32>
      %sub3A_864 = arith.subf %gather3A_534, %gather3A_522 : vector<16xf32>
      %mul3A_865 = arith.constant 1.500000e+00 : f32
      %mul3A_866 = vector.broadcast %mul3A_865 : f32 to vector<16xf32>
      %mul3A_867 = arith.mulf %mul3A_866, %sub3A_864 : vector<16xf32>
      %sub3A_868 = arith.subf %gather3A_530, %gather3A_526 : vector<16xf32>
      %mul3A_869 = arith.constant 5.000000e-01 : f32
      %mul3A_870 = vector.broadcast %mul3A_869 : f32 to vector<16xf32>
      %mul3A_871 = arith.mulf %mul3A_870, %sub3A_868 : vector<16xf32>
      %add3A_872 = arith.addf %mul3A_867, %mul3A_871 : vector<16xf32>
      %add3A_873 = arith.addf %add3A_845, %add3A_854 : vector<16xf32>
      %add3A_874 = arith.addf %add3A_863, %add3A_872 : vector<16xf32>
      %add3A_875 = arith.addf %add3A_873, %add3A_874 : vector<16xf32>
      %mul3A_876 = arith.constant -6.000000e+00 : f32
      %mul3A_877 = vector.broadcast %mul3A_876 : f32 to vector<16xf32>
      %mul3A_878 = arith.mulf %mul3A_877, %add3A_824 : vector<16xf32>
      %mul3A_879 = arith.constant 2.000000e+00 : f32
      %mul3A_880 = vector.broadcast %mul3A_879 : f32 to vector<16xf32>
      %mul3A_881 = arith.mulf %mul3A_880, %add3A_827 : vector<16xf32>
      %sub3A_882 = arith.subf %mul3A_878, %mul3A_881 : vector<16xf32>
      %mul3A_883 = arith.constant 2.000000e+00 : f32
      %mul3A_884 = vector.broadcast %mul3A_883 : f32 to vector<16xf32>
      %mul3A_885 = arith.mulf %mul3A_884, %add3A_830 : vector<16xf32>
      %add3A_886 = arith.addf %sub3A_882, %mul3A_885 : vector<16xf32>
      %mul3A_887 = arith.constant 6.000000e+00 : f32
      %mul3A_888 = vector.broadcast %mul3A_887 : f32 to vector<16xf32>
      %mul3A_889 = arith.mulf %mul3A_888, %add3A_833 : vector<16xf32>
      %add3A_890 = arith.addf %add3A_886, %mul3A_889 : vector<16xf32>
      %add3A_891 = arith.addf %add3A_875, %add3A_890 : vector<16xf32>
      %mul3A_892 = arith.constant 16 : i32
      %mul3A_893 = arith.muli %scan3A_457, %mul3A_892 : i32
      %get3A_894 = arith.index_cast %mul3A_893 : i32 to index
      %get3A_895 = tpu.vector_load %arg24[%get3A_894] {strides = array<i32>} : memref<256xf32, #tpu.memory_space<vmem>>, vector<16xf32>,
      %abs3A_896 = math.absf %get3A_895 : vector<16xf32>
      %add3A_897 = arith.constant 5.000000e-01 : f32
      %add3A_898 = vector.broadcast %add3A_897 : f32 to vector<16xf32>
      %add3A_899 = arith.addf %abs3A_896, %add3A_898 : vector<16xf32>
      %mul3A_900 = arith.mulf %add3A_899, %add3A_899 : vector<16xf32>
      %div3A_901 = arith.constant 1.000000e+00 : f32
      %div3A_902 = vector.broadcast %div3A_901 : f32 to vector<16xf32>
      %div3A_903 = arith.divf %div3A_902, %mul3A_900 : vector<16xf32>
      %mul3A_904 = arith.constant 16 : i32
      %mul3A_905 = arith.muli %scan3A_457, %mul3A_904 : i32
      %get3A_906 = arith.index_cast %mul3A_905 : i32 to index
      %get3A_907 = tpu.vector_load %arg23[%get3A_906] {strides = array<i32>} : memref<256xf32, #tpu.memory_space<vmem>>, vector<16xf32>,
      %mul3A_908 = arith.mulf %get3A_907, %div3A_903 : vector<16xf32>
      %mul3A_909 = arith.mulf %mul3A_255, %mul3A_229 : vector<16xf32>
      %mul3A_910 = arith.mulf %mul3A_909, %div3A_903 : vector<16xf32>
      %mul3A_911 = arith.mulf %add3A_836, %mul3A_229 : vector<16xf32>
      %add3A_912 = arith.addf %mul3A_911, %mul3A_230 : vector<16xf32>
      %mul3A_913 = arith.mulf %add3A_912, %div3A_903 : vector<16xf32>
      %sub3A_914 = arith.subf %mul3A_913, %mul3A_908 : vector<16xf32>
      %mul3A_915 = arith.mulf %mul3A_255, %sub3A_914 : vector<16xf32>
      %mul3A_916 = arith.constant 16 : i32
      %mul3A_917 = arith.muli %scan3A_457, %mul3A_916 : i32
      %get3A_918 = arith.index_cast %mul3A_917 : i32 to index
      %get3A_919 = tpu.vector_load %arg22[%get3A_918] {strides = array<i32>} : memref<256xf32, #tpu.memory_space<vmem>>, vector<16xf32>,
      %abs3A_920 = math.absf %get3A_919 : vector<16xf32>
      %add3A_921 = arith.constant 5.000000e-01 : f32
      %add3A_922 = vector.broadcast %add3A_921 : f32 to vector<16xf32>
      %add3A_923 = arith.addf %abs3A_920, %add3A_922 : vector<16xf32>
      %mul3A_924 = arith.mulf %add3A_923, %add3A_923 : vector<16xf32>
      %div3A_925 = arith.constant 1.000000e+00 : f32
      %div3A_926 = vector.broadcast %div3A_925 : f32 to vector<16xf32>
      %div3A_927 = arith.divf %div3A_926, %mul3A_924 : vector<16xf32>
      %mul3A_928 = arith.constant 16 : i32
      %mul3A_929 = arith.muli %scan3A_457, %mul3A_928 : i32
      %get3A_930 = arith.index_cast %mul3A_929 : i32 to index
      %get3A_931 = tpu.vector_load %arg21[%get3A_930] {strides = array<i32>} : memref<256xf32, #tpu.memory_space<vmem>>, vector<16xf32>,
      %mul3A_932 = arith.mulf %get3A_931, %div3A_927 : vector<16xf32>
      %mul3A_933 = arith.mulf %mul3A_258, %mul3A_234 : vector<16xf32>
      %mul3A_934 = arith.mulf %mul3A_933, %div3A_927 : vector<16xf32>
      %mul3A_935 = arith.mulf %add3A_891, %mul3A_234 : vector<16xf32>
      %add3A_936 = arith.addf %mul3A_935, %sub3A_238 : vector<16xf32>
      %mul3A_937 = arith.mulf %add3A_936, %div3A_927 : vector<16xf32>
      %sub3A_938 = arith.subf %mul3A_937, %mul3A_932 : vector<16xf32>
      %mul3A_939 = arith.mulf %mul3A_258, %sub3A_938 : vector<16xf32>
      %add3A_940 = arith.constant 0 : i32
      %add3A_941 = vector.broadcast %add3A_940 : i32 to vector<16xi32>
      %add3A_942 = arith.addi %add3A_471, %add3A_941 : vector<16xi32>
      %gather3A_943 = tpu.vector_load_idx %arg20[%add3A_942] : memref<1024xf32, #tpu.memory_space<vmem>>[vector<16xi32>], vector<16xf32>,
      %abs3A_944 = math.absf %gather3A_943 : vector<16xf32>
      %add3A_945 = arith.constant 5.000000e-01 : f32
      %add3A_946 = vector.broadcast %add3A_945 : f32 to vector<16xf32>
      %add3A_947 = arith.addf %abs3A_944, %add3A_946 : vector<16xf32>
      %mul3A_948 = arith.mulf %add3A_947, %add3A_947 : vector<16xf32>
      %div3A_949 = arith.constant 1.000000e+00 : f32
      %div3A_950 = vector.broadcast %div3A_949 : f32 to vector<16xf32>
      %div3A_951 = arith.divf %div3A_950, %mul3A_948 : vector<16xf32>
      %add3A_952 = arith.constant 0 : i32
      %add3A_953 = vector.broadcast %add3A_952 : i32 to vector<16xi32>
      %add3A_954 = arith.addi %add3A_471, %add3A_953 : vector<16xi32>
      %gather3A_955 = tpu.vector_load_idx %arg19[%add3A_954] : memref<1024xf32, #tpu.memory_space<vmem>>[vector<16xi32>], vector<16xf32>,
      %mul3A_956 = arith.mulf %gather3A_955, %div3A_951 : vector<16xf32>
      %mul3A_957 = arith.mulf %mul3A_261, %mul3A_242 : vector<16xf32>
      %mul3A_958 = arith.mulf %mul3A_957, %div3A_951 : vector<16xf32>
      %mul3A_959 = arith.mulf %add3A_824, %mul3A_242 : vector<16xf32>
      %add3A_960 = arith.addf %mul3A_959, %mul3A_244 : vector<16xf32>
      %mul3A_961 = arith.mulf %add3A_960, %div3A_951 : vector<16xf32>
      %sub3A_962 = arith.subf %mul3A_961, %mul3A_956 : vector<16xf32>
      %mul3A_963 = arith.mulf %mul3A_261, %sub3A_962 : vector<16xf32>
      %add3A_964 = arith.constant 0 : i32
      %add3A_965 = vector.broadcast %add3A_964 : i32 to vector<16xi32>
      %add3A_966 = arith.addi %add3A_471, %add3A_965 : vector<16xi32>
      %gather3A_967 = tpu.vector_load_idx %arg18[%add3A_966] : memref<1024xf32, #tpu.memory_space<vmem>>[vector<16xi32>], vector<16xf32>,
      %abs3A_968 = math.absf %gather3A_967 : vector<16xf32>
      %add3A_969 = arith.constant 5.000000e-01 : f32
      %add3A_970 = vector.broadcast %add3A_969 : f32 to vector<16xf32>
      %add3A_971 = arith.addf %abs3A_968, %add3A_970 : vector<16xf32>
      %mul3A_972 = arith.mulf %add3A_971, %add3A_971 : vector<16xf32>
      %div3A_973 = arith.constant 1.000000e+00 : f32
      %div3A_974 = vector.broadcast %div3A_973 : f32 to vector<16xf32>
      %div3A_975 = arith.divf %div3A_974, %mul3A_972 : vector<16xf32>
      %add3A_976 = arith.constant 0 : i32
      %add3A_977 = vector.broadcast %add3A_976 : i32 to vector<16xi32>
      %add3A_978 = arith.addi %add3A_471, %add3A_977 : vector<16xi32>
      %gather3A_979 = tpu.vector_load_idx %arg17[%add3A_978] : memref<1024xf32, #tpu.memory_space<vmem>>[vector<16xi32>], vector<16xf32>,
      %mul3A_980 = arith.mulf %gather3A_979, %div3A_975 : vector<16xf32>
      %mul3A_981 = arith.mulf %mul3A_264, %mul3A_248 : vector<16xf32>
      %mul3A_982 = arith.mulf %mul3A_981, %div3A_975 : vector<16xf32>
      %mul3A_983 = arith.mulf %add3A_845, %mul3A_248 : vector<16xf32>
      %add3A_984 = arith.addf %mul3A_983, %sub3A_252 : vector<16xf32>
      %mul3A_985 = arith.mulf %add3A_984, %div3A_975 : vector<16xf32>
      %sub3A_986 = arith.subf %mul3A_985, %mul3A_980 : vector<16xf32>
      %mul3A_987 = arith.mulf %mul3A_264, %sub3A_986 : vector<16xf32>
      %add3A_988 = arith.addf %mul3A_915, %mul3A_963 : vector<16xf32>
      %mul3A_989 = arith.constant -6.000000e+00 : f32
      %mul3A_990 = vector.broadcast %mul3A_989 : f32 to vector<16xf32>
      %mul3A_991 = arith.mulf %mul3A_990, %mul3A_939 : vector<16xf32>
      %add3A_992 = arith.addf %add3A_988, %mul3A_991 : vector<16xf32>
      %add3A_993 = arith.addf %mul3A_939, %mul3A_987 : vector<16xf32>
      %add3A_994 = arith.constant 1 : i32
      %add3A_995 = vector.broadcast %add3A_994 : i32 to vector<16xi32>
      %add3A_996 = arith.addi %add3A_471, %add3A_995 : vector<16xi32>
      %gather3A_997 = tpu.vector_load_idx %arg20[%add3A_996] : memref<1024xf32, #tpu.memory_space<vmem>>[vector<16xi32>], vector<16xf32>,
      %abs3A_998 = math.absf %gather3A_997 : vector<16xf32>
      %add3A_999 = arith.constant 5.000000e-01 : f32
      %add3A_1000 = vector.broadcast %add3A_999 : f32 to vector<16xf32>
      %add3A_1001 = arith.addf %abs3A_998, %add3A_1000 : vector<16xf32>
      %mul3A_1002 = arith.mulf %add3A_1001, %add3A_1001 : vector<16xf32>
      %div3A_1003 = arith.constant 1.000000e+00 : f32
      %div3A_1004 = vector.broadcast %div3A_1003 : f32 to vector<16xf32>
      %div3A_1005 = arith.divf %div3A_1004, %mul3A_1002 : vector<16xf32>
      %add3A_1006 = arith.constant 1 : i32
      %add3A_1007 = vector.broadcast %add3A_1006 : i32 to vector<16xi32>
      %add3A_1008 = arith.addi %add3A_471, %add3A_1007 : vector<16xi32>
      %gather3A_1009 = tpu.vector_load_idx %arg19[%add3A_1008] : memref<1024xf32, #tpu.memory_space<vmem>>[vector<16xi32>], vector<16xf32>,
      %mul3A_1010 = arith.mulf %gather3A_1009, %div3A_1005 : vector<16xf32>
      %mul3A_1011 = arith.mulf %mul3A_261, %mul3A_242 : vector<16xf32>
      %mul3A_1012 = arith.mulf %mul3A_1011, %div3A_1005 : vector<16xf32>
      %mul3A_1013 = arith.mulf %add3A_827, %mul3A_242 : vector<16xf32>
      %add3A_1014 = arith.addf %mul3A_1013, %mul3A_244 : vector<16xf32>
      %mul3A_1015 = arith.mulf %add3A_1014, %div3A_1005 : vector<16xf32>
      %sub3A_1016 = arith.subf %mul3A_1015, %mul3A_1010 : vector<16xf32>
      %mul3A_1017 = arith.mulf %mul3A_261, %sub3A_1016 : vector<16xf32>
      %add3A_1018 = arith.constant 1 : i32
      %add3A_1019 = vector.broadcast %add3A_1018 : i32 to vector<16xi32>
      %add3A_1020 = arith.addi %add3A_471, %add3A_1019 : vector<16xi32>
      %gather3A_1021 = tpu.vector_load_idx %arg18[%add3A_1020] : memref<1024xf32, #tpu.memory_space<vmem>>[vector<16xi32>], vector<16xf32>,
      %abs3A_1022 = math.absf %gather3A_1021 : vector<16xf32>
      %add3A_1023 = arith.constant 5.000000e-01 : f32
      %add3A_1024 = vector.broadcast %add3A_1023 : f32 to vector<16xf32>
      %add3A_1025 = arith.addf %abs3A_1022, %add3A_1024 : vector<16xf32>
      %mul3A_1026 = arith.mulf %add3A_1025, %add3A_1025 : vector<16xf32>
      %div3A_1027 = arith.constant 1.000000e+00 : f32
      %div3A_1028 = vector.broadcast %div3A_1027 : f32 to vector<16xf32>
      %div3A_1029 = arith.divf %div3A_1028, %mul3A_1026 : vector<16xf32>
      %add3A_1030 = arith.constant 1 : i32
      %add3A_1031 = vector.broadcast %add3A_1030 : i32 to vector<16xi32>
      %add3A_1032 = arith.addi %add3A_471, %add3A_1031 : vector<16xi32>
      %gather3A_1033 = tpu.vector_load_idx %arg17[%add3A_1032] : memref<1024xf32, #tpu.memory_space<vmem>>[vector<16xi32>], vector<16xf32>,
      %mul3A_1034 = arith.mulf %gather3A_1033, %div3A_1029 : vector<16xf32>
      %mul3A_1035 = arith.mulf %mul3A_264, %mul3A_248 : vector<16xf32>
      %mul3A_1036 = arith.mulf %mul3A_1035, %div3A_1029 : vector<16xf32>
      %mul3A_1037 = arith.mulf %add3A_854, %mul3A_248 : vector<16xf32>
      %add3A_1038 = arith.addf %mul3A_1037, %sub3A_252 : vector<16xf32>
      %mul3A_1039 = arith.mulf %add3A_1038, %div3A_1029 : vector<16xf32>
      %sub3A_1040 = arith.subf %mul3A_1039, %mul3A_1034 : vector<16xf32>
      %mul3A_1041 = arith.mulf %mul3A_264, %sub3A_1040 : vector<16xf32>
      %add3A_1042 = arith.addf %mul3A_915, %mul3A_1017 : vector<16xf32>
      %mul3A_1043 = arith.constant -2.000000e+00 : f32
      %mul3A_1044 = vector.broadcast %mul3A_1043 : f32 to vector<16xf32>
      %mul3A_1045 = arith.mulf %mul3A_1044, %mul3A_939 : vector<16xf32>
      %add3A_1046 = arith.addf %add3A_1042, %mul3A_1045 : vector<16xf32>
      %add3A_1047 = arith.addf %mul3A_939, %mul3A_1041 : vector<16xf32>
      %add3A_1048 = arith.constant 2 : i32
      %add3A_1049 = vector.broadcast %add3A_1048 : i32 to vector<16xi32>
      %add3A_1050 = arith.addi %add3A_471, %add3A_1049 : vector<16xi32>
      %gather3A_1051 = tpu.vector_load_idx %arg20[%add3A_1050] : memref<1024xf32, #tpu.memory_space<vmem>>[vector<16xi32>], vector<16xf32>,
      %abs3A_1052 = math.absf %gather3A_1051 : vector<16xf32>
      %add3A_1053 = arith.constant 5.000000e-01 : f32
      %add3A_1054 = vector.broadcast %add3A_1053 : f32 to vector<16xf32>
      %add3A_1055 = arith.addf %abs3A_1052, %add3A_1054 : vector<16xf32>
      %mul3A_1056 = arith.mulf %add3A_1055, %add3A_1055 : vector<16xf32>
      %div3A_1057 = arith.constant 1.000000e+00 : f32
      %div3A_1058 = vector.broadcast %div3A_1057 : f32 to vector<16xf32>
      %div3A_1059 = arith.divf %div3A_1058, %mul3A_1056 : vector<16xf32>
      %add3A_1060 = arith.constant 2 : i32
      %add3A_1061 = vector.broadcast %add3A_1060 : i32 to vector<16xi32>
      %add3A_1062 = arith.addi %add3A_471, %add3A_1061 : vector<16xi32>
      %gather3A_1063 = tpu.vector_load_idx %arg19[%add3A_1062] : memref<1024xf32, #tpu.memory_space<vmem>>[vector<16xi32>], vector<16xf32>,
      %mul3A_1064 = arith.mulf %gather3A_1063, %div3A_1059 : vector<16xf32>
      %mul3A_1065 = arith.mulf %mul3A_261, %mul3A_242 : vector<16xf32>
      %mul3A_1066 = arith.mulf %mul3A_1065, %div3A_1059 : vector<16xf32>
      %mul3A_1067 = arith.mulf %add3A_830, %mul3A_242 : vector<16xf32>
      %add3A_1068 = arith.addf %mul3A_1067, %mul3A_244 : vector<16xf32>
      %mul3A_1069 = arith.mulf %add3A_1068, %div3A_1059 : vector<16xf32>
      %sub3A_1070 = arith.subf %mul3A_1069, %mul3A_1064 : vector<16xf32>
      %mul3A_1071 = arith.mulf %mul3A_261, %sub3A_1070 : vector<16xf32>
      %add3A_1072 = arith.constant 2 : i32
      %add3A_1073 = vector.broadcast %add3A_1072 : i32 to vector<16xi32>
      %add3A_1074 = arith.addi %add3A_471, %add3A_1073 : vector<16xi32>
      %gather3A_1075 = tpu.vector_load_idx %arg18[%add3A_1074] : memref<1024xf32, #tpu.memory_space<vmem>>[vector<16xi32>], vector<16xf32>,
      %abs3A_1076 = math.absf %gather3A_1075 : vector<16xf32>
      %add3A_1077 = arith.constant 5.000000e-01 : f32
      %add3A_1078 = vector.broadcast %add3A_1077 : f32 to vector<16xf32>
      %add3A_1079 = arith.addf %abs3A_1076, %add3A_1078 : vector<16xf32>
      %mul3A_1080 = arith.mulf %add3A_1079, %add3A_1079 : vector<16xf32>
      %div3A_1081 = arith.constant 1.000000e+00 : f32
      %div3A_1082 = vector.broadcast %div3A_1081 : f32 to vector<16xf32>
      %div3A_1083 = arith.divf %div3A_1082, %mul3A_1080 : vector<16xf32>
      %add3A_1084 = arith.constant 2 : i32
      %add3A_1085 = vector.broadcast %add3A_1084 : i32 to vector<16xi32>
      %add3A_1086 = arith.addi %add3A_471, %add3A_1085 : vector<16xi32>
      %gather3A_1087 = tpu.vector_load_idx %arg17[%add3A_1086] : memref<1024xf32, #tpu.memory_space<vmem>>[vector<16xi32>], vector<16xf32>,
      %mul3A_1088 = arith.mulf %gather3A_1087, %div3A_1083 : vector<16xf32>
      %mul3A_1089 = arith.mulf %mul3A_264, %mul3A_248 : vector<16xf32>
      %mul3A_1090 = arith.mulf %mul3A_1089, %div3A_1083 : vector<16xf32>
      %mul3A_1091 = arith.mulf %add3A_863, %mul3A_248 : vector<16xf32>
      %add3A_1092 = arith.addf %mul3A_1091, %sub3A_252 : vector<16xf32>
      %mul3A_1093 = arith.mulf %add3A_1092, %div3A_1083 : vector<16xf32>
      %sub3A_1094 = arith.subf %mul3A_1093, %mul3A_1088 : vector<16xf32>
      %mul3A_1095 = arith.mulf %mul3A_264, %sub3A_1094 : vector<16xf32>
      %add3A_1096 = arith.addf %mul3A_915, %mul3A_1071 : vector<16xf32>
      %mul3A_1097 = arith.constant 2.000000e+00 : f32
      %mul3A_1098 = vector.broadcast %mul3A_1097 : f32 to vector<16xf32>
      %mul3A_1099 = arith.mulf %mul3A_1098, %mul3A_939 : vector<16xf32>
      %add3A_1100 = arith.addf %add3A_1096, %mul3A_1099 : vector<16xf32>
      %add3A_1101 = arith.addf %mul3A_939, %mul3A_1095 : vector<16xf32>
      %add3A_1102 = arith.constant 3 : i32
      %add3A_1103 = vector.broadcast %add3A_1102 : i32 to vector<16xi32>
      %add3A_1104 = arith.addi %add3A_471, %add3A_1103 : vector<16xi32>
      %gather3A_1105 = tpu.vector_load_idx %arg20[%add3A_1104] : memref<1024xf32, #tpu.memory_space<vmem>>[vector<16xi32>], vector<16xf32>,
      %abs3A_1106 = math.absf %gather3A_1105 : vector<16xf32>
      %add3A_1107 = arith.constant 5.000000e-01 : f32
      %add3A_1108 = vector.broadcast %add3A_1107 : f32 to vector<16xf32>
      %add3A_1109 = arith.addf %abs3A_1106, %add3A_1108 : vector<16xf32>
      %mul3A_1110 = arith.mulf %add3A_1109, %add3A_1109 : vector<16xf32>
      %div3A_1111 = arith.constant 1.000000e+00 : f32
      %div3A_1112 = vector.broadcast %div3A_1111 : f32 to vector<16xf32>
      %div3A_1113 = arith.divf %div3A_1112, %mul3A_1110 : vector<16xf32>
      %add3A_1114 = arith.constant 3 : i32
      %add3A_1115 = vector.broadcast %add3A_1114 : i32 to vector<16xi32>
      %add3A_1116 = arith.addi %add3A_471, %add3A_1115 : vector<16xi32>
      %gather3A_1117 = tpu.vector_load_idx %arg19[%add3A_1116] : memref<1024xf32, #tpu.memory_space<vmem>>[vector<16xi32>], vector<16xf32>,
      %mul3A_1118 = arith.mulf %gather3A_1117, %div3A_1113 : vector<16xf32>
      %mul3A_1119 = arith.mulf %mul3A_261, %mul3A_242 : vector<16xf32>
      %mul3A_1120 = arith.mulf %mul3A_1119, %div3A_1113 : vector<16xf32>
      %mul3A_1121 = arith.mulf %add3A_833, %mul3A_242 : vector<16xf32>
      %add3A_1122 = arith.addf %mul3A_1121, %mul3A_244 : vector<16xf32>
      %mul3A_1123 = arith.mulf %add3A_1122, %div3A_1113 : vector<16xf32>
      %sub3A_1124 = arith.subf %mul3A_1123, %mul3A_1118 : vector<16xf32>
      %mul3A_1125 = arith.mulf %mul3A_261, %sub3A_1124 : vector<16xf32>
      %add3A_1126 = arith.constant 3 : i32
      %add3A_1127 = vector.broadcast %add3A_1126 : i32 to vector<16xi32>
      %add3A_1128 = arith.addi %add3A_471, %add3A_1127 : vector<16xi32>
      %gather3A_1129 = tpu.vector_load_idx %arg18[%add3A_1128] : memref<1024xf32, #tpu.memory_space<vmem>>[vector<16xi32>], vector<16xf32>,
      %abs3A_1130 = math.absf %gather3A_1129 : vector<16xf32>
      %add3A_1131 = arith.constant 5.000000e-01 : f32
      %add3A_1132 = vector.broadcast %add3A_1131 : f32 to vector<16xf32>
      %add3A_1133 = arith.addf %abs3A_1130, %add3A_1132 : vector<16xf32>
      %mul3A_1134 = arith.mulf %add3A_1133, %add3A_1133 : vector<16xf32>
      %div3A_1135 = arith.constant 1.000000e+00 : f32
      %div3A_1136 = vector.broadcast %div3A_1135 : f32 to vector<16xf32>
      %div3A_1137 = arith.divf %div3A_1136, %mul3A_1134 : vector<16xf32>
      %add3A_1138 = arith.constant 3 : i32
      %add3A_1139 = vector.broadcast %add3A_1138 : i32 to vector<16xi32>
      %add3A_1140 = arith.addi %add3A_471, %add3A_1139 : vector<16xi32>
      %gather3A_1141 = tpu.vector_load_idx %arg17[%add3A_1140] : memref<1024xf32, #tpu.memory_space<vmem>>[vector<16xi32>], vector<16xf32>,
      %mul3A_1142 = arith.mulf %gather3A_1141, %div3A_1137 : vector<16xf32>
      %mul3A_1143 = arith.mulf %mul3A_264, %mul3A_248 : vector<16xf32>
      %mul3A_1144 = arith.mulf %mul3A_1143, %div3A_1137 : vector<16xf32>
      %mul3A_1145 = arith.mulf %add3A_872, %mul3A_248 : vector<16xf32>
      %add3A_1146 = arith.addf %mul3A_1145, %sub3A_252 : vector<16xf32>
      %mul3A_1147 = arith.mulf %add3A_1146, %div3A_1137 : vector<16xf32>
      %sub3A_1148 = arith.subf %mul3A_1147, %mul3A_1142 : vector<16xf32>
      %mul3A_1149 = arith.mulf %mul3A_264, %sub3A_1148 : vector<16xf32>
      %add3A_1150 = arith.addf %mul3A_915, %mul3A_1125 : vector<16xf32>
      %mul3A_1151 = arith.constant 6.000000e+00 : f32
      %mul3A_1152 = vector.broadcast %mul3A_1151 : f32 to vector<16xf32>
      %mul3A_1153 = arith.mulf %mul3A_1152, %mul3A_939 : vector<16xf32>
      %add3A_1154 = arith.addf %add3A_1150, %mul3A_1153 : vector<16xf32>
      %add3A_1155 = arith.addf %mul3A_939, %mul3A_1149 : vector<16xf32>
      %broadcast_in_dim3A = arith.constant 0.000000e+00 : f32
      %broadcast_in_dim3A_1156 = vector.broadcast %broadcast_in_dim3A : f32 to vector<16xf32>
      %scan3A_1157 = arith.constant 0 : i32
      %scan3A_1158 = arith.constant 10 : i32
      %scan3A_1159 = arith.addi %scan3A_1157, %scan3A_1158 : i32
      %scan3A_1160 = arith.constant 1 : i32
      %scan3A_1161:16 = scf.for %scan3A_1227 = %scan3A_1157 to %scan3A_1159 step %scan3A_1160 iter_args(%scan3A_1228 = %broadcast_in_dim3A_1156, %scan3A_1229 = %broadcast_in_dim3A_1156, %scan3A_1230 = %broadcast_in_dim3A_1156, %scan3A_1231 = %broadcast_in_dim3A_1156, %scan3A_1232 = %broadcast_in_dim3A_1156, %scan3A_1233 = %broadcast_in_dim3A_1156, %scan3A_1234 = %broadcast_in_dim3A_1156, %scan3A_1235 = %broadcast_in_dim3A_1156, %scan3A_1236 = %broadcast_in_dim3A_1156, %scan3A_1237 = %broadcast_in_dim3A_1156, %scan3A_1238 = %broadcast_in_dim3A_1156, %scan3A_1239 = %broadcast_in_dim3A_1156, %scan3A_1240 = %broadcast_in_dim3A_1156, %scan3A_1241 = %broadcast_in_dim3A_1156, %scan3A_1242 = %broadcast_in_dim3A_1156, %scan3A_1243 = %broadcast_in_dim3A_1156) -> (vector<16xf32>, vector<16xf32>, vector<16xf32>, vector<16xf32>, vector<16xf32>, vector<16xf32>, vector<16xf32>, vector<16xf32>, vector<16xf32>, vector<16xf32>, vector<16xf32>, vector<16xf32>, vector<16xf32>, vector<16xf32>, vector<16xf32>, vector<16xf32>)  : i32 {
        %add3A_1244 = arith.addf %scan3A_1228, %scan3A_1229 : vector<16xf32>
        %add3A_1245 = arith.addf %add3A_1244, %scan3A_1230 : vector<16xf32>
        %add3A_1246 = arith.addf %add3A_1245, %scan3A_1231 : vector<16xf32>
        %add3A_1247 = arith.addf %scan3A_1232, %scan3A_1233 : vector<16xf32>
        %add3A_1248 = arith.addf %add3A_1247, %scan3A_1234 : vector<16xf32>
        %add3A_1249 = arith.addf %add3A_1248, %scan3A_1235 : vector<16xf32>
        %add3A_1250 = arith.addf %scan3A_1236, %scan3A_1237 : vector<16xf32>
        %add3A_1251 = arith.addf %add3A_1250, %scan3A_1238 : vector<16xf32>
        %add3A_1252 = arith.addf %add3A_1251, %scan3A_1239 : vector<16xf32>
        %add3A_1253 = arith.addf %scan3A_1240, %scan3A_1241 : vector<16xf32>
        %add3A_1254 = arith.addf %add3A_1253, %scan3A_1242 : vector<16xf32>
        %add3A_1255 = arith.addf %add3A_1254, %scan3A_1243 : vector<16xf32>
        %add3A_1256 = arith.addf %add3A_1246, %add3A_1249 : vector<16xf32>
        %add3A_1257 = arith.addf %add3A_1252, %add3A_1255 : vector<16xf32>
        %add3A_1258 = arith.addf %add3A_1256, %add3A_1257 : vector<16xf32>
        %sub3A_1259 = arith.subf %scan3A_1231, %scan3A_1228 : vector<16xf32>
        %mul3A_1260 = arith.constant 1.500000e+00 : f32
        %mul3A_1261 = vector.broadcast %mul3A_1260 : f32 to vector<16xf32>
        %mul3A_1262 = arith.mulf %mul3A_1261, %sub3A_1259 : vector<16xf32>
        %sub3A_1263 = arith.subf %scan3A_1230, %scan3A_1229 : vector<16xf32>
        %mul3A_1264 = arith.constant 5.000000e-01 : f32
        %mul3A_1265 = vector.broadcast %mul3A_1264 : f32 to vector<16xf32>
        %mul3A_1266 = arith.mulf %mul3A_1265, %sub3A_1263 : vector<16xf32>
        %add3A_1267 = arith.addf %mul3A_1262, %mul3A_1266 : vector<16xf32>
        %sub3A_1268 = arith.subf %scan3A_1235, %scan3A_1232 : vector<16xf32>
        %mul3A_1269 = arith.constant 1.500000e+00 : f32
        %mul3A_1270 = vector.broadcast %mul3A_1269 : f32 to vector<16xf32>
        %mul3A_1271 = arith.mulf %mul3A_1270, %sub3A_1268 : vector<16xf32>
        %sub3A_1272 = arith.subf %scan3A_1234, %scan3A_1233 : vector<16xf32>
        %mul3A_1273 = arith.constant 5.000000e-01 : f32
        %mul3A_1274 = vector.broadcast %mul3A_1273 : f32 to vector<16xf32>
        %mul3A_1275 = arith.mulf %mul3A_1274, %sub3A_1272 : vector<16xf32>
        %add3A_1276 = arith.addf %mul3A_1271, %mul3A_1275 : vector<16xf32>
        %sub3A_1277 = arith.subf %scan3A_1239, %scan3A_1236 : vector<16xf32>
        %mul3A_1278 = arith.constant 1.500000e+00 : f32
        %mul3A_1279 = vector.broadcast %mul3A_1278 : f32 to vector<16xf32>
        %mul3A_1280 = arith.mulf %mul3A_1279, %sub3A_1277 : vector<16xf32>
        %sub3A_1281 = arith.subf %scan3A_1238, %scan3A_1237 : vector<16xf32>
        %mul3A_1282 = arith.constant 5.000000e-01 : f32
        %mul3A_1283 = vector.broadcast %mul3A_1282 : f32 to vector<16xf32>
        %mul3A_1284 = arith.mulf %mul3A_1283, %sub3A_1281 : vector<16xf32>
        %add3A_1285 = arith.addf %mul3A_1280, %mul3A_1284 : vector<16xf32>
        %sub3A_1286 = arith.subf %scan3A_1243, %scan3A_1240 : vector<16xf32>
        %mul3A_1287 = arith.constant 1.500000e+00 : f32
        %mul3A_1288 = vector.broadcast %mul3A_1287 : f32 to vector<16xf32>
        %mul3A_1289 = arith.mulf %mul3A_1288, %sub3A_1286 : vector<16xf32>
        %sub3A_1290 = arith.subf %scan3A_1242, %scan3A_1241 : vector<16xf32>
        %mul3A_1291 = arith.constant 5.000000e-01 : f32
        %mul3A_1292 = vector.broadcast %mul3A_1291 : f32 to vector<16xf32>
        %mul3A_1293 = arith.mulf %mul3A_1292, %sub3A_1290 : vector<16xf32>
        %add3A_1294 = arith.addf %mul3A_1289, %mul3A_1293 : vector<16xf32>
        %add3A_1295 = arith.addf %add3A_1267, %add3A_1276 : vector<16xf32>
        %add3A_1296 = arith.addf %add3A_1285, %add3A_1294 : vector<16xf32>
        %add3A_1297 = arith.addf %add3A_1295, %add3A_1296 : vector<16xf32>
        %mul3A_1298 = arith.constant -6.000000e+00 : f32
        %mul3A_1299 = vector.broadcast %mul3A_1298 : f32 to vector<16xf32>
        %mul3A_1300 = arith.mulf %mul3A_1299, %add3A_1246 : vector<16xf32>
        %mul3A_1301 = arith.constant 2.000000e+00 : f32
        %mul3A_1302 = vector.broadcast %mul3A_1301 : f32 to vector<16xf32>
        %mul3A_1303 = arith.mulf %mul3A_1302, %add3A_1249 : vector<16xf32>
        %sub3A_1304 = arith.subf %mul3A_1300, %mul3A_1303 : vector<16xf32>
        %mul3A_1305 = arith.constant 2.000000e+00 : f32
        %mul3A_1306 = vector.broadcast %mul3A_1305 : f32 to vector<16xf32>
        %mul3A_1307 = arith.mulf %mul3A_1306, %add3A_1252 : vector<16xf32>
        %add3A_1308 = arith.addf %sub3A_1304, %mul3A_1307 : vector<16xf32>
        %mul3A_1309 = arith.constant 6.000000e+00 : f32
        %mul3A_1310 = vector.broadcast %mul3A_1309 : f32 to vector<16xf32>
        %mul3A_1311 = arith.mulf %mul3A_1310, %add3A_1255 : vector<16xf32>
        %add3A_1312 = arith.addf %add3A_1308, %mul3A_1311 : vector<16xf32>
        %add3A_1313 = arith.addf %add3A_1297, %add3A_1312 : vector<16xf32>
        %mul3A_1314 = arith.mulf %add3A_1258, %mul3A_910 : vector<16xf32>
        %mul3A_1315 = arith.mulf %add3A_1313, %mul3A_934 : vector<16xf32>
        %mul3A_1316 = arith.mulf %add3A_1246, %mul3A_958 : vector<16xf32>
        %add3A_1317 = arith.addf %mul3A_1316, %add3A_992 : vector<16xf32>
        %add3A_1318 = arith.addf %add3A_1317, %mul3A_1314 : vector<16xf32>
        %mul3A_1319 = arith.constant -6.000000e+00 : f32
        %mul3A_1320 = vector.broadcast %mul3A_1319 : f32 to vector<16xf32>
        %mul3A_1321 = arith.mulf %mul3A_1320, %mul3A_1315 : vector<16xf32>
        %add3A_1322 = arith.addf %add3A_1318, %mul3A_1321 : vector<16xf32>
        %mul3A_1323 = arith.mulf %add3A_1267, %mul3A_982 : vector<16xf32>
        %add3A_1324 = arith.addf %mul3A_1323, %add3A_993 : vector<16xf32>
        %add3A_1325 = arith.addf %add3A_1324, %mul3A_1315 : vector<16xf32>
        %mul3A_1326 = arith.constant -1.500000e+00 : f32
        %mul3A_1327 = vector.broadcast %mul3A_1326 : f32 to vector<16xf32>
        %mul3A_1328 = arith.mulf %mul3A_1327, %add3A_1325 : vector<16xf32>
        %add3A_1329 = arith.addf %add3A_1322, %mul3A_1328 : vector<16xf32>
        %mul3A_1330 = arith.mulf %scan3A_1228, %sub3A_551 : vector<16xf32>
        %add3A_1331 = arith.addf %mul3A_1330, %add3A_1329 : vector<16xf32>
        %mul3A_1332 = arith.constant -5.000000e-01 : f32
        %mul3A_1333 = vector.broadcast %mul3A_1332 : f32 to vector<16xf32>
        %mul3A_1334 = arith.mulf %mul3A_1333, %add3A_1325 : vector<16xf32>
        %add3A_1335 = arith.addf %add3A_1322, %mul3A_1334 : vector<16xf32>
        %mul3A_1336 = arith.mulf %scan3A_1229, %sub3A_569 : vector<16xf32>
        %add3A_1337 = arith.addf %mul3A_1336, %add3A_1335 : vector<16xf32>
        %mul3A_1338 = arith.constant 5.000000e-01 : f32
        %mul3A_1339 = vector.broadcast %mul3A_1338 : f32 to vector<16xf32>
        %mul3A_1340 = arith.mulf %mul3A_1339, %add3A_1325 : vector<16xf32>
        %add3A_1341 = arith.addf %add3A_1322, %mul3A_1340 : vector<16xf32>
        %mul3A_1342 = arith.mulf %scan3A_1230, %sub3A_587 : vector<16xf32>
        %add3A_1343 = arith.addf %mul3A_1342, %add3A_1341 : vector<16xf32>
        %mul3A_1344 = arith.constant 1.500000e+00 : f32
        %mul3A_1345 = vector.broadcast %mul3A_1344 : f32 to vector<16xf32>
        %mul3A_1346 = arith.mulf %mul3A_1345, %add3A_1325 : vector<16xf32>
        %add3A_1347 = arith.addf %add3A_1322, %mul3A_1346 : vector<16xf32>
        %mul3A_1348 = arith.mulf %scan3A_1231, %sub3A_605 : vector<16xf32>
        %add3A_1349 = arith.addf %mul3A_1348, %add3A_1347 : vector<16xf32>
        %mul3A_1350 = arith.mulf %add3A_1249, %mul3A_1012 : vector<16xf32>
        %add3A_1351 = arith.addf %mul3A_1350, %add3A_1046 : vector<16xf32>
        %add3A_1352 = arith.addf %add3A_1351, %mul3A_1314 : vector<16xf32>
        %mul3A_1353 = arith.constant -2.000000e+00 : f32
        %mul3A_1354 = vector.broadcast %mul3A_1353 : f32 to vector<16xf32>
        %mul3A_1355 = arith.mulf %mul3A_1354, %mul3A_1315 : vector<16xf32>
        %add3A_1356 = arith.addf %add3A_1352, %mul3A_1355 : vector<16xf32>
        %mul3A_1357 = arith.mulf %add3A_1276, %mul3A_1036 : vector<16xf32>
        %add3A_1358 = arith.addf %mul3A_1357, %add3A_1047 : vector<16xf32>
        %add3A_1359 = arith.addf %add3A_1358, %mul3A_1315 : vector<16xf32>
        %mul3A_1360 = arith.constant -1.500000e+00 : f32
        %mul3A_1361 = vector.broadcast %mul3A_1360 : f32 to vector<16xf32>
        %mul3A_1362 = arith.mulf %mul3A_1361, %add3A_1359 : vector<16xf32>
        %add3A_1363 = arith.addf %add3A_1356, %mul3A_1362 : vector<16xf32>
        %mul3A_1364 = arith.mulf %scan3A_1232, %sub3A_623 : vector<16xf32>
        %add3A_1365 = arith.addf %mul3A_1364, %add3A_1363 : vector<16xf32>
        %mul3A_1366 = arith.constant -5.000000e-01 : f32
        %mul3A_1367 = vector.broadcast %mul3A_1366 : f32 to vector<16xf32>
        %mul3A_1368 = arith.mulf %mul3A_1367, %add3A_1359 : vector<16xf32>
        %add3A_1369 = arith.addf %add3A_1356, %mul3A_1368 : vector<16xf32>
        %mul3A_1370 = arith.mulf %scan3A_1233, %sub3A_641 : vector<16xf32>
        %add3A_1371 = arith.addf %mul3A_1370, %add3A_1369 : vector<16xf32>
        %mul3A_1372 = arith.constant 5.000000e-01 : f32
        %mul3A_1373 = vector.broadcast %mul3A_1372 : f32 to vector<16xf32>
        %mul3A_1374 = arith.mulf %mul3A_1373, %add3A_1359 : vector<16xf32>
        %add3A_1375 = arith.addf %add3A_1356, %mul3A_1374 : vector<16xf32>
        %mul3A_1376 = arith.mulf %scan3A_1234, %sub3A_659 : vector<16xf32>
        %add3A_1377 = arith.addf %mul3A_1376, %add3A_1375 : vector<16xf32>
        %mul3A_1378 = arith.constant 1.500000e+00 : f32
        %mul3A_1379 = vector.broadcast %mul3A_1378 : f32 to vector<16xf32>
        %mul3A_1380 = arith.mulf %mul3A_1379, %add3A_1359 : vector<16xf32>
        %add3A_1381 = arith.addf %add3A_1356, %mul3A_1380 : vector<16xf32>
        %mul3A_1382 = arith.mulf %scan3A_1235, %sub3A_677 : vector<16xf32>
        %add3A_1383 = arith.addf %mul3A_1382, %add3A_1381 : vector<16xf32>
        %mul3A_1384 = arith.mulf %add3A_1252, %mul3A_1066 : vector<16xf32>
        %add3A_1385 = arith.addf %mul3A_1384, %add3A_1100 : vector<16xf32>
        %add3A_1386 = arith.addf %add3A_1385, %mul3A_1314 : vector<16xf32>
        %mul3A_1387 = arith.constant 2.000000e+00 : f32
        %mul3A_1388 = vector.broadcast %mul3A_1387 : f32 to vector<16xf32>
        %mul3A_1389 = arith.mulf %mul3A_1388, %mul3A_1315 : vector<16xf32>
        %add3A_1390 = arith.addf %add3A_1386, %mul3A_1389 : vector<16xf32>
        %mul3A_1391 = arith.mulf %add3A_1285, %mul3A_1090 : vector<16xf32>
        %add3A_1392 = arith.addf %mul3A_1391, %add3A_1101 : vector<16xf32>
        %add3A_1393 = arith.addf %add3A_1392, %mul3A_1315 : vector<16xf32>
        %mul3A_1394 = arith.constant -1.500000e+00 : f32
        %mul3A_1395 = vector.broadcast %mul3A_1394 : f32 to vector<16xf32>
        %mul3A_1396 = arith.mulf %mul3A_1395, %add3A_1393 : vector<16xf32>
        %add3A_1397 = arith.addf %add3A_1390, %mul3A_1396 : vector<16xf32>
        %mul3A_1398 = arith.mulf %scan3A_1236, %sub3A_695 : vector<16xf32>
        %add3A_1399 = arith.addf %mul3A_1398, %add3A_1397 : vector<16xf32>
        %mul3A_1400 = arith.constant -5.000000e-01 : f32
        %mul3A_1401 = vector.broadcast %mul3A_1400 : f32 to vector<16xf32>
        %mul3A_1402 = arith.mulf %mul3A_1401, %add3A_1393 : vector<16xf32>
        %add3A_1403 = arith.addf %add3A_1390, %mul3A_1402 : vector<16xf32>
        %mul3A_1404 = arith.mulf %scan3A_1237, %sub3A_713 : vector<16xf32>
        %add3A_1405 = arith.addf %mul3A_1404, %add3A_1403 : vector<16xf32>
        %mul3A_1406 = arith.constant 5.000000e-01 : f32
        %mul3A_1407 = vector.broadcast %mul3A_1406 : f32 to vector<16xf32>
        %mul3A_1408 = arith.mulf %mul3A_1407, %add3A_1393 : vector<16xf32>
        %add3A_1409 = arith.addf %add3A_1390, %mul3A_1408 : vector<16xf32>
        %mul3A_1410 = arith.mulf %scan3A_1238, %sub3A_731 : vector<16xf32>
        %add3A_1411 = arith.addf %mul3A_1410, %add3A_1409 : vector<16xf32>
        %mul3A_1412 = arith.constant 1.500000e+00 : f32
        %mul3A_1413 = vector.broadcast %mul3A_1412 : f32 to vector<16xf32>
        %mul3A_1414 = arith.mulf %mul3A_1413, %add3A_1393 : vector<16xf32>
        %add3A_1415 = arith.addf %add3A_1390, %mul3A_1414 : vector<16xf32>
        %mul3A_1416 = arith.mulf %scan3A_1239, %sub3A_749 : vector<16xf32>
        %add3A_1417 = arith.addf %mul3A_1416, %add3A_1415 : vector<16xf32>
        %mul3A_1418 = arith.mulf %add3A_1255, %mul3A_1120 : vector<16xf32>
        %add3A_1419 = arith.addf %mul3A_1418, %add3A_1154 : vector<16xf32>
        %add3A_1420 = arith.addf %add3A_1419, %mul3A_1314 : vector<16xf32>
        %mul3A_1421 = arith.constant 6.000000e+00 : f32
        %mul3A_1422 = vector.broadcast %mul3A_1421 : f32 to vector<16xf32>
        %mul3A_1423 = arith.mulf %mul3A_1422, %mul3A_1315 : vector<16xf32>
        %add3A_1424 = arith.addf %add3A_1420, %mul3A_1423 : vector<16xf32>
        %mul3A_1425 = arith.mulf %add3A_1294, %mul3A_1144 : vector<16xf32>
        %add3A_1426 = arith.addf %mul3A_1425, %add3A_1155 : vector<16xf32>
        %add3A_1427 = arith.addf %add3A_1426, %mul3A_1315 : vector<16xf32>
        %mul3A_1428 = arith.constant -1.500000e+00 : f32
        %mul3A_1429 = vector.broadcast %mul3A_1428 : f32 to vector<16xf32>
        %mul3A_1430 = arith.mulf %mul3A_1429, %add3A_1427 : vector<16xf32>
        %add3A_1431 = arith.addf %add3A_1424, %mul3A_1430 : vector<16xf32>
        %mul3A_1432 = arith.mulf %scan3A_1240, %sub3A_767 : vector<16xf32>
        %add3A_1433 = arith.addf %mul3A_1432, %add3A_1431 : vector<16xf32>
        %mul3A_1434 = arith.constant -5.000000e-01 : f32
        %mul3A_1435 = vector.broadcast %mul3A_1434 : f32 to vector<16xf32>
        %mul3A_1436 = arith.mulf %mul3A_1435, %add3A_1427 : vector<16xf32>
        %add3A_1437 = arith.addf %add3A_1424, %mul3A_1436 : vector<16xf32>
        %mul3A_1438 = arith.mulf %scan3A_1241, %sub3A_785 : vector<16xf32>
        %add3A_1439 = arith.addf %mul3A_1438, %add3A_1437 : vector<16xf32>
        %mul3A_1440 = arith.constant 5.000000e-01 : f32
        %mul3A_1441 = vector.broadcast %mul3A_1440 : f32 to vector<16xf32>
        %mul3A_1442 = arith.mulf %mul3A_1441, %add3A_1427 : vector<16xf32>
        %add3A_1443 = arith.addf %add3A_1424, %mul3A_1442 : vector<16xf32>
        %mul3A_1444 = arith.mulf %scan3A_1242, %sub3A_803 : vector<16xf32>
        %add3A_1445 = arith.addf %mul3A_1444, %add3A_1443 : vector<16xf32>
        %mul3A_1446 = arith.constant 1.500000e+00 : f32
        %mul3A_1447 = vector.broadcast %mul3A_1446 : f32 to vector<16xf32>
        %mul3A_1448 = arith.mulf %mul3A_1447, %add3A_1427 : vector<16xf32>
        %add3A_1449 = arith.addf %add3A_1424, %mul3A_1448 : vector<16xf32>
        %mul3A_1450 = arith.mulf %scan3A_1243, %sub3A_821 : vector<16xf32>
        %add3A_1451 = arith.addf %mul3A_1450, %add3A_1449 : vector<16xf32>
        %add3A_1452 = arith.addf %add3A_1331, %add3A_1337 : vector<16xf32>
        %add3A_1453 = arith.addf %add3A_1452, %add3A_1343 : vector<16xf32>
        %add3A_1454 = arith.addf %add3A_1453, %add3A_1349 : vector<16xf32>
        %add3A_1455 = arith.addf %add3A_1365, %add3A_1371 : vector<16xf32>
        %add3A_1456 = arith.addf %add3A_1455, %add3A_1377 : vector<16xf32>
        %add3A_1457 = arith.addf %add3A_1456, %add3A_1383 : vector<16xf32>
        %add3A_1458 = arith.addf %add3A_1399, %add3A_1405 : vector<16xf32>
        %add3A_1459 = arith.addf %add3A_1458, %add3A_1411 : vector<16xf32>
        %add3A_1460 = arith.addf %add3A_1459, %add3A_1417 : vector<16xf32>
        %add3A_1461 = arith.addf %add3A_1433, %add3A_1439 : vector<16xf32>
        %add3A_1462 = arith.addf %add3A_1461, %add3A_1445 : vector<16xf32>
        %add3A_1463 = arith.addf %add3A_1462, %add3A_1451 : vector<16xf32>
        %add3A_1464 = arith.addf %add3A_1454, %add3A_1457 : vector<16xf32>
        %add3A_1465 = arith.addf %add3A_1460, %add3A_1463 : vector<16xf32>
        %add3A_1466 = arith.addf %add3A_1464, %add3A_1465 : vector<16xf32>
        %sub3A_1467 = arith.subf %add3A_1349, %add3A_1331 : vector<16xf32>
        %mul3A_1468 = arith.constant 1.500000e+00 : f32
        %mul3A_1469 = vector.broadcast %mul3A_1468 : f32 to vector<16xf32>
        %mul3A_1470 = arith.mulf %mul3A_1469, %sub3A_1467 : vector<16xf32>
        %sub3A_1471 = arith.subf %add3A_1343, %add3A_1337 : vector<16xf32>
        %mul3A_1472 = arith.constant 5.000000e-01 : f32
        %mul3A_1473 = vector.broadcast %mul3A_1472 : f32 to vector<16xf32>
        %mul3A_1474 = arith.mulf %mul3A_1473, %sub3A_1471 : vector<16xf32>
        %add3A_1475 = arith.addf %mul3A_1470, %mul3A_1474 : vector<16xf32>
        %sub3A_1476 = arith.subf %add3A_1383, %add3A_1365 : vector<16xf32>
        %mul3A_1477 = arith.constant 1.500000e+00 : f32
        %mul3A_1478 = vector.broadcast %mul3A_1477 : f32 to vector<16xf32>
        %mul3A_1479 = arith.mulf %mul3A_1478, %sub3A_1476 : vector<16xf32>
        %sub3A_1480 = arith.subf %add3A_1377, %add3A_1371 : vector<16xf32>
        %mul3A_1481 = arith.constant 5.000000e-01 : f32
        %mul3A_1482 = vector.broadcast %mul3A_1481 : f32 to vector<16xf32>
        %mul3A_1483 = arith.mulf %mul3A_1482, %sub3A_1480 : vector<16xf32>
        %add3A_1484 = arith.addf %mul3A_1479, %mul3A_1483 : vector<16xf32>
        %sub3A_1485 = arith.subf %add3A_1417, %add3A_1399 : vector<16xf32>
        %mul3A_1486 = arith.constant 1.500000e+00 : f32
        %mul3A_1487 = vector.broadcast %mul3A_1486 : f32 to vector<16xf32>
        %mul3A_1488 = arith.mulf %mul3A_1487, %sub3A_1485 : vector<16xf32>
        %sub3A_1489 = arith.subf %add3A_1411, %add3A_1405 : vector<16xf32>
        %mul3A_1490 = arith.constant 5.000000e-01 : f32
        %mul3A_1491 = vector.broadcast %mul3A_1490 : f32 to vector<16xf32>
        %mul3A_1492 = arith.mulf %mul3A_1491, %sub3A_1489 : vector<16xf32>
        %add3A_1493 = arith.addf %mul3A_1488, %mul3A_1492 : vector<16xf32>
        %sub3A_1494 = arith.subf %add3A_1451, %add3A_1433 : vector<16xf32>
        %mul3A_1495 = arith.constant 1.500000e+00 : f32
        %mul3A_1496 = vector.broadcast %mul3A_1495 : f32 to vector<16xf32>
        %mul3A_1497 = arith.mulf %mul3A_1496, %sub3A_1494 : vector<16xf32>
        %sub3A_1498 = arith.subf %add3A_1445, %add3A_1439 : vector<16xf32>
        %mul3A_1499 = arith.constant 5.000000e-01 : f32
        %mul3A_1500 = vector.broadcast %mul3A_1499 : f32 to vector<16xf32>
        %mul3A_1501 = arith.mulf %mul3A_1500, %sub3A_1498 : vector<16xf32>
        %add3A_1502 = arith.addf %mul3A_1497, %mul3A_1501 : vector<16xf32>
        %add3A_1503 = arith.addf %add3A_1475, %add3A_1484 : vector<16xf32>
        %add3A_1504 = arith.addf %add3A_1493, %add3A_1502 : vector<16xf32>
        %add3A_1505 = arith.addf %add3A_1503, %add3A_1504 : vector<16xf32>
        %mul3A_1506 = arith.constant -6.000000e+00 : f32
        %mul3A_1507 = vector.broadcast %mul3A_1506 : f32 to vector<16xf32>
        %mul3A_1508 = arith.mulf %mul3A_1507, %add3A_1454 : vector<16xf32>
        %mul3A_1509 = arith.constant 2.000000e+00 : f32
        %mul3A_1510 = vector.broadcast %mul3A_1509 : f32 to vector<16xf32>
        %mul3A_1511 = arith.mulf %mul3A_1510, %add3A_1457 : vector<16xf32>
        %sub3A_1512 = arith.subf %mul3A_1508, %mul3A_1511 : vector<16xf32>
        %mul3A_1513 = arith.constant 2.000000e+00 : f32
        %mul3A_1514 = vector.broadcast %mul3A_1513 : f32 to vector<16xf32>
        %mul3A_1515 = arith.mulf %mul3A_1514, %add3A_1460 : vector<16xf32>
        %add3A_1516 = arith.addf %sub3A_1512, %mul3A_1515 : vector<16xf32>
        %mul3A_1517 = arith.constant 6.000000e+00 : f32
        %mul3A_1518 = vector.broadcast %mul3A_1517 : f32 to vector<16xf32>
        %mul3A_1519 = arith.mulf %mul3A_1518, %add3A_1463 : vector<16xf32>
        %add3A_1520 = arith.addf %add3A_1516, %mul3A_1519 : vector<16xf32>
        %add3A_1521 = arith.addf %add3A_1505, %add3A_1520 : vector<16xf32>
        %mul3A_1522 = arith.mulf %add3A_1466, %mul3A_910 : vector<16xf32>
        %mul3A_1523 = arith.mulf %add3A_1521, %mul3A_934 : vector<16xf32>
        %mul3A_1524 = arith.mulf %add3A_1454, %mul3A_958 : vector<16xf32>
        %add3A_1525 = arith.addf %mul3A_1524, %add3A_992 : vector<16xf32>
        %add3A_1526 = arith.addf %add3A_1525, %mul3A_1522 : vector<16xf32>
        %mul3A_1527 = arith.constant -6.000000e+00 : f32
        %mul3A_1528 = vector.broadcast %mul3A_1527 : f32 to vector<16xf32>
        %mul3A_1529 = arith.mulf %mul3A_1528, %mul3A_1523 : vector<16xf32>
        %add3A_1530 = arith.addf %add3A_1526, %mul3A_1529 : vector<16xf32>
        %mul3A_1531 = arith.mulf %add3A_1475, %mul3A_982 : vector<16xf32>
        %add3A_1532 = arith.addf %mul3A_1531, %add3A_993 : vector<16xf32>
        %add3A_1533 = arith.addf %add3A_1532, %mul3A_1523 : vector<16xf32>
        %mul3A_1534 = arith.constant -1.500000e+00 : f32
        %mul3A_1535 = vector.broadcast %mul3A_1534 : f32 to vector<16xf32>
        %mul3A_1536 = arith.mulf %mul3A_1535, %add3A_1533 : vector<16xf32>
        %add3A_1537 = arith.addf %add3A_1530, %mul3A_1536 : vector<16xf32>
        %mul3A_1538 = arith.mulf %add3A_1331, %sub3A_551 : vector<16xf32>
        %add3A_1539 = arith.addf %mul3A_1538, %add3A_1537 : vector<16xf32>
        %mul3A_1540 = arith.constant -5.000000e-01 : f32
        %mul3A_1541 = vector.broadcast %mul3A_1540 : f32 to vector<16xf32>
        %mul3A_1542 = arith.mulf %mul3A_1541, %add3A_1533 : vector<16xf32>
        %add3A_1543 = arith.addf %add3A_1530, %mul3A_1542 : vector<16xf32>
        %mul3A_1544 = arith.mulf %add3A_1337, %sub3A_569 : vector<16xf32>
        %add3A_1545 = arith.addf %mul3A_1544, %add3A_1543 : vector<16xf32>
        %mul3A_1546 = arith.constant 5.000000e-01 : f32
        %mul3A_1547 = vector.broadcast %mul3A_1546 : f32 to vector<16xf32>
        %mul3A_1548 = arith.mulf %mul3A_1547, %add3A_1533 : vector<16xf32>
        %add3A_1549 = arith.addf %add3A_1530, %mul3A_1548 : vector<16xf32>
        %mul3A_1550 = arith.mulf %add3A_1343, %sub3A_587 : vector<16xf32>
        %add3A_1551 = arith.addf %mul3A_1550, %add3A_1549 : vector<16xf32>
        %mul3A_1552 = arith.constant 1.500000e+00 : f32
        %mul3A_1553 = vector.broadcast %mul3A_1552 : f32 to vector<16xf32>
        %mul3A_1554 = arith.mulf %mul3A_1553, %add3A_1533 : vector<16xf32>
        %add3A_1555 = arith.addf %add3A_1530, %mul3A_1554 : vector<16xf32>
        %mul3A_1556 = arith.mulf %add3A_1349, %sub3A_605 : vector<16xf32>
        %add3A_1557 = arith.addf %mul3A_1556, %add3A_1555 : vector<16xf32>
        %mul3A_1558 = arith.mulf %add3A_1457, %mul3A_1012 : vector<16xf32>
        %add3A_1559 = arith.addf %mul3A_1558, %add3A_1046 : vector<16xf32>
        %add3A_1560 = arith.addf %add3A_1559, %mul3A_1522 : vector<16xf32>
        %mul3A_1561 = arith.constant -2.000000e+00 : f32
        %mul3A_1562 = vector.broadcast %mul3A_1561 : f32 to vector<16xf32>
        %mul3A_1563 = arith.mulf %mul3A_1562, %mul3A_1523 : vector<16xf32>
        %add3A_1564 = arith.addf %add3A_1560, %mul3A_1563 : vector<16xf32>
        %mul3A_1565 = arith.mulf %add3A_1484, %mul3A_1036 : vector<16xf32>
        %add3A_1566 = arith.addf %mul3A_1565, %add3A_1047 : vector<16xf32>
        %add3A_1567 = arith.addf %add3A_1566, %mul3A_1523 : vector<16xf32>
        %mul3A_1568 = arith.constant -1.500000e+00 : f32
        %mul3A_1569 = vector.broadcast %mul3A_1568 : f32 to vector<16xf32>
        %mul3A_1570 = arith.mulf %mul3A_1569, %add3A_1567 : vector<16xf32>
        %add3A_1571 = arith.addf %add3A_1564, %mul3A_1570 : vector<16xf32>
        %mul3A_1572 = arith.mulf %add3A_1365, %sub3A_623 : vector<16xf32>
        %add3A_1573 = arith.addf %mul3A_1572, %add3A_1571 : vector<16xf32>
        %mul3A_1574 = arith.constant -5.000000e-01 : f32
        %mul3A_1575 = vector.broadcast %mul3A_1574 : f32 to vector<16xf32>
        %mul3A_1576 = arith.mulf %mul3A_1575, %add3A_1567 : vector<16xf32>
        %add3A_1577 = arith.addf %add3A_1564, %mul3A_1576 : vector<16xf32>
        %mul3A_1578 = arith.mulf %add3A_1371, %sub3A_641 : vector<16xf32>
        %add3A_1579 = arith.addf %mul3A_1578, %add3A_1577 : vector<16xf32>
        %mul3A_1580 = arith.constant 5.000000e-01 : f32
        %mul3A_1581 = vector.broadcast %mul3A_1580 : f32 to vector<16xf32>
        %mul3A_1582 = arith.mulf %mul3A_1581, %add3A_1567 : vector<16xf32>
        %add3A_1583 = arith.addf %add3A_1564, %mul3A_1582 : vector<16xf32>
        %mul3A_1584 = arith.mulf %add3A_1377, %sub3A_659 : vector<16xf32>
        %add3A_1585 = arith.addf %mul3A_1584, %add3A_1583 : vector<16xf32>
        %mul3A_1586 = arith.constant 1.500000e+00 : f32
        %mul3A_1587 = vector.broadcast %mul3A_1586 : f32 to vector<16xf32>
        %mul3A_1588 = arith.mulf %mul3A_1587, %add3A_1567 : vector<16xf32>
        %add3A_1589 = arith.addf %add3A_1564, %mul3A_1588 : vector<16xf32>
        %mul3A_1590 = arith.mulf %add3A_1383, %sub3A_677 : vector<16xf32>
        %add3A_1591 = arith.addf %mul3A_1590, %add3A_1589 : vector<16xf32>
        %mul3A_1592 = arith.mulf %add3A_1460, %mul3A_1066 : vector<16xf32>
        %add3A_1593 = arith.addf %mul3A_1592, %add3A_1100 : vector<16xf32>
        %add3A_1594 = arith.addf %add3A_1593, %mul3A_1522 : vector<16xf32>
        %mul3A_1595 = arith.constant 2.000000e+00 : f32
        %mul3A_1596 = vector.broadcast %mul3A_1595 : f32 to vector<16xf32>
        %mul3A_1597 = arith.mulf %mul3A_1596, %mul3A_1523 : vector<16xf32>
        %add3A_1598 = arith.addf %add3A_1594, %mul3A_1597 : vector<16xf32>
        %mul3A_1599 = arith.mulf %add3A_1493, %mul3A_1090 : vector<16xf32>
        %add3A_1600 = arith.addf %mul3A_1599, %add3A_1101 : vector<16xf32>
        %add3A_1601 = arith.addf %add3A_1600, %mul3A_1523 : vector<16xf32>
        %mul3A_1602 = arith.constant -1.500000e+00 : f32
        %mul3A_1603 = vector.broadcast %mul3A_1602 : f32 to vector<16xf32>
        %mul3A_1604 = arith.mulf %mul3A_1603, %add3A_1601 : vector<16xf32>
        %add3A_1605 = arith.addf %add3A_1598, %mul3A_1604 : vector<16xf32>
        %mul3A_1606 = arith.mulf %add3A_1399, %sub3A_695 : vector<16xf32>
        %add3A_1607 = arith.addf %mul3A_1606, %add3A_1605 : vector<16xf32>
        %mul3A_1608 = arith.constant -5.000000e-01 : f32
        %mul3A_1609 = vector.broadcast %mul3A_1608 : f32 to vector<16xf32>
        %mul3A_1610 = arith.mulf %mul3A_1609, %add3A_1601 : vector<16xf32>
        %add3A_1611 = arith.addf %add3A_1598, %mul3A_1610 : vector<16xf32>
        %mul3A_1612 = arith.mulf %add3A_1405, %sub3A_713 : vector<16xf32>
        %add3A_1613 = arith.addf %mul3A_1612, %add3A_1611 : vector<16xf32>
        %mul3A_1614 = arith.constant 5.000000e-01 : f32
        %mul3A_1615 = vector.broadcast %mul3A_1614 : f32 to vector<16xf32>
        %mul3A_1616 = arith.mulf %mul3A_1615, %add3A_1601 : vector<16xf32>
        %add3A_1617 = arith.addf %add3A_1598, %mul3A_1616 : vector<16xf32>
        %mul3A_1618 = arith.mulf %add3A_1411, %sub3A_731 : vector<16xf32>
        %add3A_1619 = arith.addf %mul3A_1618, %add3A_1617 : vector<16xf32>
        %mul3A_1620 = arith.constant 1.500000e+00 : f32
        %mul3A_1621 = vector.broadcast %mul3A_1620 : f32 to vector<16xf32>
        %mul3A_1622 = arith.mulf %mul3A_1621, %add3A_1601 : vector<16xf32>
        %add3A_1623 = arith.addf %add3A_1598, %mul3A_1622 : vector<16xf32>
        %mul3A_1624 = arith.mulf %add3A_1417, %sub3A_749 : vector<16xf32>
        %add3A_1625 = arith.addf %mul3A_1624, %add3A_1623 : vector<16xf32>
        %mul3A_1626 = arith.mulf %add3A_1463, %mul3A_1120 : vector<16xf32>
        %add3A_1627 = arith.addf %mul3A_1626, %add3A_1154 : vector<16xf32>
        %add3A_1628 = arith.addf %add3A_1627, %mul3A_1522 : vector<16xf32>
        %mul3A_1629 = arith.constant 6.000000e+00 : f32
        %mul3A_1630 = vector.broadcast %mul3A_1629 : f32 to vector<16xf32>
        %mul3A_1631 = arith.mulf %mul3A_1630, %mul3A_1523 : vector<16xf32>
        %add3A_1632 = arith.addf %add3A_1628, %mul3A_1631 : vector<16xf32>
        %mul3A_1633 = arith.mulf %add3A_1502, %mul3A_1144 : vector<16xf32>
        %add3A_1634 = arith.addf %mul3A_1633, %add3A_1155 : vector<16xf32>
        %add3A_1635 = arith.addf %add3A_1634, %mul3A_1523 : vector<16xf32>
        %mul3A_1636 = arith.constant -1.500000e+00 : f32
        %mul3A_1637 = vector.broadcast %mul3A_1636 : f32 to vector<16xf32>
        %mul3A_1638 = arith.mulf %mul3A_1637, %add3A_1635 : vector<16xf32>
        %add3A_1639 = arith.addf %add3A_1632, %mul3A_1638 : vector<16xf32>
        %mul3A_1640 = arith.mulf %add3A_1433, %sub3A_767 : vector<16xf32>
        %add3A_1641 = arith.addf %mul3A_1640, %add3A_1639 : vector<16xf32>
        %mul3A_1642 = arith.constant -5.000000e-01 : f32
        %mul3A_1643 = vector.broadcast %mul3A_1642 : f32 to vector<16xf32>
        %mul3A_1644 = arith.mulf %mul3A_1643, %add3A_1635 : vector<16xf32>
        %add3A_1645 = arith.addf %add3A_1632, %mul3A_1644 : vector<16xf32>
        %mul3A_1646 = arith.mulf %add3A_1439, %sub3A_785 : vector<16xf32>
        %add3A_1647 = arith.addf %mul3A_1646, %add3A_1645 : vector<16xf32>
        %mul3A_1648 = arith.constant 5.000000e-01 : f32
        %mul3A_1649 = vector.broadcast %mul3A_1648 : f32 to vector<16xf32>
        %mul3A_1650 = arith.mulf %mul3A_1649, %add3A_1635 : vector<16xf32>
        %add3A_1651 = arith.addf %add3A_1632, %mul3A_1650 : vector<16xf32>
        %mul3A_1652 = arith.mulf %add3A_1445, %sub3A_803 : vector<16xf32>
        %add3A_1653 = arith.addf %mul3A_1652, %add3A_1651 : vector<16xf32>
        %mul3A_1654 = arith.constant 1.500000e+00 : f32
        %mul3A_1655 = vector.broadcast %mul3A_1654 : f32 to vector<16xf32>
        %mul3A_1656 = arith.mulf %mul3A_1655, %add3A_1635 : vector<16xf32>
        %add3A_1657 = arith.addf %add3A_1632, %mul3A_1656 : vector<16xf32>
        %mul3A_1658 = arith.mulf %add3A_1451, %sub3A_821 : vector<16xf32>
        %add3A_1659 = arith.addf %mul3A_1658, %add3A_1657 : vector<16xf32>
        scf.yield %add3A_1539, %add3A_1545, %add3A_1551, %add3A_1557, %add3A_1573, %add3A_1579, %add3A_1585, %add3A_1591, %add3A_1607, %add3A_1613, %add3A_1619, %add3A_1625, %add3A_1641, %add3A_1647, %add3A_1653, %add3A_1659 : vector<16xf32>, vector<16xf32>, vector<16xf32>, vector<16xf32>, vector<16xf32>, vector<16xf32>, vector<16xf32>, vector<16xf32>, vector<16xf32>, vector<16xf32>, vector<16xf32>, vector<16xf32>, vector<16xf32>, vector<16xf32>, vector<16xf32>, vector<16xf32>
      }
      %scan3A_1162 = arith.constant 10 : i32
      %add3A_1163 = arith.constant 0 : i32
      %add3A_1164 = vector.broadcast %add3A_1163 : i32 to vector<16xi32>
      %add3A_1165 = arith.addi %add3A_464, %add3A_1164 : vector<16xi32>
      %add3A_1166 = arith.addf %scan3A_1161#0, %gather3A : vector<16xf32>
      tpu.vector_store_idx %arg37[%add3A_1165], %add3A_1166 : memref<4096xf32, #tpu.memory_space<vmem>>[vector<16xi32>], vector<16xf32>,
      %add3A_1167 = arith.constant 1 : i32
      %add3A_1168 = vector.broadcast %add3A_1167 : i32 to vector<16xi32>
      %add3A_1169 = arith.addi %add3A_464, %add3A_1168 : vector<16xi32>
      %add3A_1170 = arith.addf %scan3A_1161#1, %gather3A_478 : vector<16xf32>
      tpu.vector_store_idx %arg37[%add3A_1169], %add3A_1170 : memref<4096xf32, #tpu.memory_space<vmem>>[vector<16xi32>], vector<16xf32>,
      %add3A_1171 = arith.constant 2 : i32
      %add3A_1172 = vector.broadcast %add3A_1171 : i32 to vector<16xi32>
      %add3A_1173 = arith.addi %add3A_464, %add3A_1172 : vector<16xi32>
      %add3A_1174 = arith.addf %scan3A_1161#2, %gather3A_482 : vector<16xf32>
      tpu.vector_store_idx %arg37[%add3A_1173], %add3A_1174 : memref<4096xf32, #tpu.memory_space<vmem>>[vector<16xi32>], vector<16xf32>,
      %add3A_1175 = arith.constant 3 : i32
      %add3A_1176 = vector.broadcast %add3A_1175 : i32 to vector<16xi32>
      %add3A_1177 = arith.addi %add3A_464, %add3A_1176 : vector<16xi32>
      %add3A_1178 = arith.addf %scan3A_1161#3, %gather3A_486 : vector<16xf32>
      tpu.vector_store_idx %arg37[%add3A_1177], %add3A_1178 : memref<4096xf32, #tpu.memory_space<vmem>>[vector<16xi32>], vector<16xf32>,
      %add3A_1179 = arith.constant 4 : i32
      %add3A_1180 = vector.broadcast %add3A_1179 : i32 to vector<16xi32>
      %add3A_1181 = arith.addi %add3A_464, %add3A_1180 : vector<16xi32>
      %add3A_1182 = arith.addf %scan3A_1161#4, %gather3A_490 : vector<16xf32>
      tpu.vector_store_idx %arg37[%add3A_1181], %add3A_1182 : memref<4096xf32, #tpu.memory_space<vmem>>[vector<16xi32>], vector<16xf32>,
      %add3A_1183 = arith.constant 5 : i32
      %add3A_1184 = vector.broadcast %add3A_1183 : i32 to vector<16xi32>
      %add3A_1185 = arith.addi %add3A_464, %add3A_1184 : vector<16xi32>
      %add3A_1186 = arith.addf %scan3A_1161#5, %gather3A_494 : vector<16xf32>
      tpu.vector_store_idx %arg37[%add3A_1185], %add3A_1186 : memref<4096xf32, #tpu.memory_space<vmem>>[vector<16xi32>], vector<16xf32>,
      %add3A_1187 = arith.constant 6 : i32
      %add3A_1188 = vector.broadcast %add3A_1187 : i32 to vector<16xi32>
      %add3A_1189 = arith.addi %add3A_464, %add3A_1188 : vector<16xi32>
      %add3A_1190 = arith.addf %scan3A_1161#6, %gather3A_498 : vector<16xf32>
      tpu.vector_store_idx %arg37[%add3A_1189], %add3A_1190 : memref<4096xf32, #tpu.memory_space<vmem>>[vector<16xi32>], vector<16xf32>,
      %add3A_1191 = arith.constant 7 : i32
      %add3A_1192 = vector.broadcast %add3A_1191 : i32 to vector<16xi32>
      %add3A_1193 = arith.addi %add3A_464, %add3A_1192 : vector<16xi32>
      %add3A_1194 = arith.addf %scan3A_1161#7, %gather3A_502 : vector<16xf32>
      tpu.vector_store_idx %arg37[%add3A_1193], %add3A_1194 : memref<4096xf32, #tpu.memory_space<vmem>>[vector<16xi32>], vector<16xf32>,
      %add3A_1195 = arith.constant 8 : i32
      %add3A_1196 = vector.broadcast %add3A_1195 : i32 to vector<16xi32>
      %add3A_1197 = arith.addi %add3A_464, %add3A_1196 : vector<16xi32>
      %add3A_1198 = arith.addf %scan3A_1161#8, %gather3A_506 : vector<16xf32>
      tpu.vector_store_idx %arg37[%add3A_1197], %add3A_1198 : memref<4096xf32, #tpu.memory_space<vmem>>[vector<16xi32>], vector<16xf32>,
      %add3A_1199 = arith.constant 9 : i32
      %add3A_1200 = vector.broadcast %add3A_1199 : i32 to vector<16xi32>
      %add3A_1201 = arith.addi %add3A_464, %add3A_1200 : vector<16xi32>
      %add3A_1202 = arith.addf %scan3A_1161#9, %gather3A_510 : vector<16xf32>
      tpu.vector_store_idx %arg37[%add3A_1201], %add3A_1202 : memref<4096xf32, #tpu.memory_space<vmem>>[vector<16xi32>], vector<16xf32>,
      %add3A_1203 = arith.constant 10 : i32
      %add3A_1204 = vector.broadcast %add3A_1203 : i32 to vector<16xi32>
      %add3A_1205 = arith.addi %add3A_464, %add3A_1204 : vector<16xi32>
      %add3A_1206 = arith.addf %scan3A_1161#10, %gather3A_514 : vector<16xf32>
      tpu.vector_store_idx %arg37[%add3A_1205], %add3A_1206 : memref<4096xf32, #tpu.memory_space<vmem>>[vector<16xi32>], vector<16xf32>,
      %add3A_1207 = arith.constant 11 : i32
      %add3A_1208 = vector.broadcast %add3A_1207 : i32 to vector<16xi32>
      %add3A_1209 = arith.addi %add3A_464, %add3A_1208 : vector<16xi32>
      %add3A_1210 = arith.addf %scan3A_1161#11, %gather3A_518 : vector<16xf32>
      tpu.vector_store_idx %arg37[%add3A_1209], %add3A_1210 : memref<4096xf32, #tpu.memory_space<vmem>>[vector<16xi32>], vector<16xf32>,
      %add3A_1211 = arith.constant 12 : i32
      %add3A_1212 = vector.broadcast %add3A_1211 : i32 to vector<16xi32>
      %add3A_1213 = arith.addi %add3A_464, %add3A_1212 : vector<16xi32>
      %add3A_1214 = arith.addf %scan3A_1161#12, %gather3A_522 : vector<16xf32>
      tpu.vector_store_idx %arg37[%add3A_1213], %add3A_1214 : memref<4096xf32, #tpu.memory_space<vmem>>[vector<16xi32>], vector<16xf32>,
      %add3A_1215 = arith.constant 13 : i32
      %add3A_1216 = vector.broadcast %add3A_1215 : i32 to vector<16xi32>
      %add3A_1217 = arith.addi %add3A_464, %add3A_1216 : vector<16xi32>
      %add3A_1218 = arith.addf %scan3A_1161#13, %gather3A_526 : vector<16xf32>
      tpu.vector_store_idx %arg37[%add3A_1217], %add3A_1218 : memref<4096xf32, #tpu.memory_space<vmem>>[vector<16xi32>], vector<16xf32>,
      %add3A_1219 = arith.constant 14 : i32
      %add3A_1220 = vector.broadcast %add3A_1219 : i32 to vector<16xi32>
      %add3A_1221 = arith.addi %add3A_464, %add3A_1220 : vector<16xi32>
      %add3A_1222 = arith.addf %scan3A_1161#14, %gather3A_530 : vector<16xf32>
      tpu.vector_store_idx %arg37[%add3A_1221], %add3A_1222 : memref<4096xf32, #tpu.memory_space<vmem>>[vector<16xi32>], vector<16xf32>,
      %add3A_1223 = arith.constant 15 : i32
      %add3A_1224 = vector.broadcast %add3A_1223 : i32 to vector<16xi32>
      %add3A_1225 = arith.addi %add3A_464, %add3A_1224 : vector<16xi32>
      %add3A_1226 = arith.addf %scan3A_1161#15, %gather3A_534 : vector<16xf32>
      tpu.vector_store_idx %arg37[%add3A_1225], %add3A_1226 : memref<4096xf32, #tpu.memory_space<vmem>>[vector<16xi32>], vector<16xf32>,
    }
    %scan3A_269 = arith.constant 16 : i32
    %dma_start3A_270 = arith.constant 0 : i32
    %dma_start3A_271 = tpu.memref_slice %arg13[%mul3A_2, %dma_start3A_270] : memref<64x4096xf32, #tpu.memory_space<hbm>> -> memref<1x4096xf32, #tpu.memory_space<hbm>>
    %dma_start3A_272 = tpu.memref_squeeze %dma_start3A_271 : memref<1x4096xf32, #tpu.memory_space<hbm>> -> memref<4096xf32, #tpu.memory_space<hbm>>
    %dma_start3A_273 = arith.constant 0 : i32
    %dma_start3A_274 = tpu.memref_slice %arg13[%mul3A_2, %dma_start3A_273] : memref<64x4096xf32, #tpu.memory_space<hbm>> -> memref<1x4096xf32, #tpu.memory_space<hbm>>
    %dma_start3A_275 = tpu.memref_squeeze %dma_start3A_274 : memref<1x4096xf32, #tpu.memory_space<hbm>> -> memref<4096xf32, #tpu.memory_space<hbm>>
    tpu.enqueue_dma source(%arg37 : memref<4096xf32, #tpu.memory_space<vmem>>) target(%dma_start3A_275 : memref<4096xf32, #tpu.memory_space<hbm>>) target_semaphore(%arg43 : memref<!tpu.dma_semaphore, #tpu.memory_space<semaphore_mem>>)
    %dma_start3A_276 = arith.constant 0 : i32
    %dma_start3A_277 = tpu.memref_slice %arg14[%mul3A_2, %dma_start3A_276] : memref<64x4096xf32, #tpu.memory_space<hbm>> -> memref<1x4096xf32, #tpu.memory_space<hbm>>
    %dma_start3A_278 = tpu.memref_squeeze %dma_start3A_277 : memref<1x4096xf32, #tpu.memory_space<hbm>> -> memref<4096xf32, #tpu.memory_space<hbm>>
    %dma_start3A_279 = arith.constant 0 : i32
    %dma_start3A_280 = tpu.memref_slice %arg14[%mul3A_2, %dma_start3A_279] : memref<64x4096xf32, #tpu.memory_space<hbm>> -> memref<1x4096xf32, #tpu.memory_space<hbm>>
    %dma_start3A_281 = tpu.memref_squeeze %dma_start3A_280 : memref<1x4096xf32, #tpu.memory_space<hbm>> -> memref<4096xf32, #tpu.memory_space<hbm>>
    tpu.enqueue_dma source(%arg38 : memref<4096xf32, #tpu.memory_space<vmem>>) target(%dma_start3A_281 : memref<4096xf32, #tpu.memory_space<hbm>>) target_semaphore(%arg43 : memref<!tpu.dma_semaphore, #tpu.memory_space<semaphore_mem>>)
    %dma_wait3A_282 = arith.constant 0 : i32
    %dma_wait3A_283 = tpu.memref_slice %arg2[%add3A_4, %dma_wait3A_282] : memref<64x4096xf32, #tpu.memory_space<hbm>> -> memref<1x4096xf32, #tpu.memory_space<hbm>>
    %dma_wait3A_284 = tpu.memref_squeeze %dma_wait3A_283 : memref<1x4096xf32, #tpu.memory_space<hbm>> -> memref<4096xf32, #tpu.memory_space<hbm>>
    %dma_wait3A_285 = arith.constant 0 : i32
    %dma_wait3A_286 = tpu.memref_slice %arg2[%add3A_4, %dma_wait3A_285] : memref<64x4096xf32, #tpu.memory_space<hbm>> -> memref<1x4096xf32, #tpu.memory_space<hbm>>
    %dma_wait3A_287 = tpu.memref_squeeze %dma_wait3A_286 : memref<1x4096xf32, #tpu.memory_space<hbm>> -> memref<4096xf32, #tpu.memory_space<hbm>>
    tpu.wait_dma2 semaphore(%arg42 : memref<!tpu.dma_semaphore, #tpu.memory_space<semaphore_mem>>) src(%dma_wait3A_287 : memref<4096xf32, #tpu.memory_space<hbm>>) dst(%arg26 : memref<4096xf32, #tpu.memory_space<vmem>>)
    %dma_wait3A_288 = arith.constant 0 : i32
    %dma_wait3A_289 = tpu.memref_slice %arg3[%add3A_4, %dma_wait3A_288] : memref<64x4096xf32, #tpu.memory_space<hbm>> -> memref<1x4096xf32, #tpu.memory_space<hbm>>
    %dma_wait3A_290 = tpu.memref_squeeze %dma_wait3A_289 : memref<1x4096xf32, #tpu.memory_space<hbm>> -> memref<4096xf32, #tpu.memory_space<hbm>>
    %dma_wait3A_291 = arith.constant 0 : i32
    %dma_wait3A_292 = tpu.memref_slice %arg3[%add3A_4, %dma_wait3A_291] : memref<64x4096xf32, #tpu.memory_space<hbm>> -> memref<1x4096xf32, #tpu.memory_space<hbm>>
    %dma_wait3A_293 = tpu.memref_squeeze %dma_wait3A_292 : memref<1x4096xf32, #tpu.memory_space<hbm>> -> memref<4096xf32, #tpu.memory_space<hbm>>
    tpu.wait_dma2 semaphore(%arg42 : memref<!tpu.dma_semaphore, #tpu.memory_space<semaphore_mem>>) src(%dma_wait3A_293 : memref<4096xf32, #tpu.memory_space<hbm>>) dst(%arg27 : memref<4096xf32, #tpu.memory_space<vmem>>)
    %dma_wait3A_294 = arith.constant 0 : i32
    %dma_wait3A_295 = tpu.memref_slice %arg4[%add3A_4, %dma_wait3A_294] : memref<64x1024xf32, #tpu.memory_space<hbm>> -> memref<1x1024xf32, #tpu.memory_space<hbm>>
    %dma_wait3A_296 = tpu.memref_squeeze %dma_wait3A_295 : memref<1x1024xf32, #tpu.memory_space<hbm>> -> memref<1024xf32, #tpu.memory_space<hbm>>
    %dma_wait3A_297 = arith.constant 0 : i32
    %dma_wait3A_298 = tpu.memref_slice %arg4[%add3A_4, %dma_wait3A_297] : memref<64x1024xf32, #tpu.memory_space<hbm>> -> memref<1x1024xf32, #tpu.memory_space<hbm>>
    %dma_wait3A_299 = tpu.memref_squeeze %dma_wait3A_298 : memref<1x1024xf32, #tpu.memory_space<hbm>> -> memref<1024xf32, #tpu.memory_space<hbm>>
    tpu.wait_dma2 semaphore(%arg42 : memref<!tpu.dma_semaphore, #tpu.memory_space<semaphore_mem>>) src(%dma_wait3A_299 : memref<1024xf32, #tpu.memory_space<hbm>>) dst(%arg28 : memref<1024xf32, #tpu.memory_space<vmem>>)
    %dma_wait3A_300 = arith.constant 0 : i32
    %dma_wait3A_301 = tpu.memref_slice %arg5[%add3A_4, %dma_wait3A_300] : memref<64x1024xf32, #tpu.memory_space<hbm>> -> memref<1x1024xf32, #tpu.memory_space<hbm>>
    %dma_wait3A_302 = tpu.memref_squeeze %dma_wait3A_301 : memref<1x1024xf32, #tpu.memory_space<hbm>> -> memref<1024xf32, #tpu.memory_space<hbm>>
    %dma_wait3A_303 = arith.constant 0 : i32
    %dma_wait3A_304 = tpu.memref_slice %arg5[%add3A_4, %dma_wait3A_303] : memref<64x1024xf32, #tpu.memory_space<hbm>> -> memref<1x1024xf32, #tpu.memory_space<hbm>>
    %dma_wait3A_305 = tpu.memref_squeeze %dma_wait3A_304 : memref<1x1024xf32, #tpu.memory_space<hbm>> -> memref<1024xf32, #tpu.memory_space<hbm>>
    tpu.wait_dma2 semaphore(%arg42 : memref<!tpu.dma_semaphore, #tpu.memory_space<semaphore_mem>>) src(%dma_wait3A_305 : memref<1024xf32, #tpu.memory_space<hbm>>) dst(%arg29 : memref<1024xf32, #tpu.memory_space<vmem>>)
    %dma_wait3A_306 = arith.constant 0 : i32
    %dma_wait3A_307 = tpu.memref_slice %arg6[%add3A_4, %dma_wait3A_306] : memref<64x1024xf32, #tpu.memory_space<hbm>> -> memref<1x1024xf32, #tpu.memory_space<hbm>>
    %dma_wait3A_308 = tpu.memref_squeeze %dma_wait3A_307 : memref<1x1024xf32, #tpu.memory_space<hbm>> -> memref<1024xf32, #tpu.memory_space<hbm>>
    %dma_wait3A_309 = arith.constant 0 : i32
    %dma_wait3A_310 = tpu.memref_slice %arg6[%add3A_4, %dma_wait3A_309] : memref<64x1024xf32, #tpu.memory_space<hbm>> -> memref<1x1024xf32, #tpu.memory_space<hbm>>
    %dma_wait3A_311 = tpu.memref_squeeze %dma_wait3A_310 : memref<1x1024xf32, #tpu.memory_space<hbm>> -> memref<1024xf32, #tpu.memory_space<hbm>>
    tpu.wait_dma2 semaphore(%arg42 : memref<!tpu.dma_semaphore, #tpu.memory_space<semaphore_mem>>) src(%dma_wait3A_311 : memref<1024xf32, #tpu.memory_space<hbm>>) dst(%arg30 : memref<1024xf32, #tpu.memory_space<vmem>>)
    %dma_wait3A_312 = arith.constant 0 : i32
    %dma_wait3A_313 = tpu.memref_slice %arg7[%add3A_4, %dma_wait3A_312] : memref<64x1024xf32, #tpu.memory_space<hbm>> -> memref<1x1024xf32, #tpu.memory_space<hbm>>
    %dma_wait3A_314 = tpu.memref_squeeze %dma_wait3A_313 : memref<1x1024xf32, #tpu.memory_space<hbm>> -> memref<1024xf32, #tpu.memory_space<hbm>>
    %dma_wait3A_315 = arith.constant 0 : i32
    %dma_wait3A_316 = tpu.memref_slice %arg7[%add3A_4, %dma_wait3A_315] : memref<64x1024xf32, #tpu.memory_space<hbm>> -> memref<1x1024xf32, #tpu.memory_space<hbm>>
    %dma_wait3A_317 = tpu.memref_squeeze %dma_wait3A_316 : memref<1x1024xf32, #tpu.memory_space<hbm>> -> memref<1024xf32, #tpu.memory_space<hbm>>
    tpu.wait_dma2 semaphore(%arg42 : memref<!tpu.dma_semaphore, #tpu.memory_space<semaphore_mem>>) src(%dma_wait3A_317 : memref<1024xf32, #tpu.memory_space<hbm>>) dst(%arg31 : memref<1024xf32, #tpu.memory_space<vmem>>)
    %dma_wait3A_318 = arith.constant 0 : i32
    %dma_wait3A_319 = tpu.memref_slice %arg8[%add3A_4, %dma_wait3A_318] : memref<64x256xf32, #tpu.memory_space<hbm>> -> memref<1x256xf32, #tpu.memory_space<hbm>>
    %dma_wait3A_320 = tpu.memref_squeeze %dma_wait3A_319 : memref<1x256xf32, #tpu.memory_space<hbm>> -> memref<256xf32, #tpu.memory_space<hbm>>
    %dma_wait3A_321 = arith.constant 0 : i32
    %dma_wait3A_322 = tpu.memref_slice %arg8[%add3A_4, %dma_wait3A_321] : memref<64x256xf32, #tpu.memory_space<hbm>> -> memref<1x256xf32, #tpu.memory_space<hbm>>
    %dma_wait3A_323 = tpu.memref_squeeze %dma_wait3A_322 : memref<1x256xf32, #tpu.memory_space<hbm>> -> memref<256xf32, #tpu.memory_space<hbm>>
    tpu.wait_dma2 semaphore(%arg42 : memref<!tpu.dma_semaphore, #tpu.memory_space<semaphore_mem>>) src(%dma_wait3A_323 : memref<256xf32, #tpu.memory_space<hbm>>) dst(%arg32 : memref<256xf32, #tpu.memory_space<vmem>>)
    %dma_wait3A_324 = arith.constant 0 : i32
    %dma_wait3A_325 = tpu.memref_slice %arg9[%add3A_4, %dma_wait3A_324] : memref<64x256xf32, #tpu.memory_space<hbm>> -> memref<1x256xf32, #tpu.memory_space<hbm>>
    %dma_wait3A_326 = tpu.memref_squeeze %dma_wait3A_325 : memref<1x256xf32, #tpu.memory_space<hbm>> -> memref<256xf32, #tpu.memory_space<hbm>>
    %dma_wait3A_327 = arith.constant 0 : i32
    %dma_wait3A_328 = tpu.memref_slice %arg9[%add3A_4, %dma_wait3A_327] : memref<64x256xf32, #tpu.memory_space<hbm>> -> memref<1x256xf32, #tpu.memory_space<hbm>>
    %dma_wait3A_329 = tpu.memref_squeeze %dma_wait3A_328 : memref<1x256xf32, #tpu.memory_space<hbm>> -> memref<256xf32, #tpu.memory_space<hbm>>
    tpu.wait_dma2 semaphore(%arg42 : memref<!tpu.dma_semaphore, #tpu.memory_space<semaphore_mem>>) src(%dma_wait3A_329 : memref<256xf32, #tpu.memory_space<hbm>>) dst(%arg33 : memref<256xf32, #tpu.memory_space<vmem>>)
    %dma_wait3A_330 = arith.constant 0 : i32
    %dma_wait3A_331 = tpu.memref_slice %arg10[%add3A_4, %dma_wait3A_330] : memref<64x256xf32, #tpu.memory_space<hbm>> -> memref<1x256xf32, #tpu.memory_space<hbm>>
    %dma_wait3A_332 = tpu.memref_squeeze %dma_wait3A_331 : memref<1x256xf32, #tpu.memory_space<hbm>> -> memref<256xf32, #tpu.memory_space<hbm>>
    %dma_wait3A_333 = arith.constant 0 : i32
    %dma_wait3A_334 = tpu.memref_slice %arg10[%add3A_4, %dma_wait3A_333] : memref<64x256xf32, #tpu.memory_space<hbm>> -> memref<1x256xf32, #tpu.memory_space<hbm>>
    %dma_wait3A_335 = tpu.memref_squeeze %dma_wait3A_334 : memref<1x256xf32, #tpu.memory_space<hbm>> -> memref<256xf32, #tpu.memory_space<hbm>>
    tpu.wait_dma2 semaphore(%arg42 : memref<!tpu.dma_semaphore, #tpu.memory_space<semaphore_mem>>) src(%dma_wait3A_335 : memref<256xf32, #tpu.memory_space<hbm>>) dst(%arg34 : memref<256xf32, #tpu.memory_space<vmem>>)
    %dma_wait3A_336 = arith.constant 0 : i32
    %dma_wait3A_337 = tpu.memref_slice %arg11[%add3A_4, %dma_wait3A_336] : memref<64x256xf32, #tpu.memory_space<hbm>> -> memref<1x256xf32, #tpu.memory_space<hbm>>
    %dma_wait3A_338 = tpu.memref_squeeze %dma_wait3A_337 : memref<1x256xf32, #tpu.memory_space<hbm>> -> memref<256xf32, #tpu.memory_space<hbm>>
    %dma_wait3A_339 = arith.constant 0 : i32
    %dma_wait3A_340 = tpu.memref_slice %arg11[%add3A_4, %dma_wait3A_339] : memref<64x256xf32, #tpu.memory_space<hbm>> -> memref<1x256xf32, #tpu.memory_space<hbm>>
    %dma_wait3A_341 = tpu.memref_squeeze %dma_wait3A_340 : memref<1x256xf32, #tpu.memory_space<hbm>> -> memref<256xf32, #tpu.memory_space<hbm>>
    tpu.wait_dma2 semaphore(%arg42 : memref<!tpu.dma_semaphore, #tpu.memory_space<semaphore_mem>>) src(%dma_wait3A_341 : memref<256xf32, #tpu.memory_space<hbm>>) dst(%arg35 : memref<256xf32, #tpu.memory_space<vmem>>)
    %dma_wait3A_342 = arith.constant 0 : i32
    %dma_wait3A_343 = tpu.memref_slice %arg12[%add3A_4, %dma_wait3A_342] : memref<64x96xf32, #tpu.memory_space<hbm>> -> memref<1x96xf32, #tpu.memory_space<hbm>>
    %dma_wait3A_344 = tpu.memref_squeeze %dma_wait3A_343 : memref<1x96xf32, #tpu.memory_space<hbm>> -> memref<96xf32, #tpu.memory_space<hbm>>
    %dma_wait3A_345 = arith.constant 0 : i32
    %dma_wait3A_346 = tpu.memref_slice %arg12[%add3A_4, %dma_wait3A_345] : memref<64x96xf32, #tpu.memory_space<hbm>> -> memref<1x96xf32, #tpu.memory_space<hbm>>
    %dma_wait3A_347 = tpu.memref_squeeze %dma_wait3A_346 : memref<1x96xf32, #tpu.memory_space<hbm>> -> memref<96xf32, #tpu.memory_space<hbm>>
    tpu.wait_dma2 semaphore(%arg42 : memref<!tpu.dma_semaphore, #tpu.memory_space<semaphore_mem>>) src(%dma_wait3A_347 : memref<96xf32, #tpu.memory_space<hbm>>) dst(%arg36 : memref<96xf32, #tpu.memory_space<vmem>>)
    %get3A_348 = arith.constant 0 : index
    %get3A_349 = tpu.vector_load %arg36[%get3A_348] {strides = array<i32>} : memref<96xf32, #tpu.memory_space<vmem>>, vector<16xf32>,
    %get3A_350 = arith.constant 16 : index
    %get3A_351 = tpu.vector_load %arg36[%get3A_350] {strides = array<i32>} : memref<96xf32, #tpu.memory_space<vmem>>, vector<16xf32>,
    %get3A_352 = arith.constant 32 : index
    %get3A_353 = tpu.vector_load %arg36[%get3A_352] {strides = array<i32>} : memref<96xf32, #tpu.memory_space<vmem>>, vector<16xf32>,
    %get3A_354 = arith.constant 48 : index
    %get3A_355 = tpu.vector_load %arg36[%get3A_354] {strides = array<i32>} : memref<96xf32, #tpu.memory_space<vmem>>, vector<16xf32>,
    %get3A_356 = arith.constant 64 : index
    %get3A_357 = tpu.vector_load %arg36[%get3A_356] {strides = array<i32>} : memref<96xf32, #tpu.memory_space<vmem>>, vector<16xf32>,
    %get3A_358 = arith.constant 80 : index
    %get3A_359 = tpu.vector_load %arg36[%get3A_358] {strides = array<i32>} : memref<96xf32, #tpu.memory_space<vmem>>, vector<16xf32>,
    %add3A_360 = arith.constant 5.000000e-01 : f32
    %add3A_361 = vector.broadcast %add3A_360 : f32 to vector<16xf32>
    %add3A_362 = arith.addf %get3A_351, %add3A_361 : vector<16xf32>
    %add3A_363 = arith.constant 5.000000e-01 : f32
    %add3A_364 = vector.broadcast %add3A_363 : f32 to vector<16xf32>
    %add3A_365 = arith.addf %get3A_355, %add3A_364 : vector<16xf32>
    %div3A_366 = arith.constant 1.000000e+00 : f32
    %div3A_367 = vector.broadcast %div3A_366 : f32 to vector<16xf32>
    %div3A_368 = arith.divf %div3A_367, %add3A_365 : vector<16xf32>
    %add3A_369 = arith.constant 5.000000e-01 : f32
    %add3A_370 = vector.broadcast %add3A_369 : f32 to vector<16xf32>
    %add3A_371 = arith.addf %get3A_359, %add3A_370 : vector<16xf32>
    %div3A_372 = arith.constant 1.000000e+00 : f32
    %div3A_373 = vector.broadcast %div3A_372 : f32 to vector<16xf32>
    %div3A_374 = arith.divf %div3A_373, %add3A_371 : vector<16xf32>
    %mul3A_375 = arith.mulf %add3A_362, %div3A_374 : vector<16xf32>
    %mul3A_376 = arith.constant 6.250000e-02 : f32
    %mul3A_377 = vector.broadcast %mul3A_376 : f32 to vector<16xf32>
    %mul3A_378 = arith.mulf %mul3A_375, %mul3A_377 : vector<16xf32>
    %sub3A_379 = arith.subf %get3A_349, %get3A_357 : vector<16xf32>
    %mul3A_380 = arith.mulf %sub3A_379, %div3A_374 : vector<16xf32>
    %mul3A_381 = arith.mulf %add3A_362, %div3A_374 : vector<16xf32>
    %mul3A_382 = arith.constant 0.00294117653 : f32
    %mul3A_383 = vector.broadcast %mul3A_382 : f32 to vector<16xf32>
    %mul3A_384 = arith.mulf %mul3A_381, %mul3A_383 : vector<16xf32>
    %mul3A_385 = arith.mulf %get3A_357, %div3A_374 : vector<16xf32>
    %sub3A_386 = arith.constant 0.000000e+00 : f32
    %sub3A_387 = vector.broadcast %sub3A_386 : f32 to vector<16xf32>
    %sub3A_388 = arith.subf %sub3A_387, %mul3A_385 : vector<16xf32>
    %mul3A_389 = arith.mulf %add3A_362, %div3A_368 : vector<16xf32>
    %mul3A_390 = arith.constant 2.500000e-01 : f32
    %mul3A_391 = vector.broadcast %mul3A_390 : f32 to vector<16xf32>
    %mul3A_392 = arith.mulf %mul3A_389, %mul3A_391 : vector<16xf32>
    %sub3A_393 = arith.subf %get3A_349, %get3A_353 : vector<16xf32>
    %mul3A_394 = arith.mulf %sub3A_393, %div3A_368 : vector<16xf32>
    %mul3A_395 = arith.mulf %add3A_362, %div3A_368 : vector<16xf32>
    %mul3A_396 = arith.constant 2.000000e-01 : f32
    %mul3A_397 = vector.broadcast %mul3A_396 : f32 to vector<16xf32>
    %mul3A_398 = arith.mulf %mul3A_395, %mul3A_397 : vector<16xf32>
    %mul3A_399 = arith.mulf %get3A_353, %div3A_368 : vector<16xf32>
    %sub3A_400 = arith.constant 0.000000e+00 : f32
    %sub3A_401 = vector.broadcast %sub3A_400 : f32 to vector<16xf32>
    %sub3A_402 = arith.subf %sub3A_401, %mul3A_399 : vector<16xf32>
    %mul3A_403 = arith.constant -5.000000e-02 : f32
    %mul3A_404 = vector.broadcast %mul3A_403 : f32 to vector<16xf32>
    %mul3A_405 = arith.mulf %mul3A_404, %mul3A_378 : vector<16xf32>
    %mul3A_406 = arith.constant -5.000000e-02 : f32
    %mul3A_407 = vector.broadcast %mul3A_406 : f32 to vector<16xf32>
    %mul3A_408 = arith.mulf %mul3A_407, %mul3A_384 : vector<16xf32>
    %mul3A_409 = arith.constant -5.000000e-02 : f32
    %mul3A_410 = vector.broadcast %mul3A_409 : f32 to vector<16xf32>
    %mul3A_411 = arith.mulf %mul3A_410, %mul3A_392 : vector<16xf32>
    %mul3A_412 = arith.constant -5.000000e-02 : f32
    %mul3A_413 = vector.broadcast %mul3A_412 : f32 to vector<16xf32>
    %mul3A_414 = arith.mulf %mul3A_413, %mul3A_398 : vector<16xf32>
    %scan3A_415 = arith.constant 0 : i32
    %scan3A_416 = arith.constant 0 : i32
    %scan3A_417 = arith.constant 16 : i32
    %scan3A_418 = arith.addi %scan3A_416, %scan3A_417 : i32
    %scan3A_419 = arith.constant 1 : i32
    scf.for %scan3A_457 = %scan3A_416 to %scan3A_418 step %scan3A_419  : i32 {
      %iota3A = tpu.iota {dimensions = array<i32: 0>} : vector<16xi32>
      %mul3A_458 = arith.constant 256 : i32
      %mul3A_459 = arith.muli %scan3A_457, %mul3A_458 : i32
      %mul3A_460 = arith.constant 16 : i32
      %mul3A_461 = vector.broadcast %mul3A_460 : i32 to vector<16xi32>
      %mul3A_462 = arith.muli %iota3A, %mul3A_461 : vector<16xi32>
      %add3A_463 = vector.broadcast %mul3A_459 : i32 to vector<16xi32>
      %add3A_464 = arith.addi %add3A_463, %mul3A_462 : vector<16xi32>
      %mul3A_465 = arith.constant 64 : i32
      %mul3A_466 = arith.muli %scan3A_457, %mul3A_465 : i32
      %mul3A_467 = arith.constant 4 : i32
      %mul3A_468 = vector.broadcast %mul3A_467 : i32 to vector<16xi32>
      %mul3A_469 = arith.muli %iota3A, %mul3A_468 : vector<16xi32>
      %add3A_470 = vector.broadcast %mul3A_466 : i32 to vector<16xi32>
      %add3A_471 = arith.addi %add3A_470, %mul3A_469 : vector<16xi32>
      %add3A_472 = arith.constant 0 : i32
      %add3A_473 = vector.broadcast %add3A_472 : i32 to vector<16xi32>
      %add3A_474 = arith.addi %add3A_464, %add3A_473 : vector<16xi32>
      %gather3A = tpu.vector_load_idx %arg26[%add3A_474] : memref<4096xf32, #tpu.memory_space<vmem>>[vector<16xi32>], vector<16xf32>,
      %add3A_475 = arith.constant 1 : i32
      %add3A_476 = vector.broadcast %add3A_475 : i32 to vector<16xi32>
      %add3A_477 = arith.addi %add3A_464, %add3A_476 : vector<16xi32>
      %gather3A_478 = tpu.vector_load_idx %arg26[%add3A_477] : memref<4096xf32, #tpu.memory_space<vmem>>[vector<16xi32>], vector<16xf32>,
      %add3A_479 = arith.constant 2 : i32
      %add3A_480 = vector.broadcast %add3A_479 : i32 to vector<16xi32>
      %add3A_481 = arith.addi %add3A_464, %add3A_480 : vector<16xi32>
      %gather3A_482 = tpu.vector_load_idx %arg26[%add3A_481] : memref<4096xf32, #tpu.memory_space<vmem>>[vector<16xi32>], vector<16xf32>,
      %add3A_483 = arith.constant 3 : i32
      %add3A_484 = vector.broadcast %add3A_483 : i32 to vector<16xi32>
      %add3A_485 = arith.addi %add3A_464, %add3A_484 : vector<16xi32>
      %gather3A_486 = tpu.vector_load_idx %arg26[%add3A_485] : memref<4096xf32, #tpu.memory_space<vmem>>[vector<16xi32>], vector<16xf32>,
      %add3A_487 = arith.constant 4 : i32
      %add3A_488 = vector.broadcast %add3A_487 : i32 to vector<16xi32>
      %add3A_489 = arith.addi %add3A_464, %add3A_488 : vector<16xi32>
      %gather3A_490 = tpu.vector_load_idx %arg26[%add3A_489] : memref<4096xf32, #tpu.memory_space<vmem>>[vector<16xi32>], vector<16xf32>,
      %add3A_491 = arith.constant 5 : i32
      %add3A_492 = vector.broadcast %add3A_491 : i32 to vector<16xi32>
      %add3A_493 = arith.addi %add3A_464, %add3A_492 : vector<16xi32>
      %gather3A_494 = tpu.vector_load_idx %arg26[%add3A_493] : memref<4096xf32, #tpu.memory_space<vmem>>[vector<16xi32>], vector<16xf32>,
      %add3A_495 = arith.constant 6 : i32
      %add3A_496 = vector.broadcast %add3A_495 : i32 to vector<16xi32>
      %add3A_497 = arith.addi %add3A_464, %add3A_496 : vector<16xi32>
      %gather3A_498 = tpu.vector_load_idx %arg26[%add3A_497] : memref<4096xf32, #tpu.memory_space<vmem>>[vector<16xi32>], vector<16xf32>,
      %add3A_499 = arith.constant 7 : i32
      %add3A_500 = vector.broadcast %add3A_499 : i32 to vector<16xi32>
      %add3A_501 = arith.addi %add3A_464, %add3A_500 : vector<16xi32>
      %gather3A_502 = tpu.vector_load_idx %arg26[%add3A_501] : memref<4096xf32, #tpu.memory_space<vmem>>[vector<16xi32>], vector<16xf32>,
      %add3A_503 = arith.constant 8 : i32
      %add3A_504 = vector.broadcast %add3A_503 : i32 to vector<16xi32>
      %add3A_505 = arith.addi %add3A_464, %add3A_504 : vector<16xi32>
      %gather3A_506 = tpu.vector_load_idx %arg26[%add3A_505] : memref<4096xf32, #tpu.memory_space<vmem>>[vector<16xi32>], vector<16xf32>,
      %add3A_507 = arith.constant 9 : i32
      %add3A_508 = vector.broadcast %add3A_507 : i32 to vector<16xi32>
      %add3A_509 = arith.addi %add3A_464, %add3A_508 : vector<16xi32>
      %gather3A_510 = tpu.vector_load_idx %arg26[%add3A_509] : memref<4096xf32, #tpu.memory_space<vmem>>[vector<16xi32>], vector<16xf32>,
      %add3A_511 = arith.constant 10 : i32
      %add3A_512 = vector.broadcast %add3A_511 : i32 to vector<16xi32>
      %add3A_513 = arith.addi %add3A_464, %add3A_512 : vector<16xi32>
      %gather3A_514 = tpu.vector_load_idx %arg26[%add3A_513] : memref<4096xf32, #tpu.memory_space<vmem>>[vector<16xi32>], vector<16xf32>,
      %add3A_515 = arith.constant 11 : i32
      %add3A_516 = vector.broadcast %add3A_515 : i32 to vector<16xi32>
      %add3A_517 = arith.addi %add3A_464, %add3A_516 : vector<16xi32>
      %gather3A_518 = tpu.vector_load_idx %arg26[%add3A_517] : memref<4096xf32, #tpu.memory_space<vmem>>[vector<16xi32>], vector<16xf32>,
      %add3A_519 = arith.constant 12 : i32
      %add3A_520 = vector.broadcast %add3A_519 : i32 to vector<16xi32>
      %add3A_521 = arith.addi %add3A_464, %add3A_520 : vector<16xi32>
      %gather3A_522 = tpu.vector_load_idx %arg26[%add3A_521] : memref<4096xf32, #tpu.memory_space<vmem>>[vector<16xi32>], vector<16xf32>,
      %add3A_523 = arith.constant 13 : i32
      %add3A_524 = vector.broadcast %add3A_523 : i32 to vector<16xi32>
      %add3A_525 = arith.addi %add3A_464, %add3A_524 : vector<16xi32>
      %gather3A_526 = tpu.vector_load_idx %arg26[%add3A_525] : memref<4096xf32, #tpu.memory_space<vmem>>[vector<16xi32>], vector<16xf32>,
      %add3A_527 = arith.constant 14 : i32
      %add3A_528 = vector.broadcast %add3A_527 : i32 to vector<16xi32>
      %add3A_529 = arith.addi %add3A_464, %add3A_528 : vector<16xi32>
      %gather3A_530 = tpu.vector_load_idx %arg26[%add3A_529] : memref<4096xf32, #tpu.memory_space<vmem>>[vector<16xi32>], vector<16xf32>,
      %add3A_531 = arith.constant 15 : i32
      %add3A_532 = vector.broadcast %add3A_531 : i32 to vector<16xi32>
      %add3A_533 = arith.addi %add3A_464, %add3A_532 : vector<16xi32>
      %gather3A_534 = tpu.vector_load_idx %arg26[%add3A_533] : memref<4096xf32, #tpu.memory_space<vmem>>[vector<16xi32>], vector<16xf32>,
      %add3A_535 = arith.constant 0 : i32
      %add3A_536 = vector.broadcast %add3A_535 : i32 to vector<16xi32>
      %add3A_537 = arith.addi %add3A_464, %add3A_536 : vector<16xi32>
      %gather3A_538 = tpu.vector_load_idx %arg27[%add3A_537] : memref<4096xf32, #tpu.memory_space<vmem>>[vector<16xi32>], vector<16xf32>,
      %abs3A = math.absf %gather3A_538 : vector<16xf32>
      %add3A_539 = arith.constant 5.000000e-01 : f32
      %add3A_540 = vector.broadcast %add3A_539 : f32 to vector<16xf32>
      %add3A_541 = arith.addf %abs3A, %add3A_540 : vector<16xf32>
      %add3A_542 = arith.constant 0 : i32
      %add3A_543 = vector.broadcast %add3A_542 : i32 to vector<16xi32>
      %add3A_544 = arith.addi %add3A_464, %add3A_543 : vector<16xi32>
      tpu.vector_store_idx %arg40[%add3A_544], %add3A_541 : memref<4096xf32, #tpu.memory_space<vmem>>[vector<16xi32>], vector<16xf32>,
      %mul3A_545 = arith.mulf %add3A_541, %add3A_541 : vector<16xf32>
      %div3A_546 = arith.constant 5.000000e-02 : f32
      %div3A_547 = vector.broadcast %div3A_546 : f32 to vector<16xf32>
      %div3A_548 = arith.divf %div3A_547, %mul3A_545 : vector<16xf32>
      %sub3A_549 = arith.constant 1.000000e+00 : f32
      %sub3A_550 = vector.broadcast %sub3A_549 : f32 to vector<16xf32>
      %sub3A_551 = arith.subf %sub3A_550, %div3A_548 : vector<16xf32>
      %add3A_552 = arith.constant 1 : i32
      %add3A_553 = vector.broadcast %add3A_552 : i32 to vector<16xi32>
      %add3A_554 = arith.addi %add3A_464, %add3A_553 : vector<16xi32>
      %gather3A_555 = tpu.vector_load_idx %arg27[%add3A_554] : memref<4096xf32, #tpu.memory_space<vmem>>[vector<16xi32>], vector<16xf32>,
      %abs3A_556 = math.absf %gather3A_555 : vector<16xf32>
      %add3A_557 = arith.constant 5.000000e-01 : f32
      %add3A_558 = vector.broadcast %add3A_557 : f32 to vector<16xf32>
      %add3A_559 = arith.addf %abs3A_556, %add3A_558 : vector<16xf32>
      %add3A_560 = arith.constant 1 : i32
      %add3A_561 = vector.broadcast %add3A_560 : i32 to vector<16xi32>
      %add3A_562 = arith.addi %add3A_464, %add3A_561 : vector<16xi32>
      tpu.vector_store_idx %arg40[%add3A_562], %add3A_559 : memref<4096xf32, #tpu.memory_space<vmem>>[vector<16xi32>], vector<16xf32>,
      %mul3A_563 = arith.mulf %add3A_559, %add3A_559 : vector<16xf32>
      %div3A_564 = arith.constant 5.000000e-02 : f32
      %div3A_565 = vector.broadcast %div3A_564 : f32 to vector<16xf32>
      %div3A_566 = arith.divf %div3A_565, %mul3A_563 : vector<16xf32>
      %sub3A_567 = arith.constant 1.000000e+00 : f32
      %sub3A_568 = vector.broadcast %sub3A_567 : f32 to vector<16xf32>
      %sub3A_569 = arith.subf %sub3A_568, %div3A_566 : vector<16xf32>
      %add3A_570 = arith.constant 2 : i32
      %add3A_571 = vector.broadcast %add3A_570 : i32 to vector<16xi32>
      %add3A_572 = arith.addi %add3A_464, %add3A_571 : vector<16xi32>
      %gather3A_573 = tpu.vector_load_idx %arg27[%add3A_572] : memref<4096xf32, #tpu.memory_space<vmem>>[vector<16xi32>], vector<16xf32>,
      %abs3A_574 = math.absf %gather3A_573 : vector<16xf32>
      %add3A_575 = arith.constant 5.000000e-01 : f32
      %add3A_576 = vector.broadcast %add3A_575 : f32 to vector<16xf32>
      %add3A_577 = arith.addf %abs3A_574, %add3A_576 : vector<16xf32>
      %add3A_578 = arith.constant 2 : i32
      %add3A_579 = vector.broadcast %add3A_578 : i32 to vector<16xi32>
      %add3A_580 = arith.addi %add3A_464, %add3A_579 : vector<16xi32>
      tpu.vector_store_idx %arg40[%add3A_580], %add3A_577 : memref<4096xf32, #tpu.memory_space<vmem>>[vector<16xi32>], vector<16xf32>,
      %mul3A_581 = arith.mulf %add3A_577, %add3A_577 : vector<16xf32>
      %div3A_582 = arith.constant 5.000000e-02 : f32
      %div3A_583 = vector.broadcast %div3A_582 : f32 to vector<16xf32>
      %div3A_584 = arith.divf %div3A_583, %mul3A_581 : vector<16xf32>
      %sub3A_585 = arith.constant 1.000000e+00 : f32
      %sub3A_586 = vector.broadcast %sub3A_585 : f32 to vector<16xf32>
      %sub3A_587 = arith.subf %sub3A_586, %div3A_584 : vector<16xf32>
      %add3A_588 = arith.constant 3 : i32
      %add3A_589 = vector.broadcast %add3A_588 : i32 to vector<16xi32>
      %add3A_590 = arith.addi %add3A_464, %add3A_589 : vector<16xi32>
      %gather3A_591 = tpu.vector_load_idx %arg27[%add3A_590] : memref<4096xf32, #tpu.memory_space<vmem>>[vector<16xi32>], vector<16xf32>,
      %abs3A_592 = math.absf %gather3A_591 : vector<16xf32>
      %add3A_593 = arith.constant 5.000000e-01 : f32
      %add3A_594 = vector.broadcast %add3A_593 : f32 to vector<16xf32>
      %add3A_595 = arith.addf %abs3A_592, %add3A_594 : vector<16xf32>
      %add3A_596 = arith.constant 3 : i32
      %add3A_597 = vector.broadcast %add3A_596 : i32 to vector<16xi32>
      %add3A_598 = arith.addi %add3A_464, %add3A_597 : vector<16xi32>
      tpu.vector_store_idx %arg40[%add3A_598], %add3A_595 : memref<4096xf32, #tpu.memory_space<vmem>>[vector<16xi32>], vector<16xf32>,
      %mul3A_599 = arith.mulf %add3A_595, %add3A_595 : vector<16xf32>
      %div3A_600 = arith.constant 5.000000e-02 : f32
      %div3A_601 = vector.broadcast %div3A_600 : f32 to vector<16xf32>
      %div3A_602 = arith.divf %div3A_601, %mul3A_599 : vector<16xf32>
      %sub3A_603 = arith.constant 1.000000e+00 : f32
      %sub3A_604 = vector.broadcast %sub3A_603 : f32 to vector<16xf32>
      %sub3A_605 = arith.subf %sub3A_604, %div3A_602 : vector<16xf32>
      %add3A_606 = arith.constant 4 : i32
      %add3A_607 = vector.broadcast %add3A_606 : i32 to vector<16xi32>
      %add3A_608 = arith.addi %add3A_464, %add3A_607 : vector<16xi32>
      %gather3A_609 = tpu.vector_load_idx %arg27[%add3A_608] : memref<4096xf32, #tpu.memory_space<vmem>>[vector<16xi32>], vector<16xf32>,
      %abs3A_610 = math.absf %gather3A_609 : vector<16xf32>
      %add3A_611 = arith.constant 5.000000e-01 : f32
      %add3A_612 = vector.broadcast %add3A_611 : f32 to vector<16xf32>
      %add3A_613 = arith.addf %abs3A_610, %add3A_612 : vector<16xf32>
      %add3A_614 = arith.constant 4 : i32
      %add3A_615 = vector.broadcast %add3A_614 : i32 to vector<16xi32>
      %add3A_616 = arith.addi %add3A_464, %add3A_615 : vector<16xi32>
      tpu.vector_store_idx %arg40[%add3A_616], %add3A_613 : memref<4096xf32, #tpu.memory_space<vmem>>[vector<16xi32>], vector<16xf32>,
      %mul3A_617 = arith.mulf %add3A_613, %add3A_613 : vector<16xf32>
      %div3A_618 = arith.constant 5.000000e-02 : f32
      %div3A_619 = vector.broadcast %div3A_618 : f32 to vector<16xf32>
      %div3A_620 = arith.divf %div3A_619, %mul3A_617 : vector<16xf32>
      %sub3A_621 = arith.constant 1.000000e+00 : f32
      %sub3A_622 = vector.broadcast %sub3A_621 : f32 to vector<16xf32>
      %sub3A_623 = arith.subf %sub3A_622, %div3A_620 : vector<16xf32>
      %add3A_624 = arith.constant 5 : i32
      %add3A_625 = vector.broadcast %add3A_624 : i32 to vector<16xi32>
      %add3A_626 = arith.addi %add3A_464, %add3A_625 : vector<16xi32>
      %gather3A_627 = tpu.vector_load_idx %arg27[%add3A_626] : memref<4096xf32, #tpu.memory_space<vmem>>[vector<16xi32>], vector<16xf32>,
      %abs3A_628 = math.absf %gather3A_627 : vector<16xf32>
      %add3A_629 = arith.constant 5.000000e-01 : f32
      %add3A_630 = vector.broadcast %add3A_629 : f32 to vector<16xf32>
      %add3A_631 = arith.addf %abs3A_628, %add3A_630 : vector<16xf32>
      %add3A_632 = arith.constant 5 : i32
      %add3A_633 = vector.broadcast %add3A_632 : i32 to vector<16xi32>
      %add3A_634 = arith.addi %add3A_464, %add3A_633 : vector<16xi32>
      tpu.vector_store_idx %arg40[%add3A_634], %add3A_631 : memref<4096xf32, #tpu.memory_space<vmem>>[vector<16xi32>], vector<16xf32>,
      %mul3A_635 = arith.mulf %add3A_631, %add3A_631 : vector<16xf32>
      %div3A_636 = arith.constant 5.000000e-02 : f32
      %div3A_637 = vector.broadcast %div3A_636 : f32 to vector<16xf32>
      %div3A_638 = arith.divf %div3A_637, %mul3A_635 : vector<16xf32>
      %sub3A_639 = arith.constant 1.000000e+00 : f32
      %sub3A_640 = vector.broadcast %sub3A_639 : f32 to vector<16xf32>
      %sub3A_641 = arith.subf %sub3A_640, %div3A_638 : vector<16xf32>
      %add3A_642 = arith.constant 6 : i32
      %add3A_643 = vector.broadcast %add3A_642 : i32 to vector<16xi32>
      %add3A_644 = arith.addi %add3A_464, %add3A_643 : vector<16xi32>
      %gather3A_645 = tpu.vector_load_idx %arg27[%add3A_644] : memref<4096xf32, #tpu.memory_space<vmem>>[vector<16xi32>], vector<16xf32>,
      %abs3A_646 = math.absf %gather3A_645 : vector<16xf32>
      %add3A_647 = arith.constant 5.000000e-01 : f32
      %add3A_648 = vector.broadcast %add3A_647 : f32 to vector<16xf32>
      %add3A_649 = arith.addf %abs3A_646, %add3A_648 : vector<16xf32>
      %add3A_650 = arith.constant 6 : i32
      %add3A_651 = vector.broadcast %add3A_650 : i32 to vector<16xi32>
      %add3A_652 = arith.addi %add3A_464, %add3A_651 : vector<16xi32>
      tpu.vector_store_idx %arg40[%add3A_652], %add3A_649 : memref<4096xf32, #tpu.memory_space<vmem>>[vector<16xi32>], vector<16xf32>,
      %mul3A_653 = arith.mulf %add3A_649, %add3A_649 : vector<16xf32>
      %div3A_654 = arith.constant 5.000000e-02 : f32
      %div3A_655 = vector.broadcast %div3A_654 : f32 to vector<16xf32>
      %div3A_656 = arith.divf %div3A_655, %mul3A_653 : vector<16xf32>
      %sub3A_657 = arith.constant 1.000000e+00 : f32
      %sub3A_658 = vector.broadcast %sub3A_657 : f32 to vector<16xf32>
      %sub3A_659 = arith.subf %sub3A_658, %div3A_656 : vector<16xf32>
      %add3A_660 = arith.constant 7 : i32
      %add3A_661 = vector.broadcast %add3A_660 : i32 to vector<16xi32>
      %add3A_662 = arith.addi %add3A_464, %add3A_661 : vector<16xi32>
      %gather3A_663 = tpu.vector_load_idx %arg27[%add3A_662] : memref<4096xf32, #tpu.memory_space<vmem>>[vector<16xi32>], vector<16xf32>,
      %abs3A_664 = math.absf %gather3A_663 : vector<16xf32>
      %add3A_665 = arith.constant 5.000000e-01 : f32
      %add3A_666 = vector.broadcast %add3A_665 : f32 to vector<16xf32>
      %add3A_667 = arith.addf %abs3A_664, %add3A_666 : vector<16xf32>
      %add3A_668 = arith.constant 7 : i32
      %add3A_669 = vector.broadcast %add3A_668 : i32 to vector<16xi32>
      %add3A_670 = arith.addi %add3A_464, %add3A_669 : vector<16xi32>
      tpu.vector_store_idx %arg40[%add3A_670], %add3A_667 : memref<4096xf32, #tpu.memory_space<vmem>>[vector<16xi32>], vector<16xf32>,
      %mul3A_671 = arith.mulf %add3A_667, %add3A_667 : vector<16xf32>
      %div3A_672 = arith.constant 5.000000e-02 : f32
      %div3A_673 = vector.broadcast %div3A_672 : f32 to vector<16xf32>
      %div3A_674 = arith.divf %div3A_673, %mul3A_671 : vector<16xf32>
      %sub3A_675 = arith.constant 1.000000e+00 : f32
      %sub3A_676 = vector.broadcast %sub3A_675 : f32 to vector<16xf32>
      %sub3A_677 = arith.subf %sub3A_676, %div3A_674 : vector<16xf32>
      %add3A_678 = arith.constant 8 : i32
      %add3A_679 = vector.broadcast %add3A_678 : i32 to vector<16xi32>
      %add3A_680 = arith.addi %add3A_464, %add3A_679 : vector<16xi32>
      %gather3A_681 = tpu.vector_load_idx %arg27[%add3A_680] : memref<4096xf32, #tpu.memory_space<vmem>>[vector<16xi32>], vector<16xf32>,
      %abs3A_682 = math.absf %gather3A_681 : vector<16xf32>
      %add3A_683 = arith.constant 5.000000e-01 : f32
      %add3A_684 = vector.broadcast %add3A_683 : f32 to vector<16xf32>
      %add3A_685 = arith.addf %abs3A_682, %add3A_684 : vector<16xf32>
      %add3A_686 = arith.constant 8 : i32
      %add3A_687 = vector.broadcast %add3A_686 : i32 to vector<16xi32>
      %add3A_688 = arith.addi %add3A_464, %add3A_687 : vector<16xi32>
      tpu.vector_store_idx %arg40[%add3A_688], %add3A_685 : memref<4096xf32, #tpu.memory_space<vmem>>[vector<16xi32>], vector<16xf32>,
      %mul3A_689 = arith.mulf %add3A_685, %add3A_685 : vector<16xf32>
      %div3A_690 = arith.constant 5.000000e-02 : f32
      %div3A_691 = vector.broadcast %div3A_690 : f32 to vector<16xf32>
      %div3A_692 = arith.divf %div3A_691, %mul3A_689 : vector<16xf32>
      %sub3A_693 = arith.constant 1.000000e+00 : f32
      %sub3A_694 = vector.broadcast %sub3A_693 : f32 to vector<16xf32>
      %sub3A_695 = arith.subf %sub3A_694, %div3A_692 : vector<16xf32>
      %add3A_696 = arith.constant 9 : i32
      %add3A_697 = vector.broadcast %add3A_696 : i32 to vector<16xi32>
      %add3A_698 = arith.addi %add3A_464, %add3A_697 : vector<16xi32>
      %gather3A_699 = tpu.vector_load_idx %arg27[%add3A_698] : memref<4096xf32, #tpu.memory_space<vmem>>[vector<16xi32>], vector<16xf32>,
      %abs3A_700 = math.absf %gather3A_699 : vector<16xf32>
      %add3A_701 = arith.constant 5.000000e-01 : f32
      %add3A_702 = vector.broadcast %add3A_701 : f32 to vector<16xf32>
      %add3A_703 = arith.addf %abs3A_700, %add3A_702 : vector<16xf32>
      %add3A_704 = arith.constant 9 : i32
      %add3A_705 = vector.broadcast %add3A_704 : i32 to vector<16xi32>
      %add3A_706 = arith.addi %add3A_464, %add3A_705 : vector<16xi32>
      tpu.vector_store_idx %arg40[%add3A_706], %add3A_703 : memref<4096xf32, #tpu.memory_space<vmem>>[vector<16xi32>], vector<16xf32>,
      %mul3A_707 = arith.mulf %add3A_703, %add3A_703 : vector<16xf32>
      %div3A_708 = arith.constant 5.000000e-02 : f32
      %div3A_709 = vector.broadcast %div3A_708 : f32 to vector<16xf32>
      %div3A_710 = arith.divf %div3A_709, %mul3A_707 : vector<16xf32>
      %sub3A_711 = arith.constant 1.000000e+00 : f32
      %sub3A_712 = vector.broadcast %sub3A_711 : f32 to vector<16xf32>
      %sub3A_713 = arith.subf %sub3A_712, %div3A_710 : vector<16xf32>
      %add3A_714 = arith.constant 10 : i32
      %add3A_715 = vector.broadcast %add3A_714 : i32 to vector<16xi32>
      %add3A_716 = arith.addi %add3A_464, %add3A_715 : vector<16xi32>
      %gather3A_717 = tpu.vector_load_idx %arg27[%add3A_716] : memref<4096xf32, #tpu.memory_space<vmem>>[vector<16xi32>], vector<16xf32>,
      %abs3A_718 = math.absf %gather3A_717 : vector<16xf32>
      %add3A_719 = arith.constant 5.000000e-01 : f32
      %add3A_720 = vector.broadcast %add3A_719 : f32 to vector<16xf32>
      %add3A_721 = arith.addf %abs3A_718, %add3A_720 : vector<16xf32>
      %add3A_722 = arith.constant 10 : i32
      %add3A_723 = vector.broadcast %add3A_722 : i32 to vector<16xi32>
      %add3A_724 = arith.addi %add3A_464, %add3A_723 : vector<16xi32>
      tpu.vector_store_idx %arg40[%add3A_724], %add3A_721 : memref<4096xf32, #tpu.memory_space<vmem>>[vector<16xi32>], vector<16xf32>,
      %mul3A_725 = arith.mulf %add3A_721, %add3A_721 : vector<16xf32>
      %div3A_726 = arith.constant 5.000000e-02 : f32
      %div3A_727 = vector.broadcast %div3A_726 : f32 to vector<16xf32>
      %div3A_728 = arith.divf %div3A_727, %mul3A_725 : vector<16xf32>
      %sub3A_729 = arith.constant 1.000000e+00 : f32
      %sub3A_730 = vector.broadcast %sub3A_729 : f32 to vector<16xf32>
      %sub3A_731 = arith.subf %sub3A_730, %div3A_728 : vector<16xf32>
      %add3A_732 = arith.constant 11 : i32
      %add3A_733 = vector.broadcast %add3A_732 : i32 to vector<16xi32>
      %add3A_734 = arith.addi %add3A_464, %add3A_733 : vector<16xi32>
      %gather3A_735 = tpu.vector_load_idx %arg27[%add3A_734] : memref<4096xf32, #tpu.memory_space<vmem>>[vector<16xi32>], vector<16xf32>,
      %abs3A_736 = math.absf %gather3A_735 : vector<16xf32>
      %add3A_737 = arith.constant 5.000000e-01 : f32
      %add3A_738 = vector.broadcast %add3A_737 : f32 to vector<16xf32>
      %add3A_739 = arith.addf %abs3A_736, %add3A_738 : vector<16xf32>
      %add3A_740 = arith.constant 11 : i32
      %add3A_741 = vector.broadcast %add3A_740 : i32 to vector<16xi32>
      %add3A_742 = arith.addi %add3A_464, %add3A_741 : vector<16xi32>
      tpu.vector_store_idx %arg40[%add3A_742], %add3A_739 : memref<4096xf32, #tpu.memory_space<vmem>>[vector<16xi32>], vector<16xf32>,
      %mul3A_743 = arith.mulf %add3A_739, %add3A_739 : vector<16xf32>
      %div3A_744 = arith.constant 5.000000e-02 : f32
      %div3A_745 = vector.broadcast %div3A_744 : f32 to vector<16xf32>
      %div3A_746 = arith.divf %div3A_745, %mul3A_743 : vector<16xf32>
      %sub3A_747 = arith.constant 1.000000e+00 : f32
      %sub3A_748 = vector.broadcast %sub3A_747 : f32 to vector<16xf32>
      %sub3A_749 = arith.subf %sub3A_748, %div3A_746 : vector<16xf32>
      %add3A_750 = arith.constant 12 : i32
      %add3A_751 = vector.broadcast %add3A_750 : i32 to vector<16xi32>
      %add3A_752 = arith.addi %add3A_464, %add3A_751 : vector<16xi32>
      %gather3A_753 = tpu.vector_load_idx %arg27[%add3A_752] : memref<4096xf32, #tpu.memory_space<vmem>>[vector<16xi32>], vector<16xf32>,
      %abs3A_754 = math.absf %gather3A_753 : vector<16xf32>
      %add3A_755 = arith.constant 5.000000e-01 : f32
      %add3A_756 = vector.broadcast %add3A_755 : f32 to vector<16xf32>
      %add3A_757 = arith.addf %abs3A_754, %add3A_756 : vector<16xf32>
      %add3A_758 = arith.constant 12 : i32
      %add3A_759 = vector.broadcast %add3A_758 : i32 to vector<16xi32>
      %add3A_760 = arith.addi %add3A_464, %add3A_759 : vector<16xi32>
      tpu.vector_store_idx %arg40[%add3A_760], %add3A_757 : memref<4096xf32, #tpu.memory_space<vmem>>[vector<16xi32>], vector<16xf32>,
      %mul3A_761 = arith.mulf %add3A_757, %add3A_757 : vector<16xf32>
      %div3A_762 = arith.constant 5.000000e-02 : f32
      %div3A_763 = vector.broadcast %div3A_762 : f32 to vector<16xf32>
      %div3A_764 = arith.divf %div3A_763, %mul3A_761 : vector<16xf32>
      %sub3A_765 = arith.constant 1.000000e+00 : f32
      %sub3A_766 = vector.broadcast %sub3A_765 : f32 to vector<16xf32>
      %sub3A_767 = arith.subf %sub3A_766, %div3A_764 : vector<16xf32>
      %add3A_768 = arith.constant 13 : i32
      %add3A_769 = vector.broadcast %add3A_768 : i32 to vector<16xi32>
      %add3A_770 = arith.addi %add3A_464, %add3A_769 : vector<16xi32>
      %gather3A_771 = tpu.vector_load_idx %arg27[%add3A_770] : memref<4096xf32, #tpu.memory_space<vmem>>[vector<16xi32>], vector<16xf32>,
      %abs3A_772 = math.absf %gather3A_771 : vector<16xf32>
      %add3A_773 = arith.constant 5.000000e-01 : f32
      %add3A_774 = vector.broadcast %add3A_773 : f32 to vector<16xf32>
      %add3A_775 = arith.addf %abs3A_772, %add3A_774 : vector<16xf32>
      %add3A_776 = arith.constant 13 : i32
      %add3A_777 = vector.broadcast %add3A_776 : i32 to vector<16xi32>
      %add3A_778 = arith.addi %add3A_464, %add3A_777 : vector<16xi32>
      tpu.vector_store_idx %arg40[%add3A_778], %add3A_775 : memref<4096xf32, #tpu.memory_space<vmem>>[vector<16xi32>], vector<16xf32>,
      %mul3A_779 = arith.mulf %add3A_775, %add3A_775 : vector<16xf32>
      %div3A_780 = arith.constant 5.000000e-02 : f32
      %div3A_781 = vector.broadcast %div3A_780 : f32 to vector<16xf32>
      %div3A_782 = arith.divf %div3A_781, %mul3A_779 : vector<16xf32>
      %sub3A_783 = arith.constant 1.000000e+00 : f32
      %sub3A_784 = vector.broadcast %sub3A_783 : f32 to vector<16xf32>
      %sub3A_785 = arith.subf %sub3A_784, %div3A_782 : vector<16xf32>
      %add3A_786 = arith.constant 14 : i32
      %add3A_787 = vector.broadcast %add3A_786 : i32 to vector<16xi32>
      %add3A_788 = arith.addi %add3A_464, %add3A_787 : vector<16xi32>
      %gather3A_789 = tpu.vector_load_idx %arg27[%add3A_788] : memref<4096xf32, #tpu.memory_space<vmem>>[vector<16xi32>], vector<16xf32>,
      %abs3A_790 = math.absf %gather3A_789 : vector<16xf32>
      %add3A_791 = arith.constant 5.000000e-01 : f32
      %add3A_792 = vector.broadcast %add3A_791 : f32 to vector<16xf32>
      %add3A_793 = arith.addf %abs3A_790, %add3A_792 : vector<16xf32>
      %add3A_794 = arith.constant 14 : i32
      %add3A_795 = vector.broadcast %add3A_794 : i32 to vector<16xi32>
      %add3A_796 = arith.addi %add3A_464, %add3A_795 : vector<16xi32>
      tpu.vector_store_idx %arg40[%add3A_796], %add3A_793 : memref<4096xf32, #tpu.memory_space<vmem>>[vector<16xi32>], vector<16xf32>,
      %mul3A_797 = arith.mulf %add3A_793, %add3A_793 : vector<16xf32>
      %div3A_798 = arith.constant 5.000000e-02 : f32
      %div3A_799 = vector.broadcast %div3A_798 : f32 to vector<16xf32>
      %div3A_800 = arith.divf %div3A_799, %mul3A_797 : vector<16xf32>
      %sub3A_801 = arith.constant 1.000000e+00 : f32
      %sub3A_802 = vector.broadcast %sub3A_801 : f32 to vector<16xf32>
      %sub3A_803 = arith.subf %sub3A_802, %div3A_800 : vector<16xf32>
      %add3A_804 = arith.constant 15 : i32
      %add3A_805 = vector.broadcast %add3A_804 : i32 to vector<16xi32>
      %add3A_806 = arith.addi %add3A_464, %add3A_805 : vector<16xi32>
      %gather3A_807 = tpu.vector_load_idx %arg27[%add3A_806] : memref<4096xf32, #tpu.memory_space<vmem>>[vector<16xi32>], vector<16xf32>,
      %abs3A_808 = math.absf %gather3A_807 : vector<16xf32>
      %add3A_809 = arith.constant 5.000000e-01 : f32
      %add3A_810 = vector.broadcast %add3A_809 : f32 to vector<16xf32>
      %add3A_811 = arith.addf %abs3A_808, %add3A_810 : vector<16xf32>
      %add3A_812 = arith.constant 15 : i32
      %add3A_813 = vector.broadcast %add3A_812 : i32 to vector<16xi32>
      %add3A_814 = arith.addi %add3A_464, %add3A_813 : vector<16xi32>
      tpu.vector_store_idx %arg40[%add3A_814], %add3A_811 : memref<4096xf32, #tpu.memory_space<vmem>>[vector<16xi32>], vector<16xf32>,
      %mul3A_815 = arith.mulf %add3A_811, %add3A_811 : vector<16xf32>
      %div3A_816 = arith.constant 5.000000e-02 : f32
      %div3A_817 = vector.broadcast %div3A_816 : f32 to vector<16xf32>
      %div3A_818 = arith.divf %div3A_817, %mul3A_815 : vector<16xf32>
      %sub3A_819 = arith.constant 1.000000e+00 : f32
      %sub3A_820 = vector.broadcast %sub3A_819 : f32 to vector<16xf32>
      %sub3A_821 = arith.subf %sub3A_820, %div3A_818 : vector<16xf32>
      %add3A_822 = arith.addf %gather3A, %gather3A_478 : vector<16xf32>
      %add3A_823 = arith.addf %add3A_822, %gather3A_482 : vector<16xf32>
      %add3A_824 = arith.addf %add3A_823, %gather3A_486 : vector<16xf32>
      %add3A_825 = arith.addf %gather3A_490, %gather3A_494 : vector<16xf32>
      %add3A_826 = arith.addf %add3A_825, %gather3A_498 : vector<16xf32>
      %add3A_827 = arith.addf %add3A_826, %gather3A_502 : vector<16xf32>
      %add3A_828 = arith.addf %gather3A_506, %gather3A_510 : vector<16xf32>
      %add3A_829 = arith.addf %add3A_828, %gather3A_514 : vector<16xf32>
      %add3A_830 = arith.addf %add3A_829, %gather3A_518 : vector<16xf32>
      %add3A_831 = arith.addf %gather3A_522, %gather3A_526 : vector<16xf32>
      %add3A_832 = arith.addf %add3A_831, %gather3A_530 : vector<16xf32>
      %add3A_833 = arith.addf %add3A_832, %gather3A_534 : vector<16xf32>
      %add3A_834 = arith.addf %add3A_824, %add3A_827 : vector<16xf32>
      %add3A_835 = arith.addf %add3A_830, %add3A_833 : vector<16xf32>
      %add3A_836 = arith.addf %add3A_834, %add3A_835 : vector<16xf32>
      %sub3A_837 = arith.subf %gather3A_486, %gather3A : vector<16xf32>
      %mul3A_838 = arith.constant 1.500000e+00 : f32
      %mul3A_839 = vector.broadcast %mul3A_838 : f32 to vector<16xf32>
      %mul3A_840 = arith.mulf %mul3A_839, %sub3A_837 : vector<16xf32>
      %sub3A_841 = arith.subf %gather3A_482, %gather3A_478 : vector<16xf32>
      %mul3A_842 = arith.constant 5.000000e-01 : f32
      %mul3A_843 = vector.broadcast %mul3A_842 : f32 to vector<16xf32>
      %mul3A_844 = arith.mulf %mul3A_843, %sub3A_841 : vector<16xf32>
      %add3A_845 = arith.addf %mul3A_840, %mul3A_844 : vector<16xf32>
      %sub3A_846 = arith.subf %gather3A_502, %gather3A_490 : vector<16xf32>
      %mul3A_847 = arith.constant 1.500000e+00 : f32
      %mul3A_848 = vector.broadcast %mul3A_847 : f32 to vector<16xf32>
      %mul3A_849 = arith.mulf %mul3A_848, %sub3A_846 : vector<16xf32>
      %sub3A_850 = arith.subf %gather3A_498, %gather3A_494 : vector<16xf32>
      %mul3A_851 = arith.constant 5.000000e-01 : f32
      %mul3A_852 = vector.broadcast %mul3A_851 : f32 to vector<16xf32>
      %mul3A_853 = arith.mulf %mul3A_852, %sub3A_850 : vector<16xf32>
      %add3A_854 = arith.addf %mul3A_849, %mul3A_853 : vector<16xf32>
      %sub3A_855 = arith.subf %gather3A_518, %gather3A_506 : vector<16xf32>
      %mul3A_856 = arith.constant 1.500000e+00 : f32
      %mul3A_857 = vector.broadcast %mul3A_856 : f32 to vector<16xf32>
      %mul3A_858 = arith.mulf %mul3A_857, %sub3A_855 : vector<16xf32>
      %sub3A_859 = arith.subf %gather3A_514, %gather3A_510 : vector<16xf32>
      %mul3A_860 = arith.constant 5.000000e-01 : f32
      %mul3A_861 = vector.broadcast %mul3A_860 : f32 to vector<16xf32>
      %mul3A_862 = arith.mulf %mul3A_861, %sub3A_859 : vector<16xf32>
      %add3A_863 = arith.addf %mul3A_858, %mul3A_862 : vector<16xf32>
      %sub3A_864 = arith.subf %gather3A_534, %gather3A_522 : vector<16xf32>
      %mul3A_865 = arith.constant 1.500000e+00 : f32
      %mul3A_866 = vector.broadcast %mul3A_865 : f32 to vector<16xf32>
      %mul3A_867 = arith.mulf %mul3A_866, %sub3A_864 : vector<16xf32>
      %sub3A_868 = arith.subf %gather3A_530, %gather3A_526 : vector<16xf32>
      %mul3A_869 = arith.constant 5.000000e-01 : f32
      %mul3A_870 = vector.broadcast %mul3A_869 : f32 to vector<16xf32>
      %mul3A_871 = arith.mulf %mul3A_870, %sub3A_868 : vector<16xf32>
      %add3A_872 = arith.addf %mul3A_867, %mul3A_871 : vector<16xf32>
      %add3A_873 = arith.addf %add3A_845, %add3A_854 : vector<16xf32>
      %add3A_874 = arith.addf %add3A_863, %add3A_872 : vector<16xf32>
      %add3A_875 = arith.addf %add3A_873, %add3A_874 : vector<16xf32>
      %mul3A_876 = arith.constant -6.000000e+00 : f32
      %mul3A_877 = vector.broadcast %mul3A_876 : f32 to vector<16xf32>
      %mul3A_878 = arith.mulf %mul3A_877, %add3A_824 : vector<16xf32>
      %mul3A_879 = arith.constant 2.000000e+00 : f32
      %mul3A_880 = vector.broadcast %mul3A_879 : f32 to vector<16xf32>
      %mul3A_881 = arith.mulf %mul3A_880, %add3A_827 : vector<16xf32>
      %sub3A_882 = arith.subf %mul3A_878, %mul3A_881 : vector<16xf32>
      %mul3A_883 = arith.constant 2.000000e+00 : f32
      %mul3A_884 = vector.broadcast %mul3A_883 : f32 to vector<16xf32>
      %mul3A_885 = arith.mulf %mul3A_884, %add3A_830 : vector<16xf32>
      %add3A_886 = arith.addf %sub3A_882, %mul3A_885 : vector<16xf32>
      %mul3A_887 = arith.constant 6.000000e+00 : f32
      %mul3A_888 = vector.broadcast %mul3A_887 : f32 to vector<16xf32>
      %mul3A_889 = arith.mulf %mul3A_888, %add3A_833 : vector<16xf32>
      %add3A_890 = arith.addf %add3A_886, %mul3A_889 : vector<16xf32>
      %add3A_891 = arith.addf %add3A_875, %add3A_890 : vector<16xf32>
      %mul3A_892 = arith.constant 16 : i32
      %mul3A_893 = arith.muli %scan3A_457, %mul3A_892 : i32
      %get3A_894 = arith.index_cast %mul3A_893 : i32 to index
      %get3A_895 = tpu.vector_load %arg35[%get3A_894] {strides = array<i32>} : memref<256xf32, #tpu.memory_space<vmem>>, vector<16xf32>,
      %abs3A_896 = math.absf %get3A_895 : vector<16xf32>
      %add3A_897 = arith.constant 5.000000e-01 : f32
      %add3A_898 = vector.broadcast %add3A_897 : f32 to vector<16xf32>
      %add3A_899 = arith.addf %abs3A_896, %add3A_898 : vector<16xf32>
      %mul3A_900 = arith.mulf %add3A_899, %add3A_899 : vector<16xf32>
      %div3A_901 = arith.constant 1.000000e+00 : f32
      %div3A_902 = vector.broadcast %div3A_901 : f32 to vector<16xf32>
      %div3A_903 = arith.divf %div3A_902, %mul3A_900 : vector<16xf32>
      %mul3A_904 = arith.constant 16 : i32
      %mul3A_905 = arith.muli %scan3A_457, %mul3A_904 : i32
      %get3A_906 = arith.index_cast %mul3A_905 : i32 to index
      %get3A_907 = tpu.vector_load %arg34[%get3A_906] {strides = array<i32>} : memref<256xf32, #tpu.memory_space<vmem>>, vector<16xf32>,
      %mul3A_908 = arith.mulf %get3A_907, %div3A_903 : vector<16xf32>
      %mul3A_909 = arith.mulf %mul3A_405, %mul3A_378 : vector<16xf32>
      %mul3A_910 = arith.mulf %mul3A_909, %div3A_903 : vector<16xf32>
      %mul3A_911 = arith.mulf %add3A_836, %mul3A_378 : vector<16xf32>
      %add3A_912 = arith.addf %mul3A_911, %mul3A_380 : vector<16xf32>
      %mul3A_913 = arith.mulf %add3A_912, %div3A_903 : vector<16xf32>
      %sub3A_914 = arith.subf %mul3A_913, %mul3A_908 : vector<16xf32>
      %mul3A_915 = arith.mulf %mul3A_405, %sub3A_914 : vector<16xf32>
      %mul3A_916 = arith.constant 16 : i32
      %mul3A_917 = arith.muli %scan3A_457, %mul3A_916 : i32
      %get3A_918 = arith.index_cast %mul3A_917 : i32 to index
      %get3A_919 = tpu.vector_load %arg33[%get3A_918] {strides = array<i32>} : memref<256xf32, #tpu.memory_space<vmem>>, vector<16xf32>,
      %abs3A_920 = math.absf %get3A_919 : vector<16xf32>
      %add3A_921 = arith.constant 5.000000e-01 : f32
      %add3A_922 = vector.broadcast %add3A_921 : f32 to vector<16xf32>
      %add3A_923 = arith.addf %abs3A_920, %add3A_922 : vector<16xf32>
      %mul3A_924 = arith.mulf %add3A_923, %add3A_923 : vector<16xf32>
      %div3A_925 = arith.constant 1.000000e+00 : f32
      %div3A_926 = vector.broadcast %div3A_925 : f32 to vector<16xf32>
      %div3A_927 = arith.divf %div3A_926, %mul3A_924 : vector<16xf32>
      %mul3A_928 = arith.constant 16 : i32
      %mul3A_929 = arith.muli %scan3A_457, %mul3A_928 : i32
      %get3A_930 = arith.index_cast %mul3A_929 : i32 to index
      %get3A_931 = tpu.vector_load %arg32[%get3A_930] {strides = array<i32>} : memref<256xf32, #tpu.memory_space<vmem>>, vector<16xf32>,
      %mul3A_932 = arith.mulf %get3A_931, %div3A_927 : vector<16xf32>
      %mul3A_933 = arith.mulf %mul3A_408, %mul3A_384 : vector<16xf32>
      %mul3A_934 = arith.mulf %mul3A_933, %div3A_927 : vector<16xf32>
      %mul3A_935 = arith.mulf %add3A_891, %mul3A_384 : vector<16xf32>
      %add3A_936 = arith.addf %mul3A_935, %sub3A_388 : vector<16xf32>
      %mul3A_937 = arith.mulf %add3A_936, %div3A_927 : vector<16xf32>
      %sub3A_938 = arith.subf %mul3A_937, %mul3A_932 : vector<16xf32>
      %mul3A_939 = arith.mulf %mul3A_408, %sub3A_938 : vector<16xf32>
      %add3A_940 = arith.constant 0 : i32
      %add3A_941 = vector.broadcast %add3A_940 : i32 to vector<16xi32>
      %add3A_942 = arith.addi %add3A_471, %add3A_941 : vector<16xi32>
      %gather3A_943 = tpu.vector_load_idx %arg31[%add3A_942] : memref<1024xf32, #tpu.memory_space<vmem>>[vector<16xi32>], vector<16xf32>,
      %abs3A_944 = math.absf %gather3A_943 : vector<16xf32>
      %add3A_945 = arith.constant 5.000000e-01 : f32
      %add3A_946 = vector.broadcast %add3A_945 : f32 to vector<16xf32>
      %add3A_947 = arith.addf %abs3A_944, %add3A_946 : vector<16xf32>
      %mul3A_948 = arith.mulf %add3A_947, %add3A_947 : vector<16xf32>
      %div3A_949 = arith.constant 1.000000e+00 : f32
      %div3A_950 = vector.broadcast %div3A_949 : f32 to vector<16xf32>
      %div3A_951 = arith.divf %div3A_950, %mul3A_948 : vector<16xf32>
      %add3A_952 = arith.constant 0 : i32
      %add3A_953 = vector.broadcast %add3A_952 : i32 to vector<16xi32>
      %add3A_954 = arith.addi %add3A_471, %add3A_953 : vector<16xi32>
      %gather3A_955 = tpu.vector_load_idx %arg30[%add3A_954] : memref<1024xf32, #tpu.memory_space<vmem>>[vector<16xi32>], vector<16xf32>,
      %mul3A_956 = arith.mulf %gather3A_955, %div3A_951 : vector<16xf32>
      %mul3A_957 = arith.mulf %mul3A_411, %mul3A_392 : vector<16xf32>
      %mul3A_958 = arith.mulf %mul3A_957, %div3A_951 : vector<16xf32>
      %mul3A_959 = arith.mulf %add3A_824, %mul3A_392 : vector<16xf32>
      %add3A_960 = arith.addf %mul3A_959, %mul3A_394 : vector<16xf32>
      %mul3A_961 = arith.mulf %add3A_960, %div3A_951 : vector<16xf32>
      %sub3A_962 = arith.subf %mul3A_961, %mul3A_956 : vector<16xf32>
      %mul3A_963 = arith.mulf %mul3A_411, %sub3A_962 : vector<16xf32>
      %add3A_964 = arith.constant 0 : i32
      %add3A_965 = vector.broadcast %add3A_964 : i32 to vector<16xi32>
      %add3A_966 = arith.addi %add3A_471, %add3A_965 : vector<16xi32>
      %gather3A_967 = tpu.vector_load_idx %arg29[%add3A_966] : memref<1024xf32, #tpu.memory_space<vmem>>[vector<16xi32>], vector<16xf32>,
      %abs3A_968 = math.absf %gather3A_967 : vector<16xf32>
      %add3A_969 = arith.constant 5.000000e-01 : f32
      %add3A_970 = vector.broadcast %add3A_969 : f32 to vector<16xf32>
      %add3A_971 = arith.addf %abs3A_968, %add3A_970 : vector<16xf32>
      %mul3A_972 = arith.mulf %add3A_971, %add3A_971 : vector<16xf32>
      %div3A_973 = arith.constant 1.000000e+00 : f32
      %div3A_974 = vector.broadcast %div3A_973 : f32 to vector<16xf32>
      %div3A_975 = arith.divf %div3A_974, %mul3A_972 : vector<16xf32>
      %add3A_976 = arith.constant 0 : i32
      %add3A_977 = vector.broadcast %add3A_976 : i32 to vector<16xi32>
      %add3A_978 = arith.addi %add3A_471, %add3A_977 : vector<16xi32>
      %gather3A_979 = tpu.vector_load_idx %arg28[%add3A_978] : memref<1024xf32, #tpu.memory_space<vmem>>[vector<16xi32>], vector<16xf32>,
      %mul3A_980 = arith.mulf %gather3A_979, %div3A_975 : vector<16xf32>
      %mul3A_981 = arith.mulf %mul3A_414, %mul3A_398 : vector<16xf32>
      %mul3A_982 = arith.mulf %mul3A_981, %div3A_975 : vector<16xf32>
      %mul3A_983 = arith.mulf %add3A_845, %mul3A_398 : vector<16xf32>
      %add3A_984 = arith.addf %mul3A_983, %sub3A_402 : vector<16xf32>
      %mul3A_985 = arith.mulf %add3A_984, %div3A_975 : vector<16xf32>
      %sub3A_986 = arith.subf %mul3A_985, %mul3A_980 : vector<16xf32>
      %mul3A_987 = arith.mulf %mul3A_414, %sub3A_986 : vector<16xf32>
      %add3A_988 = arith.addf %mul3A_915, %mul3A_963 : vector<16xf32>
      %mul3A_989 = arith.constant -6.000000e+00 : f32
      %mul3A_990 = vector.broadcast %mul3A_989 : f32 to vector<16xf32>
      %mul3A_991 = arith.mulf %mul3A_990, %mul3A_939 : vector<16xf32>
      %add3A_992 = arith.addf %add3A_988, %mul3A_991 : vector<16xf32>
      %add3A_993 = arith.addf %mul3A_939, %mul3A_987 : vector<16xf32>
      %add3A_994 = arith.constant 1 : i32
      %add3A_995 = vector.broadcast %add3A_994 : i32 to vector<16xi32>
      %add3A_996 = arith.addi %add3A_471, %add3A_995 : vector<16xi32>
      %gather3A_997 = tpu.vector_load_idx %arg31[%add3A_996] : memref<1024xf32, #tpu.memory_space<vmem>>[vector<16xi32>], vector<16xf32>,
      %abs3A_998 = math.absf %gather3A_997 : vector<16xf32>
      %add3A_999 = arith.constant 5.000000e-01 : f32
      %add3A_1000 = vector.broadcast %add3A_999 : f32 to vector<16xf32>
      %add3A_1001 = arith.addf %abs3A_998, %add3A_1000 : vector<16xf32>
      %mul3A_1002 = arith.mulf %add3A_1001, %add3A_1001 : vector<16xf32>
      %div3A_1003 = arith.constant 1.000000e+00 : f32
      %div3A_1004 = vector.broadcast %div3A_1003 : f32 to vector<16xf32>
      %div3A_1005 = arith.divf %div3A_1004, %mul3A_1002 : vector<16xf32>
      %add3A_1006 = arith.constant 1 : i32
      %add3A_1007 = vector.broadcast %add3A_1006 : i32 to vector<16xi32>
      %add3A_1008 = arith.addi %add3A_471, %add3A_1007 : vector<16xi32>
      %gather3A_1009 = tpu.vector_load_idx %arg30[%add3A_1008] : memref<1024xf32, #tpu.memory_space<vmem>>[vector<16xi32>], vector<16xf32>,
      %mul3A_1010 = arith.mulf %gather3A_1009, %div3A_1005 : vector<16xf32>
      %mul3A_1011 = arith.mulf %mul3A_411, %mul3A_392 : vector<16xf32>
      %mul3A_1012 = arith.mulf %mul3A_1011, %div3A_1005 : vector<16xf32>
      %mul3A_1013 = arith.mulf %add3A_827, %mul3A_392 : vector<16xf32>
      %add3A_1014 = arith.addf %mul3A_1013, %mul3A_394 : vector<16xf32>
      %mul3A_1015 = arith.mulf %add3A_1014, %div3A_1005 : vector<16xf32>
      %sub3A_1016 = arith.subf %mul3A_1015, %mul3A_1010 : vector<16xf32>
      %mul3A_1017 = arith.mulf %mul3A_411, %sub3A_1016 : vector<16xf32>
      %add3A_1018 = arith.constant 1 : i32
      %add3A_1019 = vector.broadcast %add3A_1018 : i32 to vector<16xi32>
      %add3A_1020 = arith.addi %add3A_471, %add3A_1019 : vector<16xi32>
      %gather3A_1021 = tpu.vector_load_idx %arg29[%add3A_1020] : memref<1024xf32, #tpu.memory_space<vmem>>[vector<16xi32>], vector<16xf32>,
      %abs3A_1022 = math.absf %gather3A_1021 : vector<16xf32>
      %add3A_1023 = arith.constant 5.000000e-01 : f32
      %add3A_1024 = vector.broadcast %add3A_1023 : f32 to vector<16xf32>
      %add3A_1025 = arith.addf %abs3A_1022, %add3A_1024 : vector<16xf32>
      %mul3A_1026 = arith.mulf %add3A_1025, %add3A_1025 : vector<16xf32>
      %div3A_1027 = arith.constant 1.000000e+00 : f32
      %div3A_1028 = vector.broadcast %div3A_1027 : f32 to vector<16xf32>
      %div3A_1029 = arith.divf %div3A_1028, %mul3A_1026 : vector<16xf32>
      %add3A_1030 = arith.constant 1 : i32
      %add3A_1031 = vector.broadcast %add3A_1030 : i32 to vector<16xi32>
      %add3A_1032 = arith.addi %add3A_471, %add3A_1031 : vector<16xi32>
      %gather3A_1033 = tpu.vector_load_idx %arg28[%add3A_1032] : memref<1024xf32, #tpu.memory_space<vmem>>[vector<16xi32>], vector<16xf32>,
      %mul3A_1034 = arith.mulf %gather3A_1033, %div3A_1029 : vector<16xf32>
      %mul3A_1035 = arith.mulf %mul3A_414, %mul3A_398 : vector<16xf32>
      %mul3A_1036 = arith.mulf %mul3A_1035, %div3A_1029 : vector<16xf32>
      %mul3A_1037 = arith.mulf %add3A_854, %mul3A_398 : vector<16xf32>
      %add3A_1038 = arith.addf %mul3A_1037, %sub3A_402 : vector<16xf32>
      %mul3A_1039 = arith.mulf %add3A_1038, %div3A_1029 : vector<16xf32>
      %sub3A_1040 = arith.subf %mul3A_1039, %mul3A_1034 : vector<16xf32>
      %mul3A_1041 = arith.mulf %mul3A_414, %sub3A_1040 : vector<16xf32>
      %add3A_1042 = arith.addf %mul3A_915, %mul3A_1017 : vector<16xf32>
      %mul3A_1043 = arith.constant -2.000000e+00 : f32
      %mul3A_1044 = vector.broadcast %mul3A_1043 : f32 to vector<16xf32>
      %mul3A_1045 = arith.mulf %mul3A_1044, %mul3A_939 : vector<16xf32>
      %add3A_1046 = arith.addf %add3A_1042, %mul3A_1045 : vector<16xf32>
      %add3A_1047 = arith.addf %mul3A_939, %mul3A_1041 : vector<16xf32>
      %add3A_1048 = arith.constant 2 : i32
      %add3A_1049 = vector.broadcast %add3A_1048 : i32 to vector<16xi32>
      %add3A_1050 = arith.addi %add3A_471, %add3A_1049 : vector<16xi32>
      %gather3A_1051 = tpu.vector_load_idx %arg31[%add3A_1050] : memref<1024xf32, #tpu.memory_space<vmem>>[vector<16xi32>], vector<16xf32>,
      %abs3A_1052 = math.absf %gather3A_1051 : vector<16xf32>
      %add3A_1053 = arith.constant 5.000000e-01 : f32
      %add3A_1054 = vector.broadcast %add3A_1053 : f32 to vector<16xf32>
      %add3A_1055 = arith.addf %abs3A_1052, %add3A_1054 : vector<16xf32>
      %mul3A_1056 = arith.mulf %add3A_1055, %add3A_1055 : vector<16xf32>
      %div3A_1057 = arith.constant 1.000000e+00 : f32
      %div3A_1058 = vector.broadcast %div3A_1057 : f32 to vector<16xf32>
      %div3A_1059 = arith.divf %div3A_1058, %mul3A_1056 : vector<16xf32>
      %add3A_1060 = arith.constant 2 : i32
      %add3A_1061 = vector.broadcast %add3A_1060 : i32 to vector<16xi32>
      %add3A_1062 = arith.addi %add3A_471, %add3A_1061 : vector<16xi32>
      %gather3A_1063 = tpu.vector_load_idx %arg30[%add3A_1062] : memref<1024xf32, #tpu.memory_space<vmem>>[vector<16xi32>], vector<16xf32>,
      %mul3A_1064 = arith.mulf %gather3A_1063, %div3A_1059 : vector<16xf32>
      %mul3A_1065 = arith.mulf %mul3A_411, %mul3A_392 : vector<16xf32>
      %mul3A_1066 = arith.mulf %mul3A_1065, %div3A_1059 : vector<16xf32>
      %mul3A_1067 = arith.mulf %add3A_830, %mul3A_392 : vector<16xf32>
      %add3A_1068 = arith.addf %mul3A_1067, %mul3A_394 : vector<16xf32>
      %mul3A_1069 = arith.mulf %add3A_1068, %div3A_1059 : vector<16xf32>
      %sub3A_1070 = arith.subf %mul3A_1069, %mul3A_1064 : vector<16xf32>
      %mul3A_1071 = arith.mulf %mul3A_411, %sub3A_1070 : vector<16xf32>
      %add3A_1072 = arith.constant 2 : i32
      %add3A_1073 = vector.broadcast %add3A_1072 : i32 to vector<16xi32>
      %add3A_1074 = arith.addi %add3A_471, %add3A_1073 : vector<16xi32>
      %gather3A_1075 = tpu.vector_load_idx %arg29[%add3A_1074] : memref<1024xf32, #tpu.memory_space<vmem>>[vector<16xi32>], vector<16xf32>,
      %abs3A_1076 = math.absf %gather3A_1075 : vector<16xf32>
      %add3A_1077 = arith.constant 5.000000e-01 : f32
      %add3A_1078 = vector.broadcast %add3A_1077 : f32 to vector<16xf32>
      %add3A_1079 = arith.addf %abs3A_1076, %add3A_1078 : vector<16xf32>
      %mul3A_1080 = arith.mulf %add3A_1079, %add3A_1079 : vector<16xf32>
      %div3A_1081 = arith.constant 1.000000e+00 : f32
      %div3A_1082 = vector.broadcast %div3A_1081 : f32 to vector<16xf32>
      %div3A_1083 = arith.divf %div3A_1082, %mul3A_1080 : vector<16xf32>
      %add3A_1084 = arith.constant 2 : i32
      %add3A_1085 = vector.broadcast %add3A_1084 : i32 to vector<16xi32>
      %add3A_1086 = arith.addi %add3A_471, %add3A_1085 : vector<16xi32>
      %gather3A_1087 = tpu.vector_load_idx %arg28[%add3A_1086] : memref<1024xf32, #tpu.memory_space<vmem>>[vector<16xi32>], vector<16xf32>,
      %mul3A_1088 = arith.mulf %gather3A_1087, %div3A_1083 : vector<16xf32>
      %mul3A_1089 = arith.mulf %mul3A_414, %mul3A_398 : vector<16xf32>
      %mul3A_1090 = arith.mulf %mul3A_1089, %div3A_1083 : vector<16xf32>
      %mul3A_1091 = arith.mulf %add3A_863, %mul3A_398 : vector<16xf32>
      %add3A_1092 = arith.addf %mul3A_1091, %sub3A_402 : vector<16xf32>
      %mul3A_1093 = arith.mulf %add3A_1092, %div3A_1083 : vector<16xf32>
      %sub3A_1094 = arith.subf %mul3A_1093, %mul3A_1088 : vector<16xf32>
      %mul3A_1095 = arith.mulf %mul3A_414, %sub3A_1094 : vector<16xf32>
      %add3A_1096 = arith.addf %mul3A_915, %mul3A_1071 : vector<16xf32>
      %mul3A_1097 = arith.constant 2.000000e+00 : f32
      %mul3A_1098 = vector.broadcast %mul3A_1097 : f32 to vector<16xf32>
      %mul3A_1099 = arith.mulf %mul3A_1098, %mul3A_939 : vector<16xf32>
      %add3A_1100 = arith.addf %add3A_1096, %mul3A_1099 : vector<16xf32>
      %add3A_1101 = arith.addf %mul3A_939, %mul3A_1095 : vector<16xf32>
      %add3A_1102 = arith.constant 3 : i32
      %add3A_1103 = vector.broadcast %add3A_1102 : i32 to vector<16xi32>
      %add3A_1104 = arith.addi %add3A_471, %add3A_1103 : vector<16xi32>
      %gather3A_1105 = tpu.vector_load_idx %arg31[%add3A_1104] : memref<1024xf32, #tpu.memory_space<vmem>>[vector<16xi32>], vector<16xf32>,
      %abs3A_1106 = math.absf %gather3A_1105 : vector<16xf32>
      %add3A_1107 = arith.constant 5.000000e-01 : f32
      %add3A_1108 = vector.broadcast %add3A_1107 : f32 to vector<16xf32>
      %add3A_1109 = arith.addf %abs3A_1106, %add3A_1108 : vector<16xf32>
      %mul3A_1110 = arith.mulf %add3A_1109, %add3A_1109 : vector<16xf32>
      %div3A_1111 = arith.constant 1.000000e+00 : f32
      %div3A_1112 = vector.broadcast %div3A_1111 : f32 to vector<16xf32>
      %div3A_1113 = arith.divf %div3A_1112, %mul3A_1110 : vector<16xf32>
      %add3A_1114 = arith.constant 3 : i32
      %add3A_1115 = vector.broadcast %add3A_1114 : i32 to vector<16xi32>
      %add3A_1116 = arith.addi %add3A_471, %add3A_1115 : vector<16xi32>
      %gather3A_1117 = tpu.vector_load_idx %arg30[%add3A_1116] : memref<1024xf32, #tpu.memory_space<vmem>>[vector<16xi32>], vector<16xf32>,
      %mul3A_1118 = arith.mulf %gather3A_1117, %div3A_1113 : vector<16xf32>
      %mul3A_1119 = arith.mulf %mul3A_411, %mul3A_392 : vector<16xf32>
      %mul3A_1120 = arith.mulf %mul3A_1119, %div3A_1113 : vector<16xf32>
      %mul3A_1121 = arith.mulf %add3A_833, %mul3A_392 : vector<16xf32>
      %add3A_1122 = arith.addf %mul3A_1121, %mul3A_394 : vector<16xf32>
      %mul3A_1123 = arith.mulf %add3A_1122, %div3A_1113 : vector<16xf32>
      %sub3A_1124 = arith.subf %mul3A_1123, %mul3A_1118 : vector<16xf32>
      %mul3A_1125 = arith.mulf %mul3A_411, %sub3A_1124 : vector<16xf32>
      %add3A_1126 = arith.constant 3 : i32
      %add3A_1127 = vector.broadcast %add3A_1126 : i32 to vector<16xi32>
      %add3A_1128 = arith.addi %add3A_471, %add3A_1127 : vector<16xi32>
      %gather3A_1129 = tpu.vector_load_idx %arg29[%add3A_1128] : memref<1024xf32, #tpu.memory_space<vmem>>[vector<16xi32>], vector<16xf32>,
      %abs3A_1130 = math.absf %gather3A_1129 : vector<16xf32>
      %add3A_1131 = arith.constant 5.000000e-01 : f32
      %add3A_1132 = vector.broadcast %add3A_1131 : f32 to vector<16xf32>
      %add3A_1133 = arith.addf %abs3A_1130, %add3A_1132 : vector<16xf32>
      %mul3A_1134 = arith.mulf %add3A_1133, %add3A_1133 : vector<16xf32>
      %div3A_1135 = arith.constant 1.000000e+00 : f32
      %div3A_1136 = vector.broadcast %div3A_1135 : f32 to vector<16xf32>
      %div3A_1137 = arith.divf %div3A_1136, %mul3A_1134 : vector<16xf32>
      %add3A_1138 = arith.constant 3 : i32
      %add3A_1139 = vector.broadcast %add3A_1138 : i32 to vector<16xi32>
      %add3A_1140 = arith.addi %add3A_471, %add3A_1139 : vector<16xi32>
      %gather3A_1141 = tpu.vector_load_idx %arg28[%add3A_1140] : memref<1024xf32, #tpu.memory_space<vmem>>[vector<16xi32>], vector<16xf32>,
      %mul3A_1142 = arith.mulf %gather3A_1141, %div3A_1137 : vector<16xf32>
      %mul3A_1143 = arith.mulf %mul3A_414, %mul3A_398 : vector<16xf32>
      %mul3A_1144 = arith.mulf %mul3A_1143, %div3A_1137 : vector<16xf32>
      %mul3A_1145 = arith.mulf %add3A_872, %mul3A_398 : vector<16xf32>
      %add3A_1146 = arith.addf %mul3A_1145, %sub3A_402 : vector<16xf32>
      %mul3A_1147 = arith.mulf %add3A_1146, %div3A_1137 : vector<16xf32>
      %sub3A_1148 = arith.subf %mul3A_1147, %mul3A_1142 : vector<16xf32>
      %mul3A_1149 = arith.mulf %mul3A_414, %sub3A_1148 : vector<16xf32>
      %add3A_1150 = arith.addf %mul3A_915, %mul3A_1125 : vector<16xf32>
      %mul3A_1151 = arith.constant 6.000000e+00 : f32
      %mul3A_1152 = vector.broadcast %mul3A_1151 : f32 to vector<16xf32>
      %mul3A_1153 = arith.mulf %mul3A_1152, %mul3A_939 : vector<16xf32>
      %add3A_1154 = arith.addf %add3A_1150, %mul3A_1153 : vector<16xf32>
      %add3A_1155 = arith.addf %mul3A_939, %mul3A_1149 : vector<16xf32>
      %broadcast_in_dim3A = arith.constant 0.000000e+00 : f32
      %broadcast_in_dim3A_1156 = vector.broadcast %broadcast_in_dim3A : f32 to vector<16xf32>
      %scan3A_1157 = arith.constant 0 : i32
      %scan3A_1158 = arith.constant 10 : i32
      %scan3A_1159 = arith.addi %scan3A_1157, %scan3A_1158 : i32
      %scan3A_1160 = arith.constant 1 : i32
      %scan3A_1161:16 = scf.for %scan3A_1227 = %scan3A_1157 to %scan3A_1159 step %scan3A_1160 iter_args(%scan3A_1228 = %broadcast_in_dim3A_1156, %scan3A_1229 = %broadcast_in_dim3A_1156, %scan3A_1230 = %broadcast_in_dim3A_1156, %scan3A_1231 = %broadcast_in_dim3A_1156, %scan3A_1232 = %broadcast_in_dim3A_1156, %scan3A_1233 = %broadcast_in_dim3A_1156, %scan3A_1234 = %broadcast_in_dim3A_1156, %scan3A_1235 = %broadcast_in_dim3A_1156, %scan3A_1236 = %broadcast_in_dim3A_1156, %scan3A_1237 = %broadcast_in_dim3A_1156, %scan3A_1238 = %broadcast_in_dim3A_1156, %scan3A_1239 = %broadcast_in_dim3A_1156, %scan3A_1240 = %broadcast_in_dim3A_1156, %scan3A_1241 = %broadcast_in_dim3A_1156, %scan3A_1242 = %broadcast_in_dim3A_1156, %scan3A_1243 = %broadcast_in_dim3A_1156) -> (vector<16xf32>, vector<16xf32>, vector<16xf32>, vector<16xf32>, vector<16xf32>, vector<16xf32>, vector<16xf32>, vector<16xf32>, vector<16xf32>, vector<16xf32>, vector<16xf32>, vector<16xf32>, vector<16xf32>, vector<16xf32>, vector<16xf32>, vector<16xf32>)  : i32 {
        %add3A_1244 = arith.addf %scan3A_1228, %scan3A_1229 : vector<16xf32>
        %add3A_1245 = arith.addf %add3A_1244, %scan3A_1230 : vector<16xf32>
        %add3A_1246 = arith.addf %add3A_1245, %scan3A_1231 : vector<16xf32>
        %add3A_1247 = arith.addf %scan3A_1232, %scan3A_1233 : vector<16xf32>
        %add3A_1248 = arith.addf %add3A_1247, %scan3A_1234 : vector<16xf32>
        %add3A_1249 = arith.addf %add3A_1248, %scan3A_1235 : vector<16xf32>
        %add3A_1250 = arith.addf %scan3A_1236, %scan3A_1237 : vector<16xf32>
        %add3A_1251 = arith.addf %add3A_1250, %scan3A_1238 : vector<16xf32>
        %add3A_1252 = arith.addf %add3A_1251, %scan3A_1239 : vector<16xf32>
        %add3A_1253 = arith.addf %scan3A_1240, %scan3A_1241 : vector<16xf32>
        %add3A_1254 = arith.addf %add3A_1253, %scan3A_1242 : vector<16xf32>
        %add3A_1255 = arith.addf %add3A_1254, %scan3A_1243 : vector<16xf32>
        %add3A_1256 = arith.addf %add3A_1246, %add3A_1249 : vector<16xf32>
        %add3A_1257 = arith.addf %add3A_1252, %add3A_1255 : vector<16xf32>
        %add3A_1258 = arith.addf %add3A_1256, %add3A_1257 : vector<16xf32>
        %sub3A_1259 = arith.subf %scan3A_1231, %scan3A_1228 : vector<16xf32>
        %mul3A_1260 = arith.constant 1.500000e+00 : f32
        %mul3A_1261 = vector.broadcast %mul3A_1260 : f32 to vector<16xf32>
        %mul3A_1262 = arith.mulf %mul3A_1261, %sub3A_1259 : vector<16xf32>
        %sub3A_1263 = arith.subf %scan3A_1230, %scan3A_1229 : vector<16xf32>
        %mul3A_1264 = arith.constant 5.000000e-01 : f32
        %mul3A_1265 = vector.broadcast %mul3A_1264 : f32 to vector<16xf32>
        %mul3A_1266 = arith.mulf %mul3A_1265, %sub3A_1263 : vector<16xf32>
        %add3A_1267 = arith.addf %mul3A_1262, %mul3A_1266 : vector<16xf32>
        %sub3A_1268 = arith.subf %scan3A_1235, %scan3A_1232 : vector<16xf32>
        %mul3A_1269 = arith.constant 1.500000e+00 : f32
        %mul3A_1270 = vector.broadcast %mul3A_1269 : f32 to vector<16xf32>
        %mul3A_1271 = arith.mulf %mul3A_1270, %sub3A_1268 : vector<16xf32>
        %sub3A_1272 = arith.subf %scan3A_1234, %scan3A_1233 : vector<16xf32>
        %mul3A_1273 = arith.constant 5.000000e-01 : f32
        %mul3A_1274 = vector.broadcast %mul3A_1273 : f32 to vector<16xf32>
        %mul3A_1275 = arith.mulf %mul3A_1274, %sub3A_1272 : vector<16xf32>
        %add3A_1276 = arith.addf %mul3A_1271, %mul3A_1275 : vector<16xf32>
        %sub3A_1277 = arith.subf %scan3A_1239, %scan3A_1236 : vector<16xf32>
        %mul3A_1278 = arith.constant 1.500000e+00 : f32
        %mul3A_1279 = vector.broadcast %mul3A_1278 : f32 to vector<16xf32>
        %mul3A_1280 = arith.mulf %mul3A_1279, %sub3A_1277 : vector<16xf32>
        %sub3A_1281 = arith.subf %scan3A_1238, %scan3A_1237 : vector<16xf32>
        %mul3A_1282 = arith.constant 5.000000e-01 : f32
        %mul3A_1283 = vector.broadcast %mul3A_1282 : f32 to vector<16xf32>
        %mul3A_1284 = arith.mulf %mul3A_1283, %sub3A_1281 : vector<16xf32>
        %add3A_1285 = arith.addf %mul3A_1280, %mul3A_1284 : vector<16xf32>
        %sub3A_1286 = arith.subf %scan3A_1243, %scan3A_1240 : vector<16xf32>
        %mul3A_1287 = arith.constant 1.500000e+00 : f32
        %mul3A_1288 = vector.broadcast %mul3A_1287 : f32 to vector<16xf32>
        %mul3A_1289 = arith.mulf %mul3A_1288, %sub3A_1286 : vector<16xf32>
        %sub3A_1290 = arith.subf %scan3A_1242, %scan3A_1241 : vector<16xf32>
        %mul3A_1291 = arith.constant 5.000000e-01 : f32
        %mul3A_1292 = vector.broadcast %mul3A_1291 : f32 to vector<16xf32>
        %mul3A_1293 = arith.mulf %mul3A_1292, %sub3A_1290 : vector<16xf32>
        %add3A_1294 = arith.addf %mul3A_1289, %mul3A_1293 : vector<16xf32>
        %add3A_1295 = arith.addf %add3A_1267, %add3A_1276 : vector<16xf32>
        %add3A_1296 = arith.addf %add3A_1285, %add3A_1294 : vector<16xf32>
        %add3A_1297 = arith.addf %add3A_1295, %add3A_1296 : vector<16xf32>
        %mul3A_1298 = arith.constant -6.000000e+00 : f32
        %mul3A_1299 = vector.broadcast %mul3A_1298 : f32 to vector<16xf32>
        %mul3A_1300 = arith.mulf %mul3A_1299, %add3A_1246 : vector<16xf32>
        %mul3A_1301 = arith.constant 2.000000e+00 : f32
        %mul3A_1302 = vector.broadcast %mul3A_1301 : f32 to vector<16xf32>
        %mul3A_1303 = arith.mulf %mul3A_1302, %add3A_1249 : vector<16xf32>
        %sub3A_1304 = arith.subf %mul3A_1300, %mul3A_1303 : vector<16xf32>
        %mul3A_1305 = arith.constant 2.000000e+00 : f32
        %mul3A_1306 = vector.broadcast %mul3A_1305 : f32 to vector<16xf32>
        %mul3A_1307 = arith.mulf %mul3A_1306, %add3A_1252 : vector<16xf32>
        %add3A_1308 = arith.addf %sub3A_1304, %mul3A_1307 : vector<16xf32>
        %mul3A_1309 = arith.constant 6.000000e+00 : f32
        %mul3A_1310 = vector.broadcast %mul3A_1309 : f32 to vector<16xf32>
        %mul3A_1311 = arith.mulf %mul3A_1310, %add3A_1255 : vector<16xf32>
        %add3A_1312 = arith.addf %add3A_1308, %mul3A_1311 : vector<16xf32>
        %add3A_1313 = arith.addf %add3A_1297, %add3A_1312 : vector<16xf32>
        %mul3A_1314 = arith.mulf %add3A_1258, %mul3A_910 : vector<16xf32>
        %mul3A_1315 = arith.mulf %add3A_1313, %mul3A_934 : vector<16xf32>
        %mul3A_1316 = arith.mulf %add3A_1246, %mul3A_958 : vector<16xf32>
        %add3A_1317 = arith.addf %mul3A_1316, %add3A_992 : vector<16xf32>
        %add3A_1318 = arith.addf %add3A_1317, %mul3A_1314 : vector<16xf32>
        %mul3A_1319 = arith.constant -6.000000e+00 : f32
        %mul3A_1320 = vector.broadcast %mul3A_1319 : f32 to vector<16xf32>
        %mul3A_1321 = arith.mulf %mul3A_1320, %mul3A_1315 : vector<16xf32>
        %add3A_1322 = arith.addf %add3A_1318, %mul3A_1321 : vector<16xf32>
        %mul3A_1323 = arith.mulf %add3A_1267, %mul3A_982 : vector<16xf32>
        %add3A_1324 = arith.addf %mul3A_1323, %add3A_993 : vector<16xf32>
        %add3A_1325 = arith.addf %add3A_1324, %mul3A_1315 : vector<16xf32>
        %mul3A_1326 = arith.constant -1.500000e+00 : f32
        %mul3A_1327 = vector.broadcast %mul3A_1326 : f32 to vector<16xf32>
        %mul3A_1328 = arith.mulf %mul3A_1327, %add3A_1325 : vector<16xf32>
        %add3A_1329 = arith.addf %add3A_1322, %mul3A_1328 : vector<16xf32>
        %mul3A_1330 = arith.mulf %scan3A_1228, %sub3A_551 : vector<16xf32>
        %add3A_1331 = arith.addf %mul3A_1330, %add3A_1329 : vector<16xf32>
        %mul3A_1332 = arith.constant -5.000000e-01 : f32
        %mul3A_1333 = vector.broadcast %mul3A_1332 : f32 to vector<16xf32>
        %mul3A_1334 = arith.mulf %mul3A_1333, %add3A_1325 : vector<16xf32>
        %add3A_1335 = arith.addf %add3A_1322, %mul3A_1334 : vector<16xf32>
        %mul3A_1336 = arith.mulf %scan3A_1229, %sub3A_569 : vector<16xf32>
        %add3A_1337 = arith.addf %mul3A_1336, %add3A_1335 : vector<16xf32>
        %mul3A_1338 = arith.constant 5.000000e-01 : f32
        %mul3A_1339 = vector.broadcast %mul3A_1338 : f32 to vector<16xf32>
        %mul3A_1340 = arith.mulf %mul3A_1339, %add3A_1325 : vector<16xf32>
        %add3A_1341 = arith.addf %add3A_1322, %mul3A_1340 : vector<16xf32>
        %mul3A_1342 = arith.mulf %scan3A_1230, %sub3A_587 : vector<16xf32>
        %add3A_1343 = arith.addf %mul3A_1342, %add3A_1341 : vector<16xf32>
        %mul3A_1344 = arith.constant 1.500000e+00 : f32
        %mul3A_1345 = vector.broadcast %mul3A_1344 : f32 to vector<16xf32>
        %mul3A_1346 = arith.mulf %mul3A_1345, %add3A_1325 : vector<16xf32>
        %add3A_1347 = arith.addf %add3A_1322, %mul3A_1346 : vector<16xf32>
        %mul3A_1348 = arith.mulf %scan3A_1231, %sub3A_605 : vector<16xf32>
        %add3A_1349 = arith.addf %mul3A_1348, %add3A_1347 : vector<16xf32>
        %mul3A_1350 = arith.mulf %add3A_1249, %mul3A_1012 : vector<16xf32>
        %add3A_1351 = arith.addf %mul3A_1350, %add3A_1046 : vector<16xf32>
        %add3A_1352 = arith.addf %add3A_1351, %mul3A_1314 : vector<16xf32>
        %mul3A_1353 = arith.constant -2.000000e+00 : f32
        %mul3A_1354 = vector.broadcast %mul3A_1353 : f32 to vector<16xf32>
        %mul3A_1355 = arith.mulf %mul3A_1354, %mul3A_1315 : vector<16xf32>
        %add3A_1356 = arith.addf %add3A_1352, %mul3A_1355 : vector<16xf32>
        %mul3A_1357 = arith.mulf %add3A_1276, %mul3A_1036 : vector<16xf32>
        %add3A_1358 = arith.addf %mul3A_1357, %add3A_1047 : vector<16xf32>
        %add3A_1359 = arith.addf %add3A_1358, %mul3A_1315 : vector<16xf32>
        %mul3A_1360 = arith.constant -1.500000e+00 : f32
        %mul3A_1361 = vector.broadcast %mul3A_1360 : f32 to vector<16xf32>
        %mul3A_1362 = arith.mulf %mul3A_1361, %add3A_1359 : vector<16xf32>
        %add3A_1363 = arith.addf %add3A_1356, %mul3A_1362 : vector<16xf32>
        %mul3A_1364 = arith.mulf %scan3A_1232, %sub3A_623 : vector<16xf32>
        %add3A_1365 = arith.addf %mul3A_1364, %add3A_1363 : vector<16xf32>
        %mul3A_1366 = arith.constant -5.000000e-01 : f32
        %mul3A_1367 = vector.broadcast %mul3A_1366 : f32 to vector<16xf32>
        %mul3A_1368 = arith.mulf %mul3A_1367, %add3A_1359 : vector<16xf32>
        %add3A_1369 = arith.addf %add3A_1356, %mul3A_1368 : vector<16xf32>
        %mul3A_1370 = arith.mulf %scan3A_1233, %sub3A_641 : vector<16xf32>
        %add3A_1371 = arith.addf %mul3A_1370, %add3A_1369 : vector<16xf32>
        %mul3A_1372 = arith.constant 5.000000e-01 : f32
        %mul3A_1373 = vector.broadcast %mul3A_1372 : f32 to vector<16xf32>
        %mul3A_1374 = arith.mulf %mul3A_1373, %add3A_1359 : vector<16xf32>
        %add3A_1375 = arith.addf %add3A_1356, %mul3A_1374 : vector<16xf32>
        %mul3A_1376 = arith.mulf %scan3A_1234, %sub3A_659 : vector<16xf32>
        %add3A_1377 = arith.addf %mul3A_1376, %add3A_1375 : vector<16xf32>
        %mul3A_1378 = arith.constant 1.500000e+00 : f32
        %mul3A_1379 = vector.broadcast %mul3A_1378 : f32 to vector<16xf32>
        %mul3A_1380 = arith.mulf %mul3A_1379, %add3A_1359 : vector<16xf32>
        %add3A_1381 = arith.addf %add3A_1356, %mul3A_1380 : vector<16xf32>
        %mul3A_1382 = arith.mulf %scan3A_1235, %sub3A_677 : vector<16xf32>
        %add3A_1383 = arith.addf %mul3A_1382, %add3A_1381 : vector<16xf32>
        %mul3A_1384 = arith.mulf %add3A_1252, %mul3A_1066 : vector<16xf32>
        %add3A_1385 = arith.addf %mul3A_1384, %add3A_1100 : vector<16xf32>
        %add3A_1386 = arith.addf %add3A_1385, %mul3A_1314 : vector<16xf32>
        %mul3A_1387 = arith.constant 2.000000e+00 : f32
        %mul3A_1388 = vector.broadcast %mul3A_1387 : f32 to vector<16xf32>
        %mul3A_1389 = arith.mulf %mul3A_1388, %mul3A_1315 : vector<16xf32>
        %add3A_1390 = arith.addf %add3A_1386, %mul3A_1389 : vector<16xf32>
        %mul3A_1391 = arith.mulf %add3A_1285, %mul3A_1090 : vector<16xf32>
        %add3A_1392 = arith.addf %mul3A_1391, %add3A_1101 : vector<16xf32>
        %add3A_1393 = arith.addf %add3A_1392, %mul3A_1315 : vector<16xf32>
        %mul3A_1394 = arith.constant -1.500000e+00 : f32
        %mul3A_1395 = vector.broadcast %mul3A_1394 : f32 to vector<16xf32>
        %mul3A_1396 = arith.mulf %mul3A_1395, %add3A_1393 : vector<16xf32>
        %add3A_1397 = arith.addf %add3A_1390, %mul3A_1396 : vector<16xf32>
        %mul3A_1398 = arith.mulf %scan3A_1236, %sub3A_695 : vector<16xf32>
        %add3A_1399 = arith.addf %mul3A_1398, %add3A_1397 : vector<16xf32>
        %mul3A_1400 = arith.constant -5.000000e-01 : f32
        %mul3A_1401 = vector.broadcast %mul3A_1400 : f32 to vector<16xf32>
        %mul3A_1402 = arith.mulf %mul3A_1401, %add3A_1393 : vector<16xf32>
        %add3A_1403 = arith.addf %add3A_1390, %mul3A_1402 : vector<16xf32>
        %mul3A_1404 = arith.mulf %scan3A_1237, %sub3A_713 : vector<16xf32>
        %add3A_1405 = arith.addf %mul3A_1404, %add3A_1403 : vector<16xf32>
        %mul3A_1406 = arith.constant 5.000000e-01 : f32
        %mul3A_1407 = vector.broadcast %mul3A_1406 : f32 to vector<16xf32>
        %mul3A_1408 = arith.mulf %mul3A_1407, %add3A_1393 : vector<16xf32>
        %add3A_1409 = arith.addf %add3A_1390, %mul3A_1408 : vector<16xf32>
        %mul3A_1410 = arith.mulf %scan3A_1238, %sub3A_731 : vector<16xf32>
        %add3A_1411 = arith.addf %mul3A_1410, %add3A_1409 : vector<16xf32>
        %mul3A_1412 = arith.constant 1.500000e+00 : f32
        %mul3A_1413 = vector.broadcast %mul3A_1412 : f32 to vector<16xf32>
        %mul3A_1414 = arith.mulf %mul3A_1413, %add3A_1393 : vector<16xf32>
        %add3A_1415 = arith.addf %add3A_1390, %mul3A_1414 : vector<16xf32>
        %mul3A_1416 = arith.mulf %scan3A_1239, %sub3A_749 : vector<16xf32>
        %add3A_1417 = arith.addf %mul3A_1416, %add3A_1415 : vector<16xf32>
        %mul3A_1418 = arith.mulf %add3A_1255, %mul3A_1120 : vector<16xf32>
        %add3A_1419 = arith.addf %mul3A_1418, %add3A_1154 : vector<16xf32>
        %add3A_1420 = arith.addf %add3A_1419, %mul3A_1314 : vector<16xf32>
        %mul3A_1421 = arith.constant 6.000000e+00 : f32
        %mul3A_1422 = vector.broadcast %mul3A_1421 : f32 to vector<16xf32>
        %mul3A_1423 = arith.mulf %mul3A_1422, %mul3A_1315 : vector<16xf32>
        %add3A_1424 = arith.addf %add3A_1420, %mul3A_1423 : vector<16xf32>
        %mul3A_1425 = arith.mulf %add3A_1294, %mul3A_1144 : vector<16xf32>
        %add3A_1426 = arith.addf %mul3A_1425, %add3A_1155 : vector<16xf32>
        %add3A_1427 = arith.addf %add3A_1426, %mul3A_1315 : vector<16xf32>
        %mul3A_1428 = arith.constant -1.500000e+00 : f32
        %mul3A_1429 = vector.broadcast %mul3A_1428 : f32 to vector<16xf32>
        %mul3A_1430 = arith.mulf %mul3A_1429, %add3A_1427 : vector<16xf32>
        %add3A_1431 = arith.addf %add3A_1424, %mul3A_1430 : vector<16xf32>
        %mul3A_1432 = arith.mulf %scan3A_1240, %sub3A_767 : vector<16xf32>
        %add3A_1433 = arith.addf %mul3A_1432, %add3A_1431 : vector<16xf32>
        %mul3A_1434 = arith.constant -5.000000e-01 : f32
        %mul3A_1435 = vector.broadcast %mul3A_1434 : f32 to vector<16xf32>
        %mul3A_1436 = arith.mulf %mul3A_1435, %add3A_1427 : vector<16xf32>
        %add3A_1437 = arith.addf %add3A_1424, %mul3A_1436 : vector<16xf32>
        %mul3A_1438 = arith.mulf %scan3A_1241, %sub3A_785 : vector<16xf32>
        %add3A_1439 = arith.addf %mul3A_1438, %add3A_1437 : vector<16xf32>
        %mul3A_1440 = arith.constant 5.000000e-01 : f32
        %mul3A_1441 = vector.broadcast %mul3A_1440 : f32 to vector<16xf32>
        %mul3A_1442 = arith.mulf %mul3A_1441, %add3A_1427 : vector<16xf32>
        %add3A_1443 = arith.addf %add3A_1424, %mul3A_1442 : vector<16xf32>
        %mul3A_1444 = arith.mulf %scan3A_1242, %sub3A_803 : vector<16xf32>
        %add3A_1445 = arith.addf %mul3A_1444, %add3A_1443 : vector<16xf32>
        %mul3A_1446 = arith.constant 1.500000e+00 : f32
        %mul3A_1447 = vector.broadcast %mul3A_1446 : f32 to vector<16xf32>
        %mul3A_1448 = arith.mulf %mul3A_1447, %add3A_1427 : vector<16xf32>
        %add3A_1449 = arith.addf %add3A_1424, %mul3A_1448 : vector<16xf32>
        %mul3A_1450 = arith.mulf %scan3A_1243, %sub3A_821 : vector<16xf32>
        %add3A_1451 = arith.addf %mul3A_1450, %add3A_1449 : vector<16xf32>
        %add3A_1452 = arith.addf %add3A_1331, %add3A_1337 : vector<16xf32>
        %add3A_1453 = arith.addf %add3A_1452, %add3A_1343 : vector<16xf32>
        %add3A_1454 = arith.addf %add3A_1453, %add3A_1349 : vector<16xf32>
        %add3A_1455 = arith.addf %add3A_1365, %add3A_1371 : vector<16xf32>
        %add3A_1456 = arith.addf %add3A_1455, %add3A_1377 : vector<16xf32>
        %add3A_1457 = arith.addf %add3A_1456, %add3A_1383 : vector<16xf32>
        %add3A_1458 = arith.addf %add3A_1399, %add3A_1405 : vector<16xf32>
        %add3A_1459 = arith.addf %add3A_1458, %add3A_1411 : vector<16xf32>
        %add3A_1460 = arith.addf %add3A_1459, %add3A_1417 : vector<16xf32>
        %add3A_1461 = arith.addf %add3A_1433, %add3A_1439 : vector<16xf32>
        %add3A_1462 = arith.addf %add3A_1461, %add3A_1445 : vector<16xf32>
        %add3A_1463 = arith.addf %add3A_1462, %add3A_1451 : vector<16xf32>
        %add3A_1464 = arith.addf %add3A_1454, %add3A_1457 : vector<16xf32>
        %add3A_1465 = arith.addf %add3A_1460, %add3A_1463 : vector<16xf32>
        %add3A_1466 = arith.addf %add3A_1464, %add3A_1465 : vector<16xf32>
        %sub3A_1467 = arith.subf %add3A_1349, %add3A_1331 : vector<16xf32>
        %mul3A_1468 = arith.constant 1.500000e+00 : f32
        %mul3A_1469 = vector.broadcast %mul3A_1468 : f32 to vector<16xf32>
        %mul3A_1470 = arith.mulf %mul3A_1469, %sub3A_1467 : vector<16xf32>
        %sub3A_1471 = arith.subf %add3A_1343, %add3A_1337 : vector<16xf32>
        %mul3A_1472 = arith.constant 5.000000e-01 : f32
        %mul3A_1473 = vector.broadcast %mul3A_1472 : f32 to vector<16xf32>
        %mul3A_1474 = arith.mulf %mul3A_1473, %sub3A_1471 : vector<16xf32>
        %add3A_1475 = arith.addf %mul3A_1470, %mul3A_1474 : vector<16xf32>
        %sub3A_1476 = arith.subf %add3A_1383, %add3A_1365 : vector<16xf32>
        %mul3A_1477 = arith.constant 1.500000e+00 : f32
        %mul3A_1478 = vector.broadcast %mul3A_1477 : f32 to vector<16xf32>
        %mul3A_1479 = arith.mulf %mul3A_1478, %sub3A_1476 : vector<16xf32>
        %sub3A_1480 = arith.subf %add3A_1377, %add3A_1371 : vector<16xf32>
        %mul3A_1481 = arith.constant 5.000000e-01 : f32
        %mul3A_1482 = vector.broadcast %mul3A_1481 : f32 to vector<16xf32>
        %mul3A_1483 = arith.mulf %mul3A_1482, %sub3A_1480 : vector<16xf32>
        %add3A_1484 = arith.addf %mul3A_1479, %mul3A_1483 : vector<16xf32>
        %sub3A_1485 = arith.subf %add3A_1417, %add3A_1399 : vector<16xf32>
        %mul3A_1486 = arith.constant 1.500000e+00 : f32
        %mul3A_1487 = vector.broadcast %mul3A_1486 : f32 to vector<16xf32>
        %mul3A_1488 = arith.mulf %mul3A_1487, %sub3A_1485 : vector<16xf32>
        %sub3A_1489 = arith.subf %add3A_1411, %add3A_1405 : vector<16xf32>
        %mul3A_1490 = arith.constant 5.000000e-01 : f32
        %mul3A_1491 = vector.broadcast %mul3A_1490 : f32 to vector<16xf32>
        %mul3A_1492 = arith.mulf %mul3A_1491, %sub3A_1489 : vector<16xf32>
        %add3A_1493 = arith.addf %mul3A_1488, %mul3A_1492 : vector<16xf32>
        %sub3A_1494 = arith.subf %add3A_1451, %add3A_1433 : vector<16xf32>
        %mul3A_1495 = arith.constant 1.500000e+00 : f32
        %mul3A_1496 = vector.broadcast %mul3A_1495 : f32 to vector<16xf32>
        %mul3A_1497 = arith.mulf %mul3A_1496, %sub3A_1494 : vector<16xf32>
        %sub3A_1498 = arith.subf %add3A_1445, %add3A_1439 : vector<16xf32>
        %mul3A_1499 = arith.constant 5.000000e-01 : f32
        %mul3A_1500 = vector.broadcast %mul3A_1499 : f32 to vector<16xf32>
        %mul3A_1501 = arith.mulf %mul3A_1500, %sub3A_1498 : vector<16xf32>
        %add3A_1502 = arith.addf %mul3A_1497, %mul3A_1501 : vector<16xf32>
        %add3A_1503 = arith.addf %add3A_1475, %add3A_1484 : vector<16xf32>
        %add3A_1504 = arith.addf %add3A_1493, %add3A_1502 : vector<16xf32>
        %add3A_1505 = arith.addf %add3A_1503, %add3A_1504 : vector<16xf32>
        %mul3A_1506 = arith.constant -6.000000e+00 : f32
        %mul3A_1507 = vector.broadcast %mul3A_1506 : f32 to vector<16xf32>
        %mul3A_1508 = arith.mulf %mul3A_1507, %add3A_1454 : vector<16xf32>
        %mul3A_1509 = arith.constant 2.000000e+00 : f32
        %mul3A_1510 = vector.broadcast %mul3A_1509 : f32 to vector<16xf32>
        %mul3A_1511 = arith.mulf %mul3A_1510, %add3A_1457 : vector<16xf32>
        %sub3A_1512 = arith.subf %mul3A_1508, %mul3A_1511 : vector<16xf32>
        %mul3A_1513 = arith.constant 2.000000e+00 : f32
        %mul3A_1514 = vector.broadcast %mul3A_1513 : f32 to vector<16xf32>
        %mul3A_1515 = arith.mulf %mul3A_1514, %add3A_1460 : vector<16xf32>
        %add3A_1516 = arith.addf %sub3A_1512, %mul3A_1515 : vector<16xf32>
        %mul3A_1517 = arith.constant 6.000000e+00 : f32
        %mul3A_1518 = vector.broadcast %mul3A_1517 : f32 to vector<16xf32>
        %mul3A_1519 = arith.mulf %mul3A_1518, %add3A_1463 : vector<16xf32>
        %add3A_1520 = arith.addf %add3A_1516, %mul3A_1519 : vector<16xf32>
        %add3A_1521 = arith.addf %add3A_1505, %add3A_1520 : vector<16xf32>
        %mul3A_1522 = arith.mulf %add3A_1466, %mul3A_910 : vector<16xf32>
        %mul3A_1523 = arith.mulf %add3A_1521, %mul3A_934 : vector<16xf32>
        %mul3A_1524 = arith.mulf %add3A_1454, %mul3A_958 : vector<16xf32>
        %add3A_1525 = arith.addf %mul3A_1524, %add3A_992 : vector<16xf32>
        %add3A_1526 = arith.addf %add3A_1525, %mul3A_1522 : vector<16xf32>
        %mul3A_1527 = arith.constant -6.000000e+00 : f32
        %mul3A_1528 = vector.broadcast %mul3A_1527 : f32 to vector<16xf32>
        %mul3A_1529 = arith.mulf %mul3A_1528, %mul3A_1523 : vector<16xf32>
        %add3A_1530 = arith.addf %add3A_1526, %mul3A_1529 : vector<16xf32>
        %mul3A_1531 = arith.mulf %add3A_1475, %mul3A_982 : vector<16xf32>
        %add3A_1532 = arith.addf %mul3A_1531, %add3A_993 : vector<16xf32>
        %add3A_1533 = arith.addf %add3A_1532, %mul3A_1523 : vector<16xf32>
        %mul3A_1534 = arith.constant -1.500000e+00 : f32
        %mul3A_1535 = vector.broadcast %mul3A_1534 : f32 to vector<16xf32>
        %mul3A_1536 = arith.mulf %mul3A_1535, %add3A_1533 : vector<16xf32>
        %add3A_1537 = arith.addf %add3A_1530, %mul3A_1536 : vector<16xf32>
        %mul3A_1538 = arith.mulf %add3A_1331, %sub3A_551 : vector<16xf32>
        %add3A_1539 = arith.addf %mul3A_1538, %add3A_1537 : vector<16xf32>
        %mul3A_1540 = arith.constant -5.000000e-01 : f32
        %mul3A_1541 = vector.broadcast %mul3A_1540 : f32 to vector<16xf32>
        %mul3A_1542 = arith.mulf %mul3A_1541, %add3A_1533 : vector<16xf32>
        %add3A_1543 = arith.addf %add3A_1530, %mul3A_1542 : vector<16xf32>
        %mul3A_1544 = arith.mulf %add3A_1337, %sub3A_569 : vector<16xf32>
        %add3A_1545 = arith.addf %mul3A_1544, %add3A_1543 : vector<16xf32>
        %mul3A_1546 = arith.constant 5.000000e-01 : f32
        %mul3A_1547 = vector.broadcast %mul3A_1546 : f32 to vector<16xf32>
        %mul3A_1548 = arith.mulf %mul3A_1547, %add3A_1533 : vector<16xf32>
        %add3A_1549 = arith.addf %add3A_1530, %mul3A_1548 : vector<16xf32>
        %mul3A_1550 = arith.mulf %add3A_1343, %sub3A_587 : vector<16xf32>
        %add3A_1551 = arith.addf %mul3A_1550, %add3A_1549 : vector<16xf32>
        %mul3A_1552 = arith.constant 1.500000e+00 : f32
        %mul3A_1553 = vector.broadcast %mul3A_1552 : f32 to vector<16xf32>
        %mul3A_1554 = arith.mulf %mul3A_1553, %add3A_1533 : vector<16xf32>
        %add3A_1555 = arith.addf %add3A_1530, %mul3A_1554 : vector<16xf32>
        %mul3A_1556 = arith.mulf %add3A_1349, %sub3A_605 : vector<16xf32>
        %add3A_1557 = arith.addf %mul3A_1556, %add3A_1555 : vector<16xf32>
        %mul3A_1558 = arith.mulf %add3A_1457, %mul3A_1012 : vector<16xf32>
        %add3A_1559 = arith.addf %mul3A_1558, %add3A_1046 : vector<16xf32>
        %add3A_1560 = arith.addf %add3A_1559, %mul3A_1522 : vector<16xf32>
        %mul3A_1561 = arith.constant -2.000000e+00 : f32
        %mul3A_1562 = vector.broadcast %mul3A_1561 : f32 to vector<16xf32>
        %mul3A_1563 = arith.mulf %mul3A_1562, %mul3A_1523 : vector<16xf32>
        %add3A_1564 = arith.addf %add3A_1560, %mul3A_1563 : vector<16xf32>
        %mul3A_1565 = arith.mulf %add3A_1484, %mul3A_1036 : vector<16xf32>
        %add3A_1566 = arith.addf %mul3A_1565, %add3A_1047 : vector<16xf32>
        %add3A_1567 = arith.addf %add3A_1566, %mul3A_1523 : vector<16xf32>
        %mul3A_1568 = arith.constant -1.500000e+00 : f32
        %mul3A_1569 = vector.broadcast %mul3A_1568 : f32 to vector<16xf32>
        %mul3A_1570 = arith.mulf %mul3A_1569, %add3A_1567 : vector<16xf32>
        %add3A_1571 = arith.addf %add3A_1564, %mul3A_1570 : vector<16xf32>
        %mul3A_1572 = arith.mulf %add3A_1365, %sub3A_623 : vector<16xf32>
        %add3A_1573 = arith.addf %mul3A_1572, %add3A_1571 : vector<16xf32>
        %mul3A_1574 = arith.constant -5.000000e-01 : f32
        %mul3A_1575 = vector.broadcast %mul3A_1574 : f32 to vector<16xf32>
        %mul3A_1576 = arith.mulf %mul3A_1575, %add3A_1567 : vector<16xf32>
        %add3A_1577 = arith.addf %add3A_1564, %mul3A_1576 : vector<16xf32>
        %mul3A_1578 = arith.mulf %add3A_1371, %sub3A_641 : vector<16xf32>
        %add3A_1579 = arith.addf %mul3A_1578, %add3A_1577 : vector<16xf32>
        %mul3A_1580 = arith.constant 5.000000e-01 : f32
        %mul3A_1581 = vector.broadcast %mul3A_1580 : f32 to vector<16xf32>
        %mul3A_1582 = arith.mulf %mul3A_1581, %add3A_1567 : vector<16xf32>
        %add3A_1583 = arith.addf %add3A_1564, %mul3A_1582 : vector<16xf32>
        %mul3A_1584 = arith.mulf %add3A_1377, %sub3A_659 : vector<16xf32>
        %add3A_1585 = arith.addf %mul3A_1584, %add3A_1583 : vector<16xf32>
        %mul3A_1586 = arith.constant 1.500000e+00 : f32
        %mul3A_1587 = vector.broadcast %mul3A_1586 : f32 to vector<16xf32>
        %mul3A_1588 = arith.mulf %mul3A_1587, %add3A_1567 : vector<16xf32>
        %add3A_1589 = arith.addf %add3A_1564, %mul3A_1588 : vector<16xf32>
        %mul3A_1590 = arith.mulf %add3A_1383, %sub3A_677 : vector<16xf32>
        %add3A_1591 = arith.addf %mul3A_1590, %add3A_1589 : vector<16xf32>
        %mul3A_1592 = arith.mulf %add3A_1460, %mul3A_1066 : vector<16xf32>
        %add3A_1593 = arith.addf %mul3A_1592, %add3A_1100 : vector<16xf32>
        %add3A_1594 = arith.addf %add3A_1593, %mul3A_1522 : vector<16xf32>
        %mul3A_1595 = arith.constant 2.000000e+00 : f32
        %mul3A_1596 = vector.broadcast %mul3A_1595 : f32 to vector<16xf32>
        %mul3A_1597 = arith.mulf %mul3A_1596, %mul3A_1523 : vector<16xf32>
        %add3A_1598 = arith.addf %add3A_1594, %mul3A_1597 : vector<16xf32>
        %mul3A_1599 = arith.mulf %add3A_1493, %mul3A_1090 : vector<16xf32>
        %add3A_1600 = arith.addf %mul3A_1599, %add3A_1101 : vector<16xf32>
        %add3A_1601 = arith.addf %add3A_1600, %mul3A_1523 : vector<16xf32>
        %mul3A_1602 = arith.constant -1.500000e+00 : f32
        %mul3A_1603 = vector.broadcast %mul3A_1602 : f32 to vector<16xf32>
        %mul3A_1604 = arith.mulf %mul3A_1603, %add3A_1601 : vector<16xf32>
        %add3A_1605 = arith.addf %add3A_1598, %mul3A_1604 : vector<16xf32>
        %mul3A_1606 = arith.mulf %add3A_1399, %sub3A_695 : vector<16xf32>
        %add3A_1607 = arith.addf %mul3A_1606, %add3A_1605 : vector<16xf32>
        %mul3A_1608 = arith.constant -5.000000e-01 : f32
        %mul3A_1609 = vector.broadcast %mul3A_1608 : f32 to vector<16xf32>
        %mul3A_1610 = arith.mulf %mul3A_1609, %add3A_1601 : vector<16xf32>
        %add3A_1611 = arith.addf %add3A_1598, %mul3A_1610 : vector<16xf32>
        %mul3A_1612 = arith.mulf %add3A_1405, %sub3A_713 : vector<16xf32>
        %add3A_1613 = arith.addf %mul3A_1612, %add3A_1611 : vector<16xf32>
        %mul3A_1614 = arith.constant 5.000000e-01 : f32
        %mul3A_1615 = vector.broadcast %mul3A_1614 : f32 to vector<16xf32>
        %mul3A_1616 = arith.mulf %mul3A_1615, %add3A_1601 : vector<16xf32>
        %add3A_1617 = arith.addf %add3A_1598, %mul3A_1616 : vector<16xf32>
        %mul3A_1618 = arith.mulf %add3A_1411, %sub3A_731 : vector<16xf32>
        %add3A_1619 = arith.addf %mul3A_1618, %add3A_1617 : vector<16xf32>
        %mul3A_1620 = arith.constant 1.500000e+00 : f32
        %mul3A_1621 = vector.broadcast %mul3A_1620 : f32 to vector<16xf32>
        %mul3A_1622 = arith.mulf %mul3A_1621, %add3A_1601 : vector<16xf32>
        %add3A_1623 = arith.addf %add3A_1598, %mul3A_1622 : vector<16xf32>
        %mul3A_1624 = arith.mulf %add3A_1417, %sub3A_749 : vector<16xf32>
        %add3A_1625 = arith.addf %mul3A_1624, %add3A_1623 : vector<16xf32>
        %mul3A_1626 = arith.mulf %add3A_1463, %mul3A_1120 : vector<16xf32>
        %add3A_1627 = arith.addf %mul3A_1626, %add3A_1154 : vector<16xf32>
        %add3A_1628 = arith.addf %add3A_1627, %mul3A_1522 : vector<16xf32>
        %mul3A_1629 = arith.constant 6.000000e+00 : f32
        %mul3A_1630 = vector.broadcast %mul3A_1629 : f32 to vector<16xf32>
        %mul3A_1631 = arith.mulf %mul3A_1630, %mul3A_1523 : vector<16xf32>
        %add3A_1632 = arith.addf %add3A_1628, %mul3A_1631 : vector<16xf32>
        %mul3A_1633 = arith.mulf %add3A_1502, %mul3A_1144 : vector<16xf32>
        %add3A_1634 = arith.addf %mul3A_1633, %add3A_1155 : vector<16xf32>
        %add3A_1635 = arith.addf %add3A_1634, %mul3A_1523 : vector<16xf32>
        %mul3A_1636 = arith.constant -1.500000e+00 : f32
        %mul3A_1637 = vector.broadcast %mul3A_1636 : f32 to vector<16xf32>
        %mul3A_1638 = arith.mulf %mul3A_1637, %add3A_1635 : vector<16xf32>
        %add3A_1639 = arith.addf %add3A_1632, %mul3A_1638 : vector<16xf32>
        %mul3A_1640 = arith.mulf %add3A_1433, %sub3A_767 : vector<16xf32>
        %add3A_1641 = arith.addf %mul3A_1640, %add3A_1639 : vector<16xf32>
        %mul3A_1642 = arith.constant -5.000000e-01 : f32
        %mul3A_1643 = vector.broadcast %mul3A_1642 : f32 to vector<16xf32>
        %mul3A_1644 = arith.mulf %mul3A_1643, %add3A_1635 : vector<16xf32>
        %add3A_1645 = arith.addf %add3A_1632, %mul3A_1644 : vector<16xf32>
        %mul3A_1646 = arith.mulf %add3A_1439, %sub3A_785 : vector<16xf32>
        %add3A_1647 = arith.addf %mul3A_1646, %add3A_1645 : vector<16xf32>
        %mul3A_1648 = arith.constant 5.000000e-01 : f32
        %mul3A_1649 = vector.broadcast %mul3A_1648 : f32 to vector<16xf32>
        %mul3A_1650 = arith.mulf %mul3A_1649, %add3A_1635 : vector<16xf32>
        %add3A_1651 = arith.addf %add3A_1632, %mul3A_1650 : vector<16xf32>
        %mul3A_1652 = arith.mulf %add3A_1445, %sub3A_803 : vector<16xf32>
        %add3A_1653 = arith.addf %mul3A_1652, %add3A_1651 : vector<16xf32>
        %mul3A_1654 = arith.constant 1.500000e+00 : f32
        %mul3A_1655 = vector.broadcast %mul3A_1654 : f32 to vector<16xf32>
        %mul3A_1656 = arith.mulf %mul3A_1655, %add3A_1635 : vector<16xf32>
        %add3A_1657 = arith.addf %add3A_1632, %mul3A_1656 : vector<16xf32>
        %mul3A_1658 = arith.mulf %add3A_1451, %sub3A_821 : vector<16xf32>
        %add3A_1659 = arith.addf %mul3A_1658, %add3A_1657 : vector<16xf32>
        scf.yield %add3A_1539, %add3A_1545, %add3A_1551, %add3A_1557, %add3A_1573, %add3A_1579, %add3A_1585, %add3A_1591, %add3A_1607, %add3A_1613, %add3A_1619, %add3A_1625, %add3A_1641, %add3A_1647, %add3A_1653, %add3A_1659 : vector<16xf32>, vector<16xf32>, vector<16xf32>, vector<16xf32>, vector<16xf32>, vector<16xf32>, vector<16xf32>, vector<16xf32>, vector<16xf32>, vector<16xf32>, vector<16xf32>, vector<16xf32>, vector<16xf32>, vector<16xf32>, vector<16xf32>, vector<16xf32>
      }
      %scan3A_1162 = arith.constant 10 : i32
      %add3A_1163 = arith.constant 0 : i32
      %add3A_1164 = vector.broadcast %add3A_1163 : i32 to vector<16xi32>
      %add3A_1165 = arith.addi %add3A_464, %add3A_1164 : vector<16xi32>
      %add3A_1166 = arith.addf %scan3A_1161#0, %gather3A : vector<16xf32>
      tpu.vector_store_idx %arg39[%add3A_1165], %add3A_1166 : memref<4096xf32, #tpu.memory_space<vmem>>[vector<16xi32>], vector<16xf32>,
      %add3A_1167 = arith.constant 1 : i32
      %add3A_1168 = vector.broadcast %add3A_1167 : i32 to vector<16xi32>
      %add3A_1169 = arith.addi %add3A_464, %add3A_1168 : vector<16xi32>
      %add3A_1170 = arith.addf %scan3A_1161#1, %gather3A_478 : vector<16xf32>
      tpu.vector_store_idx %arg39[%add3A_1169], %add3A_1170 : memref<4096xf32, #tpu.memory_space<vmem>>[vector<16xi32>], vector<16xf32>,
      %add3A_1171 = arith.constant 2 : i32
      %add3A_1172 = vector.broadcast %add3A_1171 : i32 to vector<16xi32>
      %add3A_1173 = arith.addi %add3A_464, %add3A_1172 : vector<16xi32>
      %add3A_1174 = arith.addf %scan3A_1161#2, %gather3A_482 : vector<16xf32>
      tpu.vector_store_idx %arg39[%add3A_1173], %add3A_1174 : memref<4096xf32, #tpu.memory_space<vmem>>[vector<16xi32>], vector<16xf32>,
      %add3A_1175 = arith.constant 3 : i32
      %add3A_1176 = vector.broadcast %add3A_1175 : i32 to vector<16xi32>
      %add3A_1177 = arith.addi %add3A_464, %add3A_1176 : vector<16xi32>
      %add3A_1178 = arith.addf %scan3A_1161#3, %gather3A_486 : vector<16xf32>
      tpu.vector_store_idx %arg39[%add3A_1177], %add3A_1178 : memref<4096xf32, #tpu.memory_space<vmem>>[vector<16xi32>], vector<16xf32>,
      %add3A_1179 = arith.constant 4 : i32
      %add3A_1180 = vector.broadcast %add3A_1179 : i32 to vector<16xi32>
      %add3A_1181 = arith.addi %add3A_464, %add3A_1180 : vector<16xi32>
      %add3A_1182 = arith.addf %scan3A_1161#4, %gather3A_490 : vector<16xf32>
      tpu.vector_store_idx %arg39[%add3A_1181], %add3A_1182 : memref<4096xf32, #tpu.memory_space<vmem>>[vector<16xi32>], vector<16xf32>,
      %add3A_1183 = arith.constant 5 : i32
      %add3A_1184 = vector.broadcast %add3A_1183 : i32 to vector<16xi32>
      %add3A_1185 = arith.addi %add3A_464, %add3A_1184 : vector<16xi32>
      %add3A_1186 = arith.addf %scan3A_1161#5, %gather3A_494 : vector<16xf32>
      tpu.vector_store_idx %arg39[%add3A_1185], %add3A_1186 : memref<4096xf32, #tpu.memory_space<vmem>>[vector<16xi32>], vector<16xf32>,
      %add3A_1187 = arith.constant 6 : i32
      %add3A_1188 = vector.broadcast %add3A_1187 : i32 to vector<16xi32>
      %add3A_1189 = arith.addi %add3A_464, %add3A_1188 : vector<16xi32>
      %add3A_1190 = arith.addf %scan3A_1161#6, %gather3A_498 : vector<16xf32>
      tpu.vector_store_idx %arg39[%add3A_1189], %add3A_1190 : memref<4096xf32, #tpu.memory_space<vmem>>[vector<16xi32>], vector<16xf32>,
      %add3A_1191 = arith.constant 7 : i32
      %add3A_1192 = vector.broadcast %add3A_1191 : i32 to vector<16xi32>
      %add3A_1193 = arith.addi %add3A_464, %add3A_1192 : vector<16xi32>
      %add3A_1194 = arith.addf %scan3A_1161#7, %gather3A_502 : vector<16xf32>
      tpu.vector_store_idx %arg39[%add3A_1193], %add3A_1194 : memref<4096xf32, #tpu.memory_space<vmem>>[vector<16xi32>], vector<16xf32>,
      %add3A_1195 = arith.constant 8 : i32
      %add3A_1196 = vector.broadcast %add3A_1195 : i32 to vector<16xi32>
      %add3A_1197 = arith.addi %add3A_464, %add3A_1196 : vector<16xi32>
      %add3A_1198 = arith.addf %scan3A_1161#8, %gather3A_506 : vector<16xf32>
      tpu.vector_store_idx %arg39[%add3A_1197], %add3A_1198 : memref<4096xf32, #tpu.memory_space<vmem>>[vector<16xi32>], vector<16xf32>,
      %add3A_1199 = arith.constant 9 : i32
      %add3A_1200 = vector.broadcast %add3A_1199 : i32 to vector<16xi32>
      %add3A_1201 = arith.addi %add3A_464, %add3A_1200 : vector<16xi32>
      %add3A_1202 = arith.addf %scan3A_1161#9, %gather3A_510 : vector<16xf32>
      tpu.vector_store_idx %arg39[%add3A_1201], %add3A_1202 : memref<4096xf32, #tpu.memory_space<vmem>>[vector<16xi32>], vector<16xf32>,
      %add3A_1203 = arith.constant 10 : i32
      %add3A_1204 = vector.broadcast %add3A_1203 : i32 to vector<16xi32>
      %add3A_1205 = arith.addi %add3A_464, %add3A_1204 : vector<16xi32>
      %add3A_1206 = arith.addf %scan3A_1161#10, %gather3A_514 : vector<16xf32>
      tpu.vector_store_idx %arg39[%add3A_1205], %add3A_1206 : memref<4096xf32, #tpu.memory_space<vmem>>[vector<16xi32>], vector<16xf32>,
      %add3A_1207 = arith.constant 11 : i32
      %add3A_1208 = vector.broadcast %add3A_1207 : i32 to vector<16xi32>
      %add3A_1209 = arith.addi %add3A_464, %add3A_1208 : vector<16xi32>
      %add3A_1210 = arith.addf %scan3A_1161#11, %gather3A_518 : vector<16xf32>
      tpu.vector_store_idx %arg39[%add3A_1209], %add3A_1210 : memref<4096xf32, #tpu.memory_space<vmem>>[vector<16xi32>], vector<16xf32>,
      %add3A_1211 = arith.constant 12 : i32
      %add3A_1212 = vector.broadcast %add3A_1211 : i32 to vector<16xi32>
      %add3A_1213 = arith.addi %add3A_464, %add3A_1212 : vector<16xi32>
      %add3A_1214 = arith.addf %scan3A_1161#12, %gather3A_522 : vector<16xf32>
      tpu.vector_store_idx %arg39[%add3A_1213], %add3A_1214 : memref<4096xf32, #tpu.memory_space<vmem>>[vector<16xi32>], vector<16xf32>,
      %add3A_1215 = arith.constant 13 : i32
      %add3A_1216 = vector.broadcast %add3A_1215 : i32 to vector<16xi32>
      %add3A_1217 = arith.addi %add3A_464, %add3A_1216 : vector<16xi32>
      %add3A_1218 = arith.addf %scan3A_1161#13, %gather3A_526 : vector<16xf32>
      tpu.vector_store_idx %arg39[%add3A_1217], %add3A_1218 : memref<4096xf32, #tpu.memory_space<vmem>>[vector<16xi32>], vector<16xf32>,
      %add3A_1219 = arith.constant 14 : i32
      %add3A_1220 = vector.broadcast %add3A_1219 : i32 to vector<16xi32>
      %add3A_1221 = arith.addi %add3A_464, %add3A_1220 : vector<16xi32>
      %add3A_1222 = arith.addf %scan3A_1161#14, %gather3A_530 : vector<16xf32>
      tpu.vector_store_idx %arg39[%add3A_1221], %add3A_1222 : memref<4096xf32, #tpu.memory_space<vmem>>[vector<16xi32>], vector<16xf32>,
      %add3A_1223 = arith.constant 15 : i32
      %add3A_1224 = vector.broadcast %add3A_1223 : i32 to vector<16xi32>
      %add3A_1225 = arith.addi %add3A_464, %add3A_1224 : vector<16xi32>
      %add3A_1226 = arith.addf %scan3A_1161#15, %gather3A_534 : vector<16xf32>
      tpu.vector_store_idx %arg39[%add3A_1225], %add3A_1226 : memref<4096xf32, #tpu.memory_space<vmem>>[vector<16xi32>], vector<16xf32>,
    }
    %scan3A_420 = arith.constant 16 : i32
    %dma_start3A_421 = arith.constant 0 : i32
    %dma_start3A_422 = tpu.memref_slice %arg13[%add3A_4, %dma_start3A_421] : memref<64x4096xf32, #tpu.memory_space<hbm>> -> memref<1x4096xf32, #tpu.memory_space<hbm>>
    %dma_start3A_423 = tpu.memref_squeeze %dma_start3A_422 : memref<1x4096xf32, #tpu.memory_space<hbm>> -> memref<4096xf32, #tpu.memory_space<hbm>>
    %dma_start3A_424 = arith.constant 0 : i32
    %dma_start3A_425 = tpu.memref_slice %arg13[%add3A_4, %dma_start3A_424] : memref<64x4096xf32, #tpu.memory_space<hbm>> -> memref<1x4096xf32, #tpu.memory_space<hbm>>
    %dma_start3A_426 = tpu.memref_squeeze %dma_start3A_425 : memref<1x4096xf32, #tpu.memory_space<hbm>> -> memref<4096xf32, #tpu.memory_space<hbm>>
    tpu.enqueue_dma source(%arg39 : memref<4096xf32, #tpu.memory_space<vmem>>) target(%dma_start3A_426 : memref<4096xf32, #tpu.memory_space<hbm>>) target_semaphore(%arg44 : memref<!tpu.dma_semaphore, #tpu.memory_space<semaphore_mem>>)
    %dma_start3A_427 = arith.constant 0 : i32
    %dma_start3A_428 = tpu.memref_slice %arg14[%add3A_4, %dma_start3A_427] : memref<64x4096xf32, #tpu.memory_space<hbm>> -> memref<1x4096xf32, #tpu.memory_space<hbm>>
    %dma_start3A_429 = tpu.memref_squeeze %dma_start3A_428 : memref<1x4096xf32, #tpu.memory_space<hbm>> -> memref<4096xf32, #tpu.memory_space<hbm>>
    %dma_start3A_430 = arith.constant 0 : i32
    %dma_start3A_431 = tpu.memref_slice %arg14[%add3A_4, %dma_start3A_430] : memref<64x4096xf32, #tpu.memory_space<hbm>> -> memref<1x4096xf32, #tpu.memory_space<hbm>>
    %dma_start3A_432 = tpu.memref_squeeze %dma_start3A_431 : memref<1x4096xf32, #tpu.memory_space<hbm>> -> memref<4096xf32, #tpu.memory_space<hbm>>
    tpu.enqueue_dma source(%arg40 : memref<4096xf32, #tpu.memory_space<vmem>>) target(%dma_start3A_432 : memref<4096xf32, #tpu.memory_space<hbm>>) target_semaphore(%arg44 : memref<!tpu.dma_semaphore, #tpu.memory_space<semaphore_mem>>)
    %dma_wait3A_433 = arith.constant 0 : i32
    %dma_wait3A_434 = tpu.memref_slice %arg13[%mul3A_2, %dma_wait3A_433] : memref<64x4096xf32, #tpu.memory_space<hbm>> -> memref<1x4096xf32, #tpu.memory_space<hbm>>
    %dma_wait3A_435 = tpu.memref_squeeze %dma_wait3A_434 : memref<1x4096xf32, #tpu.memory_space<hbm>> -> memref<4096xf32, #tpu.memory_space<hbm>>
    %dma_wait3A_436 = arith.constant 0 : i32
    %dma_wait3A_437 = tpu.memref_slice %arg13[%mul3A_2, %dma_wait3A_436] : memref<64x4096xf32, #tpu.memory_space<hbm>> -> memref<1x4096xf32, #tpu.memory_space<hbm>>
    %dma_wait3A_438 = tpu.memref_squeeze %dma_wait3A_437 : memref<1x4096xf32, #tpu.memory_space<hbm>> -> memref<4096xf32, #tpu.memory_space<hbm>>
    tpu.wait_dma2 semaphore(%arg43 : memref<!tpu.dma_semaphore, #tpu.memory_space<semaphore_mem>>) src(%arg37 : memref<4096xf32, #tpu.memory_space<vmem>>) dst(%dma_wait3A_438 : memref<4096xf32, #tpu.memory_space<hbm>>)
    %dma_wait3A_439 = arith.constant 0 : i32
    %dma_wait3A_440 = tpu.memref_slice %arg14[%mul3A_2, %dma_wait3A_439] : memref<64x4096xf32, #tpu.memory_space<hbm>> -> memref<1x4096xf32, #tpu.memory_space<hbm>>
    %dma_wait3A_441 = tpu.memref_squeeze %dma_wait3A_440 : memref<1x4096xf32, #tpu.memory_space<hbm>> -> memref<4096xf32, #tpu.memory_space<hbm>>
    %dma_wait3A_442 = arith.constant 0 : i32
    %dma_wait3A_443 = tpu.memref_slice %arg14[%mul3A_2, %dma_wait3A_442] : memref<64x4096xf32, #tpu.memory_space<hbm>> -> memref<1x4096xf32, #tpu.memory_space<hbm>>
    %dma_wait3A_444 = tpu.memref_squeeze %dma_wait3A_443 : memref<1x4096xf32, #tpu.memory_space<hbm>> -> memref<4096xf32, #tpu.memory_space<hbm>>
    tpu.wait_dma2 semaphore(%arg43 : memref<!tpu.dma_semaphore, #tpu.memory_space<semaphore_mem>>) src(%arg38 : memref<4096xf32, #tpu.memory_space<vmem>>) dst(%dma_wait3A_444 : memref<4096xf32, #tpu.memory_space<hbm>>)
    %dma_wait3A_445 = arith.constant 0 : i32
    %dma_wait3A_446 = tpu.memref_slice %arg13[%add3A_4, %dma_wait3A_445] : memref<64x4096xf32, #tpu.memory_space<hbm>> -> memref<1x4096xf32, #tpu.memory_space<hbm>>
    %dma_wait3A_447 = tpu.memref_squeeze %dma_wait3A_446 : memref<1x4096xf32, #tpu.memory_space<hbm>> -> memref<4096xf32, #tpu.memory_space<hbm>>
    %dma_wait3A_448 = arith.constant 0 : i32
    %dma_wait3A_449 = tpu.memref_slice %arg13[%add3A_4, %dma_wait3A_448] : memref<64x4096xf32, #tpu.memory_space<hbm>> -> memref<1x4096xf32, #tpu.memory_space<hbm>>
    %dma_wait3A_450 = tpu.memref_squeeze %dma_wait3A_449 : memref<1x4096xf32, #tpu.memory_space<hbm>> -> memref<4096xf32, #tpu.memory_space<hbm>>
    tpu.wait_dma2 semaphore(%arg44 : memref<!tpu.dma_semaphore, #tpu.memory_space<semaphore_mem>>) src(%arg39 : memref<4096xf32, #tpu.memory_space<vmem>>) dst(%dma_wait3A_450 : memref<4096xf32, #tpu.memory_space<hbm>>)
    %dma_wait3A_451 = arith.constant 0 : i32
    %dma_wait3A_452 = tpu.memref_slice %arg14[%add3A_4, %dma_wait3A_451] : memref<64x4096xf32, #tpu.memory_space<hbm>> -> memref<1x4096xf32, #tpu.memory_space<hbm>>
    %dma_wait3A_453 = tpu.memref_squeeze %dma_wait3A_452 : memref<1x4096xf32, #tpu.memory_space<hbm>> -> memref<4096xf32, #tpu.memory_space<hbm>>
    %dma_wait3A_454 = arith.constant 0 : i32
    %dma_wait3A_455 = tpu.memref_slice %arg14[%add3A_4, %dma_wait3A_454] : memref<64x4096xf32, #tpu.memory_space<hbm>> -> memref<1x4096xf32, #tpu.memory_space<hbm>>
    %dma_wait3A_456 = tpu.memref_squeeze %dma_wait3A_455 : memref<1x4096xf32, #tpu.memory_space<hbm>> -> memref<4096xf32, #tpu.memory_space<hbm>>
    tpu.wait_dma2 semaphore(%arg44 : memref<!tpu.dma_semaphore, #tpu.memory_space<semaphore_mem>>) src(%arg40 : memref<4096xf32, #tpu.memory_space<vmem>>) dst(%dma_wait3A_456 : memref<4096xf32, #tpu.memory_space<hbm>>)
    return
  }
}

</mosaic_0001>

<sc_bundles>
// kernel: _run.3.cloned.1.call-start
scs
__scs_entry_jumppad:
0x0: {  	(pc) =	sbr.rel $0x88, $3  }
0x1: {  	(tag) =	ssettag $0x0;
	lr =	simm.s32 $0x1  }
0x2: {  	[smem:$0x3F96] =	sst lr;
	_ =	strace $0xD0000000  }
0x3: {  	_ = 	snop  }
0x4: {  	_ = 	snop  }
0x5: {  	_ = 	snop  }
0x6: {  	_ = 	snop  }
0x7: {  	_ = 	snop  }
__scs_overlays_trampoline_lowered:
0x8: {  	[smem:$0x3FA5] =	sst s0  }
0x9: {  	[smem:$0x3FA6] =	sst s1  }
0xa: {  	[smem:$0x3FA7] =	sst s2  }
0xb: {  	[smem:$0x3FA8] =	sst s3  }
0xc: {  	[smem:$0x3FA9] =	sst s4  }
0xd: {  	[smem:$0x3FAA] =	sst s5  }
0xe: {  	[smem:$0x3FAB] =	sst s6  }
0xf: {  	[smem:$0x3FAC] =	sst s7  }
0x10: {  	[smem:$0x3FAD] =	sst s8  }
0x11: {  	[smem:$0x3FAE] =	sst s9;
	s0 =	simm.s32 @!p0 $0x0  }
0x12: {  	s1 =	sld [smem:$0x3F94];
	s0 =	simm.s32 @p0 $0x1  }
0x13: {  	[smem:$0x3FAF] =	sst s0;
	s0 =	simm.s32 @!p1 $0x0  }
0x14: {  	s2 =	sld [smem:$0x3F93];
	s0 =	simm.s32 @p1 $0x1  }
0x15: {  	[smem:$0x3FB0] =	sst s0;
	s0 =	simm.s32 @!p2 $0x0  }
0x16: {  	s3 =	sld [smem:$0x3FDB];
	s0 =	simm.s32 @p2 $0x1  }
0x17: {  	s4 =	simm.s32 $0x1BF5;
	[smem:$0x3FB2] =	sst s0  }
0x18: {  	s0 =	sld [smem:$0x3F95];
	_ =	swait.ge [sflag:s4], $0x0  }
0x19: {  	s7 =	sld [smem:$0x3F96]  }
0x1a: {  	s8 =	sadd.s32 $0xFFFFE003, lr  }
0x1b: {  	s9 =	sadd.s32 $0xFFFFFEF7, lr;
	s5 =	simm.s32 $0xFFFFFFFF;
	p2 =	slt.u32 s8, $0xFFFFF086  }
0x1c: {  	p1 =	slt.u32 s9, $0xF7A;
	s5 =	simm.s32 @!p2 $0x0  }
0x1d: {  	s5 =	simm.s32 @p1 $0x1;
	p0 =	seq.s32 s7, s2  }
0x1e: {  	s7 =	smul.u32 @!p0 $0xF7A, s2;
	p2 =	seq.s32 @!p0 s5, $0x0  }
0x1f: {  	s9 =	smul.u32 $0xF7A, s1;
	s8 =	simm.s32 @!p0 $0x1BF5;
	p2 =	por !p2, p0  }
0x20: {  	[sflag:s8] =	ssyncset.s32 @!p0 $0xFFFFF086;
	s6 =	sadd.s32 @!p0 s3, s7;
	s7 =	simm.s32 @!p0 $0x108  }
0x21: {  	s3 =	sadd.s32 s3, s9;
	s6 =	sadd.s32 @!p0 $0x88, s6;
	s7 =	simm.s32 @p2 $0x1082  }
0x22: {  	[simem:s7], [sflag:s8] =	dma.local @!p0 [hbm:s6], $0xF7A  }
0x23: {  	s9 =	sor.u32 $0xD0000000, s2;
	s6 =	simm.s32 $0x108;
	_ =	swait.ge @!p0 [sflag:s8], $0x0  }
0x24: {  	s3 =	sadd.s32 $0x88, s3;
	s6 =	simm.s32 @!p1 $0x1082;
	[sflag:s4] =	ssyncset.s32 $0xFFFFF086  }
0x25: {  	[simem:s6], [sflag:s4] =	dma.local [hbm:s3], $0xF7A  }
0x26: {  	[smem:$0x3F96] =	sst s1;
	(tag) =	ssettag s2;
	_ =	strace s9  }
0x27: {  	s1 =	sld [smem:$0x3FA6]  }
0x28: {  	s2 =	sld [smem:$0x3FA7]  }
0x29: {  	s4 =	sld [smem:$0x3FA9]  }
0x2a: {  	p0 =	seq.s32 s5, $0x0;
	s5 =	sld [smem:$0x3FAA]  }
0x2b: {  	s6 =	sld [smem:$0x3FAB]  }
0x2c: {  	s7 =	sld [smem:$0x3FAC]  }
0x2d: {  	s3 =	simm.s32 $0x108;
	s8 =	sld [smem:$0x3FAD]  }
0x2e: {  	s3 =	simm.s32 @!p0 $0x1082;
	s9 =	sld [smem:$0x3FAE]  }
0x2f: {  	lr =	sadd.s32 s0, s3;
	s0 =	sld [smem:$0x3FA5]  }
0x30: {  	s3 =	sld [smem:$0x3FA8]  }
0x31: {  	[smem:$0x3FB1] =	sst s10  }
0x32: {  	s10 =	sld [smem:$0x3FAF];
	_ =	sdelay $0x3  }
0x33: {  	p0 =	seq.s32 s10, $0x1;
	s10 =	sld [smem:$0x3FB1];
	_ =	sdelay $0x3  }
0x34: {  	[smem:$0x3FB1] =	sst s10  }
0x35: {  	s10 =	sld [smem:$0x3FB0];
	_ =	sdelay $0x3  }
0x36: {  	p1 =	seq.s32 s10, $0x1;
	s10 =	sld [smem:$0x3FB1];
	_ =	sdelay $0x3  }
0x37: {  	[smem:$0x3FB1] =	sst s10  }
0x38: {  	s10 =	sld [smem:$0x3FB2]  }
0x39: {  	_ = 	snop;
	(pc) =	sbr.ind lr, $3  }
0x3a: {  	_ = 	snop  }
0x3b: {  	_ = 	snop  }
0x3c: {  	p2 =	seq.s32 s10, $0x1;
	s10 =	sld [smem:$0x3FB1]  }
0x3d: {  	_ =	shalt  }
0x3e: {  	_ =	shalt  }
0x3f: {  	_ =	shalt  }
0x40: {  	_ =	shalt  }
0x41: {  	_ =	shalt  }
0x42: {  	_ =	shalt  }
0x43: {  	_ =	shalt  }
0x44: {  	_ =	shalt  }
0x45: {  	_ =	shalt  }
0x46: {  	_ =	shalt  }
0x47: {  	_ =	shalt  }
0x48: {  	_ =	shalt  }
0x49: {  	_ =	shalt  }
0x4a: {  	_ =	shalt  }
0x4b: {  	_ =	shalt  }
0x4c: {  	_ =	shalt  }
0x4d: {  	_ =	shalt  }
0x4e: {  	_ =	shalt  }
0x4f: {  	_ =	shalt  }
0x50: {  	_ =	shalt  }
0x51: {  	_ =	shalt  }
0x52: {  	_ =	shalt  }
0x53: {  	_ =	shalt  }
0x54: {  	_ =	shalt  }
0x55: {  	_ =	shalt  }
0x56: {  	_ =	shalt  }
0x57: {  	_ =	shalt  }
0x58: {  	_ =	shalt  }
0x59: {  	_ =	shalt  }
0x5a: {  	_ =	shalt  }
0x5b: {  	_ =	shalt  }
0x5c: {  	_ =	shalt  }
0x5d: {  	_ =	shalt  }
0x5e: {  	_ =	shalt  }
0x5f: {  	_ =	shalt  }
0x60: {  	_ =	shalt  }
0x61: {  	_ =	shalt  }
0x62: {  	_ =	shalt  }
0x63: {  	_ =	shalt  }
0x64: {  	_ =	shalt  }
0x65: {  	_ =	shalt  }
0x66: {  	_ =	shalt  }
0x67: {  	_ =	shalt  }
0x68: {  	_ =	shalt  }
0x69: {  	_ =	shalt  }
0x6a: {  	_ =	shalt  }
0x6b: {  	_ =	shalt  }
0x6c: {  	_ =	shalt  }
0x6d: {  	_ =	shalt  }
0x6e: {  	_ =	shalt  }
0x6f: {  	_ =	shalt  }
0x70: {  	_ =	shalt  }
0x71: {  	_ =	shalt  }
0x72: {  	_ =	shalt  }
0x73: {  	_ =	shalt  }
0x74: {  	_ =	shalt  }
0x75: {  	_ =	shalt  }
0x76: {  	_ =	shalt  }
0x77: {  	_ =	shalt  }
0x78: {  	_ =	shalt  }
0x79: {  	_ =	shalt  }
0x7a: {  	_ =	shalt  }
0x7b: {  	_ =	shalt  }
0x7c: {  	_ =	shalt  }
0x7d: {  	_ =	shalt  }
0x7e: {  	_ =	shalt  }
0x7f: {  	_ =	shalt  }
0x80: {  	_ =	shalt  }
0x81: {  	_ =	shalt  }
0x82: {  	_ =	shalt  }
0x83: {  	_ =	shalt  }
0x84: {  	_ =	shalt  }
0x85: {  	_ =	shalt  }
0x86: {  	_ =	shalt  }
0x87: {  	_ =	shalt  }
.Lfunc_end0:
.L_simem_size_0:
called_computation_lowered:
.L_overlay_start_0:
0x88: {  	s2 =	sld [smem:$0x3FD9]  }
0x89: {  	s3 =	sld [smem:$0x3FFE];
	_ =	sdelay $0x1  }
0x8a: {  	s1 =	srdreg.scid  }
0x8b: {  	s0 =	sand.u32 $0x1, s1  }
0x8c: {  	s28 =	sshll.u32 s0, $0xA;
	s2 =	sadd.s32 s3, s2  }
0x8d: {  	s2 =	sadd.s32 s2, s28  }
0x8e: {  	[smem:$0x3FBD] =	sst s2  }
0x8f: {  	_ = 	snop  }
0x90: {  	s2 =	sld [smem:$0x3FC9]  }
0x91: {  	s29 =	sld [smem:$0x3FC8]  }
0x92: {  	s4 =	sld [smem:$0x3FC7]  }
0x93: {  	s5 =	sld [smem:$0x3FC6]  }
0x94: {  	s6 =	sld [smem:$0x3FC5]  }
0x95: {  	s7 =	sld [smem:$0x3FC4]  }
0x96: {  	s8 =	sld [smem:$0x3FC3]  }
0x97: {  	s9 =	sld [smem:$0x3FC2]  }
0x98: {  	s10 =	sld [smem:$0x3FD0]  }
0x99: {  	s11 =	sld [smem:$0x3FC1]  }
0x9a: {  	s12 =	sld [smem:$0x3FC0]  }
0x9b: {  	s14 =	simm.s32 $0xA;
	s15 =	simm.s32 $0x10;
	s13 =	sld [smem:$0x3FBF]  }
0x9c: {  	[smem:s15], [sflag:s14] =	dma.local [hbm:s10], $0x1  }
0x9d: {  	_ =	swait.eq [sflag:s14], $0x1  }
0x9e: {  	[sflag:s14] =	ssyncset.done $0x0  }
0x9f: {  	s30 =	sld [smem:$0x10];
	[sflag:s14] =	ssyncadd.s32 $0xFFFFFFFF  }
0xa0: {  	s31 =	sld [smem:$0x11];
	(tm) =	ssettm $0x1  }
0xa1: {  	s19 =	sld [smem:$0x3FFB];
	_ =	sdelay $0x3  }
0xa2: {  	_ =	strace s19  }
0xa3: {  	s15 =	sld [smem:$0x3FFC];
	_ =	sdelay $0x3  }
0xa4: {  	_ =	strace s15  }
0xa5: {  	s15 =	sld [smem:$0x3FFD];
	_ =	sdelay $0x3  }
0xa6: {  	_ =	strace s15  }
0xa7: {  	_ =	strace $0x8FFFFFFF  }
0xa8: {  	s20 =	sld [smem:$0x3FDB];
	_ =	sdelay $0x1  }
0xa9: {  	s16 =	simm.s32 $_scs_section_size  }
0xaa: {  	s17 =	simm.s32 $_size__tile_overlayer_lowered;
	s18 =	simm.s32 $_tile_overlayer_lowered  }
0xab: {  	s23 =	simm.s32 $0x1BFF;
	s22 =	sshll.u32 s18, $0x1;
	s15 =	sadd.s32 s16, s20  }
0xac: {  	s21 =	sshll.u32 s17, $0x1;
	s19 =	simm.s32 $0x0;
	s17 =	sadd.s32 s22, s15  }
0xad: {  	[timem:s19], [sflag:s23] =	dma.local [hbm:s17], s21  }
0xae: {  	_ =	swait.ge [sflag:s23], s21  }
0xaf: {  	s16 =	ssub.s32 $0x0, s21;
	[sflag:s23] =	ssyncset.done $0x0  }
0xb0: {  	[sflag:s23] =	ssyncadd.s32 s16;
	_ =	sdelay $0x1  }
0xb1: {  	s24 =	simm.s32 $0x1B8B  }
0xb2: {  	_ =	swait.ge [sflag:s24], $0x1  }
0xb3: {  	[sflag:s24] =	ssyncset.done $0x0  }
0xb4: {  	s25 =	simm.s32 $0x1B8E;
	[sflag:s24] =	ssyncadd.s32 $0xFFFFFFFF  }
0xb5: {  	s26 =	simm.s32 $execute0_lowered;
	[smem:$0x3FD2] =	sst s25  }
0xb6: {  	s16 =	sshll.u32 s26, $0x1;
	_ =	strace $0x80000046;
	[dreg:$0x1] =	wrdreg $0xFFFFFFFF  }
0xb7: {  	s28 =	simm.s32 $_size_execute0_lowered;
	s15 =	sadd.s32 s15, s16;
	[dreg:$0x0] =	wrdreg $0x0  }
0xb8: {  	s16 =	sshll.u32 s28, $0x1;
	[dreg:$0x2] =	wrdreg s15  }
0xb9: {  	[dreg:$0x3] =	wrdreg s16  }
0xba: {  	[dreg:$0x4] =	wrdreg $0xC0  }
0xbb: {  	_ =	task [dreg:s19], $0x5FFFF  }
0xbc: {  	[dreg:$0x1] =	wrdreg $0xFFFFFFFF  }
0xbd: {  	[dreg:$0x0] =	wrdreg $0x60  }
0xbe: {  	[dreg:$0x2] =	wrdreg s2  }
0xbf: {  	[dreg:$0x3] =	wrdreg s29  }
0xc0: {  	[dreg:$0x4] =	wrdreg s4  }
0xc1: {  	[dreg:$0x5] =	wrdreg s5  }
0xc2: {  	[dreg:$0x6] =	wrdreg s6  }
0xc3: {  	[dreg:$0x7] =	wrdreg s7  }
0xc4: {  	[dreg:$0x8] =	wrdreg s8  }
0xc5: {  	[dreg:$0x9] =	wrdreg s9  }
0xc6: {  	[dreg:$0xa] =	wrdreg s11  }
0xc7: {  	[dreg:$0xb] =	wrdreg s12  }
0xc8: {  	[dreg:$0xc] =	wrdreg s13  }
0xc9: {  	[dreg:$0xd] =	wrdreg s30  }
0xca: {  	[dreg:$0xe] =	wrdreg s31  }
0xcb: {  	[dreg:$0xf] =	wrdreg $0x9  }
0xcc: {  	_ =	task.clear_ibuf [dreg:s19], $0x10FFFF;
	_ =	strace $0x90000046  }
0xcd: {  	s29 =	simm.s32 $0x9;
	_ =	strace $0x80000048  }
0xce: {  	_ =	swait.ge [sflag:s29], $0x1  }
0xcf: {  	[sflag:s29] =	ssyncadd.s32 $0xFFFFFFFF  }
0xd0: {  	_ =	strace $0x90000048  }
0xd1: {  	_ =	sfence  }
0xd2: {  	s30 =	sld [smem:$0x0];
	_ =	sdelay $0x2  }
0xd3: {  	s31 =	sshll.u32 s1, $0xD;
	s1 =	sshrl.u32 s1, $0x2  }
0xd4: {  	s3 =	sand.u32 $0x4000, s31;
	s1 =	sadd.s32 s1, s30  }
0xd5: {  	s0 =	sor.u32 s3, s0;
	s1 =	sshll.u32 s1, $0x11  }
0xd6: {  	s0 =	sor.u32 s1, s0  }
0xd7: {  	s0 =	sadd.s32 $0x8F2B, s0  }
0xd8: {  	[sflag:s0] =	ssyncadd.remote.s32 $0x1  }
0xd9: {  	_ =	sfence.sel $0xFFFF  }
0xda: {  	[dreg:$0x0] =	wrdreg $0xFFFFFFFF;
	(pc) =	sbr.abs _section_cstart, $3  }
0xdb: {  	[dreg:$0x1] =	wrdreg $0xFFFFFFFF  }
0xdc: {  	_ =	task.clear_ibuf [dreg:s19], $0x2FFFF;
	_ =	strace $0x9FFFFFFF  }
0xdd: {  	(tm) =	ssettm $0x7FFFFFFF  }
tec
execute0_lowered:
.L_overlay_start_1:
0x0: {  	(tag) =	ssettag $0x1  }
0x1: {  	s1 =	rddreg [dreg:$0x0]  }
0x2: {  	s0 =	rddreg [dreg:$0x1]  }
0x3: {  	s2 =	rddreg [dreg:$0x2]  }
0x4: {  	s3 =	rddreg [dreg:$0x3]  }
0x5: {  	s4 =	rddreg [dreg:$0x4]  }
0x6: {  	s5 =	rddreg [dreg:$0x5]  }
0x7: {  	s7 =	srdreg.scid;
	s11 =	stileid.u32  }
0x8: {  	s6 =	rddreg [dreg:$0x6];
	s7 =	sand.u32 $0x1, s7;
	s9 =	sshll.u32 s11, $0x9  }
0x9: {  	s11 =	sshrl.u32 s11, $0x1;
	s10 =	sshll.u32 s7, $0x8;
	s9 =	sand.u32 $0x200, s9  }
0xa: {  	s8 =	rddreg [dreg:$0x7];
	s23 =	sshll.u32 s11, $0xD;
	s9 =	sor.u32 s10, s9  }
0xb: {  	s12 =	rddreg [dreg:$0x8];
	s14 =	sor.u32 s23, s9  }
0xc: {  	s13 =	rddreg [dreg:$0x9];
	s14 =	sshrl.u32 s14, $0x3  }
0xd: {  	s15 =	rddreg [dreg:$0xa];
	s17 =	sadd.s32 s2, s14  }
0xe: {  	s25 =	sshll.u32 s11, $0xB;
	s24 =	sadd.s32 s3, s14;
	[dreg:$0xe] =	wrdreg s17  }
0xf: {  	s26 =	sor.u32 s25, s9;
	s19 =	sadd.s32 s4, s14;
	[dreg:$0xf] =	wrdreg s24  }
0x10: {  	s20 =	sshrl.u32 s26, $0x3;
	s14 =	sadd.s32 s5, s14;
	[dreg:$0x10] =	wrdreg s19  }
0x11: {  	s18 =	sor.u32 $0x80, s9;
	s21 =	sadd.s32 s8, s20;
	[dreg:$0x11] =	wrdreg s14  }
0x12: {  	s10 =	sor.u32 s23, s18;
	s26 =	sadd.s32 s12, s20;
	[dreg:$0x13] =	wrdreg s21  }
0x13: {  	s10 =	sshrl.u32 s10, $0x3;
	s19 =	sadd.s32 s6, s20;
	[dreg:$0x18] =	wrdreg s26  }
0x14: {  	s7 =	ssub.s32 $0x2, s7;
	s2 =	sadd.s32 s2, s10;
	[dreg:$0x12] =	wrdreg s19  }
0x15: {  	s16 =	sshrl.u32 s7, $0x1;
	s22 =	sadd.s32 s3, s10;
	[dreg:$0x14] =	wrdreg s2  }
0x16: {  	s7 =	ssub.s32 s7, s16;
	s23 =	sadd.s32 s4, s10;
	[dreg:$0x15] =	wrdreg s22  }
0x17: {  	s24 =	sor.u32 s25, s18;
	s25 =	sadd.s32 s5, s10;
	[dreg:$0x16] =	wrdreg s23  }
0x18: {  	s16 =	sshll.u32 s11, $0xF;
	s4 =	sadd.s32 s13, s20;
	[dreg:$0x17] =	wrdreg s25  }
0x19: {  	s5 =	sshll.u32 s11, $0xA;
	s17 =	simm.s32 $0x0;
	[dreg:$0x19] =	wrdreg s4  }
0x1a: {  	s2 =	sshrl.u32 s24, $0x3;
	s14 =	sor.u32 s5, s9;
	[smem:$0x7FF] =	sst s17  }
0x1b: {  	s19 =	sor.u32 s16, s18;
	s22 =	rddreg [dreg:$0xb];
	s10 =	sadd.s32 s6, s2  }
0x1c: {  	s3 =	sor.u32 s5, s18;
	s11 =	sadd.s32 s8, s2;
	[dreg:$0x1a] =	wrdreg s10  }
0x1d: {  	s12 =	sadd.s32 s12, s2;
	s2 =	sadd.s32 s13, s2;
	[dreg:$0x1b] =	wrdreg s11  }
0x1e: {  	s13 =	sor.u32 s16, s9;
	s4 =	sshrl.u32 s14, $0x3;
	[dreg:$0x1c] =	wrdreg s12  }
0x1f: {  	s3 =	sshrl.u32 s3, $0x3;
	[dreg:$0x1d] =	wrdreg s2;
	s4 =	sadd.s32 s15, s4  }
0x20: {  	s2 =	sshrl.u32 s13, $0x3;
	s3 =	sadd.s32 s15, s3;
	[dreg:$0x1e] =	wrdreg s4  }
0x21: {  	v0 =	vlaneseq.u32;
	s20 =	sshrl.u32 s19, $0x3;
	[dreg:$0x1f] =	wrdreg s3;
	s21 =	sadd.s32 s1, s2  }
0x22: {  	v1 =	vand.u32 $0x7, v0;
	s1 =	sadd.s32 s1, s20;
	[smem:$0x7FA] =	sst s21  }
0x23: {  	v1 =	vmul.u32 $0x10, v1;
	s23 =	sadd.s32 s0, s2;
	[smem:$0x7FB] =	sst s1  }
0x24: {  	v2 =	vmul.u32 $0x10, v0;
	s0 =	sadd.s32 s0, s20;
	[smem:$0x7FC] =	sst s23  }
0x25: {  	v1 =	vor.u32 $0xFFFFFF80, v1;
	[smem:$0x7FD] =	sst s0  }
0x26: {  	v47 =	vor.u32 $0x1, v2;
	s24 =	rddreg [dreg:$0xc];
	_ =	strace $0x80000047;
	[tilespmem:$0x1FEB0] =	vst v1  }
0x27: {  	v48 =	vor.u32 $0x2, v2;
	[tilespmem:$0x1FEC0] =	vst v47  }
0x28: {  	v49 =	vor.u32 $0x3, v2;
	[tilespmem:$0x1FED0] =	vst v48  }
0x29: {  	v50 =	vor.u32 $0x4, v2;
	[tilespmem:$0x1FEE0] =	vst v49  }
0x2a: {  	v51 =	vor.u32 $0x5, v2;
	[tilespmem:$0x1FEF0] =	vst v50  }
0x2b: {  	v52 =	vor.u32 $0x6, v2;
	[tilespmem:$0x1FF00] =	vst v51  }
0x2c: {  	v53 =	vor.u32 $0x7, v2;
	[tilespmem:$0x1FF10] =	vst v52  }
0x2d: {  	v54 =	vor.u32 $0x8, v2;
	[tilespmem:$0x1FF20] =	vst v53  }
0x2e: {  	v55 =	vor.u32 $0x9, v2;
	[tilespmem:$0x1FF30] =	vst v54  }
0x2f: {  	v56 =	vor.u32 $0xA, v2;
	[tilespmem:$0x1FF40] =	vst v55  }
0x30: {  	v57 =	vor.u32 $0xB, v2;
	[tilespmem:$0x1FF50] =	vst v56  }
0x31: {  	v58 =	vor.u32 $0xC, v2;
	[tilespmem:$0x1FF60] =	vst v57  }
0x32: {  	s31 =	simm.s32 $0x80;
	v59 =	vor.u32 $0xD, v2;
	s30 =	smax.u32 s7, $0x1;
	s7 =	simm.s32 $0x5480;
	[tilespmem:$0x1FF70] =	vst v58  }
0x33: {  	v60 =	vor.u32 $0xE, v2;
	s5 =	simm.s32 $0x3480;
	s18 =	simm.s32 $0x3;
	s6 =	simm.s32 $0x4480;
	[tilespmem:$0x1FF80] =	vst v59  }
0x34: {  	v0 =	vmul.u32 $0x4, v0;
	s8 =	simm.s32 $0x5880;
	s9 =	simm.s32 $0x5C80;
	s14 =	simm.s32 $0x2;
	[tilespmem:$0x1FF90] =	vst v60  }
0x35: {  	v61 =	vor.u32 $0xF, v2;
	s16 =	simm.s32 $0x8900;
	s19 =	simm.s32 $0x4;
	s28 =	sadd.s32 s22, s20;
	[tilespmem:$0x1FFA0] =	vst v2  }
0x36: {  	v62 =	vor.u32 $0x1, v0;
	s29 =	sadd.s32 s24, s20;
	s10 =	simm.s32 $0x6080;
	s11 =	simm.s32 $0x1;
	[tilespmem:$0x1FFB0] =	vst v61  }
0x37: {  	v63 =	vor.u32 $0x2, v0;
	s12 =	simm.s32 $0x7900;
	s13 =	simm.s32 $0x6900;
	s15 =	simm.s32 $0x9900;
	[tilespmem:$0x1FFC0] =	vst v62  }
0x38: {  	s25 =	sadd.s32 s22, s2;
	s26 =	sadd.s32 s24, s2;
	s22 =	simm.s32 $0x400;
	[tilespmem:$0x1FFD0] =	vst v63  }
0x39: {  	s2 =	simm.s32 $0x2400;
	s3 =	simm.s32 $0x2800;
	s4 =	simm.s32 $0x2C00;
	[tilespmem:$0x1FFE0] =	vst v0;
	v0 =	vor.u32 $0x3, v0  }
0x3a: {  	s20 =	simm.s32 $0x0;
	s0 =	simm.s32 $0x1000;
	s1 =	simm.s32 $0x2000;
	[tilespmem:$0x1FFF0] =	vst v0  }
.LBB2_1:
0x3b: {  	s21 =	sld [smem:$0x7FA];
	_ =	sdelay $0x1  }
0x3c: {  	s23 =	sld [smem:$0x7FC]  }
0x3d: {  	[tilespmem:s17], [sflag:$0x1] =	stream.strided.gather [hbm4b:s21+s31], $0x1000, s22, s31, $0x38;
	[tilespmem:$0xA900] =	vst v63  }
0x3e: {  	_ = 	snop  }
0x3f: {  	[tilespmem:s0], [sflag:$0x1] =	stream.strided.gather [hbm4b:s23+s31], $0x1000, s22, s31, $0x38;
	[tilespmem:$0xA900] =	vst v63  }
0x40: {  	s24 =	rddreg [dreg:$0xe]  }
0x41: {  	[tilespmem:s1], [sflag:$0x1] =	stream.strided.gather [hbm4b:s24+s31], $0x400, s22, s31, $0x38;
	[tilespmem:$0xA900] =	vst v63  }
0x42: {  	s23 =	rddreg [dreg:$0xf]  }
0x43: {  	[tilespmem:s2], [sflag:$0x1] =	stream.strided.gather [hbm4b:s23+s31], $0x400, s22, s31, $0x38;
	[tilespmem:$0xA900] =	vst v63  }
0x44: {  	s24 =	rddreg [dreg:$0x10]  }
0x45: {  	[tilespmem:s3], [sflag:$0x1] =	stream.strided.gather [hbm4b:s24+s31], $0x400, s22, s31, $0x38;
	[tilespmem:$0xA900] =	vst v63  }
0x46: {  	s23 =	rddreg [dreg:$0x11]  }
0x47: {  	[tilespmem:s4], [sflag:$0x1] =	stream.strided.gather [hbm4b:s23+s31], $0x400, s22, s31, $0x38;
	[tilespmem:$0xA900] =	vst v63  }
0x48: {  	s24 =	rddreg [dreg:$0x12];
	s23 =	simm.s32 $0x3000  }
0x49: {  	[tilespmem:s23], [sflag:$0x1] =	stream.strided.gather [hbm4b:s24+s31], $0x100, s22, s31, $0x38;
	[tilespmem:$0xA900] =	vst v63  }
0x4a: {  	s23 =	rddreg [dreg:$0x13];
	s24 =	simm.s32 $0x3100  }
0x4b: {  	[tilespmem:s24], [sflag:$0x1] =	stream.strided.gather [hbm4b:s23+s31], $0x100, s22, s31, $0x38;
	[tilespmem:$0xA900] =	vst v63  }
0x4c: {  	s23 =	rddreg [dreg:$0x18];
	s24 =	simm.s32 $0x3200  }
0x4d: {  	[tilespmem:s24], [sflag:$0x1] =	stream.strided.gather [hbm4b:s23+s31], $0x100, s22, s31, $0x38;
	[tilespmem:$0xA900] =	vst v63  }
0x4e: {  	s23 =	rddreg [dreg:$0x19];
	s24 =	simm.s32 $0x3300  }
0x4f: {  	[tilespmem:s24], [sflag:$0x1] =	stream.strided.gather [hbm4b:s23+s31], $0x100, s22, s31, $0x38;
	[tilespmem:$0xA900] =	vst v63  }
0x50: {  	s23 =	rddreg [dreg:$0x1e];
	s24 =	simm.s32 $0x3400  }
0x51: {  	[tilespmem:s24], [sflag:$0x1] =	stream.linear.gather [hbm4b:s23+s17], $0x80, $0x38;
	[tilespmem:$0xA900] =	vst v63  }
0x52: {  	s23 =	sld [smem:$0x7FB];
	_ =	sdelay $0x1  }
0x53: {  	s24 =	sld [smem:$0x7FD]  }
0x54: {  	[tilespmem:s5], [sflag:$0x2] =	stream.strided.gather [hbm4b:s23+s31], $0x1000, s22, s31, $0x38;
	[tilespmem:$0xA900] =	vst v63  }
0x55: {  	_ = 	snop  }
0x56: {  	[tilespmem:s6], [sflag:$0x2] =	stream.strided.gather [hbm4b:s24+s31], $0x1000, s22, s31, $0x38;
	[tilespmem:$0xA900] =	vst v63  }
0x57: {  	s23 =	rddreg [dreg:$0x14]  }
0x58: {  	[tilespmem:s7], [sflag:$0x2] =	stream.strided.gather [hbm4b:s23+s31], $0x400, s22, s31, $0x38;
	[tilespmem:$0xA900] =	vst v63  }
0x59: {  	s24 =	rddreg [dreg:$0x15]  }
0x5a: {  	[tilespmem:s8], [sflag:$0x2] =	stream.strided.gather [hbm4b:s24+s31], $0x400, s22, s31, $0x38;
	[tilespmem:$0xA900] =	vst v63  }
0x5b: {  	s23 =	rddreg [dreg:$0x16]  }
0x5c: {  	[tilespmem:s9], [sflag:$0x2] =	stream.strided.gather [hbm4b:s23+s31], $0x400, s22, s31, $0x38;
	[tilespmem:$0xA900] =	vst v63  }
0x5d: {  	s24 =	rddreg [dreg:$0x17]  }
0x5e: {  	[tilespmem:s10], [sflag:$0x2] =	stream.strided.gather [hbm4b:s24+s31], $0x400, s22, s31, $0x38;
	[tilespmem:$0xA900] =	vst v63  }
0x5f: {  	s23 =	rddreg [dreg:$0x1a];
	s24 =	simm.s32 $0x6480  }
0x60: {  	[tilespmem:s24], [sflag:$0x2] =	stream.strided.gather [hbm4b:s23+s31], $0x100, s22, s31, $0x38;
	[tilespmem:$0xA900] =	vst v63  }
0x61: {  	s23 =	rddreg [dreg:$0x1b];
	s24 =	simm.s32 $0x6580  }
0x62: {  	[tilespmem:s24], [sflag:$0x2] =	stream.strided.gather [hbm4b:s23+s31], $0x100, s22, s31, $0x38;
	[tilespmem:$0xA900] =	vst v63  }
0x63: {  	s23 =	rddreg [dreg:$0x1c];
	s24 =	simm.s32 $0x6680  }
0x64: {  	[tilespmem:s24], [sflag:$0x2] =	stream.strided.gather [hbm4b:s23+s31], $0x100, s22, s31, $0x38;
	[tilespmem:$0xA900] =	vst v63  }
0x65: {  	s23 =	rddreg [dreg:$0x1d];
	s24 =	simm.s32 $0x6780  }
0x66: {  	[tilespmem:s24], [sflag:$0x2] =	stream.strided.gather [hbm4b:s23+s31], $0x100, s22, s31, $0x38;
	[tilespmem:$0xA900] =	vst v63  }
0x67: {  	s23 =	rddreg [dreg:$0x1f];
	s24 =	simm.s32 $0x6880  }
0x68: {  	[tilespmem:s24], [sflag:$0x2] =	stream.linear.gather [hbm4b:s23+s17], $0x80, $0x38;
	[tilespmem:$0xA900] =	vst v63  }
0x69: {  	_ =	swait.ge [sflag:s11], $0x1000  }
0x6a: {  	[sflag:s11] =	ssyncset.done $0x0  }
0x6b: {  	[sflag:s11] =	ssyncadd.s32 $0xFFFFF000  }
0x6c: {  	_ =	swait.ge [sflag:s11], $0x1000  }
0x6d: {  	[sflag:s11] =	ssyncset.done $0x0  }
0x6e: {  	[sflag:s11] =	ssyncadd.s32 $0xFFFFF000  }
0x6f: {  	_ =	swait.ge [sflag:s11], $0x400  }
0x70: {  	[sflag:s11] =	ssyncset.done $0x0  }
0x71: {  	[sflag:s11] =	ssyncadd.s32 $0xFFFFFC00  }
0x72: {  	_ =	swait.ge [sflag:s11], $0x400  }
0x73: {  	[sflag:s11] =	ssyncset.done $0x0  }
0x74: {  	[sflag:s11] =	ssyncadd.s32 $0xFFFFFC00  }
0x75: {  	_ =	swait.ge [sflag:s11], $0x400  }
0x76: {  	[sflag:s11] =	ssyncset.done $0x0  }
0x77: {  	[sflag:s11] =	ssyncadd.s32 $0xFFFFFC00  }
0x78: {  	_ =	swait.ge [sflag:s11], $0x400  }
0x79: {  	[sflag:s11] =	ssyncset.done $0x0  }
0x7a: {  	[sflag:s11] =	ssyncadd.s32 $0xFFFFFC00  }
0x7b: {  	_ =	swait.ge [sflag:s11], $0x100  }
0x7c: {  	[sflag:s11] =	ssyncset.done $0x0  }
0x7d: {  	[sflag:s11] =	ssyncadd.s32 $0xFFFFFF00  }
0x7e: {  	_ =	swait.ge [sflag:s11], $0x100  }
0x7f: {  	[sflag:s11] =	ssyncset.done $0x0  }
0x80: {  	[sflag:s11] =	ssyncadd.s32 $0xFFFFFF00  }
0x81: {  	_ =	swait.ge [sflag:s11], $0x100  }
0x82: {  	[sflag:s11] =	ssyncset.done $0x0  }
0x83: {  	[sflag:s11] =	ssyncadd.s32 $0xFFFFFF00  }
0x84: {  	_ =	swait.ge [sflag:s11], $0x100  }
0x85: {  	[sflag:s11] =	ssyncset.done $0x0  }
0x86: {  	[sflag:s11] =	ssyncadd.s32 $0xFFFFFF00  }
0x87: {  	_ =	swait.ge [sflag:s11], $0x80  }
0x88: {  	[sflag:s11] =	ssyncset.done $0x0  }
0x89: {  	[sflag:s11] =	ssyncadd.s32 $0xFFFFFF80  }
0x8a: {  	v0 =	vld [tilespmem:$0x3430]  }
0x8b: {  	v1 =	vld [tilespmem:$0x3450];
	_ =	sdelay $0x3  }
0x8c: {  	v0 =	vadd.f32 $5.000000000e-01, v0  }
0x8d: {  	v1 =	vadd.f32 $5.000000000e-01, v1  }
0x8e: {  	(erf) = vrcp.f32 v0  }
0x8f: {  	(erf) = vrcp.f32 v1  }
0x90: {  	v52 =	vld [tilespmem:$0x3410]  }
0x91: {  	v53 =	vld [tilespmem:$0x3400]  }
0x92: {  	v4 =	vld [tilespmem:$0x3420]  }
0x93: {  	v2 =	vld [tilespmem:$0x3440];
	_ =	sdelay $0x3  }
0x94: {  	v1 =	vsub.f32 v53, v4;
	v3 =	vpop (erf)  }
0x95: {  	v7 =	vsub.f32 v53, v2;
	v0 =	vadd.f32 $5.000000000e-01, v52;
	v5 =	vpop (erf)  }
0x96: {  	v1 =	vmul.f32 v3, v1;
	v2 =	vmul.f32 v5, v2  }
0x97: {  	v6 =	vmul.f32 v5, v0;
	v7 =	vmul.f32 v5, v7  }
0x98: {  	v56 =	vmul.f32 v3, v4;
	[tilespmem:$0x1FDC0] =	vst v1;
	v2 =	vsub.f32 $0.0e+00, v2  }
0x99: {  	v0 =	vmul.f32 v3, v0;
	v8 =	vmul.f32 $6.250000000e-02, v6;
	[tilespmem:$0x1FDB0] =	vst v7  }
0x9a: {  	v6 =	vmul.f32 $2.941176530e-03, v6;
	[tilespmem:$0x1FDD0] =	vst v2  }
0x9b: {  	v54 =	vmul.f32 $2.500000000e-01, v0;
	v55 =	vmul.f32 $2.000000030e-01, v0;
	v0 =	vsub.f32 $0.0e+00, v56;
	[tilespmem:$0x1FDE0] =	vst v8  }
0x9c: {  	[tilespmem:$0x1FE10] =	vst v6  }
0x9d: {  	[tilespmem:$0x1FE40] =	vst v0  }
0x9e: {  	v57 =	vmul.f32 $-5.000000070e-02, v8;
	[tilespmem:$0x1FE50] =	vst v54  }
0x9f: {  	v58 =	vmul.f32 $-5.000000070e-02, v6;
	[tilespmem:$0x1FE80] =	vst v55  }
0xa0: {  	v59 =	vmul.f32 $-5.000000070e-02, v54;
	[tilespmem:$0x1FDF0] =	vst v57  }
0xa1: {  	v9 =	vmul.f32 $-5.000000070e-02, v55;
	[tilespmem:$0x1FE20] =	vst v58  }
0xa2: {  	v60 =	vmul.f32 v57, v8;
	[tilespmem:$0x1FE60] =	vst v59  }
0xa3: {  	v61 =	vmul.f32 v58, v6;
	[tilespmem:$0x1FE90] =	vst v9  }
0xa4: {  	v62 =	vmul.f32 v59, v54;
	[tilespmem:$0x1FE00] =	vst v60  }
0xa5: {  	v63 =	vmul.f32 v9, v55;
	[tilespmem:$0x1FE30] =	vst v61  }
0xa6: {  	[tilespmem:$0x1FE70] =	vst v62  }
0xa7: {  	s21 =	simm.s32 $0x0;
	[tilespmem:$0x1FEA0] =	vst v63  }
.LBB2_2:
0xa8: {  	v0 =	vld [tilespmem:$0x1FFA0]  }
0xa9: {  	v1 =	vld [tilespmem:$0x1FEB0];
	_ =	sdelay $0x2  }
0xaa: {  	s23 =	sshll.u32 s21, $0x8  }
0xab: {  	v0 =	vor.u32 s23, v0  }
0xac: {  	v16 =	vand.u32 v1, v0;
	v0 =	vld [tilespmem:$0x1FEC0];
	_ =	sdelay $0x4  }
0xad: {  	v2 =	vor.u32 s23, v0;
	v0 =	vld [tilespmem:$0x1FED0];
	_ =	sdelay $0x4  }
0xae: {  	v3 =	vor.u32 s23, v0;
	v0 =	vld [tilespmem:$0x1FEE0];
	_ =	sdelay $0x4  }
0xaf: {  	v4 =	vor.u32 s23, v0;
	v0 =	vld [tilespmem:$0x1FEF0];
	_ =	sdelay $0x4  }
0xb0: {  	v5 =	vor.u32 s23, v0;
	v0 =	vld [tilespmem:$0x1FF00];
	_ =	sdelay $0x4  }
0xb1: {  	v6 =	vor.u32 s23, v0;
	v0 =	vld [tilespmem:$0x1FF10];
	_ =	sdelay $0x4  }
0xb2: {  	v7 =	vor.u32 s23, v0;
	v0 =	vld [tilespmem:$0x1FF20];
	_ =	sdelay $0x4  }
0xb3: {  	v8 =	vor.u32 s23, v0;
	v0 =	vld [tilespmem:$0x1FF30];
	_ =	sdelay $0x4  }
0xb4: {  	v9 =	vor.u32 s23, v0;
	v0 =	vld [tilespmem:$0x1FF40];
	_ =	sdelay $0x4  }
0xb5: {  	v10 =	vor.u32 s23, v0;
	v0 =	vld [tilespmem:$0x1FF50]  }
0xb6: {  	v1 =	vld [tilespmem:$0x1FF90];
	_ =	sdelay $0x3  }
0xb7: {  	v11 =	vor.u32 s23, v0;
	v0 =	vld [tilespmem:$0x1FF60]  }
0xb8: {  	v15 =	vor.u32 s23, v1;
	v1 =	vld [tilespmem:$0x1FFB0];
	_ =	sdelay $0x3  }
0xb9: {  	v12 =	vor.u32 s23, v0;
	v0 =	vld [tilespmem:$0x1FF70]  }
0xba: {  	v17 =	vld.idx.msk [tilespmem:v16+s17+$0x0], $0xffff;
	v18 =	vor.u32 s23, v1  }
0xbb: {  	v26 =	vld.idx.msk [tilespmem:v2+s17+$0x0], $0xffff  }
0xbc: {  	v24 =	vld.idx.msk [tilespmem:v15+s17+$0x0], $0xffff  }
0xbd: {  	v27 =	vld.idx.msk [tilespmem:v3+s17+$0x0], $0xffff  }
0xbe: {  	v13 =	vor.u32 s23, v0;
	v0 =	vld [tilespmem:$0x1FF80]  }
0xbf: {  	v25 =	vld.idx.msk [tilespmem:v18+s17+$0x0], $0xffff  }
0xc0: {  	v28 =	vld.idx.msk [tilespmem:v4+s17+$0x0], $0xffff  }
0xc1: {  	v29 =	vld.idx.msk [tilespmem:v5+s17+$0x0], $0xffff  }
0xc2: {  	v19 =	vld.idx.msk [tilespmem:v6+s17+$0x0], $0xffff  }
0xc3: {  	v14 =	vor.u32 s23, v0;
	v0 =	vld.idx.msk [tilespmem:v16+s0+$0x0], $0xffff  }
0xc4: {  	v20 =	vld.idx.msk [tilespmem:v7+s17+$0x0], $0xffff  }
0xc5: {  	v21 =	vld.idx.msk [tilespmem:v8+s17+$0x0], $0xffff  }
0xc6: {  	v22 =	vld.idx.msk [tilespmem:v9+s17+$0x0], $0xffff  }
0xc7: {  	v31 =	vld.idx.msk [tilespmem:v10+s17+$0x0], $0xffff  }
0xc8: {  	v32 =	vld.idx.msk [tilespmem:v11+s17+$0x0], $0xffff;
	v0 =	vand.u32 $0x7FFFFFFF, v0  }
0xc9: {  	v33 =	vld.idx.msk [tilespmem:v12+s17+$0x0], $0xffff;
	v0 =	vadd.f32 $5.000000000e-01, v0  }
0xca: {  	v30 =	vld.idx.msk [tilespmem:v13+s17+$0x0], $0xffff  }
0xcb: {  	v23 =	vld.idx.msk [tilespmem:v14+s17+$0x0], $0xffff;
	[tilespmem:v16+s12+$0x0] =	vst.idx.msk $0xffff, v0  }
0xcc: {  	v1 =	vld.idx.msk [tilespmem:v2+s0+$0x0], $0xffff;
	_ =	sdelay $0x4  }
0xcd: {  	v1 =	vand.u32 $0x7FFFFFFF, v1  }
0xce: {  	v1 =	vadd.f32 $5.000000000e-01, v1;
	_ =	sdelay $0x1  }
0xcf: {  	[tilespmem:v2+s12+$0x0] =	vst.idx.msk $0xffff, v1  }
0xd0: {  	[tilespmem:$0x1F9A0] =	vst v2;
	v2 =	vld.idx.msk [tilespmem:v3+s0+$0x0], $0xffff;
	_ =	sdelay $0x4  }
0xd1: {  	v2 =	vand.u32 $0x7FFFFFFF, v2  }
0xd2: {  	v2 =	vadd.f32 $5.000000000e-01, v2;
	_ =	sdelay $0x1  }
0xd3: {  	[tilespmem:v3+s12+$0x0] =	vst.idx.msk $0xffff, v2  }
0xd4: {  	[tilespmem:$0x1F9B0] =	vst v3;
	v3 =	vld.idx.msk [tilespmem:v4+s0+$0x0], $0xffff;
	_ =	sdelay $0x4  }
0xd5: {  	v3 =	vand.u32 $0x7FFFFFFF, v3  }
0xd6: {  	v3 =	vadd.f32 $5.000000000e-01, v3;
	_ =	sdelay $0x1  }
0xd7: {  	[tilespmem:v4+s12+$0x0] =	vst.idx.msk $0xffff, v3  }
0xd8: {  	[tilespmem:$0x1F9C0] =	vst v4;
	v4 =	vld.idx.msk [tilespmem:v5+s0+$0x0], $0xffff;
	_ =	sdelay $0x4  }
0xd9: {  	v4 =	vand.u32 $0x7FFFFFFF, v4  }
0xda: {  	v4 =	vadd.f32 $5.000000000e-01, v4;
	_ =	sdelay $0x1  }
0xdb: {  	[tilespmem:v5+s12+$0x0] =	vst.idx.msk $0xffff, v4  }
0xdc: {  	[tilespmem:$0x1F9D0] =	vst v5;
	v5 =	vld.idx.msk [tilespmem:v6+s0+$0x0], $0xffff;
	_ =	sdelay $0x4  }
0xdd: {  	v5 =	vand.u32 $0x7FFFFFFF, v5  }
0xde: {  	v5 =	vadd.f32 $5.000000000e-01, v5;
	_ =	sdelay $0x1  }
0xdf: {  	[tilespmem:v6+s12+$0x0] =	vst.idx.msk $0xffff, v5  }
0xe0: {  	[tilespmem:$0x1F9E0] =	vst v6;
	v6 =	vld.idx.msk [tilespmem:v7+s0+$0x0], $0xffff;
	_ =	sdelay $0x4  }
0xe1: {  	v6 =	vand.u32 $0x7FFFFFFF, v6  }
0xe2: {  	v6 =	vadd.f32 $5.000000000e-01, v6;
	_ =	sdelay $0x1  }
0xe3: {  	[tilespmem:v7+s12+$0x0] =	vst.idx.msk $0xffff, v6  }
0xe4: {  	[tilespmem:$0x1F9F0] =	vst v7;
	v7 =	vld.idx.msk [tilespmem:v8+s0+$0x0], $0xffff;
	_ =	sdelay $0x4  }
0xe5: {  	v7 =	vand.u32 $0x7FFFFFFF, v7  }
0xe6: {  	v7 =	vadd.f32 $5.000000000e-01, v7;
	_ =	sdelay $0x1  }
0xe7: {  	[tilespmem:v8+s12+$0x0] =	vst.idx.msk $0xffff, v7  }
0xe8: {  	[tilespmem:$0x1FA00] =	vst v8;
	v8 =	vld.idx.msk [tilespmem:v9+s0+$0x0], $0xffff;
	_ =	sdelay $0x4  }
0xe9: {  	v8 =	vand.u32 $0x7FFFFFFF, v8  }
0xea: {  	v8 =	vadd.f32 $5.000000000e-01, v8;
	_ =	sdelay $0x1  }
0xeb: {  	[tilespmem:v9+s12+$0x0] =	vst.idx.msk $0xffff, v8  }
0xec: {  	[tilespmem:$0x1FA10] =	vst v9;
	v9 =	vld.idx.msk [tilespmem:v10+s0+$0x0], $0xffff;
	_ =	sdelay $0x4  }
0xed: {  	v9 =	vand.u32 $0x7FFFFFFF, v9  }
0xee: {  	v9 =	vadd.f32 $5.000000000e-01, v9;
	_ =	sdelay $0x1  }
0xef: {  	[tilespmem:v10+s12+$0x0] =	vst.idx.msk $0xffff, v9  }
0xf0: {  	[tilespmem:$0x1FA20] =	vst v10;
	v10 =	vld.idx.msk [tilespmem:v11+s0+$0x0], $0xffff;
	_ =	sdelay $0x4  }
0xf1: {  	v10 =	vand.u32 $0x7FFFFFFF, v10  }
0xf2: {  	v10 =	vadd.f32 $5.000000000e-01, v10;
	_ =	sdelay $0x1  }
0xf3: {  	[tilespmem:v11+s12+$0x0] =	vst.idx.msk $0xffff, v10  }
0xf4: {  	[tilespmem:$0x1FA30] =	vst v11;
	v11 =	vld.idx.msk [tilespmem:v12+s0+$0x0], $0xffff;
	_ =	sdelay $0x4  }
0xf5: {  	v11 =	vand.u32 $0x7FFFFFFF, v11  }
0xf6: {  	v11 =	vadd.f32 $5.000000000e-01, v11;
	_ =	sdelay $0x1  }
0xf7: {  	[tilespmem:v12+s12+$0x0] =	vst.idx.msk $0xffff, v11  }
0xf8: {  	[tilespmem:$0x1FA40] =	vst v12;
	v12 =	vld.idx.msk [tilespmem:v13+s0+$0x0], $0xffff;
	_ =	sdelay $0x4  }
0xf9: {  	v12 =	vand.u32 $0x7FFFFFFF, v12  }
0xfa: {  	v0 =	vmul.f32 v0, v0;
	v12 =	vadd.f32 $5.000000000e-01, v12  }
0xfb: {  	v1 =	vmul.f32 v1, v1  }
0xfc: {  	(erf) = vrcp.f32 v0;
	v0 =	vmul.f32 v2, v2;
	[tilespmem:v13+s12+$0x0] =	vst.idx.msk $0xffff, v12  }
0xfd: {  	[tilespmem:$0x1FA50] =	vst v13;
	(erf) = vrcp.f32 v1;
	v13 =	vld.idx.msk [tilespmem:v14+s0+$0x0], $0xffff  }
0xfe: {  	(erf) = vrcp.f32 v0  }
0xff: {  	v1 =	vmul.f32 v3, v3;
	v0 =	vmul.f32 v4, v4;
	v4 =	vld [tilespmem:$0x1FFE0];
	_ =	sdelay $0x1  }
0x100: {  	v45 =	vsub.f32 v32, v31;
	(erf) = vrcp.f32 v1;
	v1 =	vmul.f32 v5, v5  }
0x101: {  	(erf) = vrcp.f32 v0;
	v0 =	vmul.f32 v6, v6;
	v13 =	vand.u32 $0x7FFFFFFF, v13  }
0x102: {  	s24 =	sshll.u32 s21, $0x6;
	(erf) = vrcp.f32 v1;
	v1 =	vmul.f32 v7, v7;
	v13 =	vadd.f32 $5.000000000e-01, v13  }
0x103: {  	v5 =	vor.u32 s24, v4;
	(erf) = vrcp.f32 v0;
	v0 =	vmul.f32 v8, v8  }
0x104: {  	v4 =	vadd.f32 v19, v29;
	(erf) = vrcp.f32 v1;
	v1 =	vmul.f32 v9, v9;
	[tilespmem:v14+s12+$0x0] =	vst.idx.msk $0xffff, v13  }
0x105: {  	v44 =	vsub.f32 v33, v22;
	[tilespmem:$0x1FA60] =	vst v14;
	(erf) = vrcp.f32 v0;
	v0 =	vmul.f32 v10, v10;
	v14 =	vld.idx.msk [tilespmem:v15+s0+$0x0], $0xffff  }
0x106: {  	v4 =	vadd.f32 v20, v4;
	v6 =	vadd.f32 v31, v22;
	(erf) = vrcp.f32 v1  }
0x107: {  	v1 =	vadd.f32 v26, v17;
	(erf) = vrcp.f32 v0;
	v0 =	vmul.f32 v11, v11  }
0x108: {  	v49 =	vmul.f32 $5.000000000e-01, v45;
	v7 =	vsub.f32 v27, v26;
	v8 =	vadd.f32 v21, v4  }
0x109: {  	v4 =	vadd.f32 v23, v30;
	v1 =	vadd.f32 v27, v1;
	(erf) = vrcp.f32 v0  }
0x10a: {  	v0 =	vadd.f32 v32, v6;
	v6 =	vmul.f32 v12, v12;
	v2 =	vand.u32 $0x7FFFFFFF, v14  }
0x10b: {  	v9 =	vpop (erf);
	v11 =	vadd.f32 v28, v1;
	v1 =	vmul.f32 v13, v13;
	v2 =	vadd.f32 $5.000000000e-01, v2  }
0x10c: {  	v43 =	vmul.f32 $5.000000000e-01, v7;
	v7 =	vsub.f32 v20, v19;
	v10 =	vpop (erf);
	(erf) = vrcp.f32 v6  }
0x10d: {  	(erf) = vrcp.f32 v1;
	v1 =	vadd.f32 v24, v4;
	v4 =	vsub.f32 v21, v29;
	[tilespmem:v15+s12+$0x0] =	vst.idx.msk $0xffff, v2  }
0x10e: {  	v47 =	vsub.f32 v25, v30;
	v48 =	vsub.f32 v24, v23;
	v46 =	vmul.f32 $5.000000000e-01, v7;
	v3 =	vld.idx.msk [tilespmem:v18+s0+$0x0], $0xffff  }
0x10f: {  	v4 =	vmul.f32 $1.500000000e+00, v4;
	v7 =	vadd.f32 v25, v1;
	v1 =	vmul.f32 $1.500000000e+00, v44  }
0x110: {  	[tilespmem:$0x1FAB0] =	vst v27;
	v51 =	vmul.f32 $1.500000000e+00, v47;
	v54 =	vadd.f32 v8, v8;
	v6 =	vsub.f32 v28, v17  }
0x111: {  	[tilespmem:$0x1FB00] =	vst v22;
	v22 =	vadd.f32 v4, v46;
	v27 =	vadd.f32 v1, v49;
	v1 =	vld [tilespmem:$0x1FFC0];
	v4 =	vmul.f32 $-6.000000000e+00, v11  }
0x112: {  	v52 =	vmul.f32 $5.000000000e-01, v48;
	v0 =	vadd.f32 v33, v0;
	v2 =	vmul.f32 v2, v2  }
0x113: {  	v6 =	vmul.f32 $1.500000000e+00, v6;
	v13 =	vpop (erf);
	v4 =	vsub.f32 v4, v54;
	v3 =	vand.u32 $0x7FFFFFFF, v3  }
0x114: {  	v60 =	vld [tilespmem:$0x1FFD0];
	v14 =	vpop (erf);
	(erf) = vrcp.f32 v2;
	v2 =	vadd.f32 v0, v0;
	v3 =	vadd.f32 $5.000000000e-01, v3  }
0x115: {  	[tilespmem:$0x1F990] =	vst v16;
	v48 =	vld [tilespmem:$0x1FDB0];
	v12 =	vadd.f32 v6, v43  }
0x116: {  	s23 =	sshll.u32 s21, $0x4;
	v6 =	vadd.f32 v51, v52;
	v16 =	vor.u32 s24, v1;
	v4 =	vadd.f32 v2, v4;
	v2 =	vld [tilespmem:$0x1FFF0];
	[tilespmem:v18+s12+$0x0] =	vst.idx.msk $0xffff, v3  }
0x117: {  	v53 =	vld [tilespmem:s23+$0x3300]  }
0x118: {  	[tilespmem:$0x1FA70] =	vst v15;
	v55 =	vadd.f32 v22, v12;
	v56 =	vadd.f32 v6, v27;
	v57 =	vld [tilespmem:s23+$0x3100]  }
0x119: {  	[tilespmem:$0x1FA80] =	vst v17;
	v37 =	vmul.f32 $6.000000000e+00, v7;
	v3 =	vmul.f32 v3, v3;
	v59 =	vld.idx.msk [tilespmem:v5+s4+$0x0], $0xffff  }
0x11a: {  	[tilespmem:$0x1FA90] =	vst v28;
	v50 =	vadd.f32 v8, v11;
	v28 =	vor.u32 s24, v60;
	v63 =	vadd.f32 v56, v55;
	v62 =	vld.idx.msk [tilespmem:v5+s2+$0x0], $0xffff  }
0x11b: {  	[tilespmem:$0x1FB70] =	vst v18;
	v15 =	vpop (erf);
	v1 =	vadd.f32 v7, v0;
	v39 =	vadd.f32 v37, v4;
	(erf) = vrcp.f32 v3;
	v3 =	vld.idx.msk [tilespmem:v16+s4+$0x0], $0xffff  }
0x11c: {  	[tilespmem:$0x1FAD0] =	vst v29;
	v46 =	vld [tilespmem:$0x1FDE0]  }
0x11d: {  	[tilespmem:$0x1FB20] =	vst v31;
	v31 =	vadd.f32 v63, v39;
	v18 =	vadd.f32 v1, v50;
	v36 =	vld.idx.msk [tilespmem:v16+s2+$0x0], $0xffff  }
0x11e: {  	[tilespmem:$0x1FAC0] =	vst v21;
	v55 =	vld [tilespmem:$0x1FDD0];
	v29 =	vor.u32 s24, v2;
	v58 =	vand.u32 $0x7FFFFFFF, v53;
	v21 =	vand.u32 $0x7FFFFFFF, v57  }
0x11f: {  	[tilespmem:$0x1FB50] =	vst v23;
	v17 =	vpop (erf);
	v38 =	vld.idx.msk [tilespmem:v28+s4+$0x0], $0xffff;
	v23 =	vand.u32 $0x7FFFFFFF, v59;
	v40 =	vand.u32 $0x7FFFFFFF, v62;
	v61 =	vadd.f32 $5.000000000e-01, v58  }
0x120: {  	v39 =	vld [tilespmem:$0x1FE50];
	v1 =	vpop (erf);
	v21 =	vadd.f32 $5.000000000e-01, v21;
	v4 =	vadd.f32 $5.000000000e-01, v23;
	v3 =	vand.u32 $0x7FFFFFFF, v3  }
0x121: {  	[tilespmem:$0x1FB60] =	vst v24;
	v2 =	vpop (erf);
	v43 =	vld.idx.msk [tilespmem:v28+s2+$0x0], $0xffff;
	v23 =	vadd.f32 $5.000000000e-01, v40;
	v42 =	vadd.f32 $5.000000000e-01, v3;
	v35 =	vmul.f32 v61, v61  }
0x122: {  	[tilespmem:$0x1FAE0] =	vst v19;
	v45 =	vld [tilespmem:s23+$0x3200];
	v19 =	vpop (erf);
	v3 =	vand.u32 $0x7FFFFFFF, v36;
	v41 =	vmul.f32 v21, v21;
	v4 =	vmul.f32 v4, v4  }
0x123: {  	[tilespmem:$0x1FAF0] =	vst v20;
	v52 =	vld [tilespmem:s23+$0x3000];
	v20 =	vpop (erf);
	v23 =	vmul.f32 v23, v23;
	(erf) = vrcp.f32 v35  }
0x124: {  	[tilespmem:$0x1FB40] =	vst v30;
	v34 =	vld.idx.msk [tilespmem:v29+s4+$0x0], $0xffff;
	v30 =	vand.u32 $0x7FFFFFFF, v38;
	v24 =	vadd.f32 $5.000000000e-01, v3;
	v21 =	vpop (erf);
	(erf) = vrcp.f32 v41  }
0x125: {  	v54 =	vld.idx.msk [tilespmem:v29+s2+$0x0], $0xffff;
	v30 =	vadd.f32 $5.000000000e-01, v30;
	v44 =	vmul.f32 v42, v42;
	v3 =	vpop (erf);
	(erf) = vrcp.f32 v4  }
0x126: {  	v40 =	vld [tilespmem:$0x1FDC0];
	v35 =	vmul.f32 v24, v24;
	v4 =	vpop (erf);
	(erf) = vrcp.f32 v23  }
0x127: {  	v36 =	vld [tilespmem:$0x1FE10];
	v30 =	vmul.f32 v30, v30;
	v23 =	vpop (erf);
	(erf) = vrcp.f32 v44  }
0x128: {  	[tilespmem:$0x1FAA0] =	vst v26;
	v18 =	vmul.f32 v18, v46;
	v47 =	vand.u32 $0x7FFFFFFF, v43;
	v41 =	vld [tilespmem:$0x1FE80];
	(erf) = vrcp.f32 v35  }
0x129: {  	[tilespmem:$0x1FB80] =	vst v25;
	v56 =	vld.idx.msk [tilespmem:v16+s3+$0x0], $0xffff;
	v49 =	vadd.f32 $5.000000000e-01, v47;
	v34 =	vand.u32 $0x7FFFFFFF, v34;
	(erf) = vrcp.f32 v30  }
0x12a: {  	[tilespmem:$0x1FB30] =	vst v32;
	v8 =	vmul.f32 v8, v39;
	v53 =	vld.idx.msk [tilespmem:v5+s3+$0x0], $0xffff;
	v59 =	vand.u32 $0x7FFFFFFF, v54;
	v51 =	vadd.f32 $5.000000000e-01, v34;
	v24 =	vpop (erf)  }
0x12b: {  	[tilespmem:$0x1FB10] =	vst v33;
	v0 =	vmul.f32 v0, v39;
	v33 =	vmul.f32 v49, v49;
	v42 =	vld [tilespmem:$0x1FE40];
	v25 =	vpop (erf);
	v35 =	vadd.f32 $5.000000000e-01, v59  }
0x12c: {  	v16 =	vld.idx.msk [tilespmem:v16+s1+$0x0], $0xffff;
	v18 =	vadd.f32 v18, v48;
	v31 =	vmul.f32 v31, v36;
	v32 =	vmul.f32 v51, v51;
	v26 =	vpop (erf)  }
0x12d: {  	v48 =	vld [tilespmem:$0x1FE60];
	v8 =	vadd.f32 v8, v40;
	v22 =	vmul.f32 v22, v41;
	v60 =	vmul.f32 v35, v35;
	v37 =	vpop (erf)  }
0x12e: {  	v61 =	vld.idx.msk [tilespmem:v28+s3+$0x0], $0xffff;
	v30 =	vadd.f32 v31, v55;
	(erf) = vrcp.f32 v33;
	v50 =	vmul.f32 v26, v45;
	v34 =	vpop (erf)  }
0x12f: {  	v0 =	vadd.f32 v0, v40;
	v35 =	vld [tilespmem:$0x1FDF0];
	v18 =	vmul.f32 v26, v18;
	v57 =	vmul.f32 v37, v52;
	v36 =	vpop (erf)  }
0x130: {  	v49 =	vld [tilespmem:$0x1FE20];
	v22 =	vadd.f32 v22, v42;
	v30 =	vmul.f32 v37, v30;
	v58 =	vmul.f32 v34, v53;
	v38 =	vpop (erf)  }
0x131: {  	v18 =	vsub.f32 v18, v50;
	v31 =	vmul.f32 v38, v56;
	v8 =	vmul.f32 v38, v8;
	v43 =	vpop (erf)  }
0x132: {  	v30 =	vsub.f32 v30, v57;
	v16 =	vmul.f32 v43, v16;
	v22 =	vmul.f32 v43, v22;
	v53 =	vpop (erf)  }
0x133: {  	v8 =	vsub.f32 v8, v31;
	v44 =	vmul.f32 v53, v61;
	v0 =	vmul.f32 v53, v0  }
0x134: {  	(erf) = vrcp.f32 v32;
	v18 =	vmul.f32 v18, v35;
	v16 =	vsub.f32 v22, v16  }
0x135: {  	v22 =	vmul.f32 v30, v49;
	v0 =	vsub.f32 v0, v44;
	v8 =	vmul.f32 v8, v48  }
0x136: {  	(erf) = vrcp.f32 v60  }
0x137: {  	v50 =	vadd.f32 v22, v22;
	v8 =	vadd.f32 v8, v18;
	v0 =	vmul.f32 v0, v48;
	_ =	sdelay $0x1  }
0x138: {  	v5 =	vld.idx.msk [tilespmem:v5+s1+$0x0], $0xffff;
	v51 =	vadd.f32 v0, v18;
	v0 =	vsub.f32 v8, v50  }
0x139: {  	v12 =	vmul.f32 v12, v41  }
0x13a: {  	v62 =	vld.idx.msk [tilespmem:v28+s1+$0x0], $0xffff;
	[tilespmem:$0x1FB90] =	vst v0;
	v0 =	vadd.f32 v51, v50  }
0x13b: {  	v11 =	vmul.f32 v11, v39;
	v47 =	vld.idx.msk [tilespmem:v29+s1+$0x0], $0xffff;
	v12 =	vadd.f32 v12, v42  }
0x13c: {  	v27 =	vmul.f32 v27, v41;
	v6 =	vmul.f32 v6, v41;
	[tilespmem:$0x1FBA0] =	vst v0;
	v0 =	vld [tilespmem:$0x1FE90]  }
0x13d: {  	v11 =	vadd.f32 v11, v40;
	v5 =	vmul.f32 v36, v5;
	v12 =	vmul.f32 v36, v12;
	v54 =	vpop (erf)  }
0x13e: {  	v27 =	vadd.f32 v27, v42;
	v6 =	vadd.f32 v6, v42;
	v55 =	vpop (erf)  }
0x13f: {  	v11 =	vmul.f32 v34, v11;
	v5 =	vsub.f32 v12, v5;
	v12 =	vmul.f32 v54, v62;
	v56 =	vpop (erf)  }
0x140: {  	v45 =	vmul.f32 v54, v27;
	v28 =	vmul.f32 v56, v47  }
0x141: {  	v52 =	vmul.f32 v56, v6;
	v5 =	vmul.f32 v5, v0  }
0x142: {  	v11 =	vsub.f32 v11, v58;
	v12 =	vsub.f32 v45, v12  }
0x143: {  	v57 =	vsub.f32 v52, v28;
	v58 =	vmul.f32 v16, v0;
	v5 =	vadd.f32 v5, v22;
	_ =	sdelay $0x1  }
0x144: {  	v12 =	vmul.f32 v12, v0;
	[tilespmem:$0x1FBD0] =	vst v5;
	v5 =	vmul.f32 v57, v0;
	v0 =	vadd.f32 v58, v22;
	_ =	sdelay $0x1  }
0x145: {  	[tilespmem:$0x1FBE0] =	vst v0;
	v0 =	vadd.f32 v12, v22;
	_ =	sdelay $0x1  }
0x146: {  	v59 =	vmul.f32 $5.000000070e-02, v9;
	[tilespmem:$0x1FBF0] =	vst v0;
	v0 =	vadd.f32 v5, v22;
	_ =	sdelay $0x1  }
0x147: {  	v60 =	vmul.f32 $5.000000070e-02, v10;
	[tilespmem:$0x1FC00] =	vst v0;
	v0 =	vsub.f32 $1.000000000e+00, v59;
	_ =	sdelay $0x1  }
0x148: {  	v5 =	vmul.f32 $5.000000070e-02, v13;
	[tilespmem:$0x1FC10] =	vst v0;
	v0 =	vsub.f32 $1.000000000e+00, v60;
	_ =	sdelay $0x1  }
0x149: {  	v61 =	vmul.f32 $5.000000070e-02, v14;
	[tilespmem:$0x1FC20] =	vst v0;
	v0 =	vsub.f32 $1.000000000e+00, v5;
	_ =	sdelay $0x1  }
0x14a: {  	v62 =	vmul.f32 $5.000000070e-02, v15;
	[tilespmem:$0x1FC30] =	vst v0;
	v0 =	vsub.f32 $1.000000000e+00, v61;
	_ =	sdelay $0x1  }
0x14b: {  	v5 =	vmul.f32 $5.000000070e-02, v17;
	[tilespmem:$0x1FC40] =	vst v0;
	v0 =	vsub.f32 $1.000000000e+00, v62;
	_ =	sdelay $0x1  }
0x14c: {  	v1 =	vmul.f32 $5.000000070e-02, v1;
	[tilespmem:$0x1FC50] =	vst v0;
	v0 =	vsub.f32 $1.000000000e+00, v5  }
0x14d: {  	v63 =	vld.idx.msk [tilespmem:v29+s3+$0x0], $0xffff  }
0x14e: {  	v2 =	vmul.f32 $5.000000070e-02, v2;
	[tilespmem:$0x1FC60] =	vst v0;
	v0 =	vsub.f32 $1.000000000e+00, v1;
	_ =	sdelay $0x1  }
0x14f: {  	v5 =	vmul.f32 $5.000000070e-02, v19;
	[tilespmem:$0x1FC70] =	vst v0;
	v0 =	vsub.f32 $1.000000000e+00, v2;
	_ =	sdelay $0x1  }
0x150: {  	v46 =	vmul.f32 v55, v63;
	v63 =	vmul.f32 $5.000000070e-02, v20;
	[tilespmem:$0x1FC80] =	vst v0;
	v0 =	vsub.f32 $1.000000000e+00, v5;
	_ =	sdelay $0x1  }
0x151: {  	v1 =	vmul.f32 $5.000000070e-02, v21;
	[tilespmem:$0x1FC90] =	vst v0;
	v0 =	vsub.f32 $1.000000000e+00, v63;
	_ =	sdelay $0x1  }
0x152: {  	v2 =	vmul.f32 $5.000000070e-02, v3;
	[tilespmem:$0x1FCA0] =	vst v0;
	v0 =	vsub.f32 $1.000000000e+00, v1;
	_ =	sdelay $0x1  }
0x153: {  	v1 =	vmul.f32 $5.000000070e-02, v4;
	[tilespmem:$0x1FCB0] =	vst v0;
	v0 =	vsub.f32 $1.000000000e+00, v2;
	_ =	sdelay $0x1  }
0x154: {  	[tilespmem:$0x1FCC0] =	vst v0;
	v0 =	vsub.f32 $1.000000000e+00, v1;
	_ =	sdelay $0x1  }
0x155: {  	[tilespmem:$0x1FCD0] =	vst v0;
	v0 =	vld [tilespmem:$0x1FE00];
	_ =	sdelay $0x4  }
0x156: {  	v0 =	vmul.f32 v26, v0;
	_ =	sdelay $0x1  }
0x157: {  	[tilespmem:$0x1FCE0] =	vst v0;
	v0 =	vld [tilespmem:$0x1FE30];
	_ =	sdelay $0x4  }
0x158: {  	v3 =	vmul.f32 $5.000000070e-02, v23;
	v0 =	vmul.f32 v37, v0;
	_ =	sdelay $0x1  }
0x159: {  	[tilespmem:$0x1FCF0] =	vst v0;
	v0 =	vsub.f32 $1.000000000e+00, v3;
	_ =	sdelay $0x1  }
0x15a: {  	[tilespmem:$0x1FD00] =	vst v0;
	v0 =	vld [tilespmem:$0x1FE70]  }
0x15b: {  	v7 =	vmul.f32 v7, v39;
	_ =	sdelay $0x1  }
0x15c: {  	v7 =	vadd.f32 v7, v40;
	_ =	sdelay $0x1  }
0x15d: {  	v7 =	vmul.f32 v55, v7;
	v1 =	vmul.f32 v34, v0  }
0x15e: {  	v2 =	vmul.f32 $5.000000070e-02, v24  }
0x15f: {  	v11 =	vmul.f32 v11, v48;
	v7 =	vsub.f32 v7, v46;
	[tilespmem:$0x1FD10] =	vst v1;
	v1 =	vld [tilespmem:$0x1FEA0]  }
0x160: {  	v2 =	vsub.f32 $1.000000000e+00, v2  }
0x161: {  	v11 =	vadd.f32 v11, v18;
	v30 =	vmul.f32 $6.000000000e+00, v22;
	v7 =	vmul.f32 v7, v48  }
0x162: {  	[tilespmem:$0x1FD30] =	vst v2;
	v2 =	vmul.f32 v38, v0  }
0x163: {  	v6 =	vsub.f32 v11, v30;
	v18 =	vadd.f32 v7, v18  }
0x164: {  	v4 =	vmul.f32 $5.000000070e-02, v25;
	[tilespmem:$0x1FD40] =	vst v2;
	v2 =	vmul.f32 v43, v1  }
0x165: {  	[tilespmem:$0x1FBB0] =	vst v6;
	v6 =	vadd.f32 v18, v30  }
0x166: {  	[tilespmem:$0x1FD50] =	vst v2;
	v2 =	vsub.f32 $1.000000000e+00, v4  }
0x167: {  	[tilespmem:$0x1FBC0] =	vst v6;
	v57 =	vimm.f32 $0.0e+00;
	v58 =	vimm.f32 $0.0e+00;
	v3 =	vmul.f32 v36, v1  }
0x168: {  	v59 =	vimm.f32 $0.0e+00;
	v60 =	vimm.f32 $0.0e+00;
	[tilespmem:$0x1FD60] =	vst v2;
	v2 =	vmul.f32 v53, v0  }
0x169: {  	v61 =	vimm.f32 $0.0e+00;
	v62 =	vimm.f32 $0.0e+00;
	[tilespmem:$0x1FD20] =	vst v3;
	v0 =	vmul.f32 v55, v0  }
0x16a: {  	v5 =	vimm.f32 $0.0e+00;
	v63 =	vimm.f32 $0.0e+00;
	[tilespmem:$0x1FD70] =	vst v2;
	v2 =	vmul.f32 v54, v1  }
0x16b: {  	v37 =	vimm.f32 $0.0e+00;
	v38 =	vimm.f32 $0.0e+00;
	[tilespmem:$0x1FD90] =	vst v0;
	v0 =	vmul.f32 v56, v1  }
0x16c: {  	v3 =	vimm.f32 $0.0e+00;
	v4 =	vimm.f32 $0.0e+00;
	v55 =	vimm.f32 $0.0e+00;
	[tilespmem:$0x1FD80] =	vst v2  }
0x16d: {  	s23 =	simm.s32 $0xA;
	v56 =	vimm.f32 $0.0e+00;
	v1 =	vimm.f32 $0.0e+00;
	[tilespmem:$0x1FDA0] =	vst v0;
	v2 =	vimm.f32 $0.0e+00  }
.LBB2_3:
0x16e: {  	v39 =	vadd.f32 v37, v38;
	v40 =	vadd.f32 v63, v3  }
0x16f: {  	v41 =	vadd.f32 v2, v1;
	v42 =	vadd.f32 v57, v59  }
0x170: {  	v43 =	vsub.f32 v4, v38;
	v44 =	vsub.f32 v5, v37  }
0x171: {  	v45 =	vsub.f32 v61, v3;
	v46 =	vsub.f32 v62, v63  }
0x172: {  	v47 =	vsub.f32 v58, v1;
	v48 =	vsub.f32 v60, v2  }
0x173: {  	v49 =	vsub.f32 v55, v59;
	v50 =	vsub.f32 v56, v57  }
0x174: {  	v39 =	vadd.f32 v5, v39;
	v40 =	vadd.f32 v62, v40  }
0x175: {  	v41 =	vadd.f32 v60, v41;
	v43 =	vmul.f32 $1.500000000e+00, v43;
	v44 =	vmul.f32 $5.000000000e-01, v44  }
0x176: {  	v42 =	vadd.f32 v56, v42;
	v45 =	vmul.f32 $1.500000000e+00, v45;
	v46 =	vmul.f32 $5.000000000e-01, v46  }
0x177: {  	v34 =	vld [tilespmem:$0x1FD10];
	v47 =	vmul.f32 $1.500000000e+00, v47;
	v48 =	vmul.f32 $5.000000000e-01, v48;
	v39 =	vadd.f32 v4, v39  }
0x178: {  	v24 =	vld [tilespmem:$0x1FD20];
	v11 =	vmul.f32 $1.500000000e+00, v49;
	v40 =	vadd.f32 v61, v40;
	v41 =	vadd.f32 v58, v41  }
0x179: {  	v21 =	vld [tilespmem:$0x1FCE0];
	v12 =	vmul.f32 $5.000000000e-01, v50;
	v42 =	vadd.f32 v55, v42;
	v43 =	vadd.f32 v43, v44  }
0x17a: {  	v23 =	vld [tilespmem:$0x1FCF0];
	v45 =	vadd.f32 v45, v46;
	v13 =	vmul.f32 $-6.000000000e+00, v39;
	v14 =	vadd.f32 v40, v40  }
0x17b: {  	v8 =	vld [tilespmem:$0x1FBB0];
	v47 =	vadd.f32 v47, v48;
	v44 =	vadd.f32 v11, v12  }
0x17c: {  	v10 =	vld [tilespmem:$0x1FBD0];
	v15 =	vadd.f32 v41, v41;
	v46 =	vsub.f32 v13, v14  }
0x17d: {  	v35 =	vld [tilespmem:$0x1FD40];
	v16 =	vadd.f32 v45, v43  }
0x17e: {  	v30 =	vld [tilespmem:$0x1FD50];
	v17 =	vadd.f32 v44, v47;
	v18 =	vmul.f32 $6.000000000e+00, v42;
	v46 =	vadd.f32 v15, v46  }
0x17f: {  	v6 =	vld [tilespmem:$0x1FB90];
	v51 =	vadd.f32 v40, v39;
	v52 =	vadd.f32 v42, v41  }
0x180: {  	v11 =	vld [tilespmem:$0x1FBE0];
	v49 =	vadd.f32 v17, v16;
	v46 =	vadd.f32 v18, v46  }
0x181: {  	v39 =	vmul.f32 v39, v34  }
0x182: {  	v43 =	vmul.f32 v43, v24;
	v19 =	vadd.f32 v52, v51;
	v14 =	vld [tilespmem:$0x1FC10];
	v46 =	vadd.f32 v49, v46  }
0x183: {  	v26 =	vld [tilespmem:$0x1FD70];
	v40 =	vmul.f32 v40, v35;
	v45 =	vmul.f32 v45, v30;
	v39 =	vadd.f32 v39, v8  }
0x184: {  	v43 =	vadd.f32 v43, v10;
	v16 =	vld [tilespmem:$0x1FC30];
	v48 =	vmul.f32 v19, v21;
	v46 =	vmul.f32 v46, v23  }
0x185: {  	v53 =	vld [tilespmem:$0x1FD80];
	v40 =	vadd.f32 v40, v6;
	v45 =	vadd.f32 v45, v11  }
0x186: {  	v17 =	vld [tilespmem:$0x1FC40];
	v39 =	vadd.f32 v48, v39;
	v49 =	vmul.f32 $6.000000000e+00, v46;
	v43 =	vadd.f32 v46, v43  }
0x187: {  	v40 =	vadd.f32 v48, v40;
	v18 =	vld [tilespmem:$0x1FC50];
	v32 =	vmul.f32 v38, v14;
	v0 =	vadd.f32 v46, v46  }
0x188: {  	v15 =	vld [tilespmem:$0x1FC20];
	v45 =	vadd.f32 v46, v45;
	v39 =	vsub.f32 v39, v49;
	v27 =	vmul.f32 $1.500000000e+00, v43  }
0x189: {  	v7 =	vld [tilespmem:$0x1FBA0];
	v5 =	vmul.f32 v5, v16;
	v43 =	vmul.f32 $5.000000000e-01, v43  }
0x18a: {  	v20 =	vld [tilespmem:$0x1FC70];
	v40 =	vsub.f32 v40, v0;
	v9 =	vmul.f32 $1.500000000e+00, v45;
	v31 =	vsub.f32 v39, v27  }
0x18b: {  	v12 =	vld [tilespmem:$0x1FBF0];
	v4 =	vmul.f32 v4, v17;
	v33 =	vsub.f32 v39, v43;
	v43 =	vadd.f32 v43, v39  }
0x18c: {  	v19 =	vld [tilespmem:$0x1FC60];
	v22 =	vmul.f32 v3, v18;
	v39 =	vadd.f32 v27, v39;
	v13 =	vsub.f32 v40, v9  }
0x18d: {  	v25 =	vld [tilespmem:$0x1FDA0];
	v54 =	vmul.f32 v37, v15;
	v28 =	vmul.f32 $5.000000000e-01, v45  }
0x18e: {  	v27 =	vmul.f32 v47, v53;
	v39 =	vadd.f32 v39, v4;
	v4 =	vadd.f32 v13, v22;
	v22 =	vld [tilespmem:$0x1FC80]  }
0x18f: {  	v37 =	vadd.f32 v33, v54;
	v3 =	vadd.f32 v43, v5;
	v5 =	vmul.f32 v41, v26;
	v54 =	vld [tilespmem:$0x1FD90]  }
0x190: {  	v45 =	vsub.f32 v40, v28;
	v38 =	vadd.f32 v31, v32;
	v13 =	vld [tilespmem:$0x1FC00]  }
0x191: {  	v29 =	vmul.f32 v63, v19;
	v41 =	vadd.f32 v27, v12;
	v5 =	vadd.f32 v5, v7  }
0x192: {  	v43 =	vadd.f32 v28, v40;
	v31 =	vmul.f32 v62, v20;
	v40 =	vadd.f32 v9, v40;
	v9 =	vld [tilespmem:$0x1FBC0]  }
0x193: {  	v36 =	vmul.f32 v44, v25;
	v62 =	vadd.f32 v45, v29;
	v27 =	vld [tilespmem:$0x1FCC0];
	v5 =	vadd.f32 v48, v5  }
0x194: {  	v29 =	vld [tilespmem:$0x1FD00];
	v41 =	vadd.f32 v46, v41;
	v43 =	vadd.f32 v43, v31;
	v32 =	vmul.f32 v61, v22  }
0x195: {  	v31 =	vld [tilespmem:$0x1FC90];
	v33 =	vmul.f32 v42, v54;
	v42 =	vadd.f32 v36, v13;
	v0 =	vadd.f32 v0, v5  }
0x196: {  	v5 =	vmul.f32 $1.500000000e+00, v41;
	v41 =	vmul.f32 $5.000000000e-01, v41;
	v61 =	vadd.f32 v40, v32  }
0x197: {  	v40 =	vadd.f32 v33, v9;
	v42 =	vadd.f32 v46, v42;
	v33 =	vld [tilespmem:$0x1FCB0]  }
0x198: {  	v50 =	vsub.f32 v0, v5;
	v51 =	vsub.f32 v0, v41  }
0x199: {  	v32 =	vld [tilespmem:$0x1FCA0];
	v41 =	vadd.f32 v41, v0;
	v0 =	vadd.f32 v5, v0;
	v5 =	vmul.f32 v58, v27  }
0x19a: {  	v63 =	vmul.f32 v57, v29;
	v29 =	vld [tilespmem:$0x1FD30];
	v1 =	vmul.f32 v1, v31;
	v40 =	vadd.f32 v48, v40  }
0x19b: {  	v45 =	vmul.f32 $1.500000000e+00, v42;
	v0 =	vadd.f32 v0, v5;
	v5 =	vadd.f32 v37, v38  }
0x19c: {  	v1 =	vadd.f32 v50, v1;
	v40 =	vadd.f32 v49, v40;
	v52 =	vmul.f32 v60, v33  }
0x19d: {  	v28 =	vld [tilespmem:$0x1FCD0];
	v42 =	vmul.f32 $5.000000000e-01, v42;
	v50 =	vsub.f32 v39, v38;
	v5 =	vadd.f32 v5, v3  }
0x19e: {  	v2 =	vmul.f32 v2, v32;
	v58 =	vsub.f32 v40, v45;
	v60 =	vadd.f32 v41, v52  }
0x19f: {  	v36 =	vmul.f32 v56, v29;
	v52 =	vsub.f32 v40, v42;
	v42 =	vadd.f32 v42, v40  }
0x1a0: {  	v2 =	vadd.f32 v51, v2;
	v40 =	vadd.f32 v45, v40  }
0x1a1: {  	v5 =	vadd.f32 v5, v39;
	v56 =	vadd.f32 v42, v36;
	v36 =	vld [tilespmem:$0x1FD60]  }
0x1a2: {  	v59 =	vmul.f32 v59, v28;
	v51 =	vsub.f32 v3, v37;
	v57 =	vadd.f32 v52, v63  }
0x1a3: {  	v52 =	vadd.f32 v62, v4;
	v63 =	vadd.f32 v2, v1  }
0x1a4: {  	v45 =	vmul.f32 $1.500000000e+00, v50;
	v59 =	vadd.f32 v58, v59;
	v50 =	vsub.f32 v60, v2  }
0x1a5: {  	v46 =	vmul.f32 $5.000000000e-01, v51;
	v41 =	vadd.f32 v52, v43;
	v48 =	vadd.f32 v63, v60  }
0x1a6: {  	v49 =	vadd.f32 v57, v59;
	v52 =	vsub.f32 v61, v4;
	v58 =	vmul.f32 v55, v36  }
0x1a7: {  	v63 =	vsub.f32 v56, v57;
	v45 =	vadd.f32 v46, v45  }
0x1a8: {  	v41 =	vadd.f32 v41, v61;
	v40 =	vadd.f32 v40, v58  }
0x1a9: {  	v50 =	vmul.f32 $5.000000000e-01, v50;
	v44 =	vadd.f32 v49, v56;
	v49 =	vsub.f32 v0, v1  }
0x1aa: {  	v47 =	vmul.f32 $1.500000000e+00, v52;
	v55 =	vsub.f32 v43, v62;
	v58 =	vsub.f32 v40, v59  }
0x1ab: {  	v42 =	vadd.f32 v48, v0;
	v51 =	vmul.f32 $5.000000000e-01, v63;
	v49 =	vmul.f32 $1.500000000e+00, v49  }
0x1ac: {  	v63 =	vadd.f32 v41, v41;
	v48 =	vmul.f32 $5.000000000e-01, v55;
	v46 =	vmul.f32 $1.500000000e+00, v58  }
0x1ad: {  	v49 =	vadd.f32 v50, v49;
	v44 =	vadd.f32 v44, v40;
	v58 =	vmul.f32 $-6.000000000e+00, v5  }
0x1ae: {  	v47 =	vadd.f32 v48, v47;
	v46 =	vadd.f32 v51, v46  }
0x1af: {  	v38 =	vmul.f32 v38, v14;
	v48 =	vsub.f32 v58, v63;
	v58 =	vadd.f32 v42, v42  }
0x1b0: {  	v37 =	vmul.f32 v37, v15;
	v3 =	vmul.f32 v3, v16;
	v51 =	vadd.f32 v47, v45  }
0x1b1: {  	v50 =	vmul.f32 $6.000000000e+00, v44;
	v52 =	vadd.f32 v46, v49;
	v48 =	vadd.f32 v48, v58  }
0x1b2: {  	v55 =	vadd.f32 v41, v5;
	v41 =	vmul.f32 v41, v35;
	v63 =	vadd.f32 v44, v42  }
0x1b3: {  	v39 =	vmul.f32 v39, v17;
	v51 =	vadd.f32 v52, v51;
	v48 =	vadd.f32 v48, v50  }
0x1b4: {  	v41 =	vadd.f32 v41, v6;
	v5 =	vmul.f32 v5, v34;
	v58 =	vadd.f32 v63, v55  }
0x1b5: {  	v45 =	vmul.f32 v45, v24;
	v42 =	vmul.f32 v42, v26;
	v48 =	vadd.f32 v48, v51  }
0x1b6: {  	v5 =	vadd.f32 v5, v8;
	v47 =	vmul.f32 v47, v30;
	v50 =	vmul.f32 v58, v21  }
0x1b7: {  	v45 =	vadd.f32 v45, v10;
	v42 =	vadd.f32 v42, v7;
	v48 =	vmul.f32 v48, v23  }
0x1b8: {  	v16 =	vmul.f32 v4, v18;
	v47 =	vadd.f32 v47, v11;
	v5 =	vadd.f32 v50, v5  }
0x1b9: {  	v41 =	vadd.f32 v50, v41;
	v42 =	vadd.f32 v50, v42;
	v51 =	vmul.f32 $6.000000000e+00, v48  }
0x1ba: {  	v2 =	vmul.f32 v2, v32;
	v45 =	vadd.f32 v48, v45;
	v6 =	vadd.f32 v48, v48  }
0x1bb: {  	v30 =	vmul.f32 v46, v25;
	v47 =	vadd.f32 v48, v47;
	v5 =	vsub.f32 v5, v51  }
0x1bc: {  	v63 =	vmul.f32 $1.500000000e+00, v45;
	v45 =	vmul.f32 $5.000000000e-01, v45;
	v41 =	vsub.f32 v41, v6  }
0x1bd: {  	v14 =	vmul.f32 $1.500000000e+00, v47;
	v6 =	vadd.f32 v6, v42;
	v42 =	vadd.f32 v30, v13  }
0x1be: {  	v18 =	vmul.f32 $5.000000000e-01, v47;
	v10 =	vsub.f32 v5, v63;
	v11 =	vsub.f32 v5, v45  }
0x1bf: {  	v1 =	vmul.f32 v1, v31;
	v45 =	vadd.f32 v45, v5;
	v52 =	vadd.f32 v63, v5  }
0x1c0: {  	v17 =	vmul.f32 v49, v53;
	v15 =	vsub.f32 v41, v14;
	v47 =	vsub.f32 v41, v18  }
0x1c1: {  	v0 =	vmul.f32 v0, v27;
	v42 =	vadd.f32 v48, v42;
	v38 =	vadd.f32 v10, v38  }
0x1c2: {  	v43 =	vmul.f32 v43, v20;
	v5 =	vadd.f32 v45, v3;
	v45 =	vadd.f32 v17, v12  }
0x1c3: {  	v26 =	vmul.f32 v44, v54;
	v4 =	vadd.f32 v52, v39;
	v39 =	vadd.f32 v18, v41  }
0x1c4: {  	v23 =	vmul.f32 v61, v22;
	v41 =	vadd.f32 v14, v41;
	v45 =	vadd.f32 v48, v45  }
0x1c5: {  	v21 =	vmul.f32 v62, v19;
	v37 =	vadd.f32 v11, v37;
	v3 =	vadd.f32 v15, v16  }
0x1c6: {  	v61 =	vadd.f32 v41, v23;
	v41 =	vadd.f32 v26, v9;
	v24 =	vmul.f32 $1.500000000e+00, v45  }
0x1c7: {  	v7 =	vld [tilespmem:$0x1FD00];
	v63 =	vadd.f32 v47, v21;
	v62 =	vadd.f32 v39, v43;
	v35 =	vmul.f32 $5.000000000e-01, v45  }
0x1c8: {  	v40 =	vmul.f32 v40, v36;
	v41 =	vadd.f32 v50, v41;
	v34 =	vsub.f32 v6, v24  }
0x1c9: {  	v52 =	vmul.f32 $1.500000000e+00, v42;
	v49 =	vsub.f32 v6, v35;
	v44 =	vadd.f32 v35, v6  }
0x1ca: {  	v50 =	vmul.f32 v60, v33;
	v6 =	vadd.f32 v24, v6;
	v51 =	vadd.f32 v51, v41  }
0x1cb: {  	p0 =	sne.s32 s23, $0x1;
	v42 =	vmul.f32 $5.000000000e-01, v42;
	v1 =	vadd.f32 v34, v1;
	v2 =	vadd.f32 v49, v2  }
.Ltmp0:
0x1cc: {  	v54 =	vmul.f32 v57, v7;
	v60 =	vadd.f32 v44, v50;
	v58 =	vadd.f32 v6, v0;
	(pc) =	sbr.rel @p0 .LBB2_3-.Ltmp0, $4  }
0x1cd: {  	v0 =	vsub.f32 v51, v52;
	v6 =	vmul.f32 v59, v28;
	v53 =	vsub.f32 v51, v42  }
0x1ce: {  	v55 =	vmul.f32 v56, v29;
	v42 =	vadd.f32 v42, v51;
	v39 =	vadd.f32 v52, v51  }
0x1cf: {  	v59 =	vadd.f32 v0, v6;
	v57 =	vadd.f32 v53, v54  }
0x1d0: {  	s23 =	sadd.s32 $0xFFFFFFFF, s23;
	v56 =	vadd.f32 v42, v55;
	v55 =	vadd.f32 v39, v40  }
0x1d1: {  	v0 =	vld [tilespmem:$0x1FA80]  }
0x1d2: {  	v6 =	vld [tilespmem:$0x1FAA0]  }
0x1d3: {  	v7 =	vld [tilespmem:$0x1F990]  }
0x1d4: {  	v32 =	vld [tilespmem:$0x1FAB0]  }
0x1d5: {  	v33 =	vld [tilespmem:$0x1F9A0]  }
0x1d6: {  	v34 =	vld [tilespmem:$0x1FA90]  }
0x1d7: {  	v35 =	vld [tilespmem:$0x1F9B0]  }
0x1d8: {  	v36 =	vld [tilespmem:$0x1FAD0]  }
0x1d9: {  	v39 =	vld [tilespmem:$0x1F9D0]  }
0x1da: {  	v40 =	vld [tilespmem:$0x1FAF0]  }
0x1db: {  	v41 =	vld [tilespmem:$0x1F9E0]  }
0x1dc: {  	v42 =	vld [tilespmem:$0x1FAC0]  }
0x1dd: {  	v43 =	vld [tilespmem:$0x1F9F0]  }
0x1de: {  	v6 =	vadd.f32 v37, v6;
	v37 =	vld [tilespmem:$0x1F9C0]  }
0x1df: {  	v44 =	vld [tilespmem:$0x1FB00]  }
0x1e0: {  	v45 =	vld [tilespmem:$0x1FA00]  }
0x1e1: {  	v0 =	vadd.f32 v38, v0;
	v38 =	vld [tilespmem:$0x1FAE0]  }
0x1e2: {  	v46 =	vld [tilespmem:$0x1FB20]  }
0x1e3: {  	v47 =	vld [tilespmem:$0x1FA10];
	[tilespmem:v7+s13+$0x0] =	vst.idx.msk $0xffff, v0;
	v0 =	vadd.f32 v5, v32  }
0x1e4: {  	v49 =	vld [tilespmem:$0x1FA20];
	v4 =	vadd.f32 v4, v34;
	[tilespmem:v33+s13+$0x0] =	vst.idx.msk $0xffff, v6  }
0x1e5: {  	v48 =	vld [tilespmem:$0x1FB30];
	[tilespmem:v35+s13+$0x0] =	vst.idx.msk $0xffff, v0;
	v0 =	vadd.f32 v3, v36  }
0x1e6: {  	v50 =	vld [tilespmem:$0x1FB10];
	v3 =	vadd.f32 v63, v38;
	[tilespmem:v37+s13+$0x0] =	vst.idx.msk $0xffff, v4  }
0x1e7: {  	v51 =	vld [tilespmem:$0x1FA30];
	[tilespmem:v39+s13+$0x0] =	vst.idx.msk $0xffff, v0;
	v0 =	vadd.f32 v62, v40  }
0x1e8: {  	v52 =	vld [tilespmem:$0x1FB40];
	[tilespmem:v41+s13+$0x0] =	vst.idx.msk $0xffff, v3;
	v3 =	vadd.f32 v61, v42  }
0x1e9: {  	v53 =	vld [tilespmem:$0x1FA40];
	[tilespmem:v43+s13+$0x0] =	vst.idx.msk $0xffff, v0;
	v0 =	vadd.f32 v1, v44  }
0x1ea: {  	v54 =	vld [tilespmem:$0x1FB50];
	v1 =	vadd.f32 v2, v46;
	[tilespmem:v45+s13+$0x0] =	vst.idx.msk $0xffff, v3  }
0x1eb: {  	v63 =	vld [tilespmem:$0x1FB70];
	[tilespmem:v47+s13+$0x0] =	vst.idx.msk $0xffff, v0  }
0x1ec: {  	[tilespmem:v49+s13+$0x0] =	vst.idx.msk $0xffff, v1;
	v1 =	vadd.f32 v58, v50;
	v58 =	vld [tilespmem:$0x1FA50]  }
0x1ed: {  	v0 =	vadd.f32 v60, v48;
	v60 =	vld [tilespmem:$0x1FA60]  }
0x1ee: {  	v62 =	vld [tilespmem:$0x1FA70]  }
0x1ef: {  	[tilespmem:v51+s13+$0x0] =	vst.idx.msk $0xffff, v0;
	v0 =	vadd.f32 v59, v52;
	v59 =	vld [tilespmem:$0x1FB60]  }
0x1f0: {  	v61 =	vld [tilespmem:$0x1FB80]  }
0x1f1: {  	s21 =	sadd.s32 $0x1, s21  }
0x1f2: {  	p0 =	sne.s32 s21, $0x10  }
.Ltmp1:
0x1f3: {  	[tilespmem:v53+s13+$0x0] =	vst.idx.msk $0xffff, v1;
	v1 =	vadd.f32 v57, v54;
	(pc) =	sbr.rel @p0 .LBB2_2-.Ltmp1, $4  }
0x1f4: {  	[tilespmem:v58+s13+$0x0] =	vst.idx.msk $0xffff, v0;
	v0 =	vadd.f32 v56, v59  }
0x1f5: {  	[tilespmem:v60+s13+$0x0] =	vst.idx.msk $0xffff, v1;
	v1 =	vadd.f32 v55, v61  }
0x1f6: {  	[tilespmem:v62+s13+$0x0] =	vst.idx.msk $0xffff, v0  }
0x1f7: {  	[tilespmem:v63+s13+$0x0] =	vst.idx.msk $0xffff, v1  }
0x1f8: {  	[hbm4b:s25+s31] =	stream.strided.scatter [tilespmem:s13], [sflag:$0x3], $0x1000, s22, s31, $0x38;
	[tilespmem:$0xA900] =	vst v63  }
0x1f9: {  	_ = 	snop  }
0x1fa: {  	[hbm4b:s26+s31] =	stream.strided.scatter [tilespmem:s12], [sflag:$0x3], $0x1000, s22, s31, $0x38;
	[tilespmem:$0xA900] =	vst v63  }
0x1fb: {  	_ =	swait.ge [sflag:s14], $0x1000  }
0x1fc: {  	[sflag:s14] =	ssyncset.done $0x0  }
0x1fd: {  	[sflag:s14] =	ssyncadd.s32 $0xFFFFF000  }
0x1fe: {  	_ =	swait.ge [sflag:s14], $0x1000  }
0x1ff: {  	[sflag:s14] =	ssyncset.done $0x0  }
0x200: {  	[sflag:s14] =	ssyncadd.s32 $0xFFFFF000  }
0x201: {  	_ =	swait.ge [sflag:s14], $0x400  }
0x202: {  	[sflag:s14] =	ssyncset.done $0x0  }
0x203: {  	[sflag:s14] =	ssyncadd.s32 $0xFFFFFC00  }
0x204: {  	_ =	swait.ge [sflag:s14], $0x400  }
0x205: {  	[sflag:s14] =	ssyncset.done $0x0  }
0x206: {  	[sflag:s14] =	ssyncadd.s32 $0xFFFFFC00  }
0x207: {  	_ =	swait.ge [sflag:s14], $0x400  }
0x208: {  	[sflag:s14] =	ssyncset.done $0x0  }
0x209: {  	[sflag:s14] =	ssyncadd.s32 $0xFFFFFC00  }
0x20a: {  	_ =	swait.ge [sflag:s14], $0x400  }
0x20b: {  	[sflag:s14] =	ssyncset.done $0x0  }
0x20c: {  	[sflag:s14] =	ssyncadd.s32 $0xFFFFFC00  }
0x20d: {  	_ =	swait.ge [sflag:s14], $0x100  }
0x20e: {  	[sflag:s14] =	ssyncset.done $0x0  }
0x20f: {  	[sflag:s14] =	ssyncadd.s32 $0xFFFFFF00  }
0x210: {  	_ =	swait.ge [sflag:s14], $0x100  }
0x211: {  	[sflag:s14] =	ssyncset.done $0x0  }
0x212: {  	[sflag:s14] =	ssyncadd.s32 $0xFFFFFF00  }
0x213: {  	_ =	swait.ge [sflag:s14], $0x100  }
0x214: {  	[sflag:s14] =	ssyncset.done $0x0  }
0x215: {  	[sflag:s14] =	ssyncadd.s32 $0xFFFFFF00  }
0x216: {  	_ =	swait.ge [sflag:s14], $0x100  }
0x217: {  	[sflag:s14] =	ssyncset.done $0x0  }
0x218: {  	[sflag:s14] =	ssyncadd.s32 $0xFFFFFF00  }
0x219: {  	_ =	swait.ge [sflag:s14], $0x80  }
0x21a: {  	[sflag:s14] =	ssyncset.done $0x0  }
0x21b: {  	[sflag:s14] =	ssyncadd.s32 $0xFFFFFF80  }
0x21c: {  	v0 =	vld [tilespmem:$0x68B0]  }
0x21d: {  	v1 =	vld [tilespmem:$0x68D0];
	_ =	sdelay $0x3  }
0x21e: {  	v0 =	vadd.f32 $5.000000000e-01, v0  }
0x21f: {  	v1 =	vadd.f32 $5.000000000e-01, v1  }
0x220: {  	(erf) = vrcp.f32 v0  }
0x221: {  	(erf) = vrcp.f32 v1  }
0x222: {  	v52 =	vld [tilespmem:$0x6890]  }
0x223: {  	v53 =	vld [tilespmem:$0x6880]  }
0x224: {  	v4 =	vld [tilespmem:$0x68A0]  }
0x225: {  	v2 =	vld [tilespmem:$0x68C0];
	_ =	sdelay $0x3  }
0x226: {  	v1 =	vsub.f32 v53, v4;
	v3 =	vpop (erf)  }
0x227: {  	v7 =	vsub.f32 v53, v2;
	v0 =	vadd.f32 $5.000000000e-01, v52;
	v5 =	vpop (erf)  }
0x228: {  	v1 =	vmul.f32 v3, v1;
	v2 =	vmul.f32 v5, v2  }
0x229: {  	v6 =	vmul.f32 v5, v0;
	v7 =	vmul.f32 v5, v7  }
0x22a: {  	v56 =	vmul.f32 v3, v4;
	[tilespmem:$0x1F8A0] =	vst v1;
	v2 =	vsub.f32 $0.0e+00, v2  }
0x22b: {  	v0 =	vmul.f32 v3, v0;
	v8 =	vmul.f32 $6.250000000e-02, v6;
	[tilespmem:$0x1F890] =	vst v7  }
0x22c: {  	v6 =	vmul.f32 $2.941176530e-03, v6;
	[tilespmem:$0x1F8B0] =	vst v2  }
0x22d: {  	v54 =	vmul.f32 $2.500000000e-01, v0;
	v55 =	vmul.f32 $2.000000030e-01, v0;
	v0 =	vsub.f32 $0.0e+00, v56;
	[tilespmem:$0x1F8C0] =	vst v8  }
0x22e: {  	[tilespmem:$0x1F8F0] =	vst v6  }
0x22f: {  	[tilespmem:$0x1F920] =	vst v0  }
0x230: {  	v57 =	vmul.f32 $-5.000000070e-02, v8;
	[tilespmem:$0x1F930] =	vst v54  }
0x231: {  	v58 =	vmul.f32 $-5.000000070e-02, v6;
	[tilespmem:$0x1F960] =	vst v55  }
0x232: {  	v59 =	vmul.f32 $-5.000000070e-02, v54;
	[tilespmem:$0x1F8D0] =	vst v57  }
0x233: {  	v9 =	vmul.f32 $-5.000000070e-02, v55;
	[tilespmem:$0x1F900] =	vst v58  }
0x234: {  	v60 =	vmul.f32 v57, v8;
	[tilespmem:$0x1F940] =	vst v59  }
0x235: {  	v61 =	vmul.f32 v58, v6;
	[tilespmem:$0x1F970] =	vst v9  }
0x236: {  	v62 =	vmul.f32 v59, v54;
	[tilespmem:$0x1F8E0] =	vst v60  }
0x237: {  	v63 =	vmul.f32 v9, v55;
	[tilespmem:$0x1F910] =	vst v61  }
0x238: {  	[tilespmem:$0x1F950] =	vst v62  }
0x239: {  	s21 =	simm.s32 $0x0;
	[tilespmem:$0x1F980] =	vst v63  }
.LBB2_6:
0x23a: {  	v0 =	vld [tilespmem:$0x1FFA0]  }
0x23b: {  	v1 =	vld [tilespmem:$0x1FEB0];
	_ =	sdelay $0x2  }
0x23c: {  	s23 =	sshll.u32 s21, $0x8  }
0x23d: {  	v0 =	vor.u32 s23, v0  }
0x23e: {  	v16 =	vand.u32 v1, v0;
	v0 =	vld [tilespmem:$0x1FEC0];
	_ =	sdelay $0x4  }
0x23f: {  	v2 =	vor.u32 s23, v0;
	v0 =	vld [tilespmem:$0x1FED0];
	_ =	sdelay $0x4  }
0x240: {  	v3 =	vor.u32 s23, v0;
	v0 =	vld [tilespmem:$0x1FEE0];
	_ =	sdelay $0x4  }
0x241: {  	v4 =	vor.u32 s23, v0;
	v0 =	vld [tilespmem:$0x1FEF0];
	_ =	sdelay $0x4  }
0x242: {  	v5 =	vor.u32 s23, v0;
	v0 =	vld [tilespmem:$0x1FF00];
	_ =	sdelay $0x4  }
0x243: {  	v6 =	vor.u32 s23, v0;
	v0 =	vld [tilespmem:$0x1FF10];
	_ =	sdelay $0x4  }
0x244: {  	v7 =	vor.u32 s23, v0;
	v0 =	vld [tilespmem:$0x1FF20];
	_ =	sdelay $0x4  }
0x245: {  	v8 =	vor.u32 s23, v0;
	v0 =	vld [tilespmem:$0x1FF30];
	_ =	sdelay $0x4  }
0x246: {  	v9 =	vor.u32 s23, v0;
	v0 =	vld [tilespmem:$0x1FF40];
	_ =	sdelay $0x4  }
0x247: {  	v10 =	vor.u32 s23, v0;
	v0 =	vld [tilespmem:$0x1FF50]  }
0x248: {  	v1 =	vld [tilespmem:$0x1FF90];
	_ =	sdelay $0x3  }
0x249: {  	v11 =	vor.u32 s23, v0;
	v0 =	vld [tilespmem:$0x1FF60]  }
0x24a: {  	v15 =	vor.u32 s23, v1;
	v1 =	vld [tilespmem:$0x1FFB0];
	_ =	sdelay $0x3  }
0x24b: {  	v12 =	vor.u32 s23, v0;
	v0 =	vld [tilespmem:$0x1FF70]  }
0x24c: {  	v17 =	vld.idx.msk [tilespmem:v16+s5+$0x0], $0xffff;
	v18 =	vor.u32 s23, v1  }
0x24d: {  	v26 =	vld.idx.msk [tilespmem:v2+s5+$0x0], $0xffff  }
0x24e: {  	v24 =	vld.idx.msk [tilespmem:v15+s5+$0x0], $0xffff  }
0x24f: {  	v27 =	vld.idx.msk [tilespmem:v3+s5+$0x0], $0xffff  }
0x250: {  	v13 =	vor.u32 s23, v0;
	v0 =	vld [tilespmem:$0x1FF80]  }
0x251: {  	v25 =	vld.idx.msk [tilespmem:v18+s5+$0x0], $0xffff  }
0x252: {  	v28 =	vld.idx.msk [tilespmem:v4+s5+$0x0], $0xffff  }
0x253: {  	v29 =	vld.idx.msk [tilespmem:v5+s5+$0x0], $0xffff  }
0x254: {  	v19 =	vld.idx.msk [tilespmem:v6+s5+$0x0], $0xffff  }
0x255: {  	v14 =	vor.u32 s23, v0;
	v0 =	vld.idx.msk [tilespmem:v16+s6+$0x0], $0xffff  }
0x256: {  	v20 =	vld.idx.msk [tilespmem:v7+s5+$0x0], $0xffff  }
0x257: {  	v21 =	vld.idx.msk [tilespmem:v8+s5+$0x0], $0xffff  }
0x258: {  	v22 =	vld.idx.msk [tilespmem:v9+s5+$0x0], $0xffff  }
0x259: {  	v31 =	vld.idx.msk [tilespmem:v10+s5+$0x0], $0xffff  }
0x25a: {  	v32 =	vld.idx.msk [tilespmem:v11+s5+$0x0], $0xffff;
	v0 =	vand.u32 $0x7FFFFFFF, v0  }
0x25b: {  	v33 =	vld.idx.msk [tilespmem:v12+s5+$0x0], $0xffff;
	v0 =	vadd.f32 $5.000000000e-01, v0  }
0x25c: {  	v30 =	vld.idx.msk [tilespmem:v13+s5+$0x0], $0xffff  }
0x25d: {  	v23 =	vld.idx.msk [tilespmem:v14+s5+$0x0], $0xffff;
	[tilespmem:v16+s15+$0x0] =	vst.idx.msk $0xffff, v0  }
0x25e: {  	v1 =	vld.idx.msk [tilespmem:v2+s6+$0x0], $0xffff;
	_ =	sdelay $0x4  }
0x25f: {  	v1 =	vand.u32 $0x7FFFFFFF, v1  }
0x260: {  	v1 =	vadd.f32 $5.000000000e-01, v1;
	_ =	sdelay $0x1  }
0x261: {  	[tilespmem:v2+s15+$0x0] =	vst.idx.msk $0xffff, v1  }
0x262: {  	[tilespmem:$0x1F480] =	vst v2;
	v2 =	vld.idx.msk [tilespmem:v3+s6+$0x0], $0xffff;
	_ =	sdelay $0x4  }
0x263: {  	v2 =	vand.u32 $0x7FFFFFFF, v2  }
0x264: {  	v2 =	vadd.f32 $5.000000000e-01, v2;
	_ =	sdelay $0x1  }
0x265: {  	[tilespmem:v3+s15+$0x0] =	vst.idx.msk $0xffff, v2  }
0x266: {  	[tilespmem:$0x1F490] =	vst v3;
	v3 =	vld.idx.msk [tilespmem:v4+s6+$0x0], $0xffff;
	_ =	sdelay $0x4  }
0x267: {  	v3 =	vand.u32 $0x7FFFFFFF, v3  }
0x268: {  	v3 =	vadd.f32 $5.000000000e-01, v3;
	_ =	sdelay $0x1  }
0x269: {  	[tilespmem:v4+s15+$0x0] =	vst.idx.msk $0xffff, v3  }
0x26a: {  	[tilespmem:$0x1F4A0] =	vst v4;
	v4 =	vld.idx.msk [tilespmem:v5+s6+$0x0], $0xffff;
	_ =	sdelay $0x4  }
0x26b: {  	v4 =	vand.u32 $0x7FFFFFFF, v4  }
0x26c: {  	v4 =	vadd.f32 $5.000000000e-01, v4;
	_ =	sdelay $0x1  }
0x26d: {  	[tilespmem:v5+s15+$0x0] =	vst.idx.msk $0xffff, v4  }
0x26e: {  	[tilespmem:$0x1F4B0] =	vst v5;
	v5 =	vld.idx.msk [tilespmem:v6+s6+$0x0], $0xffff;
	_ =	sdelay $0x4  }
0x26f: {  	v5 =	vand.u32 $0x7FFFFFFF, v5  }
0x270: {  	v5 =	vadd.f32 $5.000000000e-01, v5;
	_ =	sdelay $0x1  }
0x271: {  	[tilespmem:v6+s15+$0x0] =	vst.idx.msk $0xffff, v5  }
0x272: {  	[tilespmem:$0x1F4C0] =	vst v6;
	v6 =	vld.idx.msk [tilespmem:v7+s6+$0x0], $0xffff;
	_ =	sdelay $0x4  }
0x273: {  	v6 =	vand.u32 $0x7FFFFFFF, v6  }
0x274: {  	v6 =	vadd.f32 $5.000000000e-01, v6;
	_ =	sdelay $0x1  }
0x275: {  	[tilespmem:v7+s15+$0x0] =	vst.idx.msk $0xffff, v6  }
0x276: {  	[tilespmem:$0x1F4D0] =	vst v7;
	v7 =	vld.idx.msk [tilespmem:v8+s6+$0x0], $0xffff;
	_ =	sdelay $0x4  }
0x277: {  	v7 =	vand.u32 $0x7FFFFFFF, v7  }
0x278: {  	v7 =	vadd.f32 $5.000000000e-01, v7;
	_ =	sdelay $0x1  }
0x279: {  	[tilespmem:v8+s15+$0x0] =	vst.idx.msk $0xffff, v7  }
0x27a: {  	[tilespmem:$0x1F4E0] =	vst v8;
	v8 =	vld.idx.msk [tilespmem:v9+s6+$0x0], $0xffff;
	_ =	sdelay $0x4  }
0x27b: {  	v8 =	vand.u32 $0x7FFFFFFF, v8  }
0x27c: {  	v8 =	vadd.f32 $5.000000000e-01, v8;
	_ =	sdelay $0x1  }
0x27d: {  	[tilespmem:v9+s15+$0x0] =	vst.idx.msk $0xffff, v8  }
0x27e: {  	[tilespmem:$0x1F4F0] =	vst v9;
	v9 =	vld.idx.msk [tilespmem:v10+s6+$0x0], $0xffff;
	_ =	sdelay $0x4  }
0x27f: {  	v9 =	vand.u32 $0x7FFFFFFF, v9  }
0x280: {  	v9 =	vadd.f32 $5.000000000e-01, v9;
	_ =	sdelay $0x1  }
0x281: {  	[tilespmem:v10+s15+$0x0] =	vst.idx.msk $0xffff, v9  }
0x282: {  	[tilespmem:$0x1F500] =	vst v10;
	v10 =	vld.idx.msk [tilespmem:v11+s6+$0x0], $0xffff;
	_ =	sdelay $0x4  }
0x283: {  	v10 =	vand.u32 $0x7FFFFFFF, v10  }
0x284: {  	v10 =	vadd.f32 $5.000000000e-01, v10;
	_ =	sdelay $0x1  }
0x285: {  	[tilespmem:v11+s15+$0x0] =	vst.idx.msk $0xffff, v10  }
0x286: {  	[tilespmem:$0x1F510] =	vst v11;
	v11 =	vld.idx.msk [tilespmem:v12+s6+$0x0], $0xffff;
	_ =	sdelay $0x4  }
0x287: {  	v11 =	vand.u32 $0x7FFFFFFF, v11  }
0x288: {  	v11 =	vadd.f32 $5.000000000e-01, v11;
	_ =	sdelay $0x1  }
0x289: {  	[tilespmem:v12+s15+$0x0] =	vst.idx.msk $0xffff, v11  }
0x28a: {  	[tilespmem:$0x1F520] =	vst v12;
	v12 =	vld.idx.msk [tilespmem:v13+s6+$0x0], $0xffff;
	_ =	sdelay $0x4  }
0x28b: {  	v12 =	vand.u32 $0x7FFFFFFF, v12  }
0x28c: {  	v0 =	vmul.f32 v0, v0;
	v12 =	vadd.f32 $5.000000000e-01, v12  }
0x28d: {  	v1 =	vmul.f32 v1, v1  }
0x28e: {  	(erf) = vrcp.f32 v0;
	v0 =	vmul.f32 v2, v2;
	[tilespmem:v13+s15+$0x0] =	vst.idx.msk $0xffff, v12  }
0x28f: {  	[tilespmem:$0x1F530] =	vst v13;
	(erf) = vrcp.f32 v1;
	v13 =	vld.idx.msk [tilespmem:v14+s6+$0x0], $0xffff  }
0x290: {  	(erf) = vrcp.f32 v0  }
0x291: {  	v1 =	vmul.f32 v3, v3;
	v0 =	vmul.f32 v4, v4;
	v4 =	vld [tilespmem:$0x1FFE0];
	_ =	sdelay $0x1  }
0x292: {  	v45 =	vsub.f32 v32, v31;
	(erf) = vrcp.f32 v1;
	v1 =	vmul.f32 v5, v5  }
0x293: {  	(erf) = vrcp.f32 v0;
	v0 =	vmul.f32 v6, v6;
	v13 =	vand.u32 $0x7FFFFFFF, v13  }
0x294: {  	s24 =	sshll.u32 s21, $0x6;
	(erf) = vrcp.f32 v1;
	v1 =	vmul.f32 v7, v7;
	v13 =	vadd.f32 $5.000000000e-01, v13  }
0x295: {  	v5 =	vor.u32 s24, v4;
	(erf) = vrcp.f32 v0;
	v0 =	vmul.f32 v8, v8  }
0x296: {  	v4 =	vadd.f32 v19, v29;
	(erf) = vrcp.f32 v1;
	v1 =	vmul.f32 v9, v9;
	[tilespmem:v14+s15+$0x0] =	vst.idx.msk $0xffff, v13  }
0x297: {  	v44 =	vsub.f32 v33, v22;
	[tilespmem:$0x1F540] =	vst v14;
	(erf) = vrcp.f32 v0;
	v0 =	vmul.f32 v10, v10;
	v14 =	vld.idx.msk [tilespmem:v15+s6+$0x0], $0xffff  }
0x298: {  	v4 =	vadd.f32 v20, v4;
	v6 =	vadd.f32 v31, v22;
	(erf) = vrcp.f32 v1  }
0x299: {  	v1 =	vadd.f32 v26, v17;
	(erf) = vrcp.f32 v0;
	v0 =	vmul.f32 v11, v11  }
0x29a: {  	v49 =	vmul.f32 $5.000000000e-01, v45;
	v7 =	vsub.f32 v27, v26;
	v8 =	vadd.f32 v21, v4  }
0x29b: {  	v4 =	vadd.f32 v23, v30;
	v1 =	vadd.f32 v27, v1;
	(erf) = vrcp.f32 v0  }
0x29c: {  	v0 =	vadd.f32 v32, v6;
	v6 =	vmul.f32 v12, v12;
	v2 =	vand.u32 $0x7FFFFFFF, v14  }
0x29d: {  	v9 =	vpop (erf);
	v11 =	vadd.f32 v28, v1;
	v1 =	vmul.f32 v13, v13;
	v2 =	vadd.f32 $5.000000000e-01, v2  }
0x29e: {  	v43 =	vmul.f32 $5.000000000e-01, v7;
	v7 =	vsub.f32 v20, v19;
	v10 =	vpop (erf);
	(erf) = vrcp.f32 v6  }
0x29f: {  	(erf) = vrcp.f32 v1;
	v1 =	vadd.f32 v24, v4;
	v4 =	vsub.f32 v21, v29;
	[tilespmem:v15+s15+$0x0] =	vst.idx.msk $0xffff, v2  }
0x2a0: {  	v47 =	vsub.f32 v25, v30;
	v48 =	vsub.f32 v24, v23;
	v46 =	vmul.f32 $5.000000000e-01, v7;
	v3 =	vld.idx.msk [tilespmem:v18+s6+$0x0], $0xffff  }
0x2a1: {  	v4 =	vmul.f32 $1.500000000e+00, v4;
	v7 =	vadd.f32 v25, v1;
	v1 =	vmul.f32 $1.500000000e+00, v44  }
0x2a2: {  	[tilespmem:$0x1F590] =	vst v27;
	v51 =	vmul.f32 $1.500000000e+00, v47;
	v54 =	vadd.f32 v8, v8;
	v6 =	vsub.f32 v28, v17  }
0x2a3: {  	[tilespmem:$0x1F5E0] =	vst v22;
	v22 =	vadd.f32 v4, v46;
	v27 =	vadd.f32 v1, v49;
	v1 =	vld [tilespmem:$0x1FFC0];
	v4 =	vmul.f32 $-6.000000000e+00, v11  }
0x2a4: {  	v52 =	vmul.f32 $5.000000000e-01, v48;
	v0 =	vadd.f32 v33, v0;
	v2 =	vmul.f32 v2, v2  }
0x2a5: {  	v6 =	vmul.f32 $1.500000000e+00, v6;
	v13 =	vpop (erf);
	v4 =	vsub.f32 v4, v54;
	v3 =	vand.u32 $0x7FFFFFFF, v3  }
0x2a6: {  	v60 =	vld [tilespmem:$0x1FFD0];
	v14 =	vpop (erf);
	(erf) = vrcp.f32 v2;
	v2 =	vadd.f32 v0, v0;
	v3 =	vadd.f32 $5.000000000e-01, v3  }
0x2a7: {  	[tilespmem:$0x1F470] =	vst v16;
	v48 =	vld [tilespmem:$0x1F890];
	v12 =	vadd.f32 v6, v43  }
0x2a8: {  	s23 =	sshll.u32 s21, $0x4;
	v6 =	vadd.f32 v51, v52;
	v16 =	vor.u32 s24, v1;
	v4 =	vadd.f32 v2, v4;
	v2 =	vld [tilespmem:$0x1FFF0];
	[tilespmem:v18+s15+$0x0] =	vst.idx.msk $0xffff, v3  }
0x2a9: {  	v53 =	vld [tilespmem:s23+$0x6780]  }
0x2aa: {  	[tilespmem:$0x1F550] =	vst v15;
	v55 =	vadd.f32 v22, v12;
	v56 =	vadd.f32 v6, v27;
	v57 =	vld [tilespmem:s23+$0x6580]  }
0x2ab: {  	[tilespmem:$0x1F560] =	vst v17;
	v37 =	vmul.f32 $6.000000000e+00, v7;
	v3 =	vmul.f32 v3, v3;
	v59 =	vld.idx.msk [tilespmem:v5+s10+$0x0], $0xffff  }
0x2ac: {  	[tilespmem:$0x1F570] =	vst v28;
	v50 =	vadd.f32 v8, v11;
	v28 =	vor.u32 s24, v60;
	v63 =	vadd.f32 v56, v55;
	v62 =	vld.idx.msk [tilespmem:v5+s8+$0x0], $0xffff  }
0x2ad: {  	[tilespmem:$0x1F650] =	vst v18;
	v15 =	vpop (erf);
	v1 =	vadd.f32 v7, v0;
	v39 =	vadd.f32 v37, v4;
	(erf) = vrcp.f32 v3;
	v3 =	vld.idx.msk [tilespmem:v16+s10+$0x0], $0xffff  }
0x2ae: {  	[tilespmem:$0x1F5B0] =	vst v29;
	v46 =	vld [tilespmem:$0x1F8C0]  }
0x2af: {  	[tilespmem:$0x1F600] =	vst v31;
	v31 =	vadd.f32 v63, v39;
	v18 =	vadd.f32 v1, v50;
	v36 =	vld.idx.msk [tilespmem:v16+s8+$0x0], $0xffff  }
0x2b0: {  	[tilespmem:$0x1F5A0] =	vst v21;
	v55 =	vld [tilespmem:$0x1F8B0];
	v29 =	vor.u32 s24, v2;
	v58 =	vand.u32 $0x7FFFFFFF, v53;
	v21 =	vand.u32 $0x7FFFFFFF, v57  }
0x2b1: {  	[tilespmem:$0x1F630] =	vst v23;
	v17 =	vpop (erf);
	v38 =	vld.idx.msk [tilespmem:v28+s10+$0x0], $0xffff;
	v23 =	vand.u32 $0x7FFFFFFF, v59;
	v40 =	vand.u32 $0x7FFFFFFF, v62;
	v61 =	vadd.f32 $5.000000000e-01, v58  }
0x2b2: {  	v39 =	vld [tilespmem:$0x1F930];
	v1 =	vpop (erf);
	v21 =	vadd.f32 $5.000000000e-01, v21;
	v4 =	vadd.f32 $5.000000000e-01, v23;
	v3 =	vand.u32 $0x7FFFFFFF, v3  }
0x2b3: {  	[tilespmem:$0x1F640] =	vst v24;
	v2 =	vpop (erf);
	v43 =	vld.idx.msk [tilespmem:v28+s8+$0x0], $0xffff;
	v23 =	vadd.f32 $5.000000000e-01, v40;
	v42 =	vadd.f32 $5.000000000e-01, v3;
	v35 =	vmul.f32 v61, v61  }
0x2b4: {  	[tilespmem:$0x1F5C0] =	vst v19;
	v45 =	vld [tilespmem:s23+$0x6680];
	v19 =	vpop (erf);
	v3 =	vand.u32 $0x7FFFFFFF, v36;
	v41 =	vmul.f32 v21, v21;
	v4 =	vmul.f32 v4, v4  }
0x2b5: {  	[tilespmem:$0x1F5D0] =	vst v20;
	v52 =	vld [tilespmem:s23+$0x6480];
	v20 =	vpop (erf);
	v23 =	vmul.f32 v23, v23;
	(erf) = vrcp.f32 v35  }
0x2b6: {  	[tilespmem:$0x1F620] =	vst v30;
	v34 =	vld.idx.msk [tilespmem:v29+s10+$0x0], $0xffff;
	v30 =	vand.u32 $0x7FFFFFFF, v38;
	v24 =	vadd.f32 $5.000000000e-01, v3;
	v21 =	vpop (erf);
	(erf) = vrcp.f32 v41  }
0x2b7: {  	v54 =	vld.idx.msk [tilespmem:v29+s8+$0x0], $0xffff;
	v30 =	vadd.f32 $5.000000000e-01, v30;
	v44 =	vmul.f32 v42, v42;
	v3 =	vpop (erf);
	(erf) = vrcp.f32 v4  }
0x2b8: {  	v40 =	vld [tilespmem:$0x1F8A0];
	v35 =	vmul.f32 v24, v24;
	v4 =	vpop (erf);
	(erf) = vrcp.f32 v23  }
0x2b9: {  	v36 =	vld [tilespmem:$0x1F8F0];
	v30 =	vmul.f32 v30, v30;
	v23 =	vpop (erf);
	(erf) = vrcp.f32 v44  }
0x2ba: {  	[tilespmem:$0x1F580] =	vst v26;
	v18 =	vmul.f32 v18, v46;
	v47 =	vand.u32 $0x7FFFFFFF, v43;
	v41 =	vld [tilespmem:$0x1F960];
	(erf) = vrcp.f32 v35  }
0x2bb: {  	[tilespmem:$0x1F660] =	vst v25;
	v56 =	vld.idx.msk [tilespmem:v16+s9+$0x0], $0xffff;
	v49 =	vadd.f32 $5.000000000e-01, v47;
	v34 =	vand.u32 $0x7FFFFFFF, v34;
	(erf) = vrcp.f32 v30  }
0x2bc: {  	[tilespmem:$0x1F610] =	vst v32;
	v8 =	vmul.f32 v8, v39;
	v53 =	vld.idx.msk [tilespmem:v5+s9+$0x0], $0xffff;
	v59 =	vand.u32 $0x7FFFFFFF, v54;
	v51 =	vadd.f32 $5.000000000e-01, v34;
	v24 =	vpop (erf)  }
0x2bd: {  	[tilespmem:$0x1F5F0] =	vst v33;
	v0 =	vmul.f32 v0, v39;
	v33 =	vmul.f32 v49, v49;
	v42 =	vld [tilespmem:$0x1F920];
	v25 =	vpop (erf);
	v35 =	vadd.f32 $5.000000000e-01, v59  }
0x2be: {  	v16 =	vld.idx.msk [tilespmem:v16+s7+$0x0], $0xffff;
	v18 =	vadd.f32 v18, v48;
	v31 =	vmul.f32 v31, v36;
	v32 =	vmul.f32 v51, v51;
	v26 =	vpop (erf)  }
0x2bf: {  	v48 =	vld [tilespmem:$0x1F940];
	v8 =	vadd.f32 v8, v40;
	v22 =	vmul.f32 v22, v41;
	v60 =	vmul.f32 v35, v35;
	v37 =	vpop (erf)  }
0x2c0: {  	v61 =	vld.idx.msk [tilespmem:v28+s9+$0x0], $0xffff;
	v30 =	vadd.f32 v31, v55;
	(erf) = vrcp.f32 v33;
	v50 =	vmul.f32 v26, v45;
	v34 =	vpop (erf)  }
0x2c1: {  	v0 =	vadd.f32 v0, v40;
	v35 =	vld [tilespmem:$0x1F8D0];
	v18 =	vmul.f32 v26, v18;
	v57 =	vmul.f32 v37, v52;
	v36 =	vpop (erf)  }
0x2c2: {  	v49 =	vld [tilespmem:$0x1F900];
	v22 =	vadd.f32 v22, v42;
	v30 =	vmul.f32 v37, v30;
	v58 =	vmul.f32 v34, v53;
	v38 =	vpop (erf)  }
0x2c3: {  	v18 =	vsub.f32 v18, v50;
	v31 =	vmul.f32 v38, v56;
	v8 =	vmul.f32 v38, v8;
	v43 =	vpop (erf)  }
0x2c4: {  	v30 =	vsub.f32 v30, v57;
	v16 =	vmul.f32 v43, v16;
	v22 =	vmul.f32 v43, v22;
	v53 =	vpop (erf)  }
0x2c5: {  	v8 =	vsub.f32 v8, v31;
	v44 =	vmul.f32 v53, v61;
	v0 =	vmul.f32 v53, v0  }
0x2c6: {  	(erf) = vrcp.f32 v32;
	v18 =	vmul.f32 v18, v35;
	v16 =	vsub.f32 v22, v16  }
0x2c7: {  	v22 =	vmul.f32 v30, v49;
	v0 =	vsub.f32 v0, v44;
	v8 =	vmul.f32 v8, v48  }
0x2c8: {  	(erf) = vrcp.f32 v60  }
0x2c9: {  	v50 =	vadd.f32 v22, v22;
	v8 =	vadd.f32 v8, v18;
	v0 =	vmul.f32 v0, v48;
	_ =	sdelay $0x1  }
0x2ca: {  	v5 =	vld.idx.msk [tilespmem:v5+s7+$0x0], $0xffff;
	v51 =	vadd.f32 v0, v18;
	v0 =	vsub.f32 v8, v50  }
0x2cb: {  	v12 =	vmul.f32 v12, v41  }
0x2cc: {  	v62 =	vld.idx.msk [tilespmem:v28+s7+$0x0], $0xffff;
	[tilespmem:$0x1F670] =	vst v0;
	v0 =	vadd.f32 v51, v50  }
0x2cd: {  	v11 =	vmul.f32 v11, v39;
	v47 =	vld.idx.msk [tilespmem:v29+s7+$0x0], $0xffff;
	v12 =	vadd.f32 v12, v42  }
0x2ce: {  	v27 =	vmul.f32 v27, v41;
	v6 =	vmul.f32 v6, v41;
	[tilespmem:$0x1F680] =	vst v0;
	v0 =	vld [tilespmem:$0x1F970]  }
0x2cf: {  	v11 =	vadd.f32 v11, v40;
	v5 =	vmul.f32 v36, v5;
	v12 =	vmul.f32 v36, v12;
	v54 =	vpop (erf)  }
0x2d0: {  	v27 =	vadd.f32 v27, v42;
	v6 =	vadd.f32 v6, v42;
	v55 =	vpop (erf)  }
0x2d1: {  	v11 =	vmul.f32 v34, v11;
	v5 =	vsub.f32 v12, v5;
	v12 =	vmul.f32 v54, v62;
	v56 =	vpop (erf)  }
0x2d2: {  	v45 =	vmul.f32 v54, v27;
	v28 =	vmul.f32 v56, v47  }
0x2d3: {  	v52 =	vmul.f32 v56, v6;
	v5 =	vmul.f32 v5, v0  }
0x2d4: {  	v11 =	vsub.f32 v11, v58;
	v12 =	vsub.f32 v45, v12  }
0x2d5: {  	v57 =	vsub.f32 v52, v28;
	v58 =	vmul.f32 v16, v0;
	v5 =	vadd.f32 v5, v22;
	_ =	sdelay $0x1  }
0x2d6: {  	v12 =	vmul.f32 v12, v0;
	[tilespmem:$0x1F6B0] =	vst v5;
	v5 =	vmul.f32 v57, v0;
	v0 =	vadd.f32 v58, v22;
	_ =	sdelay $0x1  }
0x2d7: {  	[tilespmem:$0x1F6C0] =	vst v0;
	v0 =	vadd.f32 v12, v22;
	_ =	sdelay $0x1  }
0x2d8: {  	v59 =	vmul.f32 $5.000000070e-02, v9;
	[tilespmem:$0x1F6D0] =	vst v0;
	v0 =	vadd.f32 v5, v22;
	_ =	sdelay $0x1  }
0x2d9: {  	v60 =	vmul.f32 $5.000000070e-02, v10;
	[tilespmem:$0x1F6E0] =	vst v0;
	v0 =	vsub.f32 $1.000000000e+00, v59;
	_ =	sdelay $0x1  }
0x2da: {  	v5 =	vmul.f32 $5.000000070e-02, v13;
	[tilespmem:$0x1F6F0] =	vst v0;
	v0 =	vsub.f32 $1.000000000e+00, v60;
	_ =	sdelay $0x1  }
0x2db: {  	v61 =	vmul.f32 $5.000000070e-02, v14;
	[tilespmem:$0x1F700] =	vst v0;
	v0 =	vsub.f32 $1.000000000e+00, v5;
	_ =	sdelay $0x1  }
0x2dc: {  	v62 =	vmul.f32 $5.000000070e-02, v15;
	[tilespmem:$0x1F710] =	vst v0;
	v0 =	vsub.f32 $1.000000000e+00, v61;
	_ =	sdelay $0x1  }
0x2dd: {  	v5 =	vmul.f32 $5.000000070e-02, v17;
	[tilespmem:$0x1F720] =	vst v0;
	v0 =	vsub.f32 $1.000000000e+00, v62;
	_ =	sdelay $0x1  }
0x2de: {  	v1 =	vmul.f32 $5.000000070e-02, v1;
	[tilespmem:$0x1F730] =	vst v0;
	v0 =	vsub.f32 $1.000000000e+00, v5  }
0x2df: {  	v63 =	vld.idx.msk [tilespmem:v29+s9+$0x0], $0xffff  }
0x2e0: {  	v2 =	vmul.f32 $5.000000070e-02, v2;
	[tilespmem:$0x1F740] =	vst v0;
	v0 =	vsub.f32 $1.000000000e+00, v1;
	_ =	sdelay $0x1  }
0x2e1: {  	v5 =	vmul.f32 $5.000000070e-02, v19;
	[tilespmem:$0x1F750] =	vst v0;
	v0 =	vsub.f32 $1.000000000e+00, v2;
	_ =	sdelay $0x1  }
0x2e2: {  	v46 =	vmul.f32 v55, v63;
	v63 =	vmul.f32 $5.000000070e-02, v20;
	[tilespmem:$0x1F760] =	vst v0;
	v0 =	vsub.f32 $1.000000000e+00, v5;
	_ =	sdelay $0x1  }
0x2e3: {  	v1 =	vmul.f32 $5.000000070e-02, v21;
	[tilespmem:$0x1F770] =	vst v0;
	v0 =	vsub.f32 $1.000000000e+00, v63;
	_ =	sdelay $0x1  }
0x2e4: {  	v2 =	vmul.f32 $5.000000070e-02, v3;
	[tilespmem:$0x1F780] =	vst v0;
	v0 =	vsub.f32 $1.000000000e+00, v1;
	_ =	sdelay $0x1  }
0x2e5: {  	v1 =	vmul.f32 $5.000000070e-02, v4;
	[tilespmem:$0x1F790] =	vst v0;
	v0 =	vsub.f32 $1.000000000e+00, v2;
	_ =	sdelay $0x1  }
0x2e6: {  	[tilespmem:$0x1F7A0] =	vst v0;
	v0 =	vsub.f32 $1.000000000e+00, v1;
	_ =	sdelay $0x1  }
0x2e7: {  	[tilespmem:$0x1F7B0] =	vst v0;
	v0 =	vld [tilespmem:$0x1F8E0];
	_ =	sdelay $0x4  }
0x2e8: {  	v0 =	vmul.f32 v26, v0;
	_ =	sdelay $0x1  }
0x2e9: {  	[tilespmem:$0x1F7C0] =	vst v0;
	v0 =	vld [tilespmem:$0x1F910];
	_ =	sdelay $0x4  }
0x2ea: {  	v3 =	vmul.f32 $5.000000070e-02, v23;
	v0 =	vmul.f32 v37, v0;
	_ =	sdelay $0x1  }
0x2eb: {  	[tilespmem:$0x1F7D0] =	vst v0;
	v0 =	vsub.f32 $1.000000000e+00, v3;
	_ =	sdelay $0x1  }
0x2ec: {  	[tilespmem:$0x1F7E0] =	vst v0;
	v0 =	vld [tilespmem:$0x1F950]  }
0x2ed: {  	v7 =	vmul.f32 v7, v39;
	_ =	sdelay $0x1  }
0x2ee: {  	v7 =	vadd.f32 v7, v40;
	_ =	sdelay $0x1  }
0x2ef: {  	v7 =	vmul.f32 v55, v7;
	v1 =	vmul.f32 v34, v0  }
0x2f0: {  	v2 =	vmul.f32 $5.000000070e-02, v24  }
0x2f1: {  	v11 =	vmul.f32 v11, v48;
	v7 =	vsub.f32 v7, v46;
	[tilespmem:$0x1F7F0] =	vst v1;
	v1 =	vld [tilespmem:$0x1F980]  }
0x2f2: {  	v2 =	vsub.f32 $1.000000000e+00, v2  }
0x2f3: {  	v11 =	vadd.f32 v11, v18;
	v30 =	vmul.f32 $6.000000000e+00, v22;
	v7 =	vmul.f32 v7, v48  }
0x2f4: {  	[tilespmem:$0x1F810] =	vst v2;
	v2 =	vmul.f32 v38, v0  }
0x2f5: {  	v6 =	vsub.f32 v11, v30;
	v18 =	vadd.f32 v7, v18  }
0x2f6: {  	v4 =	vmul.f32 $5.000000070e-02, v25;
	[tilespmem:$0x1F820] =	vst v2;
	v2 =	vmul.f32 v43, v1  }
0x2f7: {  	[tilespmem:$0x1F690] =	vst v6;
	v6 =	vadd.f32 v18, v30  }
0x2f8: {  	[tilespmem:$0x1F830] =	vst v2;
	v2 =	vsub.f32 $1.000000000e+00, v4  }
0x2f9: {  	[tilespmem:$0x1F6A0] =	vst v6;
	v57 =	vimm.f32 $0.0e+00;
	v58 =	vimm.f32 $0.0e+00;
	v3 =	vmul.f32 v36, v1  }
0x2fa: {  	v59 =	vimm.f32 $0.0e+00;
	v60 =	vimm.f32 $0.0e+00;
	[tilespmem:$0x1F840] =	vst v2;
	v2 =	vmul.f32 v53, v0  }
0x2fb: {  	v61 =	vimm.f32 $0.0e+00;
	v62 =	vimm.f32 $0.0e+00;
	[tilespmem:$0x1F800] =	vst v3;
	v0 =	vmul.f32 v55, v0  }
0x2fc: {  	v5 =	vimm.f32 $0.0e+00;
	v63 =	vimm.f32 $0.0e+00;
	[tilespmem:$0x1F850] =	vst v2;
	v2 =	vmul.f32 v54, v1  }
0x2fd: {  	v37 =	vimm.f32 $0.0e+00;
	v38 =	vimm.f32 $0.0e+00;
	[tilespmem:$0x1F870] =	vst v0;
	v0 =	vmul.f32 v56, v1  }
0x2fe: {  	v3 =	vimm.f32 $0.0e+00;
	v4 =	vimm.f32 $0.0e+00;
	v55 =	vimm.f32 $0.0e+00;
	[tilespmem:$0x1F860] =	vst v2  }
0x2ff: {  	s23 =	simm.s32 $0xA;
	v56 =	vimm.f32 $0.0e+00;
	v1 =	vimm.f32 $0.0e+00;
	[tilespmem:$0x1F880] =	vst v0;
	v2 =	vimm.f32 $0.0e+00  }
.LBB2_7:
0x300: {  	v39 =	vadd.f32 v37, v38;
	v40 =	vadd.f32 v63, v3  }
0x301: {  	v41 =	vadd.f32 v2, v1;
	v42 =	vadd.f32 v57, v59  }
0x302: {  	v43 =	vsub.f32 v4, v38;
	v44 =	vsub.f32 v5, v37  }
0x303: {  	v45 =	vsub.f32 v61, v3;
	v46 =	vsub.f32 v62, v63  }
0x304: {  	v47 =	vsub.f32 v58, v1;
	v48 =	vsub.f32 v60, v2  }
0x305: {  	v49 =	vsub.f32 v55, v59;
	v50 =	vsub.f32 v56, v57  }
0x306: {  	v39 =	vadd.f32 v5, v39;
	v40 =	vadd.f32 v62, v40  }
0x307: {  	v41 =	vadd.f32 v60, v41;
	v43 =	vmul.f32 $1.500000000e+00, v43;
	v44 =	vmul.f32 $5.000000000e-01, v44  }
0x308: {  	v42 =	vadd.f32 v56, v42;
	v45 =	vmul.f32 $1.500000000e+00, v45;
	v46 =	vmul.f32 $5.000000000e-01, v46  }
0x309: {  	v34 =	vld [tilespmem:$0x1F7F0];
	v47 =	vmul.f32 $1.500000000e+00, v47;
	v48 =	vmul.f32 $5.000000000e-01, v48;
	v39 =	vadd.f32 v4, v39  }
0x30a: {  	v24 =	vld [tilespmem:$0x1F800];
	v11 =	vmul.f32 $1.500000000e+00, v49;
	v40 =	vadd.f32 v61, v40;
	v41 =	vadd.f32 v58, v41  }
0x30b: {  	v21 =	vld [tilespmem:$0x1F7C0];
	v12 =	vmul.f32 $5.000000000e-01, v50;
	v42 =	vadd.f32 v55, v42;
	v43 =	vadd.f32 v43, v44  }
0x30c: {  	v23 =	vld [tilespmem:$0x1F7D0];
	v45 =	vadd.f32 v45, v46;
	v13 =	vmul.f32 $-6.000000000e+00, v39;
	v14 =	vadd.f32 v40, v40  }
0x30d: {  	v8 =	vld [tilespmem:$0x1F690];
	v47 =	vadd.f32 v47, v48;
	v44 =	vadd.f32 v11, v12  }
0x30e: {  	v10 =	vld [tilespmem:$0x1F6B0];
	v15 =	vadd.f32 v41, v41;
	v46 =	vsub.f32 v13, v14  }
0x30f: {  	v35 =	vld [tilespmem:$0x1F820];
	v16 =	vadd.f32 v45, v43  }
0x310: {  	v30 =	vld [tilespmem:$0x1F830];
	v17 =	vadd.f32 v44, v47;
	v18 =	vmul.f32 $6.000000000e+00, v42;
	v46 =	vadd.f32 v15, v46  }
0x311: {  	v6 =	vld [tilespmem:$0x1F670];
	v51 =	vadd.f32 v40, v39;
	v52 =	vadd.f32 v42, v41  }
0x312: {  	v11 =	vld [tilespmem:$0x1F6C0];
	v49 =	vadd.f32 v17, v16;
	v46 =	vadd.f32 v18, v46  }
0x313: {  	v39 =	vmul.f32 v39, v34  }
0x314: {  	v43 =	vmul.f32 v43, v24;
	v19 =	vadd.f32 v52, v51;
	v14 =	vld [tilespmem:$0x1F6F0];
	v46 =	vadd.f32 v49, v46  }
0x315: {  	v26 =	vld [tilespmem:$0x1F850];
	v40 =	vmul.f32 v40, v35;
	v45 =	vmul.f32 v45, v30;
	v39 =	vadd.f32 v39, v8  }
0x316: {  	v43 =	vadd.f32 v43, v10;
	v16 =	vld [tilespmem:$0x1F710];
	v48 =	vmul.f32 v19, v21;
	v46 =	vmul.f32 v46, v23  }
0x317: {  	v53 =	vld [tilespmem:$0x1F860];
	v40 =	vadd.f32 v40, v6;
	v45 =	vadd.f32 v45, v11  }
0x318: {  	v17 =	vld [tilespmem:$0x1F720];
	v39 =	vadd.f32 v48, v39;
	v49 =	vmul.f32 $6.000000000e+00, v46;
	v43 =	vadd.f32 v46, v43  }
0x319: {  	v40 =	vadd.f32 v48, v40;
	v18 =	vld [tilespmem:$0x1F730];
	v32 =	vmul.f32 v38, v14;
	v0 =	vadd.f32 v46, v46  }
0x31a: {  	v15 =	vld [tilespmem:$0x1F700];
	v45 =	vadd.f32 v46, v45;
	v39 =	vsub.f32 v39, v49;
	v27 =	vmul.f32 $1.500000000e+00, v43  }
0x31b: {  	v7 =	vld [tilespmem:$0x1F680];
	v5 =	vmul.f32 v5, v16;
	v43 =	vmul.f32 $5.000000000e-01, v43  }
0x31c: {  	v20 =	vld [tilespmem:$0x1F750];
	v40 =	vsub.f32 v40, v0;
	v9 =	vmul.f32 $1.500000000e+00, v45;
	v31 =	vsub.f32 v39, v27  }
0x31d: {  	v12 =	vld [tilespmem:$0x1F6D0];
	v4 =	vmul.f32 v4, v17;
	v33 =	vsub.f32 v39, v43;
	v43 =	vadd.f32 v43, v39  }
0x31e: {  	v19 =	vld [tilespmem:$0x1F740];
	v22 =	vmul.f32 v3, v18;
	v39 =	vadd.f32 v27, v39;
	v13 =	vsub.f32 v40, v9  }
0x31f: {  	v25 =	vld [tilespmem:$0x1F880];
	v54 =	vmul.f32 v37, v15;
	v28 =	vmul.f32 $5.000000000e-01, v45  }
0x320: {  	v27 =	vmul.f32 v47, v53;
	v39 =	vadd.f32 v39, v4;
	v4 =	vadd.f32 v13, v22;
	v22 =	vld [tilespmem:$0x1F760]  }
0x321: {  	v37 =	vadd.f32 v33, v54;
	v3 =	vadd.f32 v43, v5;
	v5 =	vmul.f32 v41, v26;
	v54 =	vld [tilespmem:$0x1F870]  }
0x322: {  	v45 =	vsub.f32 v40, v28;
	v38 =	vadd.f32 v31, v32;
	v13 =	vld [tilespmem:$0x1F6E0]  }
0x323: {  	v29 =	vmul.f32 v63, v19;
	v41 =	vadd.f32 v27, v12;
	v5 =	vadd.f32 v5, v7  }
0x324: {  	v43 =	vadd.f32 v28, v40;
	v31 =	vmul.f32 v62, v20;
	v40 =	vadd.f32 v9, v40;
	v9 =	vld [tilespmem:$0x1F6A0]  }
0x325: {  	v36 =	vmul.f32 v44, v25;
	v62 =	vadd.f32 v45, v29;
	v27 =	vld [tilespmem:$0x1F7A0];
	v5 =	vadd.f32 v48, v5  }
0x326: {  	v29 =	vld [tilespmem:$0x1F7E0];
	v41 =	vadd.f32 v46, v41;
	v43 =	vadd.f32 v43, v31;
	v32 =	vmul.f32 v61, v22  }
0x327: {  	v31 =	vld [tilespmem:$0x1F770];
	v33 =	vmul.f32 v42, v54;
	v42 =	vadd.f32 v36, v13;
	v0 =	vadd.f32 v0, v5  }
0x328: {  	v5 =	vmul.f32 $1.500000000e+00, v41;
	v41 =	vmul.f32 $5.000000000e-01, v41;
	v61 =	vadd.f32 v40, v32  }
0x329: {  	v40 =	vadd.f32 v33, v9;
	v42 =	vadd.f32 v46, v42;
	v33 =	vld [tilespmem:$0x1F790]  }
0x32a: {  	v50 =	vsub.f32 v0, v5;
	v51 =	vsub.f32 v0, v41  }
0x32b: {  	v32 =	vld [tilespmem:$0x1F780];
	v41 =	vadd.f32 v41, v0;
	v0 =	vadd.f32 v5, v0;
	v5 =	vmul.f32 v58, v27  }
0x32c: {  	v63 =	vmul.f32 v57, v29;
	v29 =	vld [tilespmem:$0x1F810];
	v1 =	vmul.f32 v1, v31;
	v40 =	vadd.f32 v48, v40  }
0x32d: {  	v45 =	vmul.f32 $1.500000000e+00, v42;
	v0 =	vadd.f32 v0, v5;
	v5 =	vadd.f32 v37, v38  }
0x32e: {  	v1 =	vadd.f32 v50, v1;
	v40 =	vadd.f32 v49, v40;
	v52 =	vmul.f32 v60, v33  }
0x32f: {  	v28 =	vld [tilespmem:$0x1F7B0];
	v42 =	vmul.f32 $5.000000000e-01, v42;
	v50 =	vsub.f32 v39, v38;
	v5 =	vadd.f32 v5, v3  }
0x330: {  	v2 =	vmul.f32 v2, v32;
	v58 =	vsub.f32 v40, v45;
	v60 =	vadd.f32 v41, v52  }
0x331: {  	v36 =	vmul.f32 v56, v29;
	v52 =	vsub.f32 v40, v42;
	v42 =	vadd.f32 v42, v40  }
0x332: {  	v2 =	vadd.f32 v51, v2;
	v40 =	vadd.f32 v45, v40  }
0x333: {  	v5 =	vadd.f32 v5, v39;
	v56 =	vadd.f32 v42, v36;
	v36 =	vld [tilespmem:$0x1F840]  }
0x334: {  	v59 =	vmul.f32 v59, v28;
	v51 =	vsub.f32 v3, v37;
	v57 =	vadd.f32 v52, v63  }
0x335: {  	v52 =	vadd.f32 v62, v4;
	v63 =	vadd.f32 v2, v1  }
0x336: {  	v45 =	vmul.f32 $1.500000000e+00, v50;
	v59 =	vadd.f32 v58, v59;
	v50 =	vsub.f32 v60, v2  }
0x337: {  	v46 =	vmul.f32 $5.000000000e-01, v51;
	v41 =	vadd.f32 v52, v43;
	v48 =	vadd.f32 v63, v60  }
0x338: {  	v49 =	vadd.f32 v57, v59;
	v52 =	vsub.f32 v61, v4;
	v58 =	vmul.f32 v55, v36  }
0x339: {  	v63 =	vsub.f32 v56, v57;
	v45 =	vadd.f32 v46, v45  }
0x33a: {  	v41 =	vadd.f32 v41, v61;
	v40 =	vadd.f32 v40, v58  }
0x33b: {  	v50 =	vmul.f32 $5.000000000e-01, v50;
	v44 =	vadd.f32 v49, v56;
	v49 =	vsub.f32 v0, v1  }
0x33c: {  	v47 =	vmul.f32 $1.500000000e+00, v52;
	v55 =	vsub.f32 v43, v62;
	v58 =	vsub.f32 v40, v59  }
0x33d: {  	v42 =	vadd.f32 v48, v0;
	v51 =	vmul.f32 $5.000000000e-01, v63;
	v49 =	vmul.f32 $1.500000000e+00, v49  }
0x33e: {  	v63 =	vadd.f32 v41, v41;
	v48 =	vmul.f32 $5.000000000e-01, v55;
	v46 =	vmul.f32 $1.500000000e+00, v58  }
0x33f: {  	v49 =	vadd.f32 v50, v49;
	v44 =	vadd.f32 v44, v40;
	v58 =	vmul.f32 $-6.000000000e+00, v5  }
0x340: {  	v47 =	vadd.f32 v48, v47;
	v46 =	vadd.f32 v51, v46  }
0x341: {  	v38 =	vmul.f32 v38, v14;
	v48 =	vsub.f32 v58, v63;
	v58 =	vadd.f32 v42, v42  }
0x342: {  	v37 =	vmul.f32 v37, v15;
	v3 =	vmul.f32 v3, v16;
	v51 =	vadd.f32 v47, v45  }
0x343: {  	v50 =	vmul.f32 $6.000000000e+00, v44;
	v52 =	vadd.f32 v46, v49;
	v48 =	vadd.f32 v48, v58  }
0x344: {  	v55 =	vadd.f32 v41, v5;
	v41 =	vmul.f32 v41, v35;
	v63 =	vadd.f32 v44, v42  }
0x345: {  	v39 =	vmul.f32 v39, v17;
	v51 =	vadd.f32 v52, v51;
	v48 =	vadd.f32 v48, v50  }
0x346: {  	v41 =	vadd.f32 v41, v6;
	v5 =	vmul.f32 v5, v34;
	v58 =	vadd.f32 v63, v55  }
0x347: {  	v45 =	vmul.f32 v45, v24;
	v42 =	vmul.f32 v42, v26;
	v48 =	vadd.f32 v48, v51  }
0x348: {  	v5 =	vadd.f32 v5, v8;
	v47 =	vmul.f32 v47, v30;
	v50 =	vmul.f32 v58, v21  }
0x349: {  	v45 =	vadd.f32 v45, v10;
	v42 =	vadd.f32 v42, v7;
	v48 =	vmul.f32 v48, v23  }
0x34a: {  	v16 =	vmul.f32 v4, v18;
	v47 =	vadd.f32 v47, v11;
	v5 =	vadd.f32 v50, v5  }
0x34b: {  	v41 =	vadd.f32 v50, v41;
	v42 =	vadd.f32 v50, v42;
	v51 =	vmul.f32 $6.000000000e+00, v48  }
0x34c: {  	v2 =	vmul.f32 v2, v32;
	v45 =	vadd.f32 v48, v45;
	v6 =	vadd.f32 v48, v48  }
0x34d: {  	v30 =	vmul.f32 v46, v25;
	v47 =	vadd.f32 v48, v47;
	v5 =	vsub.f32 v5, v51  }
0x34e: {  	v63 =	vmul.f32 $1.500000000e+00, v45;
	v45 =	vmul.f32 $5.000000000e-01, v45;
	v41 =	vsub.f32 v41, v6  }
0x34f: {  	v14 =	vmul.f32 $1.500000000e+00, v47;
	v6 =	vadd.f32 v6, v42;
	v42 =	vadd.f32 v30, v13  }
0x350: {  	v18 =	vmul.f32 $5.000000000e-01, v47;
	v10 =	vsub.f32 v5, v63;
	v11 =	vsub.f32 v5, v45  }
0x351: {  	v1 =	vmul.f32 v1, v31;
	v45 =	vadd.f32 v45, v5;
	v52 =	vadd.f32 v63, v5  }
0x352: {  	v17 =	vmul.f32 v49, v53;
	v15 =	vsub.f32 v41, v14;
	v47 =	vsub.f32 v41, v18  }
0x353: {  	v0 =	vmul.f32 v0, v27;
	v42 =	vadd.f32 v48, v42;
	v38 =	vadd.f32 v10, v38  }
0x354: {  	v43 =	vmul.f32 v43, v20;
	v5 =	vadd.f32 v45, v3;
	v45 =	vadd.f32 v17, v12  }
0x355: {  	v26 =	vmul.f32 v44, v54;
	v4 =	vadd.f32 v52, v39;
	v39 =	vadd.f32 v18, v41  }
0x356: {  	v23 =	vmul.f32 v61, v22;
	v41 =	vadd.f32 v14, v41;
	v45 =	vadd.f32 v48, v45  }
0x357: {  	v21 =	vmul.f32 v62, v19;
	v37 =	vadd.f32 v11, v37;
	v3 =	vadd.f32 v15, v16  }
0x358: {  	v61 =	vadd.f32 v41, v23;
	v41 =	vadd.f32 v26, v9;
	v24 =	vmul.f32 $1.500000000e+00, v45  }
0x359: {  	v7 =	vld [tilespmem:$0x1F7E0];
	v63 =	vadd.f32 v47, v21;
	v62 =	vadd.f32 v39, v43;
	v35 =	vmul.f32 $5.000000000e-01, v45  }
0x35a: {  	v40 =	vmul.f32 v40, v36;
	v41 =	vadd.f32 v50, v41;
	v34 =	vsub.f32 v6, v24  }
0x35b: {  	v52 =	vmul.f32 $1.500000000e+00, v42;
	v49 =	vsub.f32 v6, v35;
	v44 =	vadd.f32 v35, v6  }
0x35c: {  	v50 =	vmul.f32 v60, v33;
	v6 =	vadd.f32 v24, v6;
	v51 =	vadd.f32 v51, v41  }
0x35d: {  	p0 =	sne.s32 s23, $0x1;
	v42 =	vmul.f32 $5.000000000e-01, v42;
	v1 =	vadd.f32 v34, v1;
	v2 =	vadd.f32 v49, v2  }
.Ltmp2:
0x35e: {  	v54 =	vmul.f32 v57, v7;
	v60 =	vadd.f32 v44, v50;
	v58 =	vadd.f32 v6, v0;
	(pc) =	sbr.rel @p0 .LBB2_7-.Ltmp2, $4  }
0x35f: {  	v0 =	vsub.f32 v51, v52;
	v6 =	vmul.f32 v59, v28;
	v53 =	vsub.f32 v51, v42  }
0x360: {  	v55 =	vmul.f32 v56, v29;
	v42 =	vadd.f32 v42, v51;
	v39 =	vadd.f32 v52, v51  }
0x361: {  	v59 =	vadd.f32 v0, v6;
	v57 =	vadd.f32 v53, v54  }
0x362: {  	s23 =	sadd.s32 $0xFFFFFFFF, s23;
	v56 =	vadd.f32 v42, v55;
	v55 =	vadd.f32 v39, v40  }
0x363: {  	v0 =	vld [tilespmem:$0x1F560]  }
0x364: {  	v6 =	vld [tilespmem:$0x1F580]  }
0x365: {  	v7 =	vld [tilespmem:$0x1F470]  }
0x366: {  	v32 =	vld [tilespmem:$0x1F590]  }
0x367: {  	v33 =	vld [tilespmem:$0x1F480]  }
0x368: {  	v34 =	vld [tilespmem:$0x1F570]  }
0x369: {  	v35 =	vld [tilespmem:$0x1F490]  }
0x36a: {  	v36 =	vld [tilespmem:$0x1F5B0]  }
0x36b: {  	v39 =	vld [tilespmem:$0x1F4B0]  }
0x36c: {  	v40 =	vld [tilespmem:$0x1F5D0]  }
0x36d: {  	v41 =	vld [tilespmem:$0x1F4C0]  }
0x36e: {  	v42 =	vld [tilespmem:$0x1F5A0]  }
0x36f: {  	v43 =	vld [tilespmem:$0x1F4D0]  }
0x370: {  	v6 =	vadd.f32 v37, v6;
	v37 =	vld [tilespmem:$0x1F4A0]  }
0x371: {  	v44 =	vld [tilespmem:$0x1F5E0]  }
0x372: {  	v45 =	vld [tilespmem:$0x1F4E0]  }
0x373: {  	v0 =	vadd.f32 v38, v0;
	v38 =	vld [tilespmem:$0x1F5C0]  }
0x374: {  	v46 =	vld [tilespmem:$0x1F600]  }
0x375: {  	v47 =	vld [tilespmem:$0x1F4F0];
	[tilespmem:v7+s16+$0x0] =	vst.idx.msk $0xffff, v0;
	v0 =	vadd.f32 v5, v32  }
0x376: {  	v49 =	vld [tilespmem:$0x1F500];
	v4 =	vadd.f32 v4, v34;
	[tilespmem:v33+s16+$0x0] =	vst.idx.msk $0xffff, v6  }
0x377: {  	v48 =	vld [tilespmem:$0x1F610];
	[tilespmem:v35+s16+$0x0] =	vst.idx.msk $0xffff, v0;
	v0 =	vadd.f32 v3, v36  }
0x378: {  	v50 =	vld [tilespmem:$0x1F5F0];
	v3 =	vadd.f32 v63, v38;
	[tilespmem:v37+s16+$0x0] =	vst.idx.msk $0xffff, v4  }
0x379: {  	v51 =	vld [tilespmem:$0x1F510];
	[tilespmem:v39+s16+$0x0] =	vst.idx.msk $0xffff, v0;
	v0 =	vadd.f32 v62, v40  }
0x37a: {  	v52 =	vld [tilespmem:$0x1F620];
	[tilespmem:v41+s16+$0x0] =	vst.idx.msk $0xffff, v3;
	v3 =	vadd.f32 v61, v42  }
0x37b: {  	v53 =	vld [tilespmem:$0x1F520];
	[tilespmem:v43+s16+$0x0] =	vst.idx.msk $0xffff, v0;
	v0 =	vadd.f32 v1, v44  }
0x37c: {  	v54 =	vld [tilespmem:$0x1F630];
	v1 =	vadd.f32 v2, v46;
	[tilespmem:v45+s16+$0x0] =	vst.idx.msk $0xffff, v3  }
0x37d: {  	v63 =	vld [tilespmem:$0x1F650];
	[tilespmem:v47+s16+$0x0] =	vst.idx.msk $0xffff, v0  }
0x37e: {  	[tilespmem:v49+s16+$0x0] =	vst.idx.msk $0xffff, v1;
	v1 =	vadd.f32 v58, v50;
	v58 =	vld [tilespmem:$0x1F530]  }
0x37f: {  	v0 =	vadd.f32 v60, v48;
	v60 =	vld [tilespmem:$0x1F540]  }
0x380: {  	v62 =	vld [tilespmem:$0x1F550]  }
0x381: {  	[tilespmem:v51+s16+$0x0] =	vst.idx.msk $0xffff, v0;
	v0 =	vadd.f32 v59, v52;
	v59 =	vld [tilespmem:$0x1F640]  }
0x382: {  	v61 =	vld [tilespmem:$0x1F660]  }
0x383: {  	s21 =	sadd.s32 $0x1, s21  }
0x384: {  	p0 =	sne.s32 s21, $0x10  }
.Ltmp3:
0x385: {  	[tilespmem:v53+s16+$0x0] =	vst.idx.msk $0xffff, v1;
	v1 =	vadd.f32 v57, v54;
	(pc) =	sbr.rel @p0 .LBB2_6-.Ltmp3, $4  }
0x386: {  	[tilespmem:v58+s16+$0x0] =	vst.idx.msk $0xffff, v0;
	v0 =	vadd.f32 v56, v59  }
0x387: {  	[tilespmem:v60+s16+$0x0] =	vst.idx.msk $0xffff, v1;
	v1 =	vadd.f32 v55, v61  }
0x388: {  	[tilespmem:v62+s16+$0x0] =	vst.idx.msk $0xffff, v0  }
0x389: {  	[tilespmem:v63+s16+$0x0] =	vst.idx.msk $0xffff, v1  }
0x38a: {  	[hbm4b:s28+s31] =	stream.strided.scatter [tilespmem:s16], [sflag:$0x4], $0x1000, s22, s31, $0x38;
	[tilespmem:$0xA900] =	vst v63  }
0x38b: {  	_ = 	snop  }
0x38c: {  	[hbm4b:s29+s31] =	stream.strided.scatter [tilespmem:s15], [sflag:$0x4], $0x1000, s22, s31, $0x38;
	[tilespmem:$0xA900] =	vst v63  }
0x38d: {  	_ =	swait.ge [sflag:s18], $0x1000  }
0x38e: {  	[sflag:s18] =	ssyncset.done $0x0  }
0x38f: {  	[sflag:s18] =	ssyncadd.s32 $0xFFFFF000  }
0x390: {  	_ =	swait.ge [sflag:s18], $0x1000  }
0x391: {  	[sflag:s18] =	ssyncset.done $0x0  }
0x392: {  	s20 =	sadd.s32 $0x1, s20;
	[sflag:s18] =	ssyncadd.s32 $0xFFFFF000  }
0x393: {  	p0 =	sne.s32 s20, s30;
	_ =	swait.ge [sflag:s19], $0x1000  }
.Ltmp4:
0x394: {  	[sflag:s19] =	ssyncset.done $0x0;
	(pc) =	sbr.rel @p0 .LBB2_1-.Ltmp4, $4  }
0x395: {  	[sflag:s19] =	ssyncadd.s32 $0xFFFFF000  }
0x396: {  	_ =	swait.ge [sflag:s19], $0x1000  }
0x397: {  	[sflag:s19] =	ssyncset.done $0x0  }
0x398: {  	[sflag:s19] =	ssyncadd.s32 $0xFFFFF000  }
0x399: {  	_ =	sfence.sel $0x180000  }
0x39a: {  	[bflag:$0x0] =	sbarrier.arrive $0xFFFF  }
0x39b: {  	_ =	strace $0x90000047  }
0x39c: {  	s0 =	stileid.u32;
	[bflag:$0x2] =	sbarrier.arrive $0xFFFF  }
0x39d: {  	p0 =	sne.s32 s0, $0x0;
	s0 =	rddreg [dreg:$0xd]  }
0x39e: {  	s0 =	sadd.s32 @!p0 $0x100000, s0  }
0x39f: {  	[sflag:s0] =	ssyncadd.tile.s32 @!p0 $0x1;
	_ =	shalt  }
.Lfunc_end2:
_tile_overlayer_lowered:
.L_overlay_start_2:
0x3a0: {  	(tag) =	ssettag $0x2  }
0x3a1: {  	s0 =	rddreg [dreg:$0x0];
	s2 =	stileid.u32  }
0x3a2: {  	s1 =	rddreg [dreg:$0x1];
	p0 =	sne.s32 s2, $0x0  }
0x3a3: {  	s3 =	rddreg [dreg:$0x2];
	[bflag:$0x3] =	sbarrier.arrive $0xFFFF;
	s2 =	simm.s32 @!p0 $0x1C05  }
0x3a4: {  	[timem:s3], [sflag:s2] =	dma.local @!p0 [hbm:s0], s1  }
0x3a5: {  	s0 =	simm.s32 @!p0 $0x5  }
0x3a6: {  	_ =	swait.ge @!p0 [sflag:s0], s1  }
0x3a7: {  	s1 =	ssub.s32 @!p0 $0x0, s1;
	[sflag:s0] =	ssyncset.done @!p0 $0x0  }
0x3a8: {  	[sflag:s0] =	ssyncadd.s32 @!p0 s1  }
0x3a9: {  	[bflag:$0x3] =	sbarrier.arrive $0xFFFF  }
0x3aa: {  	_ =	shalt  }

</sc_bundles>
